<compile_context>
chip_gen: v7x
topology: tpu7x:2x2x1
jax: 0.10.2.dev20260603
libtpu: 0.0.44.dev20260713+nightly
codegen_flags: <defaults>
</compile_context>

<pallas_src>
import functools

import jax
import jax.numpy as jnp
from jax import lax
from jax.experimental import pallas as pl
from jax.experimental.pallas import tpu as pltpu
from jax.experimental.pallas import tpu_sc as plsc

B = 16384
NUM_NUMERIC = 13
N_CAT = 26
CARD = 100000
D = 32
N_TOK = 1 + NUM_NUMERIC + N_CAT
FH = N_CAT // 2

NC = 2
NS = 16
NW = NC * NS
B_PER_W = B // NW
NB = 64
N_NCHUNK = B_PER_W // NB


def _splat_at(ref2d, i, j):
    isplat = jnp.full((16,), i, dtype=jnp.int32)
    jsplat = jnp.full((16,), j, dtype=jnp.int32)
    return plsc.load_gather(ref2d, [isplat, jsplat])


def _numcls(base, num_v, numbuf_v, w_v, b_v, cls_v, out_hbm):
    def nchunk(c, carry):
        b0 = base + c * NB

        def cls_d(d, carry2):
            v = _splat_at(cls_v, 0, d)
            for g in range(NB // 16):
                numbuf_v[0, d, pl.ds(g * 16, 16)] = v
            return carry2
        lax.fori_loop(0, D, cls_d, 0)

        def num_i(i, carry2):
            def num_d(d, carry3):
                w_id = _splat_at(w_v, i, d)
                b_id = _splat_at(b_v, i, d)
                for g in range(NB // 16):
                    nv = num_v[i, pl.ds(c * NB + g * 16, 16)]
                    numbuf_v[i + 1, d, pl.ds(g * 16, 16)] = nv * w_id + b_id
                return carry3
            lax.fori_loop(0, D, num_d, 0)
            return carry2
        lax.fori_loop(0, NUM_NUMERIC, num_i, 0)

        pltpu.sync_copy(
            numbuf_v, out_hbm.at[pl.ds(0, 1 + NUM_NUMERIC), :, pl.ds(b0, NB)])
        return carry
    lax.fori_loop(0, N_NCHUNK, nchunk, 0)


def _gather_half(tok0, f0, cat_slab, tbl_hbm, out_hbm, idx_v, bufs, base,
                 gsem, osem):
    def fire_field(f, outbuf_v):
        def fire_d(d, carry):
            pltpu.async_copy(tbl_hbm.at[f0 + f, d].at[idx_v.at[f]],
                             outbuf_v.at[d], gsem)
            return carry
        lax.fori_loop(0, D, fire_d, 0)

    def drain_field(f, outbuf_v):
        def wait_d(d, carry):
            pltpu.make_async_copy(tbl_hbm.at[f0 + f, d].at[idx_v.at[f]],
                                  outbuf_v.at[d], gsem).wait()
            return carry
        lax.fori_loop(0, D, wait_d, 0)

    def out_slab(f):
        return out_hbm.at[tok0 + f, :, pl.ds(base, B_PER_W)]

    for f in range(3):
        fire_field(f, bufs[f])
    cat_slab()
    for f in range(FH):
        if f >= 1:
            pltpu.make_async_copy(bufs[(f - 1) % 4], out_slab(f - 1),
                                  osem).wait()
        if f + 3 < FH:
            fire_field(f + 3, bufs[(f + 3) % 4])
        drain_field(f, bufs[f % 4])
        pltpu.async_copy(bufs[f % 4], out_slab(f), osem)

    pltpu.make_async_copy(bufs[(FH - 1) % 4], out_slab(FH - 1), osem).wait()


def _kernel_a(cat_t_hbm, tbl_hbm, num_t_hbm, w_hbm, bias_hbm, cls_hbm,
              out_hbm,
              idx_v, num_v, numbuf_v, outbuf_a, outbuf_b, outbuf_c,
              outbuf_d, w_v, b_v, cls_v,
              gsem, osem):
    wid = lax.axis_index("s") * NC + lax.axis_index("c")
    base = wid * B_PER_W

    pltpu.sync_copy(w_hbm, w_v)
    pltpu.sync_copy(bias_hbm, b_v)
    pltpu.sync_copy(cls_hbm, cls_v)
    pltpu.sync_copy(cat_t_hbm.at[pl.ds(0, FH), pl.ds(base, B_PER_W)], idx_v)
    pltpu.sync_copy(num_t_hbm.at[:, pl.ds(base, B_PER_W)], num_v)

    bufs = [outbuf_a, outbuf_b, outbuf_c, outbuf_d]
    numcls = functools.partial(_numcls, base, num_v, numbuf_v, w_v, b_v,
                               cls_v, out_hbm)
    _gather_half(1 + NUM_NUMERIC, 0, numcls, tbl_hbm, out_hbm, idx_v, bufs,
                 base, gsem, osem)


def _kernel_b(cat_t_hbm, tbl_hbm, out_hbm,
              idx_v, outbuf_a, outbuf_b, outbuf_c, outbuf_d,
              gsem, osem):
    wid = lax.axis_index("s") * NC + lax.axis_index("c")
    base = wid * B_PER_W

    pltpu.sync_copy(cat_t_hbm.at[pl.ds(FH, FH), pl.ds(base, B_PER_W)], idx_v)

    bufs = [outbuf_a, outbuf_b, outbuf_c, outbuf_d]
    _gather_half(0, FH, lambda: None, tbl_hbm, out_hbm, idx_v, bufs, base,
                 gsem, osem)


_OUTBUFS = [pltpu.VMEM((D, B_PER_W), jnp.float32)] * 4


@jax.jit
def kernel(numeric, categorical, num_weight, num_bias, cat_tables, cls_token):
    cat_t = categorical.T
    num_t = numeric.T
    tbl_sw = jnp.swapaxes(cat_tables, 1, 2)

    mesh = plsc.VectorSubcoreMesh(core_axis_name="c", subcore_axis_name="s")
    cparams = pltpu.CompilerParams(use_tc_tiling_on_sc=False,
                                   needs_layout_passes=False)

    run_a = pl.kernel(
        _kernel_a,
        out_type=jax.ShapeDtypeStruct((1 + NUM_NUMERIC + FH, D, B),
                                      jnp.float32),
        mesh=mesh,
        compiler_params=cparams,
        scratch_types=[
            pltpu.VMEM((FH, B_PER_W), jnp.int32),
            pltpu.VMEM((NUM_NUMERIC, B_PER_W), jnp.float32),
            pltpu.VMEM((1 + NUM_NUMERIC, D, NB), jnp.float32),
            *_OUTBUFS,
            pltpu.VMEM((NUM_NUMERIC, D), jnp.float32),
            pltpu.VMEM((NUM_NUMERIC, D), jnp.float32),
            pltpu.VMEM((1, D), jnp.float32),
            pltpu.SemaphoreType.DMA,
            pltpu.SemaphoreType.DMA,
        ],
    )
    run_b = pl.kernel(
        _kernel_b,
        out_type=jax.ShapeDtypeStruct((FH, D, B), jnp.float32),
        mesh=mesh,
        compiler_params=cparams,
        scratch_types=[
            pltpu.VMEM((FH, B_PER_W), jnp.int32),
            *_OUTBUFS,
            pltpu.SemaphoreType.DMA,
            pltpu.SemaphoreType.DMA,
        ],
    )
    out_a = run_a(cat_t, tbl_sw, num_t, num_weight, num_bias,
                  cls_token.reshape(1, D))
    out_b = run_b(cat_t, tbl_sw)
    out_p = jnp.concatenate([out_a, out_b], axis=0)
    return out_p.transpose(2, 0, 1)

# --- scband reference (transcript-rebuilt; emitter-appended) ---
"""Pipeline reference for scband-tab-feature-tokenizer-ft-18133351923920 (READ-ONLY COPY).

The authoritative reference and input builder live on the scoring server;
editing this copy changes nothing except your own understanding.
"""

import jax, jax.numpy as jnp
import numpy as np

B = 16384
NUM_NUMERIC = 13
N_CAT = 26
CARD = 100000
D_TOKEN = 32


def setup_inputs(seed: int = 0) -> dict:
    key = jax.random.key(seed)
    k1, k2, k3, k4, k5 = jax.random.split(key, 5)
    numeric = jax.random.normal(k1, (B, NUM_NUMERIC), dtype=jnp.float32)
    categorical = jax.random.randint(k2, (B, N_CAT), 0, CARD, dtype=jnp.int32)
    num_weight = jax.random.normal(k3, (NUM_NUMERIC, D_TOKEN), dtype=jnp.float32)
    num_bias = jnp.zeros((NUM_NUMERIC, D_TOKEN), dtype=jnp.float32)
    # 26 embedding tables with equal cardinality, stacked: [N_CAT, CARD, D_TOKEN]
    cat_tables = jax.random.normal(k4, (N_CAT, CARD, D_TOKEN), dtype=jnp.float32)
    cls_token = jax.random.normal(k5, (1, 1, D_TOKEN), dtype=jnp.float32)
    return {
        "numeric": numeric,
        "categorical": categorical,
        "num_weight": num_weight,
        "num_bias": num_bias,
        "cat_tables": cat_tables,
        "cls_token": cls_token,
    }


def reference(numeric, categorical, num_weight, num_bias, cat_tables, cls_token):
    Bsz = numeric.shape[0]
    # numeric tokens: (B, num_numeric, d_token)
    num_tokens = numeric[:, :, None] * num_weight[None, :, :] + num_bias[None, :, :]
    # categorical tokens: per-field embedding lookup (gather), stacked along dim=1
    # vmap over fields: table_i[categorical[:, i]] -> (B, N_CAT, d_token)
    cat_tokens = jax.vmap(lambda tbl, idx: jnp.take(tbl, idx, axis=0),
                          in_axes=(0, 1), out_axes=1)(cat_tables, categorical)
    x = jnp.concatenate([num_tokens, cat_tokens], axis=1)
    cls = jnp.broadcast_to(cls_token, (Bsz, 1, cls_token.shape[-1]))
    x = jnp.concatenate([cls, x], axis=1)
    return x

if __name__ == "__main__":
    import jax
    _d = setup_inputs()
    print(jax.jit(kernel)(*tuple(_d.values())))

</pallas_src>

<mosaic_0001>
#map = affine_map<(d0, d1) -> (0, 0)>
#map1 = affine_map<(d0, d1) -> (0, 0, 0)>
module attributes {stable_mosaic.version = 14 : i64} {
  func.func @_kernel_b(%arg0: i32, %arg1: i32, %arg2: memref<26x16384xi32, #tpu.memory_space<hbm>>, %arg3: memref<26x32x100000xf32, #tpu.memory_space<hbm>>, %arg4: memref<13x32x16384xf32, #tpu.memory_space<hbm>>, %arg5: memref<13x512xi32, #tpu.memory_space<vmem>>, %arg6: memref<32x512xf32, #tpu.memory_space<vmem>>, %arg7: memref<32x512xf32, #tpu.memory_space<vmem>>, %arg8: memref<32x512xf32, #tpu.memory_space<vmem>>, %arg9: memref<32x512xf32, #tpu.memory_space<vmem>>, %arg10: memref<!tpu.dma_semaphore, #tpu.memory_space<semaphore_mem>>, %arg11: memref<!tpu.dma_semaphore, #tpu.memory_space<semaphore_mem>>) attributes {dimension_semantics = [#tpu.dimension_semantics<core_parallel>, #tpu.dimension_semantics<subcore_parallel>], iteration_bounds = array<i64: 2, 16>, scalar_prefetch = 0 : i64, scratch_operands = 7 : i64, tpu.core_type = #tpu.core_type<sc_vector_subcore>, window_params = [{transform_indices = #map}, {transform_indices = #map1}, {transform_indices = #map1}]} {
    %mul3A = arith.constant 2 : i32
    %mul3A_0 = arith.muli %arg1, %mul3A : i32
    %add3A = arith.addi %mul3A_0, %arg0 : i32
    %mul3A_1 = arith.constant 512 : i32
    %mul3A_2 = arith.muli %add3A, %mul3A_1 : i32
    "tpu.region"() ({
      %run_scoped3A = tpu.sem_alloc : memref<!tpu.dma_semaphore, #tpu.memory_space<semaphore_mem>>
      %dma_start3A_338 = arith.constant 13 : i32
      %dma_start3A_339 = tpu.memref_slice %arg2[%dma_start3A_338, %mul3A_2] : memref<26x16384xi32, #tpu.memory_space<hbm>> -> memref<13x512xi32, #tpu.memory_space<hbm>>
      %dma_start3A_340 = arith.constant 13 : i32
      %dma_start3A_341 = tpu.memref_slice %arg2[%dma_start3A_340, %mul3A_2] : memref<26x16384xi32, #tpu.memory_space<hbm>> -> memref<13x512xi32, #tpu.memory_space<hbm>>
      tpu.enqueue_dma source(%dma_start3A_341 : memref<13x512xi32, #tpu.memory_space<hbm>>) target(%arg5 : memref<13x512xi32, #tpu.memory_space<vmem>>) target_semaphore(%run_scoped3A : memref<!tpu.dma_semaphore, #tpu.memory_space<semaphore_mem>>)
      %dma_wait3A_342 = arith.constant 13 : i32
      %dma_wait3A_343 = tpu.memref_slice %arg2[%dma_wait3A_342, %mul3A_2] : memref<26x16384xi32, #tpu.memory_space<hbm>> -> memref<13x512xi32, #tpu.memory_space<hbm>>
      %dma_wait3A_344 = arith.constant 13 : i32
      %dma_wait3A_345 = tpu.memref_slice %arg2[%dma_wait3A_344, %mul3A_2] : memref<26x16384xi32, #tpu.memory_space<hbm>> -> memref<13x512xi32, #tpu.memory_space<hbm>>
      tpu.wait_dma2 semaphore(%run_scoped3A : memref<!tpu.dma_semaphore, #tpu.memory_space<semaphore_mem>>) src(%dma_wait3A_345 : memref<13x512xi32, #tpu.memory_space<hbm>>) dst(%arg5 : memref<13x512xi32, #tpu.memory_space<vmem>>)
      tpu.yield
    }) : () -> ()
    %scan3A = arith.constant 0 : i32
    %scan3A_3 = arith.constant 0 : i32
    %scan3A_4 = arith.constant 32 : i32
    %scan3A_5 = arith.addi %scan3A_3, %scan3A_4 : i32
    %scan3A_6 = arith.constant 1 : i32
    scf.for %scan3A_338 = %scan3A_3 to %scan3A_5 step %scan3A_6  : i32 {
      %dma_start3A_339 = arith.constant 13 : i32
      %dma_start3A_340 = arith.constant 0 : i32
      %dma_start3A_341 = arith.constant 0 : i32
      %dma_start3A_342 = tpu.memref_slice %arg6[%scan3A_338, %dma_start3A_341] : memref<32x512xf32, #tpu.memory_space<vmem>> -> memref<1x512xf32, #tpu.memory_space<vmem>>
      %dma_start3A_343 = tpu.memref_squeeze %dma_start3A_342 : memref<1x512xf32, #tpu.memory_space<vmem>> -> memref<512xf32, #tpu.memory_space<vmem>>
      %dma_start3A_344 = arith.constant 0 : i32
      %dma_start3A_345 = tpu.memref_slice %arg5[%dma_start3A_340, %dma_start3A_344] : memref<13x512xi32, #tpu.memory_space<vmem>> -> memref<1x512xi32, #tpu.memory_space<vmem>>
      %dma_start3A_346 = tpu.memref_squeeze %dma_start3A_345 : memref<1x512xi32, #tpu.memory_space<vmem>> -> memref<512xi32, #tpu.memory_space<vmem>>
      %dma_start3A_347 = arith.constant 0 : i32
      %dma_start3A_348 = tpu.memref_slice %arg3[%dma_start3A_339, %scan3A_338, %dma_start3A_347] : memref<26x32x100000xf32, #tpu.memory_space<hbm>> -> memref<1x1x100000xf32, #tpu.memory_space<hbm>>
      %dma_start3A_349 = tpu.memref_squeeze %dma_start3A_348 : memref<1x1x100000xf32, #tpu.memory_space<hbm>> -> memref<100000xf32, #tpu.memory_space<hbm>>
      %dma_start3A_350 = arith.constant 0 : i32
      %dma_start3A_351 = tpu.memref_slice %dma_start3A_349[%dma_start3A_350] : memref<100000xf32, #tpu.memory_space<hbm>> -> memref<100000xf32, #tpu.memory_space<hbm>>
      tpu.enqueue_indirect_dma source(%dma_start3A_351 : memref<100000xf32, #tpu.memory_space<hbm>>) target(%dma_start3A_343 : memref<512xf32, #tpu.memory_space<vmem>>) offsets(%dma_start3A_346 : memref<512xi32, #tpu.memory_space<vmem>>) semaphore(%arg10 : memref<!tpu.dma_semaphore, #tpu.memory_space<semaphore_mem>>)
    }
    %scan3A_7 = arith.constant 32 : i32
    %scan3A_8 = arith.constant 0 : i32
    %scan3A_9 = arith.constant 0 : i32
    %scan3A_10 = arith.constant 32 : i32
    %scan3A_11 = arith.addi %scan3A_9, %scan3A_10 : i32
    %scan3A_12 = arith.constant 1 : i32
    scf.for %scan3A_338 = %scan3A_9 to %scan3A_11 step %scan3A_12  : i32 {
      %dma_start3A_339 = arith.constant 14 : i32
      %dma_start3A_340 = arith.constant 1 : i32
      %dma_start3A_341 = arith.constant 0 : i32
      %dma_start3A_342 = tpu.memref_slice %arg7[%scan3A_338, %dma_start3A_341] : memref<32x512xf32, #tpu.memory_space<vmem>> -> memref<1x512xf32, #tpu.memory_space<vmem>>
      %dma_start3A_343 = tpu.memref_squeeze %dma_start3A_342 : memref<1x512xf32, #tpu.memory_space<vmem>> -> memref<512xf32, #tpu.memory_space<vmem>>
      %dma_start3A_344 = arith.constant 0 : i32
      %dma_start3A_345 = tpu.memref_slice %arg5[%dma_start3A_340, %dma_start3A_344] : memref<13x512xi32, #tpu.memory_space<vmem>> -> memref<1x512xi32, #tpu.memory_space<vmem>>
      %dma_start3A_346 = tpu.memref_squeeze %dma_start3A_345 : memref<1x512xi32, #tpu.memory_space<vmem>> -> memref<512xi32, #tpu.memory_space<vmem>>
      %dma_start3A_347 = arith.constant 0 : i32
      %dma_start3A_348 = tpu.memref_slice %arg3[%dma_start3A_339, %scan3A_338, %dma_start3A_347] : memref<26x32x100000xf32, #tpu.memory_space<hbm>> -> memref<1x1x100000xf32, #tpu.memory_space<hbm>>
      %dma_start3A_349 = tpu.memref_squeeze %dma_start3A_348 : memref<1x1x100000xf32, #tpu.memory_space<hbm>> -> memref<100000xf32, #tpu.memory_space<hbm>>
      %dma_start3A_350 = arith.constant 0 : i32
      %dma_start3A_351 = tpu.memref_slice %dma_start3A_349[%dma_start3A_350] : memref<100000xf32, #tpu.memory_space<hbm>> -> memref<100000xf32, #tpu.memory_space<hbm>>
      tpu.enqueue_indirect_dma source(%dma_start3A_351 : memref<100000xf32, #tpu.memory_space<hbm>>) target(%dma_start3A_343 : memref<512xf32, #tpu.memory_space<vmem>>) offsets(%dma_start3A_346 : memref<512xi32, #tpu.memory_space<vmem>>) semaphore(%arg10 : memref<!tpu.dma_semaphore, #tpu.memory_space<semaphore_mem>>)
    }
    %scan3A_13 = arith.constant 32 : i32
    %scan3A_14 = arith.constant 0 : i32
    %scan3A_15 = arith.constant 0 : i32
    %scan3A_16 = arith.constant 32 : i32
    %scan3A_17 = arith.addi %scan3A_15, %scan3A_16 : i32
    %scan3A_18 = arith.constant 1 : i32
    scf.for %scan3A_338 = %scan3A_15 to %scan3A_17 step %scan3A_18  : i32 {
      %dma_start3A_339 = arith.constant 15 : i32
      %dma_start3A_340 = arith.constant 2 : i32
      %dma_start3A_341 = arith.constant 0 : i32
      %dma_start3A_342 = tpu.memref_slice %arg8[%scan3A_338, %dma_start3A_341] : memref<32x512xf32, #tpu.memory_space<vmem>> -> memref<1x512xf32, #tpu.memory_space<vmem>>
      %dma_start3A_343 = tpu.memref_squeeze %dma_start3A_342 : memref<1x512xf32, #tpu.memory_space<vmem>> -> memref<512xf32, #tpu.memory_space<vmem>>
      %dma_start3A_344 = arith.constant 0 : i32
      %dma_start3A_345 = tpu.memref_slice %arg5[%dma_start3A_340, %dma_start3A_344] : memref<13x512xi32, #tpu.memory_space<vmem>> -> memref<1x512xi32, #tpu.memory_space<vmem>>
      %dma_start3A_346 = tpu.memref_squeeze %dma_start3A_345 : memref<1x512xi32, #tpu.memory_space<vmem>> -> memref<512xi32, #tpu.memory_space<vmem>>
      %dma_start3A_347 = arith.constant 0 : i32
      %dma_start3A_348 = tpu.memref_slice %arg3[%dma_start3A_339, %scan3A_338, %dma_start3A_347] : memref<26x32x100000xf32, #tpu.memory_space<hbm>> -> memref<1x1x100000xf32, #tpu.memory_space<hbm>>
      %dma_start3A_349 = tpu.memref_squeeze %dma_start3A_348 : memref<1x1x100000xf32, #tpu.memory_space<hbm>> -> memref<100000xf32, #tpu.memory_space<hbm>>
      %dma_start3A_350 = arith.constant 0 : i32
      %dma_start3A_351 = tpu.memref_slice %dma_start3A_349[%dma_start3A_350] : memref<100000xf32, #tpu.memory_space<hbm>> -> memref<100000xf32, #tpu.memory_space<hbm>>
      tpu.enqueue_indirect_dma source(%dma_start3A_351 : memref<100000xf32, #tpu.memory_space<hbm>>) target(%dma_start3A_343 : memref<512xf32, #tpu.memory_space<vmem>>) offsets(%dma_start3A_346 : memref<512xi32, #tpu.memory_space<vmem>>) semaphore(%arg10 : memref<!tpu.dma_semaphore, #tpu.memory_space<semaphore_mem>>)
    }
    %scan3A_19 = arith.constant 32 : i32
    %scan3A_20 = arith.constant 0 : i32
    %scan3A_21 = arith.constant 0 : i32
    %scan3A_22 = arith.constant 32 : i32
    %scan3A_23 = arith.addi %scan3A_21, %scan3A_22 : i32
    %scan3A_24 = arith.constant 1 : i32
    scf.for %scan3A_338 = %scan3A_21 to %scan3A_23 step %scan3A_24  : i32 {
      %dma_start3A_339 = arith.constant 16 : i32
      %dma_start3A_340 = arith.constant 3 : i32
      %dma_start3A_341 = arith.constant 0 : i32
      %dma_start3A_342 = tpu.memref_slice %arg9[%scan3A_338, %dma_start3A_341] : memref<32x512xf32, #tpu.memory_space<vmem>> -> memref<1x512xf32, #tpu.memory_space<vmem>>
      %dma_start3A_343 = tpu.memref_squeeze %dma_start3A_342 : memref<1x512xf32, #tpu.memory_space<vmem>> -> memref<512xf32, #tpu.memory_space<vmem>>
      %dma_start3A_344 = arith.constant 0 : i32
      %dma_start3A_345 = tpu.memref_slice %arg5[%dma_start3A_340, %dma_start3A_344] : memref<13x512xi32, #tpu.memory_space<vmem>> -> memref<1x512xi32, #tpu.memory_space<vmem>>
      %dma_start3A_346 = tpu.memref_squeeze %dma_start3A_345 : memref<1x512xi32, #tpu.memory_space<vmem>> -> memref<512xi32, #tpu.memory_space<vmem>>
      %dma_start3A_347 = arith.constant 0 : i32
      %dma_start3A_348 = tpu.memref_slice %arg3[%dma_start3A_339, %scan3A_338, %dma_start3A_347] : memref<26x32x100000xf32, #tpu.memory_space<hbm>> -> memref<1x1x100000xf32, #tpu.memory_space<hbm>>
      %dma_start3A_349 = tpu.memref_squeeze %dma_start3A_348 : memref<1x1x100000xf32, #tpu.memory_space<hbm>> -> memref<100000xf32, #tpu.memory_space<hbm>>
      %dma_start3A_350 = arith.constant 0 : i32
      %dma_start3A_351 = tpu.memref_slice %dma_start3A_349[%dma_start3A_350] : memref<100000xf32, #tpu.memory_space<hbm>> -> memref<100000xf32, #tpu.memory_space<hbm>>
      tpu.enqueue_indirect_dma source(%dma_start3A_351 : memref<100000xf32, #tpu.memory_space<hbm>>) target(%dma_start3A_343 : memref<512xf32, #tpu.memory_space<vmem>>) offsets(%dma_start3A_346 : memref<512xi32, #tpu.memory_space<vmem>>) semaphore(%arg10 : memref<!tpu.dma_semaphore, #tpu.memory_space<semaphore_mem>>)
    }
    %scan3A_25 = arith.constant 32 : i32
    %scan3A_26 = arith.constant 0 : i32
    %scan3A_27 = arith.constant 0 : i32
    %scan3A_28 = arith.constant 32 : i32
    %scan3A_29 = arith.addi %scan3A_27, %scan3A_28 : i32
    %scan3A_30 = arith.constant 1 : i32
    scf.for %scan3A_338 = %scan3A_27 to %scan3A_29 step %scan3A_30  : i32 {
      %dma_wait3A_339 = arith.constant 13 : i32
      %dma_wait3A_340 = arith.constant 0 : i32
      %dma_wait3A_341 = arith.constant 0 : i32
      %dma_wait3A_342 = tpu.memref_slice %arg6[%scan3A_338, %dma_wait3A_341] : memref<32x512xf32, #tpu.memory_space<vmem>> -> memref<1x512xf32, #tpu.memory_space<vmem>>
      %dma_wait3A_343 = tpu.memref_squeeze %dma_wait3A_342 : memref<1x512xf32, #tpu.memory_space<vmem>> -> memref<512xf32, #tpu.memory_space<vmem>>
      %dma_wait3A_344 = arith.constant 0 : i32
      %dma_wait3A_345 = tpu.memref_slice %arg5[%dma_wait3A_340, %dma_wait3A_344] : memref<13x512xi32, #tpu.memory_space<vmem>> -> memref<1x512xi32, #tpu.memory_space<vmem>>
      %dma_wait3A_346 = tpu.memref_squeeze %dma_wait3A_345 : memref<1x512xi32, #tpu.memory_space<vmem>> -> memref<512xi32, #tpu.memory_space<vmem>>
      %dma_wait3A_347 = arith.constant 0 : i32
      %dma_wait3A_348 = tpu.memref_slice %arg3[%dma_wait3A_339, %scan3A_338, %dma_wait3A_347] : memref<26x32x100000xf32, #tpu.memory_space<hbm>> -> memref<1x1x100000xf32, #tpu.memory_space<hbm>>
      %dma_wait3A_349 = tpu.memref_squeeze %dma_wait3A_348 : memref<1x1x100000xf32, #tpu.memory_space<hbm>> -> memref<100000xf32, #tpu.memory_space<hbm>>
      %dma_wait3A_350 = arith.constant 0 : i32
      %dma_wait3A_351 = tpu.memref_slice %dma_wait3A_349[%dma_wait3A_350] : memref<100000xf32, #tpu.memory_space<hbm>> -> memref<100000xf32, #tpu.memory_space<hbm>>
      tpu.wait_indirect_dma semaphore(%arg10 : memref<!tpu.dma_semaphore, #tpu.memory_space<semaphore_mem>>) src(%dma_wait3A_351 : memref<100000xf32, #tpu.memory_space<hbm>>) dst(%dma_wait3A_343 : memref<512xf32, #tpu.memory_space<vmem>>)
    }
    %scan3A_31 = arith.constant 32 : i32
    %dma_start3A = arith.constant 0 : i32
    %dma_start3A_32 = arith.constant 0 : i32
    %dma_start3A_33 = tpu.memref_slice %arg4[%dma_start3A, %dma_start3A_32, %mul3A_2] : memref<13x32x16384xf32, #tpu.memory_space<hbm>> -> memref<1x32x512xf32, #tpu.memory_space<hbm>>
    %dma_start3A_34 = tpu.memref_squeeze %dma_start3A_33 : memref<1x32x512xf32, #tpu.memory_space<hbm>> -> memref<32x512xf32, #tpu.memory_space<hbm>>
    %dma_start3A_35 = arith.constant 0 : i32
    %dma_start3A_36 = tpu.memref_slice %arg4[%dma_start3A, %dma_start3A_35, %mul3A_2] : memref<13x32x16384xf32, #tpu.memory_space<hbm>> -> memref<1x32x512xf32, #tpu.memory_space<hbm>>
    %dma_start3A_37 = tpu.memref_squeeze %dma_start3A_36 : memref<1x32x512xf32, #tpu.memory_space<hbm>> -> memref<32x512xf32, #tpu.memory_space<hbm>>
    tpu.enqueue_dma source(%arg6 : memref<32x512xf32, #tpu.memory_space<vmem>>) target(%dma_start3A_37 : memref<32x512xf32, #tpu.memory_space<hbm>>) target_semaphore(%arg11 : memref<!tpu.dma_semaphore, #tpu.memory_space<semaphore_mem>>)
    %dma_wait3A = arith.constant 0 : i32
    %dma_wait3A_38 = arith.constant 0 : i32
    %dma_wait3A_39 = tpu.memref_slice %arg4[%dma_wait3A, %dma_wait3A_38, %mul3A_2] : memref<13x32x16384xf32, #tpu.memory_space<hbm>> -> memref<1x32x512xf32, #tpu.memory_space<hbm>>
    %dma_wait3A_40 = tpu.memref_squeeze %dma_wait3A_39 : memref<1x32x512xf32, #tpu.memory_space<hbm>> -> memref<32x512xf32, #tpu.memory_space<hbm>>
    %dma_wait3A_41 = arith.constant 0 : i32
    %dma_wait3A_42 = tpu.memref_slice %arg4[%dma_wait3A, %dma_wait3A_41, %mul3A_2] : memref<13x32x16384xf32, #tpu.memory_space<hbm>> -> memref<1x32x512xf32, #tpu.memory_space<hbm>>
    %dma_wait3A_43 = tpu.memref_squeeze %dma_wait3A_42 : memref<1x32x512xf32, #tpu.memory_space<hbm>> -> memref<32x512xf32, #tpu.memory_space<hbm>>
    tpu.wait_dma2 semaphore(%arg11 : memref<!tpu.dma_semaphore, #tpu.memory_space<semaphore_mem>>) src(%arg6 : memref<32x512xf32, #tpu.memory_space<vmem>>) dst(%dma_wait3A_43 : memref<32x512xf32, #tpu.memory_space<hbm>>)
    %scan3A_44 = arith.constant 0 : i32
    %scan3A_45 = arith.constant 0 : i32
    %scan3A_46 = arith.constant 32 : i32
    %scan3A_47 = arith.addi %scan3A_45, %scan3A_46 : i32
    %scan3A_48 = arith.constant 1 : i32
    scf.for %scan3A_338 = %scan3A_45 to %scan3A_47 step %scan3A_48  : i32 {
      %dma_start3A_339 = arith.constant 17 : i32
      %dma_start3A_340 = arith.constant 4 : i32
      %dma_start3A_341 = arith.constant 0 : i32
      %dma_start3A_342 = tpu.memref_slice %arg6[%scan3A_338, %dma_start3A_341] : memref<32x512xf32, #tpu.memory_space<vmem>> -> memref<1x512xf32, #tpu.memory_space<vmem>>
      %dma_start3A_343 = tpu.memref_squeeze %dma_start3A_342 : memref<1x512xf32, #tpu.memory_space<vmem>> -> memref<512xf32, #tpu.memory_space<vmem>>
      %dma_start3A_344 = arith.constant 0 : i32
      %dma_start3A_345 = tpu.memref_slice %arg5[%dma_start3A_340, %dma_start3A_344] : memref<13x512xi32, #tpu.memory_space<vmem>> -> memref<1x512xi32, #tpu.memory_space<vmem>>
      %dma_start3A_346 = tpu.memref_squeeze %dma_start3A_345 : memref<1x512xi32, #tpu.memory_space<vmem>> -> memref<512xi32, #tpu.memory_space<vmem>>
      %dma_start3A_347 = arith.constant 0 : i32
      %dma_start3A_348 = tpu.memref_slice %arg3[%dma_start3A_339, %scan3A_338, %dma_start3A_347] : memref<26x32x100000xf32, #tpu.memory_space<hbm>> -> memref<1x1x100000xf32, #tpu.memory_space<hbm>>
      %dma_start3A_349 = tpu.memref_squeeze %dma_start3A_348 : memref<1x1x100000xf32, #tpu.memory_space<hbm>> -> memref<100000xf32, #tpu.memory_space<hbm>>
      %dma_start3A_350 = arith.constant 0 : i32
      %dma_start3A_351 = tpu.memref_slice %dma_start3A_349[%dma_start3A_350] : memref<100000xf32, #tpu.memory_space<hbm>> -> memref<100000xf32, #tpu.memory_space<hbm>>
      tpu.enqueue_indirect_dma source(%dma_start3A_351 : memref<100000xf32, #tpu.memory_space<hbm>>) target(%dma_start3A_343 : memref<512xf32, #tpu.memory_space<vmem>>) offsets(%dma_start3A_346 : memref<512xi32, #tpu.memory_space<vmem>>) semaphore(%arg10 : memref<!tpu.dma_semaphore, #tpu.memory_space<semaphore_mem>>)
    }
    %scan3A_49 = arith.constant 32 : i32
    %scan3A_50 = arith.constant 0 : i32
    %scan3A_51 = arith.constant 0 : i32
    %scan3A_52 = arith.constant 32 : i32
    %scan3A_53 = arith.addi %scan3A_51, %scan3A_52 : i32
    %scan3A_54 = arith.constant 1 : i32
    scf.for %scan3A_338 = %scan3A_51 to %scan3A_53 step %scan3A_54  : i32 {
      %dma_wait3A_339 = arith.constant 14 : i32
      %dma_wait3A_340 = arith.constant 1 : i32
      %dma_wait3A_341 = arith.constant 0 : i32
      %dma_wait3A_342 = tpu.memref_slice %arg7[%scan3A_338, %dma_wait3A_341] : memref<32x512xf32, #tpu.memory_space<vmem>> -> memref<1x512xf32, #tpu.memory_space<vmem>>
      %dma_wait3A_343 = tpu.memref_squeeze %dma_wait3A_342 : memref<1x512xf32, #tpu.memory_space<vmem>> -> memref<512xf32, #tpu.memory_space<vmem>>
      %dma_wait3A_344 = arith.constant 0 : i32
      %dma_wait3A_345 = tpu.memref_slice %arg5[%dma_wait3A_340, %dma_wait3A_344] : memref<13x512xi32, #tpu.memory_space<vmem>> -> memref<1x512xi32, #tpu.memory_space<vmem>>
      %dma_wait3A_346 = tpu.memref_squeeze %dma_wait3A_345 : memref<1x512xi32, #tpu.memory_space<vmem>> -> memref<512xi32, #tpu.memory_space<vmem>>
      %dma_wait3A_347 = arith.constant 0 : i32
      %dma_wait3A_348 = tpu.memref_slice %arg3[%dma_wait3A_339, %scan3A_338, %dma_wait3A_347] : memref<26x32x100000xf32, #tpu.memory_space<hbm>> -> memref<1x1x100000xf32, #tpu.memory_space<hbm>>
      %dma_wait3A_349 = tpu.memref_squeeze %dma_wait3A_348 : memref<1x1x100000xf32, #tpu.memory_space<hbm>> -> memref<100000xf32, #tpu.memory_space<hbm>>
      %dma_wait3A_350 = arith.constant 0 : i32
      %dma_wait3A_351 = tpu.memref_slice %dma_wait3A_349[%dma_wait3A_350] : memref<100000xf32, #tpu.memory_space<hbm>> -> memref<100000xf32, #tpu.memory_space<hbm>>
      tpu.wait_indirect_dma semaphore(%arg10 : memref<!tpu.dma_semaphore, #tpu.memory_space<semaphore_mem>>) src(%dma_wait3A_351 : memref<100000xf32, #tpu.memory_space<hbm>>) dst(%dma_wait3A_343 : memref<512xf32, #tpu.memory_space<vmem>>)
    }
    %scan3A_55 = arith.constant 32 : i32
    %dma_start3A_56 = arith.constant 1 : i32
    %dma_start3A_57 = arith.constant 0 : i32
    %dma_start3A_58 = tpu.memref_slice %arg4[%dma_start3A_56, %dma_start3A_57, %mul3A_2] : memref<13x32x16384xf32, #tpu.memory_space<hbm>> -> memref<1x32x512xf32, #tpu.memory_space<hbm>>
    %dma_start3A_59 = tpu.memref_squeeze %dma_start3A_58 : memref<1x32x512xf32, #tpu.memory_space<hbm>> -> memref<32x512xf32, #tpu.memory_space<hbm>>
    %dma_start3A_60 = arith.constant 0 : i32
    %dma_start3A_61 = tpu.memref_slice %arg4[%dma_start3A_56, %dma_start3A_60, %mul3A_2] : memref<13x32x16384xf32, #tpu.memory_space<hbm>> -> memref<1x32x512xf32, #tpu.memory_space<hbm>>
    %dma_start3A_62 = tpu.memref_squeeze %dma_start3A_61 : memref<1x32x512xf32, #tpu.memory_space<hbm>> -> memref<32x512xf32, #tpu.memory_space<hbm>>
    tpu.enqueue_dma source(%arg7 : memref<32x512xf32, #tpu.memory_space<vmem>>) target(%dma_start3A_62 : memref<32x512xf32, #tpu.memory_space<hbm>>) target_semaphore(%arg11 : memref<!tpu.dma_semaphore, #tpu.memory_space<semaphore_mem>>)
    %dma_wait3A_63 = arith.constant 1 : i32
    %dma_wait3A_64 = arith.constant 0 : i32
    %dma_wait3A_65 = tpu.memref_slice %arg4[%dma_wait3A_63, %dma_wait3A_64, %mul3A_2] : memref<13x32x16384xf32, #tpu.memory_space<hbm>> -> memref<1x32x512xf32, #tpu.memory_space<hbm>>
    %dma_wait3A_66 = tpu.memref_squeeze %dma_wait3A_65 : memref<1x32x512xf32, #tpu.memory_space<hbm>> -> memref<32x512xf32, #tpu.memory_space<hbm>>
    %dma_wait3A_67 = arith.constant 0 : i32
    %dma_wait3A_68 = tpu.memref_slice %arg4[%dma_wait3A_63, %dma_wait3A_67, %mul3A_2] : memref<13x32x16384xf32, #tpu.memory_space<hbm>> -> memref<1x32x512xf32, #tpu.memory_space<hbm>>
    %dma_wait3A_69 = tpu.memref_squeeze %dma_wait3A_68 : memref<1x32x512xf32, #tpu.memory_space<hbm>> -> memref<32x512xf32, #tpu.memory_space<hbm>>
    tpu.wait_dma2 semaphore(%arg11 : memref<!tpu.dma_semaphore, #tpu.memory_space<semaphore_mem>>) src(%arg7 : memref<32x512xf32, #tpu.memory_space<vmem>>) dst(%dma_wait3A_69 : memref<32x512xf32, #tpu.memory_space<hbm>>)
    %scan3A_70 = arith.constant 0 : i32
    %scan3A_71 = arith.constant 0 : i32
    %scan3A_72 = arith.constant 32 : i32
    %scan3A_73 = arith.addi %scan3A_71, %scan3A_72 : i32
    %scan3A_74 = arith.constant 1 : i32
    scf.for %scan3A_338 = %scan3A_71 to %scan3A_73 step %scan3A_74  : i32 {
      %dma_start3A_339 = arith.constant 18 : i32
      %dma_start3A_340 = arith.constant 5 : i32
      %dma_start3A_341 = arith.constant 0 : i32
      %dma_start3A_342 = tpu.memref_slice %arg7[%scan3A_338, %dma_start3A_341] : memref<32x512xf32, #tpu.memory_space<vmem>> -> memref<1x512xf32, #tpu.memory_space<vmem>>
      %dma_start3A_343 = tpu.memref_squeeze %dma_start3A_342 : memref<1x512xf32, #tpu.memory_space<vmem>> -> memref<512xf32, #tpu.memory_space<vmem>>
      %dma_start3A_344 = arith.constant 0 : i32
      %dma_start3A_345 = tpu.memref_slice %arg5[%dma_start3A_340, %dma_start3A_344] : memref<13x512xi32, #tpu.memory_space<vmem>> -> memref<1x512xi32, #tpu.memory_space<vmem>>
      %dma_start3A_346 = tpu.memref_squeeze %dma_start3A_345 : memref<1x512xi32, #tpu.memory_space<vmem>> -> memref<512xi32, #tpu.memory_space<vmem>>
      %dma_start3A_347 = arith.constant 0 : i32
      %dma_start3A_348 = tpu.memref_slice %arg3[%dma_start3A_339, %scan3A_338, %dma_start3A_347] : memref<26x32x100000xf32, #tpu.memory_space<hbm>> -> memref<1x1x100000xf32, #tpu.memory_space<hbm>>
      %dma_start3A_349 = tpu.memref_squeeze %dma_start3A_348 : memref<1x1x100000xf32, #tpu.memory_space<hbm>> -> memref<100000xf32, #tpu.memory_space<hbm>>
      %dma_start3A_350 = arith.constant 0 : i32
      %dma_start3A_351 = tpu.memref_slice %dma_start3A_349[%dma_start3A_350] : memref<100000xf32, #tpu.memory_space<hbm>> -> memref<100000xf32, #tpu.memory_space<hbm>>
      tpu.enqueue_indirect_dma source(%dma_start3A_351 : memref<100000xf32, #tpu.memory_space<hbm>>) target(%dma_start3A_343 : memref<512xf32, #tpu.memory_space<vmem>>) offsets(%dma_start3A_346 : memref<512xi32, #tpu.memory_space<vmem>>) semaphore(%arg10 : memref<!tpu.dma_semaphore, #tpu.memory_space<semaphore_mem>>)
    }
    %scan3A_75 = arith.constant 32 : i32
    %scan3A_76 = arith.constant 0 : i32
    %scan3A_77 = arith.constant 0 : i32
    %scan3A_78 = arith.constant 32 : i32
    %scan3A_79 = arith.addi %scan3A_77, %scan3A_78 : i32
    %scan3A_80 = arith.constant 1 : i32
    scf.for %scan3A_338 = %scan3A_77 to %scan3A_79 step %scan3A_80  : i32 {
      %dma_wait3A_339 = arith.constant 15 : i32
      %dma_wait3A_340 = arith.constant 2 : i32
      %dma_wait3A_341 = arith.constant 0 : i32
      %dma_wait3A_342 = tpu.memref_slice %arg8[%scan3A_338, %dma_wait3A_341] : memref<32x512xf32, #tpu.memory_space<vmem>> -> memref<1x512xf32, #tpu.memory_space<vmem>>
      %dma_wait3A_343 = tpu.memref_squeeze %dma_wait3A_342 : memref<1x512xf32, #tpu.memory_space<vmem>> -> memref<512xf32, #tpu.memory_space<vmem>>
      %dma_wait3A_344 = arith.constant 0 : i32
      %dma_wait3A_345 = tpu.memref_slice %arg5[%dma_wait3A_340, %dma_wait3A_344] : memref<13x512xi32, #tpu.memory_space<vmem>> -> memref<1x512xi32, #tpu.memory_space<vmem>>
      %dma_wait3A_346 = tpu.memref_squeeze %dma_wait3A_345 : memref<1x512xi32, #tpu.memory_space<vmem>> -> memref<512xi32, #tpu.memory_space<vmem>>
      %dma_wait3A_347 = arith.constant 0 : i32
      %dma_wait3A_348 = tpu.memref_slice %arg3[%dma_wait3A_339, %scan3A_338, %dma_wait3A_347] : memref<26x32x100000xf32, #tpu.memory_space<hbm>> -> memref<1x1x100000xf32, #tpu.memory_space<hbm>>
      %dma_wait3A_349 = tpu.memref_squeeze %dma_wait3A_348 : memref<1x1x100000xf32, #tpu.memory_space<hbm>> -> memref<100000xf32, #tpu.memory_space<hbm>>
      %dma_wait3A_350 = arith.constant 0 : i32
      %dma_wait3A_351 = tpu.memref_slice %dma_wait3A_349[%dma_wait3A_350] : memref<100000xf32, #tpu.memory_space<hbm>> -> memref<100000xf32, #tpu.memory_space<hbm>>
      tpu.wait_indirect_dma semaphore(%arg10 : memref<!tpu.dma_semaphore, #tpu.memory_space<semaphore_mem>>) src(%dma_wait3A_351 : memref<100000xf32, #tpu.memory_space<hbm>>) dst(%dma_wait3A_343 : memref<512xf32, #tpu.memory_space<vmem>>)
    }
    %scan3A_81 = arith.constant 32 : i32
    %dma_start3A_82 = arith.constant 2 : i32
    %dma_start3A_83 = arith.constant 0 : i32
    %dma_start3A_84 = tpu.memref_slice %arg4[%dma_start3A_82, %dma_start3A_83, %mul3A_2] : memref<13x32x16384xf32, #tpu.memory_space<hbm>> -> memref<1x32x512xf32, #tpu.memory_space<hbm>>
    %dma_start3A_85 = tpu.memref_squeeze %dma_start3A_84 : memref<1x32x512xf32, #tpu.memory_space<hbm>> -> memref<32x512xf32, #tpu.memory_space<hbm>>
    %dma_start3A_86 = arith.constant 0 : i32
    %dma_start3A_87 = tpu.memref_slice %arg4[%dma_start3A_82, %dma_start3A_86, %mul3A_2] : memref<13x32x16384xf32, #tpu.memory_space<hbm>> -> memref<1x32x512xf32, #tpu.memory_space<hbm>>
    %dma_start3A_88 = tpu.memref_squeeze %dma_start3A_87 : memref<1x32x512xf32, #tpu.memory_space<hbm>> -> memref<32x512xf32, #tpu.memory_space<hbm>>
    tpu.enqueue_dma source(%arg8 : memref<32x512xf32, #tpu.memory_space<vmem>>) target(%dma_start3A_88 : memref<32x512xf32, #tpu.memory_space<hbm>>) target_semaphore(%arg11 : memref<!tpu.dma_semaphore, #tpu.memory_space<semaphore_mem>>)
    %dma_wait3A_89 = arith.constant 2 : i32
    %dma_wait3A_90 = arith.constant 0 : i32
    %dma_wait3A_91 = tpu.memref_slice %arg4[%dma_wait3A_89, %dma_wait3A_90, %mul3A_2] : memref<13x32x16384xf32, #tpu.memory_space<hbm>> -> memref<1x32x512xf32, #tpu.memory_space<hbm>>
    %dma_wait3A_92 = tpu.memref_squeeze %dma_wait3A_91 : memref<1x32x512xf32, #tpu.memory_space<hbm>> -> memref<32x512xf32, #tpu.memory_space<hbm>>
    %dma_wait3A_93 = arith.constant 0 : i32
    %dma_wait3A_94 = tpu.memref_slice %arg4[%dma_wait3A_89, %dma_wait3A_93, %mul3A_2] : memref<13x32x16384xf32, #tpu.memory_space<hbm>> -> memref<1x32x512xf32, #tpu.memory_space<hbm>>
    %dma_wait3A_95 = tpu.memref_squeeze %dma_wait3A_94 : memref<1x32x512xf32, #tpu.memory_space<hbm>> -> memref<32x512xf32, #tpu.memory_space<hbm>>
    tpu.wait_dma2 semaphore(%arg11 : memref<!tpu.dma_semaphore, #tpu.memory_space<semaphore_mem>>) src(%arg8 : memref<32x512xf32, #tpu.memory_space<vmem>>) dst(%dma_wait3A_95 : memref<32x512xf32, #tpu.memory_space<hbm>>)
    %scan3A_96 = arith.constant 0 : i32
    %scan3A_97 = arith.constant 0 : i32
    %scan3A_98 = arith.constant 32 : i32
    %scan3A_99 = arith.addi %scan3A_97, %scan3A_98 : i32
    %scan3A_100 = arith.constant 1 : i32
    scf.for %scan3A_338 = %scan3A_97 to %scan3A_99 step %scan3A_100  : i32 {
      %dma_start3A_339 = arith.constant 19 : i32
      %dma_start3A_340 = arith.constant 6 : i32
      %dma_start3A_341 = arith.constant 0 : i32
      %dma_start3A_342 = tpu.memref_slice %arg8[%scan3A_338, %dma_start3A_341] : memref<32x512xf32, #tpu.memory_space<vmem>> -> memref<1x512xf32, #tpu.memory_space<vmem>>
      %dma_start3A_343 = tpu.memref_squeeze %dma_start3A_342 : memref<1x512xf32, #tpu.memory_space<vmem>> -> memref<512xf32, #tpu.memory_space<vmem>>
      %dma_start3A_344 = arith.constant 0 : i32
      %dma_start3A_345 = tpu.memref_slice %arg5[%dma_start3A_340, %dma_start3A_344] : memref<13x512xi32, #tpu.memory_space<vmem>> -> memref<1x512xi32, #tpu.memory_space<vmem>>
      %dma_start3A_346 = tpu.memref_squeeze %dma_start3A_345 : memref<1x512xi32, #tpu.memory_space<vmem>> -> memref<512xi32, #tpu.memory_space<vmem>>
      %dma_start3A_347 = arith.constant 0 : i32
      %dma_start3A_348 = tpu.memref_slice %arg3[%dma_start3A_339, %scan3A_338, %dma_start3A_347] : memref<26x32x100000xf32, #tpu.memory_space<hbm>> -> memref<1x1x100000xf32, #tpu.memory_space<hbm>>
      %dma_start3A_349 = tpu.memref_squeeze %dma_start3A_348 : memref<1x1x100000xf32, #tpu.memory_space<hbm>> -> memref<100000xf32, #tpu.memory_space<hbm>>
      %dma_start3A_350 = arith.constant 0 : i32
      %dma_start3A_351 = tpu.memref_slice %dma_start3A_349[%dma_start3A_350] : memref<100000xf32, #tpu.memory_space<hbm>> -> memref<100000xf32, #tpu.memory_space<hbm>>
      tpu.enqueue_indirect_dma source(%dma_start3A_351 : memref<100000xf32, #tpu.memory_space<hbm>>) target(%dma_start3A_343 : memref<512xf32, #tpu.memory_space<vmem>>) offsets(%dma_start3A_346 : memref<512xi32, #tpu.memory_space<vmem>>) semaphore(%arg10 : memref<!tpu.dma_semaphore, #tpu.memory_space<semaphore_mem>>)
    }
    %scan3A_101 = arith.constant 32 : i32
    %scan3A_102 = arith.constant 0 : i32
    %scan3A_103 = arith.constant 0 : i32
    %scan3A_104 = arith.constant 32 : i32
    %scan3A_105 = arith.addi %scan3A_103, %scan3A_104 : i32
    %scan3A_106 = arith.constant 1 : i32
    scf.for %scan3A_338 = %scan3A_103 to %scan3A_105 step %scan3A_106  : i32 {
      %dma_wait3A_339 = arith.constant 16 : i32
      %dma_wait3A_340 = arith.constant 3 : i32
      %dma_wait3A_341 = arith.constant 0 : i32
      %dma_wait3A_342 = tpu.memref_slice %arg9[%scan3A_338, %dma_wait3A_341] : memref<32x512xf32, #tpu.memory_space<vmem>> -> memref<1x512xf32, #tpu.memory_space<vmem>>
      %dma_wait3A_343 = tpu.memref_squeeze %dma_wait3A_342 : memref<1x512xf32, #tpu.memory_space<vmem>> -> memref<512xf32, #tpu.memory_space<vmem>>
      %dma_wait3A_344 = arith.constant 0 : i32
      %dma_wait3A_345 = tpu.memref_slice %arg5[%dma_wait3A_340, %dma_wait3A_344] : memref<13x512xi32, #tpu.memory_space<vmem>> -> memref<1x512xi32, #tpu.memory_space<vmem>>
      %dma_wait3A_346 = tpu.memref_squeeze %dma_wait3A_345 : memref<1x512xi32, #tpu.memory_space<vmem>> -> memref<512xi32, #tpu.memory_space<vmem>>
      %dma_wait3A_347 = arith.constant 0 : i32
      %dma_wait3A_348 = tpu.memref_slice %arg3[%dma_wait3A_339, %scan3A_338, %dma_wait3A_347] : memref<26x32x100000xf32, #tpu.memory_space<hbm>> -> memref<1x1x100000xf32, #tpu.memory_space<hbm>>
      %dma_wait3A_349 = tpu.memref_squeeze %dma_wait3A_348 : memref<1x1x100000xf32, #tpu.memory_space<hbm>> -> memref<100000xf32, #tpu.memory_space<hbm>>
      %dma_wait3A_350 = arith.constant 0 : i32
      %dma_wait3A_351 = tpu.memref_slice %dma_wait3A_349[%dma_wait3A_350] : memref<100000xf32, #tpu.memory_space<hbm>> -> memref<100000xf32, #tpu.memory_space<hbm>>
      tpu.wait_indirect_dma semaphore(%arg10 : memref<!tpu.dma_semaphore, #tpu.memory_space<semaphore_mem>>) src(%dma_wait3A_351 : memref<100000xf32, #tpu.memory_space<hbm>>) dst(%dma_wait3A_343 : memref<512xf32, #tpu.memory_space<vmem>>)
    }
    %scan3A_107 = arith.constant 32 : i32
    %dma_start3A_108 = arith.constant 3 : i32
    %dma_start3A_109 = arith.constant 0 : i32
    %dma_start3A_110 = tpu.memref_slice %arg4[%dma_start3A_108, %dma_start3A_109, %mul3A_2] : memref<13x32x16384xf32, #tpu.memory_space<hbm>> -> memref<1x32x512xf32, #tpu.memory_space<hbm>>
    %dma_start3A_111 = tpu.memref_squeeze %dma_start3A_110 : memref<1x32x512xf32, #tpu.memory_space<hbm>> -> memref<32x512xf32, #tpu.memory_space<hbm>>
    %dma_start3A_112 = arith.constant 0 : i32
    %dma_start3A_113 = tpu.memref_slice %arg4[%dma_start3A_108, %dma_start3A_112, %mul3A_2] : memref<13x32x16384xf32, #tpu.memory_space<hbm>> -> memref<1x32x512xf32, #tpu.memory_space<hbm>>
    %dma_start3A_114 = tpu.memref_squeeze %dma_start3A_113 : memref<1x32x512xf32, #tpu.memory_space<hbm>> -> memref<32x512xf32, #tpu.memory_space<hbm>>
    tpu.enqueue_dma source(%arg9 : memref<32x512xf32, #tpu.memory_space<vmem>>) target(%dma_start3A_114 : memref<32x512xf32, #tpu.memory_space<hbm>>) target_semaphore(%arg11 : memref<!tpu.dma_semaphore, #tpu.memory_space<semaphore_mem>>)
    %dma_wait3A_115 = arith.constant 3 : i32
    %dma_wait3A_116 = arith.constant 0 : i32
    %dma_wait3A_117 = tpu.memref_slice %arg4[%dma_wait3A_115, %dma_wait3A_116, %mul3A_2] : memref<13x32x16384xf32, #tpu.memory_space<hbm>> -> memref<1x32x512xf32, #tpu.memory_space<hbm>>
    %dma_wait3A_118 = tpu.memref_squeeze %dma_wait3A_117 : memref<1x32x512xf32, #tpu.memory_space<hbm>> -> memref<32x512xf32, #tpu.memory_space<hbm>>
    %dma_wait3A_119 = arith.constant 0 : i32
    %dma_wait3A_120 = tpu.memref_slice %arg4[%dma_wait3A_115, %dma_wait3A_119, %mul3A_2] : memref<13x32x16384xf32, #tpu.memory_space<hbm>> -> memref<1x32x512xf32, #tpu.memory_space<hbm>>
    %dma_wait3A_121 = tpu.memref_squeeze %dma_wait3A_120 : memref<1x32x512xf32, #tpu.memory_space<hbm>> -> memref<32x512xf32, #tpu.memory_space<hbm>>
    tpu.wait_dma2 semaphore(%arg11 : memref<!tpu.dma_semaphore, #tpu.memory_space<semaphore_mem>>) src(%arg9 : memref<32x512xf32, #tpu.memory_space<vmem>>) dst(%dma_wait3A_121 : memref<32x512xf32, #tpu.memory_space<hbm>>)
    %scan3A_122 = arith.constant 0 : i32
    %scan3A_123 = arith.constant 0 : i32
    %scan3A_124 = arith.constant 32 : i32
    %scan3A_125 = arith.addi %scan3A_123, %scan3A_124 : i32
    %scan3A_126 = arith.constant 1 : i32
    scf.for %scan3A_338 = %scan3A_123 to %scan3A_125 step %scan3A_126  : i32 {
      %dma_start3A_339 = arith.constant 20 : i32
      %dma_start3A_340 = arith.constant 7 : i32
      %dma_start3A_341 = arith.constant 0 : i32
      %dma_start3A_342 = tpu.memref_slice %arg9[%scan3A_338, %dma_start3A_341] : memref<32x512xf32, #tpu.memory_space<vmem>> -> memref<1x512xf32, #tpu.memory_space<vmem>>
      %dma_start3A_343 = tpu.memref_squeeze %dma_start3A_342 : memref<1x512xf32, #tpu.memory_space<vmem>> -> memref<512xf32, #tpu.memory_space<vmem>>
      %dma_start3A_344 = arith.constant 0 : i32
      %dma_start3A_345 = tpu.memref_slice %arg5[%dma_start3A_340, %dma_start3A_344] : memref<13x512xi32, #tpu.memory_space<vmem>> -> memref<1x512xi32, #tpu.memory_space<vmem>>
      %dma_start3A_346 = tpu.memref_squeeze %dma_start3A_345 : memref<1x512xi32, #tpu.memory_space<vmem>> -> memref<512xi32, #tpu.memory_space<vmem>>
      %dma_start3A_347 = arith.constant 0 : i32
      %dma_start3A_348 = tpu.memref_slice %arg3[%dma_start3A_339, %scan3A_338, %dma_start3A_347] : memref<26x32x100000xf32, #tpu.memory_space<hbm>> -> memref<1x1x100000xf32, #tpu.memory_space<hbm>>
      %dma_start3A_349 = tpu.memref_squeeze %dma_start3A_348 : memref<1x1x100000xf32, #tpu.memory_space<hbm>> -> memref<100000xf32, #tpu.memory_space<hbm>>
      %dma_start3A_350 = arith.constant 0 : i32
      %dma_start3A_351 = tpu.memref_slice %dma_start3A_349[%dma_start3A_350] : memref<100000xf32, #tpu.memory_space<hbm>> -> memref<100000xf32, #tpu.memory_space<hbm>>
      tpu.enqueue_indirect_dma source(%dma_start3A_351 : memref<100000xf32, #tpu.memory_space<hbm>>) target(%dma_start3A_343 : memref<512xf32, #tpu.memory_space<vmem>>) offsets(%dma_start3A_346 : memref<512xi32, #tpu.memory_space<vmem>>) semaphore(%arg10 : memref<!tpu.dma_semaphore, #tpu.memory_space<semaphore_mem>>)
    }
    %scan3A_127 = arith.constant 32 : i32
    %scan3A_128 = arith.constant 0 : i32
    %scan3A_129 = arith.constant 0 : i32
    %scan3A_130 = arith.constant 32 : i32
    %scan3A_131 = arith.addi %scan3A_129, %scan3A_130 : i32
    %scan3A_132 = arith.constant 1 : i32
    scf.for %scan3A_338 = %scan3A_129 to %scan3A_131 step %scan3A_132  : i32 {
      %dma_wait3A_339 = arith.constant 17 : i32
      %dma_wait3A_340 = arith.constant 4 : i32
      %dma_wait3A_341 = arith.constant 0 : i32
      %dma_wait3A_342 = tpu.memref_slice %arg6[%scan3A_338, %dma_wait3A_341] : memref<32x512xf32, #tpu.memory_space<vmem>> -> memref<1x512xf32, #tpu.memory_space<vmem>>
      %dma_wait3A_343 = tpu.memref_squeeze %dma_wait3A_342 : memref<1x512xf32, #tpu.memory_space<vmem>> -> memref<512xf32, #tpu.memory_space<vmem>>
      %dma_wait3A_344 = arith.constant 0 : i32
      %dma_wait3A_345 = tpu.memref_slice %arg5[%dma_wait3A_340, %dma_wait3A_344] : memref<13x512xi32, #tpu.memory_space<vmem>> -> memref<1x512xi32, #tpu.memory_space<vmem>>
      %dma_wait3A_346 = tpu.memref_squeeze %dma_wait3A_345 : memref<1x512xi32, #tpu.memory_space<vmem>> -> memref<512xi32, #tpu.memory_space<vmem>>
      %dma_wait3A_347 = arith.constant 0 : i32
      %dma_wait3A_348 = tpu.memref_slice %arg3[%dma_wait3A_339, %scan3A_338, %dma_wait3A_347] : memref<26x32x100000xf32, #tpu.memory_space<hbm>> -> memref<1x1x100000xf32, #tpu.memory_space<hbm>>
      %dma_wait3A_349 = tpu.memref_squeeze %dma_wait3A_348 : memref<1x1x100000xf32, #tpu.memory_space<hbm>> -> memref<100000xf32, #tpu.memory_space<hbm>>
      %dma_wait3A_350 = arith.constant 0 : i32
      %dma_wait3A_351 = tpu.memref_slice %dma_wait3A_349[%dma_wait3A_350] : memref<100000xf32, #tpu.memory_space<hbm>> -> memref<100000xf32, #tpu.memory_space<hbm>>
      tpu.wait_indirect_dma semaphore(%arg10 : memref<!tpu.dma_semaphore, #tpu.memory_space<semaphore_mem>>) src(%dma_wait3A_351 : memref<100000xf32, #tpu.memory_space<hbm>>) dst(%dma_wait3A_343 : memref<512xf32, #tpu.memory_space<vmem>>)
    }
    %scan3A_133 = arith.constant 32 : i32
    %dma_start3A_134 = arith.constant 4 : i32
    %dma_start3A_135 = arith.constant 0 : i32
    %dma_start3A_136 = tpu.memref_slice %arg4[%dma_start3A_134, %dma_start3A_135, %mul3A_2] : memref<13x32x16384xf32, #tpu.memory_space<hbm>> -> memref<1x32x512xf32, #tpu.memory_space<hbm>>
    %dma_start3A_137 = tpu.memref_squeeze %dma_start3A_136 : memref<1x32x512xf32, #tpu.memory_space<hbm>> -> memref<32x512xf32, #tpu.memory_space<hbm>>
    %dma_start3A_138 = arith.constant 0 : i32
    %dma_start3A_139 = tpu.memref_slice %arg4[%dma_start3A_134, %dma_start3A_138, %mul3A_2] : memref<13x32x16384xf32, #tpu.memory_space<hbm>> -> memref<1x32x512xf32, #tpu.memory_space<hbm>>
    %dma_start3A_140 = tpu.memref_squeeze %dma_start3A_139 : memref<1x32x512xf32, #tpu.memory_space<hbm>> -> memref<32x512xf32, #tpu.memory_space<hbm>>
    tpu.enqueue_dma source(%arg6 : memref<32x512xf32, #tpu.memory_space<vmem>>) target(%dma_start3A_140 : memref<32x512xf32, #tpu.memory_space<hbm>>) target_semaphore(%arg11 : memref<!tpu.dma_semaphore, #tpu.memory_space<semaphore_mem>>)
    %dma_wait3A_141 = arith.constant 4 : i32
    %dma_wait3A_142 = arith.constant 0 : i32
    %dma_wait3A_143 = tpu.memref_slice %arg4[%dma_wait3A_141, %dma_wait3A_142, %mul3A_2] : memref<13x32x16384xf32, #tpu.memory_space<hbm>> -> memref<1x32x512xf32, #tpu.memory_space<hbm>>
    %dma_wait3A_144 = tpu.memref_squeeze %dma_wait3A_143 : memref<1x32x512xf32, #tpu.memory_space<hbm>> -> memref<32x512xf32, #tpu.memory_space<hbm>>
    %dma_wait3A_145 = arith.constant 0 : i32
    %dma_wait3A_146 = tpu.memref_slice %arg4[%dma_wait3A_141, %dma_wait3A_145, %mul3A_2] : memref<13x32x16384xf32, #tpu.memory_space<hbm>> -> memref<1x32x512xf32, #tpu.memory_space<hbm>>
    %dma_wait3A_147 = tpu.memref_squeeze %dma_wait3A_146 : memref<1x32x512xf32, #tpu.memory_space<hbm>> -> memref<32x512xf32, #tpu.memory_space<hbm>>
    tpu.wait_dma2 semaphore(%arg11 : memref<!tpu.dma_semaphore, #tpu.memory_space<semaphore_mem>>) src(%arg6 : memref<32x512xf32, #tpu.memory_space<vmem>>) dst(%dma_wait3A_147 : memref<32x512xf32, #tpu.memory_space<hbm>>)
    %scan3A_148 = arith.constant 0 : i32
    %scan3A_149 = arith.constant 0 : i32
    %scan3A_150 = arith.constant 32 : i32
    %scan3A_151 = arith.addi %scan3A_149, %scan3A_150 : i32
    %scan3A_152 = arith.constant 1 : i32
    scf.for %scan3A_338 = %scan3A_149 to %scan3A_151 step %scan3A_152  : i32 {
      %dma_start3A_339 = arith.constant 21 : i32
      %dma_start3A_340 = arith.constant 8 : i32
      %dma_start3A_341 = arith.constant 0 : i32
      %dma_start3A_342 = tpu.memref_slice %arg6[%scan3A_338, %dma_start3A_341] : memref<32x512xf32, #tpu.memory_space<vmem>> -> memref<1x512xf32, #tpu.memory_space<vmem>>
      %dma_start3A_343 = tpu.memref_squeeze %dma_start3A_342 : memref<1x512xf32, #tpu.memory_space<vmem>> -> memref<512xf32, #tpu.memory_space<vmem>>
      %dma_start3A_344 = arith.constant 0 : i32
      %dma_start3A_345 = tpu.memref_slice %arg5[%dma_start3A_340, %dma_start3A_344] : memref<13x512xi32, #tpu.memory_space<vmem>> -> memref<1x512xi32, #tpu.memory_space<vmem>>
      %dma_start3A_346 = tpu.memref_squeeze %dma_start3A_345 : memref<1x512xi32, #tpu.memory_space<vmem>> -> memref<512xi32, #tpu.memory_space<vmem>>
      %dma_start3A_347 = arith.constant 0 : i32
      %dma_start3A_348 = tpu.memref_slice %arg3[%dma_start3A_339, %scan3A_338, %dma_start3A_347] : memref<26x32x100000xf32, #tpu.memory_space<hbm>> -> memref<1x1x100000xf32, #tpu.memory_space<hbm>>
      %dma_start3A_349 = tpu.memref_squeeze %dma_start3A_348 : memref<1x1x100000xf32, #tpu.memory_space<hbm>> -> memref<100000xf32, #tpu.memory_space<hbm>>
      %dma_start3A_350 = arith.constant 0 : i32
      %dma_start3A_351 = tpu.memref_slice %dma_start3A_349[%dma_start3A_350] : memref<100000xf32, #tpu.memory_space<hbm>> -> memref<100000xf32, #tpu.memory_space<hbm>>
      tpu.enqueue_indirect_dma source(%dma_start3A_351 : memref<100000xf32, #tpu.memory_space<hbm>>) target(%dma_start3A_343 : memref<512xf32, #tpu.memory_space<vmem>>) offsets(%dma_start3A_346 : memref<512xi32, #tpu.memory_space<vmem>>) semaphore(%arg10 : memref<!tpu.dma_semaphore, #tpu.memory_space<semaphore_mem>>)
    }
    %scan3A_153 = arith.constant 32 : i32
    %scan3A_154 = arith.constant 0 : i32
    %scan3A_155 = arith.constant 0 : i32
    %scan3A_156 = arith.constant 32 : i32
    %scan3A_157 = arith.addi %scan3A_155, %scan3A_156 : i32
    %scan3A_158 = arith.constant 1 : i32
    scf.for %scan3A_338 = %scan3A_155 to %scan3A_157 step %scan3A_158  : i32 {
      %dma_wait3A_339 = arith.constant 18 : i32
      %dma_wait3A_340 = arith.constant 5 : i32
      %dma_wait3A_341 = arith.constant 0 : i32
      %dma_wait3A_342 = tpu.memref_slice %arg7[%scan3A_338, %dma_wait3A_341] : memref<32x512xf32, #tpu.memory_space<vmem>> -> memref<1x512xf32, #tpu.memory_space<vmem>>
      %dma_wait3A_343 = tpu.memref_squeeze %dma_wait3A_342 : memref<1x512xf32, #tpu.memory_space<vmem>> -> memref<512xf32, #tpu.memory_space<vmem>>
      %dma_wait3A_344 = arith.constant 0 : i32
      %dma_wait3A_345 = tpu.memref_slice %arg5[%dma_wait3A_340, %dma_wait3A_344] : memref<13x512xi32, #tpu.memory_space<vmem>> -> memref<1x512xi32, #tpu.memory_space<vmem>>
      %dma_wait3A_346 = tpu.memref_squeeze %dma_wait3A_345 : memref<1x512xi32, #tpu.memory_space<vmem>> -> memref<512xi32, #tpu.memory_space<vmem>>
      %dma_wait3A_347 = arith.constant 0 : i32
      %dma_wait3A_348 = tpu.memref_slice %arg3[%dma_wait3A_339, %scan3A_338, %dma_wait3A_347] : memref<26x32x100000xf32, #tpu.memory_space<hbm>> -> memref<1x1x100000xf32, #tpu.memory_space<hbm>>
      %dma_wait3A_349 = tpu.memref_squeeze %dma_wait3A_348 : memref<1x1x100000xf32, #tpu.memory_space<hbm>> -> memref<100000xf32, #tpu.memory_space<hbm>>
      %dma_wait3A_350 = arith.constant 0 : i32
      %dma_wait3A_351 = tpu.memref_slice %dma_wait3A_349[%dma_wait3A_350] : memref<100000xf32, #tpu.memory_space<hbm>> -> memref<100000xf32, #tpu.memory_space<hbm>>
      tpu.wait_indirect_dma semaphore(%arg10 : memref<!tpu.dma_semaphore, #tpu.memory_space<semaphore_mem>>) src(%dma_wait3A_351 : memref<100000xf32, #tpu.memory_space<hbm>>) dst(%dma_wait3A_343 : memref<512xf32, #tpu.memory_space<vmem>>)
    }
    %scan3A_159 = arith.constant 32 : i32
    %dma_start3A_160 = arith.constant 5 : i32
    %dma_start3A_161 = arith.constant 0 : i32
    %dma_start3A_162 = tpu.memref_slice %arg4[%dma_start3A_160, %dma_start3A_161, %mul3A_2] : memref<13x32x16384xf32, #tpu.memory_space<hbm>> -> memref<1x32x512xf32, #tpu.memory_space<hbm>>
    %dma_start3A_163 = tpu.memref_squeeze %dma_start3A_162 : memref<1x32x512xf32, #tpu.memory_space<hbm>> -> memref<32x512xf32, #tpu.memory_space<hbm>>
    %dma_start3A_164 = arith.constant 0 : i32
    %dma_start3A_165 = tpu.memref_slice %arg4[%dma_start3A_160, %dma_start3A_164, %mul3A_2] : memref<13x32x16384xf32, #tpu.memory_space<hbm>> -> memref<1x32x512xf32, #tpu.memory_space<hbm>>
    %dma_start3A_166 = tpu.memref_squeeze %dma_start3A_165 : memref<1x32x512xf32, #tpu.memory_space<hbm>> -> memref<32x512xf32, #tpu.memory_space<hbm>>
    tpu.enqueue_dma source(%arg7 : memref<32x512xf32, #tpu.memory_space<vmem>>) target(%dma_start3A_166 : memref<32x512xf32, #tpu.memory_space<hbm>>) target_semaphore(%arg11 : memref<!tpu.dma_semaphore, #tpu.memory_space<semaphore_mem>>)
    %dma_wait3A_167 = arith.constant 5 : i32
    %dma_wait3A_168 = arith.constant 0 : i32
    %dma_wait3A_169 = tpu.memref_slice %arg4[%dma_wait3A_167, %dma_wait3A_168, %mul3A_2] : memref<13x32x16384xf32, #tpu.memory_space<hbm>> -> memref<1x32x512xf32, #tpu.memory_space<hbm>>
    %dma_wait3A_170 = tpu.memref_squeeze %dma_wait3A_169 : memref<1x32x512xf32, #tpu.memory_space<hbm>> -> memref<32x512xf32, #tpu.memory_space<hbm>>
    %dma_wait3A_171 = arith.constant 0 : i32
    %dma_wait3A_172 = tpu.memref_slice %arg4[%dma_wait3A_167, %dma_wait3A_171, %mul3A_2] : memref<13x32x16384xf32, #tpu.memory_space<hbm>> -> memref<1x32x512xf32, #tpu.memory_space<hbm>>
    %dma_wait3A_173 = tpu.memref_squeeze %dma_wait3A_172 : memref<1x32x512xf32, #tpu.memory_space<hbm>> -> memref<32x512xf32, #tpu.memory_space<hbm>>
    tpu.wait_dma2 semaphore(%arg11 : memref<!tpu.dma_semaphore, #tpu.memory_space<semaphore_mem>>) src(%arg7 : memref<32x512xf32, #tpu.memory_space<vmem>>) dst(%dma_wait3A_173 : memref<32x512xf32, #tpu.memory_space<hbm>>)
    %scan3A_174 = arith.constant 0 : i32
    %scan3A_175 = arith.constant 0 : i32
    %scan3A_176 = arith.constant 32 : i32
    %scan3A_177 = arith.addi %scan3A_175, %scan3A_176 : i32
    %scan3A_178 = arith.constant 1 : i32
    scf.for %scan3A_338 = %scan3A_175 to %scan3A_177 step %scan3A_178  : i32 {
      %dma_start3A_339 = arith.constant 22 : i32
      %dma_start3A_340 = arith.constant 9 : i32
      %dma_start3A_341 = arith.constant 0 : i32
      %dma_start3A_342 = tpu.memref_slice %arg7[%scan3A_338, %dma_start3A_341] : memref<32x512xf32, #tpu.memory_space<vmem>> -> memref<1x512xf32, #tpu.memory_space<vmem>>
      %dma_start3A_343 = tpu.memref_squeeze %dma_start3A_342 : memref<1x512xf32, #tpu.memory_space<vmem>> -> memref<512xf32, #tpu.memory_space<vmem>>
      %dma_start3A_344 = arith.constant 0 : i32
      %dma_start3A_345 = tpu.memref_slice %arg5[%dma_start3A_340, %dma_start3A_344] : memref<13x512xi32, #tpu.memory_space<vmem>> -> memref<1x512xi32, #tpu.memory_space<vmem>>
      %dma_start3A_346 = tpu.memref_squeeze %dma_start3A_345 : memref<1x512xi32, #tpu.memory_space<vmem>> -> memref<512xi32, #tpu.memory_space<vmem>>
      %dma_start3A_347 = arith.constant 0 : i32
      %dma_start3A_348 = tpu.memref_slice %arg3[%dma_start3A_339, %scan3A_338, %dma_start3A_347] : memref<26x32x100000xf32, #tpu.memory_space<hbm>> -> memref<1x1x100000xf32, #tpu.memory_space<hbm>>
      %dma_start3A_349 = tpu.memref_squeeze %dma_start3A_348 : memref<1x1x100000xf32, #tpu.memory_space<hbm>> -> memref<100000xf32, #tpu.memory_space<hbm>>
      %dma_start3A_350 = arith.constant 0 : i32
      %dma_start3A_351 = tpu.memref_slice %dma_start3A_349[%dma_start3A_350] : memref<100000xf32, #tpu.memory_space<hbm>> -> memref<100000xf32, #tpu.memory_space<hbm>>
      tpu.enqueue_indirect_dma source(%dma_start3A_351 : memref<100000xf32, #tpu.memory_space<hbm>>) target(%dma_start3A_343 : memref<512xf32, #tpu.memory_space<vmem>>) offsets(%dma_start3A_346 : memref<512xi32, #tpu.memory_space<vmem>>) semaphore(%arg10 : memref<!tpu.dma_semaphore, #tpu.memory_space<semaphore_mem>>)
    }
    %scan3A_179 = arith.constant 32 : i32
    %scan3A_180 = arith.constant 0 : i32
    %scan3A_181 = arith.constant 0 : i32
    %scan3A_182 = arith.constant 32 : i32
    %scan3A_183 = arith.addi %scan3A_181, %scan3A_182 : i32
    %scan3A_184 = arith.constant 1 : i32
    scf.for %scan3A_338 = %scan3A_181 to %scan3A_183 step %scan3A_184  : i32 {
      %dma_wait3A_339 = arith.constant 19 : i32
      %dma_wait3A_340 = arith.constant 6 : i32
      %dma_wait3A_341 = arith.constant 0 : i32
      %dma_wait3A_342 = tpu.memref_slice %arg8[%scan3A_338, %dma_wait3A_341] : memref<32x512xf32, #tpu.memory_space<vmem>> -> memref<1x512xf32, #tpu.memory_space<vmem>>
      %dma_wait3A_343 = tpu.memref_squeeze %dma_wait3A_342 : memref<1x512xf32, #tpu.memory_space<vmem>> -> memref<512xf32, #tpu.memory_space<vmem>>
      %dma_wait3A_344 = arith.constant 0 : i32
      %dma_wait3A_345 = tpu.memref_slice %arg5[%dma_wait3A_340, %dma_wait3A_344] : memref<13x512xi32, #tpu.memory_space<vmem>> -> memref<1x512xi32, #tpu.memory_space<vmem>>
      %dma_wait3A_346 = tpu.memref_squeeze %dma_wait3A_345 : memref<1x512xi32, #tpu.memory_space<vmem>> -> memref<512xi32, #tpu.memory_space<vmem>>
      %dma_wait3A_347 = arith.constant 0 : i32
      %dma_wait3A_348 = tpu.memref_slice %arg3[%dma_wait3A_339, %scan3A_338, %dma_wait3A_347] : memref<26x32x100000xf32, #tpu.memory_space<hbm>> -> memref<1x1x100000xf32, #tpu.memory_space<hbm>>
      %dma_wait3A_349 = tpu.memref_squeeze %dma_wait3A_348 : memref<1x1x100000xf32, #tpu.memory_space<hbm>> -> memref<100000xf32, #tpu.memory_space<hbm>>
      %dma_wait3A_350 = arith.constant 0 : i32
      %dma_wait3A_351 = tpu.memref_slice %dma_wait3A_349[%dma_wait3A_350] : memref<100000xf32, #tpu.memory_space<hbm>> -> memref<100000xf32, #tpu.memory_space<hbm>>
      tpu.wait_indirect_dma semaphore(%arg10 : memref<!tpu.dma_semaphore, #tpu.memory_space<semaphore_mem>>) src(%dma_wait3A_351 : memref<100000xf32, #tpu.memory_space<hbm>>) dst(%dma_wait3A_343 : memref<512xf32, #tpu.memory_space<vmem>>)
    }
    %scan3A_185 = arith.constant 32 : i32
    %dma_start3A_186 = arith.constant 6 : i32
    %dma_start3A_187 = arith.constant 0 : i32
    %dma_start3A_188 = tpu.memref_slice %arg4[%dma_start3A_186, %dma_start3A_187, %mul3A_2] : memref<13x32x16384xf32, #tpu.memory_space<hbm>> -> memref<1x32x512xf32, #tpu.memory_space<hbm>>
    %dma_start3A_189 = tpu.memref_squeeze %dma_start3A_188 : memref<1x32x512xf32, #tpu.memory_space<hbm>> -> memref<32x512xf32, #tpu.memory_space<hbm>>
    %dma_start3A_190 = arith.constant 0 : i32
    %dma_start3A_191 = tpu.memref_slice %arg4[%dma_start3A_186, %dma_start3A_190, %mul3A_2] : memref<13x32x16384xf32, #tpu.memory_space<hbm>> -> memref<1x32x512xf32, #tpu.memory_space<hbm>>
    %dma_start3A_192 = tpu.memref_squeeze %dma_start3A_191 : memref<1x32x512xf32, #tpu.memory_space<hbm>> -> memref<32x512xf32, #tpu.memory_space<hbm>>
    tpu.enqueue_dma source(%arg8 : memref<32x512xf32, #tpu.memory_space<vmem>>) target(%dma_start3A_192 : memref<32x512xf32, #tpu.memory_space<hbm>>) target_semaphore(%arg11 : memref<!tpu.dma_semaphore, #tpu.memory_space<semaphore_mem>>)
    %dma_wait3A_193 = arith.constant 6 : i32
    %dma_wait3A_194 = arith.constant 0 : i32
    %dma_wait3A_195 = tpu.memref_slice %arg4[%dma_wait3A_193, %dma_wait3A_194, %mul3A_2] : memref<13x32x16384xf32, #tpu.memory_space<hbm>> -> memref<1x32x512xf32, #tpu.memory_space<hbm>>
    %dma_wait3A_196 = tpu.memref_squeeze %dma_wait3A_195 : memref<1x32x512xf32, #tpu.memory_space<hbm>> -> memref<32x512xf32, #tpu.memory_space<hbm>>
    %dma_wait3A_197 = arith.constant 0 : i32
    %dma_wait3A_198 = tpu.memref_slice %arg4[%dma_wait3A_193, %dma_wait3A_197, %mul3A_2] : memref<13x32x16384xf32, #tpu.memory_space<hbm>> -> memref<1x32x512xf32, #tpu.memory_space<hbm>>
    %dma_wait3A_199 = tpu.memref_squeeze %dma_wait3A_198 : memref<1x32x512xf32, #tpu.memory_space<hbm>> -> memref<32x512xf32, #tpu.memory_space<hbm>>
    tpu.wait_dma2 semaphore(%arg11 : memref<!tpu.dma_semaphore, #tpu.memory_space<semaphore_mem>>) src(%arg8 : memref<32x512xf32, #tpu.memory_space<vmem>>) dst(%dma_wait3A_199 : memref<32x512xf32, #tpu.memory_space<hbm>>)
    %scan3A_200 = arith.constant 0 : i32
    %scan3A_201 = arith.constant 0 : i32
    %scan3A_202 = arith.constant 32 : i32
    %scan3A_203 = arith.addi %scan3A_201, %scan3A_202 : i32
    %scan3A_204 = arith.constant 1 : i32
    scf.for %scan3A_338 = %scan3A_201 to %scan3A_203 step %scan3A_204  : i32 {
      %dma_start3A_339 = arith.constant 23 : i32
      %dma_start3A_340 = arith.constant 10 : i32
      %dma_start3A_341 = arith.constant 0 : i32
      %dma_start3A_342 = tpu.memref_slice %arg8[%scan3A_338, %dma_start3A_341] : memref<32x512xf32, #tpu.memory_space<vmem>> -> memref<1x512xf32, #tpu.memory_space<vmem>>
      %dma_start3A_343 = tpu.memref_squeeze %dma_start3A_342 : memref<1x512xf32, #tpu.memory_space<vmem>> -> memref<512xf32, #tpu.memory_space<vmem>>
      %dma_start3A_344 = arith.constant 0 : i32
      %dma_start3A_345 = tpu.memref_slice %arg5[%dma_start3A_340, %dma_start3A_344] : memref<13x512xi32, #tpu.memory_space<vmem>> -> memref<1x512xi32, #tpu.memory_space<vmem>>
      %dma_start3A_346 = tpu.memref_squeeze %dma_start3A_345 : memref<1x512xi32, #tpu.memory_space<vmem>> -> memref<512xi32, #tpu.memory_space<vmem>>
      %dma_start3A_347 = arith.constant 0 : i32
      %dma_start3A_348 = tpu.memref_slice %arg3[%dma_start3A_339, %scan3A_338, %dma_start3A_347] : memref<26x32x100000xf32, #tpu.memory_space<hbm>> -> memref<1x1x100000xf32, #tpu.memory_space<hbm>>
      %dma_start3A_349 = tpu.memref_squeeze %dma_start3A_348 : memref<1x1x100000xf32, #tpu.memory_space<hbm>> -> memref<100000xf32, #tpu.memory_space<hbm>>
      %dma_start3A_350 = arith.constant 0 : i32
      %dma_start3A_351 = tpu.memref_slice %dma_start3A_349[%dma_start3A_350] : memref<100000xf32, #tpu.memory_space<hbm>> -> memref<100000xf32, #tpu.memory_space<hbm>>
      tpu.enqueue_indirect_dma source(%dma_start3A_351 : memref<100000xf32, #tpu.memory_space<hbm>>) target(%dma_start3A_343 : memref<512xf32, #tpu.memory_space<vmem>>) offsets(%dma_start3A_346 : memref<512xi32, #tpu.memory_space<vmem>>) semaphore(%arg10 : memref<!tpu.dma_semaphore, #tpu.memory_space<semaphore_mem>>)
    }
    %scan3A_205 = arith.constant 32 : i32
    %scan3A_206 = arith.constant 0 : i32
    %scan3A_207 = arith.constant 0 : i32
    %scan3A_208 = arith.constant 32 : i32
    %scan3A_209 = arith.addi %scan3A_207, %scan3A_208 : i32
    %scan3A_210 = arith.constant 1 : i32
    scf.for %scan3A_338 = %scan3A_207 to %scan3A_209 step %scan3A_210  : i32 {
      %dma_wait3A_339 = arith.constant 20 : i32
      %dma_wait3A_340 = arith.constant 7 : i32
      %dma_wait3A_341 = arith.constant 0 : i32
      %dma_wait3A_342 = tpu.memref_slice %arg9[%scan3A_338, %dma_wait3A_341] : memref<32x512xf32, #tpu.memory_space<vmem>> -> memref<1x512xf32, #tpu.memory_space<vmem>>
      %dma_wait3A_343 = tpu.memref_squeeze %dma_wait3A_342 : memref<1x512xf32, #tpu.memory_space<vmem>> -> memref<512xf32, #tpu.memory_space<vmem>>
      %dma_wait3A_344 = arith.constant 0 : i32
      %dma_wait3A_345 = tpu.memref_slice %arg5[%dma_wait3A_340, %dma_wait3A_344] : memref<13x512xi32, #tpu.memory_space<vmem>> -> memref<1x512xi32, #tpu.memory_space<vmem>>
      %dma_wait3A_346 = tpu.memref_squeeze %dma_wait3A_345 : memref<1x512xi32, #tpu.memory_space<vmem>> -> memref<512xi32, #tpu.memory_space<vmem>>
      %dma_wait3A_347 = arith.constant 0 : i32
      %dma_wait3A_348 = tpu.memref_slice %arg3[%dma_wait3A_339, %scan3A_338, %dma_wait3A_347] : memref<26x32x100000xf32, #tpu.memory_space<hbm>> -> memref<1x1x100000xf32, #tpu.memory_space<hbm>>
      %dma_wait3A_349 = tpu.memref_squeeze %dma_wait3A_348 : memref<1x1x100000xf32, #tpu.memory_space<hbm>> -> memref<100000xf32, #tpu.memory_space<hbm>>
      %dma_wait3A_350 = arith.constant 0 : i32
      %dma_wait3A_351 = tpu.memref_slice %dma_wait3A_349[%dma_wait3A_350] : memref<100000xf32, #tpu.memory_space<hbm>> -> memref<100000xf32, #tpu.memory_space<hbm>>
      tpu.wait_indirect_dma semaphore(%arg10 : memref<!tpu.dma_semaphore, #tpu.memory_space<semaphore_mem>>) src(%dma_wait3A_351 : memref<100000xf32, #tpu.memory_space<hbm>>) dst(%dma_wait3A_343 : memref<512xf32, #tpu.memory_space<vmem>>)
    }
    %scan3A_211 = arith.constant 32 : i32
    %dma_start3A_212 = arith.constant 7 : i32
    %dma_start3A_213 = arith.constant 0 : i32
    %dma_start3A_214 = tpu.memref_slice %arg4[%dma_start3A_212, %dma_start3A_213, %mul3A_2] : memref<13x32x16384xf32, #tpu.memory_space<hbm>> -> memref<1x32x512xf32, #tpu.memory_space<hbm>>
    %dma_start3A_215 = tpu.memref_squeeze %dma_start3A_214 : memref<1x32x512xf32, #tpu.memory_space<hbm>> -> memref<32x512xf32, #tpu.memory_space<hbm>>
    %dma_start3A_216 = arith.constant 0 : i32
    %dma_start3A_217 = tpu.memref_slice %arg4[%dma_start3A_212, %dma_start3A_216, %mul3A_2] : memref<13x32x16384xf32, #tpu.memory_space<hbm>> -> memref<1x32x512xf32, #tpu.memory_space<hbm>>
    %dma_start3A_218 = tpu.memref_squeeze %dma_start3A_217 : memref<1x32x512xf32, #tpu.memory_space<hbm>> -> memref<32x512xf32, #tpu.memory_space<hbm>>
    tpu.enqueue_dma source(%arg9 : memref<32x512xf32, #tpu.memory_space<vmem>>) target(%dma_start3A_218 : memref<32x512xf32, #tpu.memory_space<hbm>>) target_semaphore(%arg11 : memref<!tpu.dma_semaphore, #tpu.memory_space<semaphore_mem>>)
    %dma_wait3A_219 = arith.constant 7 : i32
    %dma_wait3A_220 = arith.constant 0 : i32
    %dma_wait3A_221 = tpu.memref_slice %arg4[%dma_wait3A_219, %dma_wait3A_220, %mul3A_2] : memref<13x32x16384xf32, #tpu.memory_space<hbm>> -> memref<1x32x512xf32, #tpu.memory_space<hbm>>
    %dma_wait3A_222 = tpu.memref_squeeze %dma_wait3A_221 : memref<1x32x512xf32, #tpu.memory_space<hbm>> -> memref<32x512xf32, #tpu.memory_space<hbm>>
    %dma_wait3A_223 = arith.constant 0 : i32
    %dma_wait3A_224 = tpu.memref_slice %arg4[%dma_wait3A_219, %dma_wait3A_223, %mul3A_2] : memref<13x32x16384xf32, #tpu.memory_space<hbm>> -> memref<1x32x512xf32, #tpu.memory_space<hbm>>
    %dma_wait3A_225 = tpu.memref_squeeze %dma_wait3A_224 : memref<1x32x512xf32, #tpu.memory_space<hbm>> -> memref<32x512xf32, #tpu.memory_space<hbm>>
    tpu.wait_dma2 semaphore(%arg11 : memref<!tpu.dma_semaphore, #tpu.memory_space<semaphore_mem>>) src(%arg9 : memref<32x512xf32, #tpu.memory_space<vmem>>) dst(%dma_wait3A_225 : memref<32x512xf32, #tpu.memory_space<hbm>>)
    %scan3A_226 = arith.constant 0 : i32
    %scan3A_227 = arith.constant 0 : i32
    %scan3A_228 = arith.constant 32 : i32
    %scan3A_229 = arith.addi %scan3A_227, %scan3A_228 : i32
    %scan3A_230 = arith.constant 1 : i32
    scf.for %scan3A_338 = %scan3A_227 to %scan3A_229 step %scan3A_230  : i32 {
      %dma_start3A_339 = arith.constant 24 : i32
      %dma_start3A_340 = arith.constant 11 : i32
      %dma_start3A_341 = arith.constant 0 : i32
      %dma_start3A_342 = tpu.memref_slice %arg9[%scan3A_338, %dma_start3A_341] : memref<32x512xf32, #tpu.memory_space<vmem>> -> memref<1x512xf32, #tpu.memory_space<vmem>>
      %dma_start3A_343 = tpu.memref_squeeze %dma_start3A_342 : memref<1x512xf32, #tpu.memory_space<vmem>> -> memref<512xf32, #tpu.memory_space<vmem>>
      %dma_start3A_344 = arith.constant 0 : i32
      %dma_start3A_345 = tpu.memref_slice %arg5[%dma_start3A_340, %dma_start3A_344] : memref<13x512xi32, #tpu.memory_space<vmem>> -> memref<1x512xi32, #tpu.memory_space<vmem>>
      %dma_start3A_346 = tpu.memref_squeeze %dma_start3A_345 : memref<1x512xi32, #tpu.memory_space<vmem>> -> memref<512xi32, #tpu.memory_space<vmem>>
      %dma_start3A_347 = arith.constant 0 : i32
      %dma_start3A_348 = tpu.memref_slice %arg3[%dma_start3A_339, %scan3A_338, %dma_start3A_347] : memref<26x32x100000xf32, #tpu.memory_space<hbm>> -> memref<1x1x100000xf32, #tpu.memory_space<hbm>>
      %dma_start3A_349 = tpu.memref_squeeze %dma_start3A_348 : memref<1x1x100000xf32, #tpu.memory_space<hbm>> -> memref<100000xf32, #tpu.memory_space<hbm>>
      %dma_start3A_350 = arith.constant 0 : i32
      %dma_start3A_351 = tpu.memref_slice %dma_start3A_349[%dma_start3A_350] : memref<100000xf32, #tpu.memory_space<hbm>> -> memref<100000xf32, #tpu.memory_space<hbm>>
      tpu.enqueue_indirect_dma source(%dma_start3A_351 : memref<100000xf32, #tpu.memory_space<hbm>>) target(%dma_start3A_343 : memref<512xf32, #tpu.memory_space<vmem>>) offsets(%dma_start3A_346 : memref<512xi32, #tpu.memory_space<vmem>>) semaphore(%arg10 : memref<!tpu.dma_semaphore, #tpu.memory_space<semaphore_mem>>)
    }
    %scan3A_231 = arith.constant 32 : i32
    %scan3A_232 = arith.constant 0 : i32
    %scan3A_233 = arith.constant 0 : i32
    %scan3A_234 = arith.constant 32 : i32
    %scan3A_235 = arith.addi %scan3A_233, %scan3A_234 : i32
    %scan3A_236 = arith.constant 1 : i32
    scf.for %scan3A_338 = %scan3A_233 to %scan3A_235 step %scan3A_236  : i32 {
      %dma_wait3A_339 = arith.constant 21 : i32
      %dma_wait3A_340 = arith.constant 8 : i32
      %dma_wait3A_341 = arith.constant 0 : i32
      %dma_wait3A_342 = tpu.memref_slice %arg6[%scan3A_338, %dma_wait3A_341] : memref<32x512xf32, #tpu.memory_space<vmem>> -> memref<1x512xf32, #tpu.memory_space<vmem>>
      %dma_wait3A_343 = tpu.memref_squeeze %dma_wait3A_342 : memref<1x512xf32, #tpu.memory_space<vmem>> -> memref<512xf32, #tpu.memory_space<vmem>>
      %dma_wait3A_344 = arith.constant 0 : i32
      %dma_wait3A_345 = tpu.memref_slice %arg5[%dma_wait3A_340, %dma_wait3A_344] : memref<13x512xi32, #tpu.memory_space<vmem>> -> memref<1x512xi32, #tpu.memory_space<vmem>>
      %dma_wait3A_346 = tpu.memref_squeeze %dma_wait3A_345 : memref<1x512xi32, #tpu.memory_space<vmem>> -> memref<512xi32, #tpu.memory_space<vmem>>
      %dma_wait3A_347 = arith.constant 0 : i32
      %dma_wait3A_348 = tpu.memref_slice %arg3[%dma_wait3A_339, %scan3A_338, %dma_wait3A_347] : memref<26x32x100000xf32, #tpu.memory_space<hbm>> -> memref<1x1x100000xf32, #tpu.memory_space<hbm>>
      %dma_wait3A_349 = tpu.memref_squeeze %dma_wait3A_348 : memref<1x1x100000xf32, #tpu.memory_space<hbm>> -> memref<100000xf32, #tpu.memory_space<hbm>>
      %dma_wait3A_350 = arith.constant 0 : i32
      %dma_wait3A_351 = tpu.memref_slice %dma_wait3A_349[%dma_wait3A_350] : memref<100000xf32, #tpu.memory_space<hbm>> -> memref<100000xf32, #tpu.memory_space<hbm>>
      tpu.wait_indirect_dma semaphore(%arg10 : memref<!tpu.dma_semaphore, #tpu.memory_space<semaphore_mem>>) src(%dma_wait3A_351 : memref<100000xf32, #tpu.memory_space<hbm>>) dst(%dma_wait3A_343 : memref<512xf32, #tpu.memory_space<vmem>>)
    }
    %scan3A_237 = arith.constant 32 : i32
    %dma_start3A_238 = arith.constant 8 : i32
    %dma_start3A_239 = arith.constant 0 : i32
    %dma_start3A_240 = tpu.memref_slice %arg4[%dma_start3A_238, %dma_start3A_239, %mul3A_2] : memref<13x32x16384xf32, #tpu.memory_space<hbm>> -> memref<1x32x512xf32, #tpu.memory_space<hbm>>
    %dma_start3A_241 = tpu.memref_squeeze %dma_start3A_240 : memref<1x32x512xf32, #tpu.memory_space<hbm>> -> memref<32x512xf32, #tpu.memory_space<hbm>>
    %dma_start3A_242 = arith.constant 0 : i32
    %dma_start3A_243 = tpu.memref_slice %arg4[%dma_start3A_238, %dma_start3A_242, %mul3A_2] : memref<13x32x16384xf32, #tpu.memory_space<hbm>> -> memref<1x32x512xf32, #tpu.memory_space<hbm>>
    %dma_start3A_244 = tpu.memref_squeeze %dma_start3A_243 : memref<1x32x512xf32, #tpu.memory_space<hbm>> -> memref<32x512xf32, #tpu.memory_space<hbm>>
    tpu.enqueue_dma source(%arg6 : memref<32x512xf32, #tpu.memory_space<vmem>>) target(%dma_start3A_244 : memref<32x512xf32, #tpu.memory_space<hbm>>) target_semaphore(%arg11 : memref<!tpu.dma_semaphore, #tpu.memory_space<semaphore_mem>>)
    %dma_wait3A_245 = arith.constant 8 : i32
    %dma_wait3A_246 = arith.constant 0 : i32
    %dma_wait3A_247 = tpu.memref_slice %arg4[%dma_wait3A_245, %dma_wait3A_246, %mul3A_2] : memref<13x32x16384xf32, #tpu.memory_space<hbm>> -> memref<1x32x512xf32, #tpu.memory_space<hbm>>
    %dma_wait3A_248 = tpu.memref_squeeze %dma_wait3A_247 : memref<1x32x512xf32, #tpu.memory_space<hbm>> -> memref<32x512xf32, #tpu.memory_space<hbm>>
    %dma_wait3A_249 = arith.constant 0 : i32
    %dma_wait3A_250 = tpu.memref_slice %arg4[%dma_wait3A_245, %dma_wait3A_249, %mul3A_2] : memref<13x32x16384xf32, #tpu.memory_space<hbm>> -> memref<1x32x512xf32, #tpu.memory_space<hbm>>
    %dma_wait3A_251 = tpu.memref_squeeze %dma_wait3A_250 : memref<1x32x512xf32, #tpu.memory_space<hbm>> -> memref<32x512xf32, #tpu.memory_space<hbm>>
    tpu.wait_dma2 semaphore(%arg11 : memref<!tpu.dma_semaphore, #tpu.memory_space<semaphore_mem>>) src(%arg6 : memref<32x512xf32, #tpu.memory_space<vmem>>) dst(%dma_wait3A_251 : memref<32x512xf32, #tpu.memory_space<hbm>>)
    %scan3A_252 = arith.constant 0 : i32
    %scan3A_253 = arith.constant 0 : i32
    %scan3A_254 = arith.constant 32 : i32
    %scan3A_255 = arith.addi %scan3A_253, %scan3A_254 : i32
    %scan3A_256 = arith.constant 1 : i32
    scf.for %scan3A_338 = %scan3A_253 to %scan3A_255 step %scan3A_256  : i32 {
      %dma_start3A_339 = arith.constant 25 : i32
      %dma_start3A_340 = arith.constant 12 : i32
      %dma_start3A_341 = arith.constant 0 : i32
      %dma_start3A_342 = tpu.memref_slice %arg6[%scan3A_338, %dma_start3A_341] : memref<32x512xf32, #tpu.memory_space<vmem>> -> memref<1x512xf32, #tpu.memory_space<vmem>>
      %dma_start3A_343 = tpu.memref_squeeze %dma_start3A_342 : memref<1x512xf32, #tpu.memory_space<vmem>> -> memref<512xf32, #tpu.memory_space<vmem>>
      %dma_start3A_344 = arith.constant 0 : i32
      %dma_start3A_345 = tpu.memref_slice %arg5[%dma_start3A_340, %dma_start3A_344] : memref<13x512xi32, #tpu.memory_space<vmem>> -> memref<1x512xi32, #tpu.memory_space<vmem>>
      %dma_start3A_346 = tpu.memref_squeeze %dma_start3A_345 : memref<1x512xi32, #tpu.memory_space<vmem>> -> memref<512xi32, #tpu.memory_space<vmem>>
      %dma_start3A_347 = arith.constant 0 : i32
      %dma_start3A_348 = tpu.memref_slice %arg3[%dma_start3A_339, %scan3A_338, %dma_start3A_347] : memref<26x32x100000xf32, #tpu.memory_space<hbm>> -> memref<1x1x100000xf32, #tpu.memory_space<hbm>>
      %dma_start3A_349 = tpu.memref_squeeze %dma_start3A_348 : memref<1x1x100000xf32, #tpu.memory_space<hbm>> -> memref<100000xf32, #tpu.memory_space<hbm>>
      %dma_start3A_350 = arith.constant 0 : i32
      %dma_start3A_351 = tpu.memref_slice %dma_start3A_349[%dma_start3A_350] : memref<100000xf32, #tpu.memory_space<hbm>> -> memref<100000xf32, #tpu.memory_space<hbm>>
      tpu.enqueue_indirect_dma source(%dma_start3A_351 : memref<100000xf32, #tpu.memory_space<hbm>>) target(%dma_start3A_343 : memref<512xf32, #tpu.memory_space<vmem>>) offsets(%dma_start3A_346 : memref<512xi32, #tpu.memory_space<vmem>>) semaphore(%arg10 : memref<!tpu.dma_semaphore, #tpu.memory_space<semaphore_mem>>)
    }
    %scan3A_257 = arith.constant 32 : i32
    %scan3A_258 = arith.constant 0 : i32
    %scan3A_259 = arith.constant 0 : i32
    %scan3A_260 = arith.constant 32 : i32
    %scan3A_261 = arith.addi %scan3A_259, %scan3A_260 : i32
    %scan3A_262 = arith.constant 1 : i32
    scf.for %scan3A_338 = %scan3A_259 to %scan3A_261 step %scan3A_262  : i32 {
      %dma_wait3A_339 = arith.constant 22 : i32
      %dma_wait3A_340 = arith.constant 9 : i32
      %dma_wait3A_341 = arith.constant 0 : i32
      %dma_wait3A_342 = tpu.memref_slice %arg7[%scan3A_338, %dma_wait3A_341] : memref<32x512xf32, #tpu.memory_space<vmem>> -> memref<1x512xf32, #tpu.memory_space<vmem>>
      %dma_wait3A_343 = tpu.memref_squeeze %dma_wait3A_342 : memref<1x512xf32, #tpu.memory_space<vmem>> -> memref<512xf32, #tpu.memory_space<vmem>>
      %dma_wait3A_344 = arith.constant 0 : i32
      %dma_wait3A_345 = tpu.memref_slice %arg5[%dma_wait3A_340, %dma_wait3A_344] : memref<13x512xi32, #tpu.memory_space<vmem>> -> memref<1x512xi32, #tpu.memory_space<vmem>>
      %dma_wait3A_346 = tpu.memref_squeeze %dma_wait3A_345 : memref<1x512xi32, #tpu.memory_space<vmem>> -> memref<512xi32, #tpu.memory_space<vmem>>
      %dma_wait3A_347 = arith.constant 0 : i32
      %dma_wait3A_348 = tpu.memref_slice %arg3[%dma_wait3A_339, %scan3A_338, %dma_wait3A_347] : memref<26x32x100000xf32, #tpu.memory_space<hbm>> -> memref<1x1x100000xf32, #tpu.memory_space<hbm>>
      %dma_wait3A_349 = tpu.memref_squeeze %dma_wait3A_348 : memref<1x1x100000xf32, #tpu.memory_space<hbm>> -> memref<100000xf32, #tpu.memory_space<hbm>>
      %dma_wait3A_350 = arith.constant 0 : i32
      %dma_wait3A_351 = tpu.memref_slice %dma_wait3A_349[%dma_wait3A_350] : memref<100000xf32, #tpu.memory_space<hbm>> -> memref<100000xf32, #tpu.memory_space<hbm>>
      tpu.wait_indirect_dma semaphore(%arg10 : memref<!tpu.dma_semaphore, #tpu.memory_space<semaphore_mem>>) src(%dma_wait3A_351 : memref<100000xf32, #tpu.memory_space<hbm>>) dst(%dma_wait3A_343 : memref<512xf32, #tpu.memory_space<vmem>>)
    }
    %scan3A_263 = arith.constant 32 : i32
    %dma_start3A_264 = arith.constant 9 : i32
    %dma_start3A_265 = arith.constant 0 : i32
    %dma_start3A_266 = tpu.memref_slice %arg4[%dma_start3A_264, %dma_start3A_265, %mul3A_2] : memref<13x32x16384xf32, #tpu.memory_space<hbm>> -> memref<1x32x512xf32, #tpu.memory_space<hbm>>
    %dma_start3A_267 = tpu.memref_squeeze %dma_start3A_266 : memref<1x32x512xf32, #tpu.memory_space<hbm>> -> memref<32x512xf32, #tpu.memory_space<hbm>>
    %dma_start3A_268 = arith.constant 0 : i32
    %dma_start3A_269 = tpu.memref_slice %arg4[%dma_start3A_264, %dma_start3A_268, %mul3A_2] : memref<13x32x16384xf32, #tpu.memory_space<hbm>> -> memref<1x32x512xf32, #tpu.memory_space<hbm>>
    %dma_start3A_270 = tpu.memref_squeeze %dma_start3A_269 : memref<1x32x512xf32, #tpu.memory_space<hbm>> -> memref<32x512xf32, #tpu.memory_space<hbm>>
    tpu.enqueue_dma source(%arg7 : memref<32x512xf32, #tpu.memory_space<vmem>>) target(%dma_start3A_270 : memref<32x512xf32, #tpu.memory_space<hbm>>) target_semaphore(%arg11 : memref<!tpu.dma_semaphore, #tpu.memory_space<semaphore_mem>>)
    %dma_wait3A_271 = arith.constant 9 : i32
    %dma_wait3A_272 = arith.constant 0 : i32
    %dma_wait3A_273 = tpu.memref_slice %arg4[%dma_wait3A_271, %dma_wait3A_272, %mul3A_2] : memref<13x32x16384xf32, #tpu.memory_space<hbm>> -> memref<1x32x512xf32, #tpu.memory_space<hbm>>
    %dma_wait3A_274 = tpu.memref_squeeze %dma_wait3A_273 : memref<1x32x512xf32, #tpu.memory_space<hbm>> -> memref<32x512xf32, #tpu.memory_space<hbm>>
    %dma_wait3A_275 = arith.constant 0 : i32
    %dma_wait3A_276 = tpu.memref_slice %arg4[%dma_wait3A_271, %dma_wait3A_275, %mul3A_2] : memref<13x32x16384xf32, #tpu.memory_space<hbm>> -> memref<1x32x512xf32, #tpu.memory_space<hbm>>
    %dma_wait3A_277 = tpu.memref_squeeze %dma_wait3A_276 : memref<1x32x512xf32, #tpu.memory_space<hbm>> -> memref<32x512xf32, #tpu.memory_space<hbm>>
    tpu.wait_dma2 semaphore(%arg11 : memref<!tpu.dma_semaphore, #tpu.memory_space<semaphore_mem>>) src(%arg7 : memref<32x512xf32, #tpu.memory_space<vmem>>) dst(%dma_wait3A_277 : memref<32x512xf32, #tpu.memory_space<hbm>>)
    %scan3A_278 = arith.constant 0 : i32
    %scan3A_279 = arith.constant 0 : i32
    %scan3A_280 = arith.constant 32 : i32
    %scan3A_281 = arith.addi %scan3A_279, %scan3A_280 : i32
    %scan3A_282 = arith.constant 1 : i32
    scf.for %scan3A_338 = %scan3A_279 to %scan3A_281 step %scan3A_282  : i32 {
      %dma_wait3A_339 = arith.constant 23 : i32
      %dma_wait3A_340 = arith.constant 10 : i32
      %dma_wait3A_341 = arith.constant 0 : i32
      %dma_wait3A_342 = tpu.memref_slice %arg8[%scan3A_338, %dma_wait3A_341] : memref<32x512xf32, #tpu.memory_space<vmem>> -> memref<1x512xf32, #tpu.memory_space<vmem>>
      %dma_wait3A_343 = tpu.memref_squeeze %dma_wait3A_342 : memref<1x512xf32, #tpu.memory_space<vmem>> -> memref<512xf32, #tpu.memory_space<vmem>>
      %dma_wait3A_344 = arith.constant 0 : i32
      %dma_wait3A_345 = tpu.memref_slice %arg5[%dma_wait3A_340, %dma_wait3A_344] : memref<13x512xi32, #tpu.memory_space<vmem>> -> memref<1x512xi32, #tpu.memory_space<vmem>>
      %dma_wait3A_346 = tpu.memref_squeeze %dma_wait3A_345 : memref<1x512xi32, #tpu.memory_space<vmem>> -> memref<512xi32, #tpu.memory_space<vmem>>
      %dma_wait3A_347 = arith.constant 0 : i32
      %dma_wait3A_348 = tpu.memref_slice %arg3[%dma_wait3A_339, %scan3A_338, %dma_wait3A_347] : memref<26x32x100000xf32, #tpu.memory_space<hbm>> -> memref<1x1x100000xf32, #tpu.memory_space<hbm>>
      %dma_wait3A_349 = tpu.memref_squeeze %dma_wait3A_348 : memref<1x1x100000xf32, #tpu.memory_space<hbm>> -> memref<100000xf32, #tpu.memory_space<hbm>>
      %dma_wait3A_350 = arith.constant 0 : i32
      %dma_wait3A_351 = tpu.memref_slice %dma_wait3A_349[%dma_wait3A_350] : memref<100000xf32, #tpu.memory_space<hbm>> -> memref<100000xf32, #tpu.memory_space<hbm>>
      tpu.wait_indirect_dma semaphore(%arg10 : memref<!tpu.dma_semaphore, #tpu.memory_space<semaphore_mem>>) src(%dma_wait3A_351 : memref<100000xf32, #tpu.memory_space<hbm>>) dst(%dma_wait3A_343 : memref<512xf32, #tpu.memory_space<vmem>>)
    }
    %scan3A_283 = arith.constant 32 : i32
    %dma_start3A_284 = arith.constant 10 : i32
    %dma_start3A_285 = arith.constant 0 : i32
    %dma_start3A_286 = tpu.memref_slice %arg4[%dma_start3A_284, %dma_start3A_285, %mul3A_2] : memref<13x32x16384xf32, #tpu.memory_space<hbm>> -> memref<1x32x512xf32, #tpu.memory_space<hbm>>
    %dma_start3A_287 = tpu.memref_squeeze %dma_start3A_286 : memref<1x32x512xf32, #tpu.memory_space<hbm>> -> memref<32x512xf32, #tpu.memory_space<hbm>>
    %dma_start3A_288 = arith.constant 0 : i32
    %dma_start3A_289 = tpu.memref_slice %arg4[%dma_start3A_284, %dma_start3A_288, %mul3A_2] : memref<13x32x16384xf32, #tpu.memory_space<hbm>> -> memref<1x32x512xf32, #tpu.memory_space<hbm>>
    %dma_start3A_290 = tpu.memref_squeeze %dma_start3A_289 : memref<1x32x512xf32, #tpu.memory_space<hbm>> -> memref<32x512xf32, #tpu.memory_space<hbm>>
    tpu.enqueue_dma source(%arg8 : memref<32x512xf32, #tpu.memory_space<vmem>>) target(%dma_start3A_290 : memref<32x512xf32, #tpu.memory_space<hbm>>) target_semaphore(%arg11 : memref<!tpu.dma_semaphore, #tpu.memory_space<semaphore_mem>>)
    %dma_wait3A_291 = arith.constant 10 : i32
    %dma_wait3A_292 = arith.constant 0 : i32
    %dma_wait3A_293 = tpu.memref_slice %arg4[%dma_wait3A_291, %dma_wait3A_292, %mul3A_2] : memref<13x32x16384xf32, #tpu.memory_space<hbm>> -> memref<1x32x512xf32, #tpu.memory_space<hbm>>
    %dma_wait3A_294 = tpu.memref_squeeze %dma_wait3A_293 : memref<1x32x512xf32, #tpu.memory_space<hbm>> -> memref<32x512xf32, #tpu.memory_space<hbm>>
    %dma_wait3A_295 = arith.constant 0 : i32
    %dma_wait3A_296 = tpu.memref_slice %arg4[%dma_wait3A_291, %dma_wait3A_295, %mul3A_2] : memref<13x32x16384xf32, #tpu.memory_space<hbm>> -> memref<1x32x512xf32, #tpu.memory_space<hbm>>
    %dma_wait3A_297 = tpu.memref_squeeze %dma_wait3A_296 : memref<1x32x512xf32, #tpu.memory_space<hbm>> -> memref<32x512xf32, #tpu.memory_space<hbm>>
    tpu.wait_dma2 semaphore(%arg11 : memref<!tpu.dma_semaphore, #tpu.memory_space<semaphore_mem>>) src(%arg8 : memref<32x512xf32, #tpu.memory_space<vmem>>) dst(%dma_wait3A_297 : memref<32x512xf32, #tpu.memory_space<hbm>>)
    %scan3A_298 = arith.constant 0 : i32
    %scan3A_299 = arith.constant 0 : i32
    %scan3A_300 = arith.constant 32 : i32
    %scan3A_301 = arith.addi %scan3A_299, %scan3A_300 : i32
    %scan3A_302 = arith.constant 1 : i32
    scf.for %scan3A_338 = %scan3A_299 to %scan3A_301 step %scan3A_302  : i32 {
      %dma_wait3A_339 = arith.constant 24 : i32
      %dma_wait3A_340 = arith.constant 11 : i32
      %dma_wait3A_341 = arith.constant 0 : i32
      %dma_wait3A_342 = tpu.memref_slice %arg9[%scan3A_338, %dma_wait3A_341] : memref<32x512xf32, #tpu.memory_space<vmem>> -> memref<1x512xf32, #tpu.memory_space<vmem>>
      %dma_wait3A_343 = tpu.memref_squeeze %dma_wait3A_342 : memref<1x512xf32, #tpu.memory_space<vmem>> -> memref<512xf32, #tpu.memory_space<vmem>>
      %dma_wait3A_344 = arith.constant 0 : i32
      %dma_wait3A_345 = tpu.memref_slice %arg5[%dma_wait3A_340, %dma_wait3A_344] : memref<13x512xi32, #tpu.memory_space<vmem>> -> memref<1x512xi32, #tpu.memory_space<vmem>>
      %dma_wait3A_346 = tpu.memref_squeeze %dma_wait3A_345 : memref<1x512xi32, #tpu.memory_space<vmem>> -> memref<512xi32, #tpu.memory_space<vmem>>
      %dma_wait3A_347 = arith.constant 0 : i32
      %dma_wait3A_348 = tpu.memref_slice %arg3[%dma_wait3A_339, %scan3A_338, %dma_wait3A_347] : memref<26x32x100000xf32, #tpu.memory_space<hbm>> -> memref<1x1x100000xf32, #tpu.memory_space<hbm>>
      %dma_wait3A_349 = tpu.memref_squeeze %dma_wait3A_348 : memref<1x1x100000xf32, #tpu.memory_space<hbm>> -> memref<100000xf32, #tpu.memory_space<hbm>>
      %dma_wait3A_350 = arith.constant 0 : i32
      %dma_wait3A_351 = tpu.memref_slice %dma_wait3A_349[%dma_wait3A_350] : memref<100000xf32, #tpu.memory_space<hbm>> -> memref<100000xf32, #tpu.memory_space<hbm>>
      tpu.wait_indirect_dma semaphore(%arg10 : memref<!tpu.dma_semaphore, #tpu.memory_space<semaphore_mem>>) src(%dma_wait3A_351 : memref<100000xf32, #tpu.memory_space<hbm>>) dst(%dma_wait3A_343 : memref<512xf32, #tpu.memory_space<vmem>>)
    }
    %scan3A_303 = arith.constant 32 : i32
    %dma_start3A_304 = arith.constant 11 : i32
    %dma_start3A_305 = arith.constant 0 : i32
    %dma_start3A_306 = tpu.memref_slice %arg4[%dma_start3A_304, %dma_start3A_305, %mul3A_2] : memref<13x32x16384xf32, #tpu.memory_space<hbm>> -> memref<1x32x512xf32, #tpu.memory_space<hbm>>
    %dma_start3A_307 = tpu.memref_squeeze %dma_start3A_306 : memref<1x32x512xf32, #tpu.memory_space<hbm>> -> memref<32x512xf32, #tpu.memory_space<hbm>>
    %dma_start3A_308 = arith.constant 0 : i32
    %dma_start3A_309 = tpu.memref_slice %arg4[%dma_start3A_304, %dma_start3A_308, %mul3A_2] : memref<13x32x16384xf32, #tpu.memory_space<hbm>> -> memref<1x32x512xf32, #tpu.memory_space<hbm>>
    %dma_start3A_310 = tpu.memref_squeeze %dma_start3A_309 : memref<1x32x512xf32, #tpu.memory_space<hbm>> -> memref<32x512xf32, #tpu.memory_space<hbm>>
    tpu.enqueue_dma source(%arg9 : memref<32x512xf32, #tpu.memory_space<vmem>>) target(%dma_start3A_310 : memref<32x512xf32, #tpu.memory_space<hbm>>) target_semaphore(%arg11 : memref<!tpu.dma_semaphore, #tpu.memory_space<semaphore_mem>>)
    %dma_wait3A_311 = arith.constant 11 : i32
    %dma_wait3A_312 = arith.constant 0 : i32
    %dma_wait3A_313 = tpu.memref_slice %arg4[%dma_wait3A_311, %dma_wait3A_312, %mul3A_2] : memref<13x32x16384xf32, #tpu.memory_space<hbm>> -> memref<1x32x512xf32, #tpu.memory_space<hbm>>
    %dma_wait3A_314 = tpu.memref_squeeze %dma_wait3A_313 : memref<1x32x512xf32, #tpu.memory_space<hbm>> -> memref<32x512xf32, #tpu.memory_space<hbm>>
    %dma_wait3A_315 = arith.constant 0 : i32
    %dma_wait3A_316 = tpu.memref_slice %arg4[%dma_wait3A_311, %dma_wait3A_315, %mul3A_2] : memref<13x32x16384xf32, #tpu.memory_space<hbm>> -> memref<1x32x512xf32, #tpu.memory_space<hbm>>
    %dma_wait3A_317 = tpu.memref_squeeze %dma_wait3A_316 : memref<1x32x512xf32, #tpu.memory_space<hbm>> -> memref<32x512xf32, #tpu.memory_space<hbm>>
    tpu.wait_dma2 semaphore(%arg11 : memref<!tpu.dma_semaphore, #tpu.memory_space<semaphore_mem>>) src(%arg9 : memref<32x512xf32, #tpu.memory_space<vmem>>) dst(%dma_wait3A_317 : memref<32x512xf32, #tpu.memory_space<hbm>>)
    %scan3A_318 = arith.constant 0 : i32
    %scan3A_319 = arith.constant 0 : i32
    %scan3A_320 = arith.constant 32 : i32
    %scan3A_321 = arith.addi %scan3A_319, %scan3A_320 : i32
    %scan3A_322 = arith.constant 1 : i32
    scf.for %scan3A_338 = %scan3A_319 to %scan3A_321 step %scan3A_322  : i32 {
      %dma_wait3A_339 = arith.constant 25 : i32
      %dma_wait3A_340 = arith.constant 12 : i32
      %dma_wait3A_341 = arith.constant 0 : i32
      %dma_wait3A_342 = tpu.memref_slice %arg6[%scan3A_338, %dma_wait3A_341] : memref<32x512xf32, #tpu.memory_space<vmem>> -> memref<1x512xf32, #tpu.memory_space<vmem>>
      %dma_wait3A_343 = tpu.memref_squeeze %dma_wait3A_342 : memref<1x512xf32, #tpu.memory_space<vmem>> -> memref<512xf32, #tpu.memory_space<vmem>>
      %dma_wait3A_344 = arith.constant 0 : i32
      %dma_wait3A_345 = tpu.memref_slice %arg5[%dma_wait3A_340, %dma_wait3A_344] : memref<13x512xi32, #tpu.memory_space<vmem>> -> memref<1x512xi32, #tpu.memory_space<vmem>>
      %dma_wait3A_346 = tpu.memref_squeeze %dma_wait3A_345 : memref<1x512xi32, #tpu.memory_space<vmem>> -> memref<512xi32, #tpu.memory_space<vmem>>
      %dma_wait3A_347 = arith.constant 0 : i32
      %dma_wait3A_348 = tpu.memref_slice %arg3[%dma_wait3A_339, %scan3A_338, %dma_wait3A_347] : memref<26x32x100000xf32, #tpu.memory_space<hbm>> -> memref<1x1x100000xf32, #tpu.memory_space<hbm>>
      %dma_wait3A_349 = tpu.memref_squeeze %dma_wait3A_348 : memref<1x1x100000xf32, #tpu.memory_space<hbm>> -> memref<100000xf32, #tpu.memory_space<hbm>>
      %dma_wait3A_350 = arith.constant 0 : i32
      %dma_wait3A_351 = tpu.memref_slice %dma_wait3A_349[%dma_wait3A_350] : memref<100000xf32, #tpu.memory_space<hbm>> -> memref<100000xf32, #tpu.memory_space<hbm>>
      tpu.wait_indirect_dma semaphore(%arg10 : memref<!tpu.dma_semaphore, #tpu.memory_space<semaphore_mem>>) src(%dma_wait3A_351 : memref<100000xf32, #tpu.memory_space<hbm>>) dst(%dma_wait3A_343 : memref<512xf32, #tpu.memory_space<vmem>>)
    }
    %scan3A_323 = arith.constant 32 : i32
    %dma_start3A_324 = arith.constant 12 : i32
    %dma_start3A_325 = arith.constant 0 : i32
    %dma_start3A_326 = tpu.memref_slice %arg4[%dma_start3A_324, %dma_start3A_325, %mul3A_2] : memref<13x32x16384xf32, #tpu.memory_space<hbm>> -> memref<1x32x512xf32, #tpu.memory_space<hbm>>
    %dma_start3A_327 = tpu.memref_squeeze %dma_start3A_326 : memref<1x32x512xf32, #tpu.memory_space<hbm>> -> memref<32x512xf32, #tpu.memory_space<hbm>>
    %dma_start3A_328 = arith.constant 0 : i32
    %dma_start3A_329 = tpu.memref_slice %arg4[%dma_start3A_324, %dma_start3A_328, %mul3A_2] : memref<13x32x16384xf32, #tpu.memory_space<hbm>> -> memref<1x32x512xf32, #tpu.memory_space<hbm>>
    %dma_start3A_330 = tpu.memref_squeeze %dma_start3A_329 : memref<1x32x512xf32, #tpu.memory_space<hbm>> -> memref<32x512xf32, #tpu.memory_space<hbm>>
    tpu.enqueue_dma source(%arg6 : memref<32x512xf32, #tpu.memory_space<vmem>>) target(%dma_start3A_330 : memref<32x512xf32, #tpu.memory_space<hbm>>) target_semaphore(%arg11 : memref<!tpu.dma_semaphore, #tpu.memory_space<semaphore_mem>>)
    %dma_wait3A_331 = arith.constant 12 : i32
    %dma_wait3A_332 = arith.constant 0 : i32
    %dma_wait3A_333 = tpu.memref_slice %arg4[%dma_wait3A_331, %dma_wait3A_332, %mul3A_2] : memref<13x32x16384xf32, #tpu.memory_space<hbm>> -> memref<1x32x512xf32, #tpu.memory_space<hbm>>
    %dma_wait3A_334 = tpu.memref_squeeze %dma_wait3A_333 : memref<1x32x512xf32, #tpu.memory_space<hbm>> -> memref<32x512xf32, #tpu.memory_space<hbm>>
    %dma_wait3A_335 = arith.constant 0 : i32
    %dma_wait3A_336 = tpu.memref_slice %arg4[%dma_wait3A_331, %dma_wait3A_335, %mul3A_2] : memref<13x32x16384xf32, #tpu.memory_space<hbm>> -> memref<1x32x512xf32, #tpu.memory_space<hbm>>
    %dma_wait3A_337 = tpu.memref_squeeze %dma_wait3A_336 : memref<1x32x512xf32, #tpu.memory_space<hbm>> -> memref<32x512xf32, #tpu.memory_space<hbm>>
    tpu.wait_dma2 semaphore(%arg11 : memref<!tpu.dma_semaphore, #tpu.memory_space<semaphore_mem>>) src(%arg6 : memref<32x512xf32, #tpu.memory_space<vmem>>) dst(%dma_wait3A_337 : memref<32x512xf32, #tpu.memory_space<hbm>>)
    return
  }
}

#map = affine_map<(d0, d1) -> (0, 0)>
#map1 = affine_map<(d0, d1) -> (0, 0, 0)>
module attributes {stable_mosaic.version = 14 : i64} {
  func.func @_kernel_a(%arg0: i32, %arg1: i32, %arg2: memref<26x16384xi32, #tpu.memory_space<hbm>>, %arg3: memref<26x32x100000xf32, #tpu.memory_space<hbm>>, %arg4: memref<13x16384xf32, #tpu.memory_space<hbm>>, %arg5: memref<13x32xf32, #tpu.memory_space<hbm>>, %arg6: memref<13x32xf32, #tpu.memory_space<hbm>>, %arg7: memref<1x32xf32, #tpu.memory_space<hbm>>, %arg8: memref<27x32x16384xf32, #tpu.memory_space<hbm>>, %arg9: memref<13x512xi32, #tpu.memory_space<vmem>>, %arg10: memref<13x512xf32, #tpu.memory_space<vmem>>, %arg11: memref<14x32x64xf32, #tpu.memory_space<vmem>>, %arg12: memref<32x512xf32, #tpu.memory_space<vmem>>, %arg13: memref<32x512xf32, #tpu.memory_space<vmem>>, %arg14: memref<32x512xf32, #tpu.memory_space<vmem>>, %arg15: memref<32x512xf32, #tpu.memory_space<vmem>>, %arg16: memref<13x32xf32, #tpu.memory_space<vmem>>, %arg17: memref<13x32xf32, #tpu.memory_space<vmem>>, %arg18: memref<1x32xf32, #tpu.memory_space<vmem>>, %arg19: memref<!tpu.dma_semaphore, #tpu.memory_space<semaphore_mem>>, %arg20: memref<!tpu.dma_semaphore, #tpu.memory_space<semaphore_mem>>) attributes {dimension_semantics = [#tpu.dimension_semantics<core_parallel>, #tpu.dimension_semantics<subcore_parallel>], iteration_bounds = array<i64: 2, 16>, scalar_prefetch = 0 : i64, scratch_operands = 12 : i64, tpu.core_type = #tpu.core_type<sc_vector_subcore>, window_params = [{transform_indices = #map}, {transform_indices = #map1}, {transform_indices = #map}, {transform_indices = #map}, {transform_indices = #map}, {transform_indices = #map}, {transform_indices = #map1}]} {
    %mul3A = arith.constant 2 : i32
    %mul3A_0 = arith.muli %arg1, %mul3A : i32
    %add3A = arith.addi %mul3A_0, %arg0 : i32
    %mul3A_1 = arith.constant 512 : i32
    %mul3A_2 = arith.muli %add3A, %mul3A_1 : i32
    "tpu.region"() ({
      %run_scoped3A = tpu.sem_alloc : memref<!tpu.dma_semaphore, #tpu.memory_space<semaphore_mem>>
      tpu.enqueue_dma source(%arg5 : memref<13x32xf32, #tpu.memory_space<hbm>>) target(%arg16 : memref<13x32xf32, #tpu.memory_space<vmem>>) target_semaphore(%run_scoped3A : memref<!tpu.dma_semaphore, #tpu.memory_space<semaphore_mem>>)
      tpu.wait_dma2 semaphore(%run_scoped3A : memref<!tpu.dma_semaphore, #tpu.memory_space<semaphore_mem>>) src(%arg5 : memref<13x32xf32, #tpu.memory_space<hbm>>) dst(%arg16 : memref<13x32xf32, #tpu.memory_space<vmem>>)
      tpu.yield
    }) : () -> ()
    "tpu.region"() ({
      %run_scoped3A = tpu.sem_alloc : memref<!tpu.dma_semaphore, #tpu.memory_space<semaphore_mem>>
      tpu.enqueue_dma source(%arg6 : memref<13x32xf32, #tpu.memory_space<hbm>>) target(%arg17 : memref<13x32xf32, #tpu.memory_space<vmem>>) target_semaphore(%run_scoped3A : memref<!tpu.dma_semaphore, #tpu.memory_space<semaphore_mem>>)
      tpu.wait_dma2 semaphore(%run_scoped3A : memref<!tpu.dma_semaphore, #tpu.memory_space<semaphore_mem>>) src(%arg6 : memref<13x32xf32, #tpu.memory_space<hbm>>) dst(%arg17 : memref<13x32xf32, #tpu.memory_space<vmem>>)
      tpu.yield
    }) : () -> ()
    "tpu.region"() ({
      %run_scoped3A = tpu.sem_alloc : memref<!tpu.dma_semaphore, #tpu.memory_space<semaphore_mem>>
      tpu.enqueue_dma source(%arg7 : memref<1x32xf32, #tpu.memory_space<hbm>>) target(%arg18 : memref<1x32xf32, #tpu.memory_space<vmem>>) target_semaphore(%run_scoped3A : memref<!tpu.dma_semaphore, #tpu.memory_space<semaphore_mem>>)
      tpu.wait_dma2 semaphore(%run_scoped3A : memref<!tpu.dma_semaphore, #tpu.memory_space<semaphore_mem>>) src(%arg7 : memref<1x32xf32, #tpu.memory_space<hbm>>) dst(%arg18 : memref<1x32xf32, #tpu.memory_space<vmem>>)
      tpu.yield
    }) : () -> ()
    "tpu.region"() ({
      %run_scoped3A = tpu.sem_alloc : memref<!tpu.dma_semaphore, #tpu.memory_space<semaphore_mem>>
      %dma_start3A_344 = arith.constant 0 : i32
      %dma_start3A_345 = tpu.memref_slice %arg2[%dma_start3A_344, %mul3A_2] : memref<26x16384xi32, #tpu.memory_space<hbm>> -> memref<13x512xi32, #tpu.memory_space<hbm>>
      %dma_start3A_346 = arith.constant 0 : i32
      %dma_start3A_347 = tpu.memref_slice %arg2[%dma_start3A_346, %mul3A_2] : memref<26x16384xi32, #tpu.memory_space<hbm>> -> memref<13x512xi32, #tpu.memory_space<hbm>>
      tpu.enqueue_dma source(%dma_start3A_347 : memref<13x512xi32, #tpu.memory_space<hbm>>) target(%arg9 : memref<13x512xi32, #tpu.memory_space<vmem>>) target_semaphore(%run_scoped3A : memref<!tpu.dma_semaphore, #tpu.memory_space<semaphore_mem>>)
      %dma_wait3A_348 = arith.constant 0 : i32
      %dma_wait3A_349 = tpu.memref_slice %arg2[%dma_wait3A_348, %mul3A_2] : memref<26x16384xi32, #tpu.memory_space<hbm>> -> memref<13x512xi32, #tpu.memory_space<hbm>>
      %dma_wait3A_350 = arith.constant 0 : i32
      %dma_wait3A_351 = tpu.memref_slice %arg2[%dma_wait3A_350, %mul3A_2] : memref<26x16384xi32, #tpu.memory_space<hbm>> -> memref<13x512xi32, #tpu.memory_space<hbm>>
      tpu.wait_dma2 semaphore(%run_scoped3A : memref<!tpu.dma_semaphore, #tpu.memory_space<semaphore_mem>>) src(%dma_wait3A_351 : memref<13x512xi32, #tpu.memory_space<hbm>>) dst(%arg9 : memref<13x512xi32, #tpu.memory_space<vmem>>)
      tpu.yield
    }) : () -> ()
    "tpu.region"() ({
      %run_scoped3A = tpu.sem_alloc : memref<!tpu.dma_semaphore, #tpu.memory_space<semaphore_mem>>
      %dma_start3A_344 = arith.constant 0 : i32
      %dma_start3A_345 = tpu.memref_slice %arg4[%dma_start3A_344, %mul3A_2] : memref<13x16384xf32, #tpu.memory_space<hbm>> -> memref<13x512xf32, #tpu.memory_space<hbm>>
      %dma_start3A_346 = arith.constant 0 : i32
      %dma_start3A_347 = tpu.memref_slice %arg4[%dma_start3A_346, %mul3A_2] : memref<13x16384xf32, #tpu.memory_space<hbm>> -> memref<13x512xf32, #tpu.memory_space<hbm>>
      tpu.enqueue_dma source(%dma_start3A_347 : memref<13x512xf32, #tpu.memory_space<hbm>>) target(%arg10 : memref<13x512xf32, #tpu.memory_space<vmem>>) target_semaphore(%run_scoped3A : memref<!tpu.dma_semaphore, #tpu.memory_space<semaphore_mem>>)
      %dma_wait3A_348 = arith.constant 0 : i32
      %dma_wait3A_349 = tpu.memref_slice %arg4[%dma_wait3A_348, %mul3A_2] : memref<13x16384xf32, #tpu.memory_space<hbm>> -> memref<13x512xf32, #tpu.memory_space<hbm>>
      %dma_wait3A_350 = arith.constant 0 : i32
      %dma_wait3A_351 = tpu.memref_slice %arg4[%dma_wait3A_350, %mul3A_2] : memref<13x16384xf32, #tpu.memory_space<hbm>> -> memref<13x512xf32, #tpu.memory_space<hbm>>
      tpu.wait_dma2 semaphore(%run_scoped3A : memref<!tpu.dma_semaphore, #tpu.memory_space<semaphore_mem>>) src(%dma_wait3A_351 : memref<13x512xf32, #tpu.memory_space<hbm>>) dst(%arg10 : memref<13x512xf32, #tpu.memory_space<vmem>>)
      tpu.yield
    }) : () -> ()
    %scan3A = arith.constant 0 : i32
    %scan3A_3 = arith.constant 0 : i32
    %scan3A_4 = arith.constant 32 : i32
    %scan3A_5 = arith.addi %scan3A_3, %scan3A_4 : i32
    %scan3A_6 = arith.constant 1 : i32
    scf.for %scan3A_344 = %scan3A_3 to %scan3A_5 step %scan3A_6  : i32 {
      %dma_start3A_345 = arith.constant 0 : i32
      %dma_start3A_346 = arith.constant 0 : i32
      %dma_start3A_347 = arith.constant 0 : i32
      %dma_start3A_348 = tpu.memref_slice %arg12[%scan3A_344, %dma_start3A_347] : memref<32x512xf32, #tpu.memory_space<vmem>> -> memref<1x512xf32, #tpu.memory_space<vmem>>
      %dma_start3A_349 = tpu.memref_squeeze %dma_start3A_348 : memref<1x512xf32, #tpu.memory_space<vmem>> -> memref<512xf32, #tpu.memory_space<vmem>>
      %dma_start3A_350 = arith.constant 0 : i32
      %dma_start3A_351 = tpu.memref_slice %arg9[%dma_start3A_346, %dma_start3A_350] : memref<13x512xi32, #tpu.memory_space<vmem>> -> memref<1x512xi32, #tpu.memory_space<vmem>>
      %dma_start3A_352 = tpu.memref_squeeze %dma_start3A_351 : memref<1x512xi32, #tpu.memory_space<vmem>> -> memref<512xi32, #tpu.memory_space<vmem>>
      %dma_start3A_353 = arith.constant 0 : i32
      %dma_start3A_354 = tpu.memref_slice %arg3[%dma_start3A_345, %scan3A_344, %dma_start3A_353] : memref<26x32x100000xf32, #tpu.memory_space<hbm>> -> memref<1x1x100000xf32, #tpu.memory_space<hbm>>
      %dma_start3A_355 = tpu.memref_squeeze %dma_start3A_354 : memref<1x1x100000xf32, #tpu.memory_space<hbm>> -> memref<100000xf32, #tpu.memory_space<hbm>>
      %dma_start3A_356 = arith.constant 0 : i32
      %dma_start3A_357 = tpu.memref_slice %dma_start3A_355[%dma_start3A_356] : memref<100000xf32, #tpu.memory_space<hbm>> -> memref<100000xf32, #tpu.memory_space<hbm>>
      tpu.enqueue_indirect_dma source(%dma_start3A_357 : memref<100000xf32, #tpu.memory_space<hbm>>) target(%dma_start3A_349 : memref<512xf32, #tpu.memory_space<vmem>>) offsets(%dma_start3A_352 : memref<512xi32, #tpu.memory_space<vmem>>) semaphore(%arg19 : memref<!tpu.dma_semaphore, #tpu.memory_space<semaphore_mem>>)
    }
    %scan3A_7 = arith.constant 32 : i32
    %scan3A_8 = arith.constant 0 : i32
    %scan3A_9 = arith.constant 0 : i32
    %scan3A_10 = arith.constant 32 : i32
    %scan3A_11 = arith.addi %scan3A_9, %scan3A_10 : i32
    %scan3A_12 = arith.constant 1 : i32
    scf.for %scan3A_344 = %scan3A_9 to %scan3A_11 step %scan3A_12  : i32 {
      %dma_start3A_345 = arith.constant 1 : i32
      %dma_start3A_346 = arith.constant 1 : i32
      %dma_start3A_347 = arith.constant 0 : i32
      %dma_start3A_348 = tpu.memref_slice %arg13[%scan3A_344, %dma_start3A_347] : memref<32x512xf32, #tpu.memory_space<vmem>> -> memref<1x512xf32, #tpu.memory_space<vmem>>
      %dma_start3A_349 = tpu.memref_squeeze %dma_start3A_348 : memref<1x512xf32, #tpu.memory_space<vmem>> -> memref<512xf32, #tpu.memory_space<vmem>>
      %dma_start3A_350 = arith.constant 0 : i32
      %dma_start3A_351 = tpu.memref_slice %arg9[%dma_start3A_346, %dma_start3A_350] : memref<13x512xi32, #tpu.memory_space<vmem>> -> memref<1x512xi32, #tpu.memory_space<vmem>>
      %dma_start3A_352 = tpu.memref_squeeze %dma_start3A_351 : memref<1x512xi32, #tpu.memory_space<vmem>> -> memref<512xi32, #tpu.memory_space<vmem>>
      %dma_start3A_353 = arith.constant 0 : i32
      %dma_start3A_354 = tpu.memref_slice %arg3[%dma_start3A_345, %scan3A_344, %dma_start3A_353] : memref<26x32x100000xf32, #tpu.memory_space<hbm>> -> memref<1x1x100000xf32, #tpu.memory_space<hbm>>
      %dma_start3A_355 = tpu.memref_squeeze %dma_start3A_354 : memref<1x1x100000xf32, #tpu.memory_space<hbm>> -> memref<100000xf32, #tpu.memory_space<hbm>>
      %dma_start3A_356 = arith.constant 0 : i32
      %dma_start3A_357 = tpu.memref_slice %dma_start3A_355[%dma_start3A_356] : memref<100000xf32, #tpu.memory_space<hbm>> -> memref<100000xf32, #tpu.memory_space<hbm>>
      tpu.enqueue_indirect_dma source(%dma_start3A_357 : memref<100000xf32, #tpu.memory_space<hbm>>) target(%dma_start3A_349 : memref<512xf32, #tpu.memory_space<vmem>>) offsets(%dma_start3A_352 : memref<512xi32, #tpu.memory_space<vmem>>) semaphore(%arg19 : memref<!tpu.dma_semaphore, #tpu.memory_space<semaphore_mem>>)
    }
    %scan3A_13 = arith.constant 32 : i32
    %scan3A_14 = arith.constant 0 : i32
    %scan3A_15 = arith.constant 0 : i32
    %scan3A_16 = arith.constant 32 : i32
    %scan3A_17 = arith.addi %scan3A_15, %scan3A_16 : i32
    %scan3A_18 = arith.constant 1 : i32
    scf.for %scan3A_344 = %scan3A_15 to %scan3A_17 step %scan3A_18  : i32 {
      %dma_start3A_345 = arith.constant 2 : i32
      %dma_start3A_346 = arith.constant 2 : i32
      %dma_start3A_347 = arith.constant 0 : i32
      %dma_start3A_348 = tpu.memref_slice %arg14[%scan3A_344, %dma_start3A_347] : memref<32x512xf32, #tpu.memory_space<vmem>> -> memref<1x512xf32, #tpu.memory_space<vmem>>
      %dma_start3A_349 = tpu.memref_squeeze %dma_start3A_348 : memref<1x512xf32, #tpu.memory_space<vmem>> -> memref<512xf32, #tpu.memory_space<vmem>>
      %dma_start3A_350 = arith.constant 0 : i32
      %dma_start3A_351 = tpu.memref_slice %arg9[%dma_start3A_346, %dma_start3A_350] : memref<13x512xi32, #tpu.memory_space<vmem>> -> memref<1x512xi32, #tpu.memory_space<vmem>>
      %dma_start3A_352 = tpu.memref_squeeze %dma_start3A_351 : memref<1x512xi32, #tpu.memory_space<vmem>> -> memref<512xi32, #tpu.memory_space<vmem>>
      %dma_start3A_353 = arith.constant 0 : i32
      %dma_start3A_354 = tpu.memref_slice %arg3[%dma_start3A_345, %scan3A_344, %dma_start3A_353] : memref<26x32x100000xf32, #tpu.memory_space<hbm>> -> memref<1x1x100000xf32, #tpu.memory_space<hbm>>
      %dma_start3A_355 = tpu.memref_squeeze %dma_start3A_354 : memref<1x1x100000xf32, #tpu.memory_space<hbm>> -> memref<100000xf32, #tpu.memory_space<hbm>>
      %dma_start3A_356 = arith.constant 0 : i32
      %dma_start3A_357 = tpu.memref_slice %dma_start3A_355[%dma_start3A_356] : memref<100000xf32, #tpu.memory_space<hbm>> -> memref<100000xf32, #tpu.memory_space<hbm>>
      tpu.enqueue_indirect_dma source(%dma_start3A_357 : memref<100000xf32, #tpu.memory_space<hbm>>) target(%dma_start3A_349 : memref<512xf32, #tpu.memory_space<vmem>>) offsets(%dma_start3A_352 : memref<512xi32, #tpu.memory_space<vmem>>) semaphore(%arg19 : memref<!tpu.dma_semaphore, #tpu.memory_space<semaphore_mem>>)
    }
    %scan3A_19 = arith.constant 32 : i32
    %scan3A_20 = arith.constant 0 : i32
    %scan3A_21 = arith.constant 0 : i32
    %scan3A_22 = arith.constant 8 : i32
    %scan3A_23 = arith.addi %scan3A_21, %scan3A_22 : i32
    %scan3A_24 = arith.constant 1 : i32
    scf.for %scan3A_344 = %scan3A_21 to %scan3A_23 step %scan3A_24  : i32 {
      %mul3A_345 = arith.constant 64 : i32
      %mul3A_346 = arith.muli %scan3A_344, %mul3A_345 : i32
      %add3A_347 = arith.addi %mul3A_2, %mul3A_346 : i32
      %scan3A_348 = arith.constant 0 : i32
      %scan3A_349 = arith.constant 0 : i32
      %scan3A_350 = arith.constant 32 : i32
      %scan3A_351 = arith.addi %scan3A_349, %scan3A_350 : i32
      %scan3A_352 = arith.constant 1 : i32
      scf.for %scan3A_360 = %scan3A_349 to %scan3A_351 step %scan3A_352  : i32 {
        %broadcast_in_dim3A = arith.constant 0 : i32
        %broadcast_in_dim3A_361 = vector.broadcast %broadcast_in_dim3A : i32 to vector<16xi32>
        %broadcast_in_dim3A_362 = vector.broadcast %scan3A_360 : i32 to vector<16xi32>
        %gather3A = tpu.vector_load_idx %arg18[%broadcast_in_dim3A_361, %broadcast_in_dim3A_362] : memref<1x32xf32, #tpu.memory_space<vmem>>[vector<16xi32>, vector<16xi32>], vector<16xf32>,
        %swap3A = arith.constant 0 : i32
        %swap3A_363 = arith.index_cast %swap3A : i32 to index
        %swap3A_364 = arith.index_cast %scan3A_360 : i32 to index
        %swap3A_365 = arith.constant 0 : index
        %swap3A_366 = tpu.vector_load %arg11[%swap3A_363, %swap3A_364, %swap3A_365] {strides = array<i32>} : memref<14x32x64xf32, #tpu.memory_space<vmem>>, vector<16xf32>,
        tpu.vector_store %arg11[%swap3A_363, %swap3A_364, %swap3A_365], %gather3A {strides = array<i32>} : memref<14x32x64xf32, #tpu.memory_space<vmem>>, vector<16xf32>,
        %swap3A_367 = arith.constant 0 : i32
        %swap3A_368 = arith.index_cast %swap3A_367 : i32 to index
        %swap3A_369 = arith.index_cast %scan3A_360 : i32 to index
        %swap3A_370 = arith.constant 16 : index
        %swap3A_371 = tpu.vector_load %arg11[%swap3A_368, %swap3A_369, %swap3A_370] {strides = array<i32>} : memref<14x32x64xf32, #tpu.memory_space<vmem>>, vector<16xf32>,
        tpu.vector_store %arg11[%swap3A_368, %swap3A_369, %swap3A_370], %gather3A {strides = array<i32>} : memref<14x32x64xf32, #tpu.memory_space<vmem>>, vector<16xf32>,
        %swap3A_372 = arith.constant 0 : i32
        %swap3A_373 = arith.index_cast %swap3A_372 : i32 to index
        %swap3A_374 = arith.index_cast %scan3A_360 : i32 to index
        %swap3A_375 = arith.constant 32 : index
        %swap3A_376 = tpu.vector_load %arg11[%swap3A_373, %swap3A_374, %swap3A_375] {strides = array<i32>} : memref<14x32x64xf32, #tpu.memory_space<vmem>>, vector<16xf32>,
        tpu.vector_store %arg11[%swap3A_373, %swap3A_374, %swap3A_375], %gather3A {strides = array<i32>} : memref<14x32x64xf32, #tpu.memory_space<vmem>>, vector<16xf32>,
        %swap3A_377 = arith.constant 0 : i32
        %swap3A_378 = arith.index_cast %swap3A_377 : i32 to index
        %swap3A_379 = arith.index_cast %scan3A_360 : i32 to index
        %swap3A_380 = arith.constant 48 : index
        %swap3A_381 = tpu.vector_load %arg11[%swap3A_378, %swap3A_379, %swap3A_380] {strides = array<i32>} : memref<14x32x64xf32, #tpu.memory_space<vmem>>, vector<16xf32>,
        tpu.vector_store %arg11[%swap3A_378, %swap3A_379, %swap3A_380], %gather3A {strides = array<i32>} : memref<14x32x64xf32, #tpu.memory_space<vmem>>, vector<16xf32>,
      }
      %scan3A_353 = arith.constant 32 : i32
      %scan3A_354 = arith.constant 0 : i32
      %scan3A_355 = arith.constant 0 : i32
      %scan3A_356 = arith.constant 13 : i32
      %scan3A_357 = arith.addi %scan3A_355, %scan3A_356 : i32
      %scan3A_358 = arith.constant 1 : i32
      scf.for %scan3A_360 = %scan3A_355 to %scan3A_357 step %scan3A_358  : i32 {
        %scan3A_361 = arith.constant 0 : i32
        %scan3A_362 = arith.constant 0 : i32
        %scan3A_363 = arith.constant 32 : i32
        %scan3A_364 = arith.addi %scan3A_362, %scan3A_363 : i32
        %scan3A_365 = arith.constant 1 : i32
        scf.for %scan3A_367 = %scan3A_362 to %scan3A_364 step %scan3A_365  : i32 {
          %broadcast_in_dim3A = vector.broadcast %scan3A_360 : i32 to vector<16xi32>
          %broadcast_in_dim3A_368 = vector.broadcast %scan3A_367 : i32 to vector<16xi32>
          %gather3A = tpu.vector_load_idx %arg16[%broadcast_in_dim3A, %broadcast_in_dim3A_368] : memref<13x32xf32, #tpu.memory_space<vmem>>[vector<16xi32>, vector<16xi32>], vector<16xf32>,
          %broadcast_in_dim3A_369 = vector.broadcast %scan3A_360 : i32 to vector<16xi32>
          %broadcast_in_dim3A_370 = vector.broadcast %scan3A_367 : i32 to vector<16xi32>
          %gather3A_371 = tpu.vector_load_idx %arg17[%broadcast_in_dim3A_369, %broadcast_in_dim3A_370] : memref<13x32xf32, #tpu.memory_space<vmem>>[vector<16xi32>, vector<16xi32>], vector<16xf32>,
          %mul3A_372 = arith.constant 64 : i32
          %mul3A_373 = arith.muli %scan3A_344, %mul3A_372 : i32
          %add3A_374 = arith.constant 0 : i32
          %add3A_375 = arith.addi %mul3A_373, %add3A_374 : i32
          %get3A = arith.index_cast %scan3A_360 : i32 to index
          %get3A_376 = arith.index_cast %add3A_375 : i32 to index
          %get3A_377 = tpu.vector_load %arg10[%get3A, %get3A_376] {strides = array<i32>} : memref<13x512xf32, #tpu.memory_space<vmem>>, vector<16xf32>,
          %mul3A_378 = arith.mulf %get3A_377, %gather3A : vector<16xf32>
          %add3A_379 = arith.addf %mul3A_378, %gather3A_371 : vector<16xf32>
          %add3A_380 = arith.constant 1 : i32
          %add3A_381 = arith.addi %scan3A_360, %add3A_380 : i32
          %swap3A = arith.index_cast %add3A_381 : i32 to index
          %swap3A_382 = arith.index_cast %scan3A_367 : i32 to index
          %swap3A_383 = arith.constant 0 : index
          %swap3A_384 = tpu.vector_load %arg11[%swap3A, %swap3A_382, %swap3A_383] {strides = array<i32>} : memref<14x32x64xf32, #tpu.memory_space<vmem>>, vector<16xf32>,
          tpu.vector_store %arg11[%swap3A, %swap3A_382, %swap3A_383], %add3A_379 {strides = array<i32>} : memref<14x32x64xf32, #tpu.memory_space<vmem>>, vector<16xf32>,
          %mul3A_385 = arith.constant 64 : i32
          %mul3A_386 = arith.muli %scan3A_344, %mul3A_385 : i32
          %add3A_387 = arith.constant 16 : i32
          %add3A_388 = arith.addi %mul3A_386, %add3A_387 : i32
          %get3A_389 = arith.index_cast %scan3A_360 : i32 to index
          %get3A_390 = arith.index_cast %add3A_388 : i32 to index
          %get3A_391 = tpu.vector_load %arg10[%get3A_389, %get3A_390] {strides = array<i32>} : memref<13x512xf32, #tpu.memory_space<vmem>>, vector<16xf32>,
          %mul3A_392 = arith.mulf %get3A_391, %gather3A : vector<16xf32>
          %add3A_393 = arith.addf %mul3A_392, %gather3A_371 : vector<16xf32>
          %add3A_394 = arith.constant 1 : i32
          %add3A_395 = arith.addi %scan3A_360, %add3A_394 : i32
          %swap3A_396 = arith.index_cast %add3A_395 : i32 to index
          %swap3A_397 = arith.index_cast %scan3A_367 : i32 to index
          %swap3A_398 = arith.constant 16 : index
          %swap3A_399 = tpu.vector_load %arg11[%swap3A_396, %swap3A_397, %swap3A_398] {strides = array<i32>} : memref<14x32x64xf32, #tpu.memory_space<vmem>>, vector<16xf32>,
          tpu.vector_store %arg11[%swap3A_396, %swap3A_397, %swap3A_398], %add3A_393 {strides = array<i32>} : memref<14x32x64xf32, #tpu.memory_space<vmem>>, vector<16xf32>,
          %mul3A_400 = arith.constant 64 : i32
          %mul3A_401 = arith.muli %scan3A_344, %mul3A_400 : i32
          %add3A_402 = arith.constant 32 : i32
          %add3A_403 = arith.addi %mul3A_401, %add3A_402 : i32
          %get3A_404 = arith.index_cast %scan3A_360 : i32 to index
          %get3A_405 = arith.index_cast %add3A_403 : i32 to index
          %get3A_406 = tpu.vector_load %arg10[%get3A_404, %get3A_405] {strides = array<i32>} : memref<13x512xf32, #tpu.memory_space<vmem>>, vector<16xf32>,
          %mul3A_407 = arith.mulf %get3A_406, %gather3A : vector<16xf32>
          %add3A_408 = arith.addf %mul3A_407, %gather3A_371 : vector<16xf32>
          %add3A_409 = arith.constant 1 : i32
          %add3A_410 = arith.addi %scan3A_360, %add3A_409 : i32
          %swap3A_411 = arith.index_cast %add3A_410 : i32 to index
          %swap3A_412 = arith.index_cast %scan3A_367 : i32 to index
          %swap3A_413 = arith.constant 32 : index
          %swap3A_414 = tpu.vector_load %arg11[%swap3A_411, %swap3A_412, %swap3A_413] {strides = array<i32>} : memref<14x32x64xf32, #tpu.memory_space<vmem>>, vector<16xf32>,
          tpu.vector_store %arg11[%swap3A_411, %swap3A_412, %swap3A_413], %add3A_408 {strides = array<i32>} : memref<14x32x64xf32, #tpu.memory_space<vmem>>, vector<16xf32>,
          %mul3A_415 = arith.constant 64 : i32
          %mul3A_416 = arith.muli %scan3A_344, %mul3A_415 : i32
          %add3A_417 = arith.constant 48 : i32
          %add3A_418 = arith.addi %mul3A_416, %add3A_417 : i32
          %get3A_419 = arith.index_cast %scan3A_360 : i32 to index
          %get3A_420 = arith.index_cast %add3A_418 : i32 to index
          %get3A_421 = tpu.vector_load %arg10[%get3A_419, %get3A_420] {strides = array<i32>} : memref<13x512xf32, #tpu.memory_space<vmem>>, vector<16xf32>,
          %mul3A_422 = arith.mulf %get3A_421, %gather3A : vector<16xf32>
          %add3A_423 = arith.addf %mul3A_422, %gather3A_371 : vector<16xf32>
          %add3A_424 = arith.constant 1 : i32
          %add3A_425 = arith.addi %scan3A_360, %add3A_424 : i32
          %swap3A_426 = arith.index_cast %add3A_425 : i32 to index
          %swap3A_427 = arith.index_cast %scan3A_367 : i32 to index
          %swap3A_428 = arith.constant 48 : index
          %swap3A_429 = tpu.vector_load %arg11[%swap3A_426, %swap3A_427, %swap3A_428] {strides = array<i32>} : memref<14x32x64xf32, #tpu.memory_space<vmem>>, vector<16xf32>,
          tpu.vector_store %arg11[%swap3A_426, %swap3A_427, %swap3A_428], %add3A_423 {strides = array<i32>} : memref<14x32x64xf32, #tpu.memory_space<vmem>>, vector<16xf32>,
        }
        %scan3A_366 = arith.constant 32 : i32
      }
      %scan3A_359 = arith.constant 13 : i32
      "tpu.region"() ({
        %run_scoped3A = tpu.sem_alloc : memref<!tpu.dma_semaphore, #tpu.memory_space<semaphore_mem>>
        %dma_start3A_360 = arith.constant 0 : i32
        %dma_start3A_361 = arith.constant 0 : i32
        %dma_start3A_362 = tpu.memref_slice %arg8[%dma_start3A_360, %dma_start3A_361, %add3A_347] : memref<27x32x16384xf32, #tpu.memory_space<hbm>> -> memref<14x32x64xf32, #tpu.memory_space<hbm>>
        %dma_start3A_363 = arith.constant 0 : i32
        %dma_start3A_364 = arith.constant 0 : i32
        %dma_start3A_365 = tpu.memref_slice %arg8[%dma_start3A_363, %dma_start3A_364, %add3A_347] : memref<27x32x16384xf32, #tpu.memory_space<hbm>> -> memref<14x32x64xf32, #tpu.memory_space<hbm>>
        tpu.enqueue_dma source(%arg11 : memref<14x32x64xf32, #tpu.memory_space<vmem>>) target(%dma_start3A_365 : memref<14x32x64xf32, #tpu.memory_space<hbm>>) target_semaphore(%run_scoped3A : memref<!tpu.dma_semaphore, #tpu.memory_space<semaphore_mem>>)
        %dma_wait3A_366 = arith.constant 0 : i32
        %dma_wait3A_367 = arith.constant 0 : i32
        %dma_wait3A_368 = tpu.memref_slice %arg8[%dma_wait3A_366, %dma_wait3A_367, %add3A_347] : memref<27x32x16384xf32, #tpu.memory_space<hbm>> -> memref<14x32x64xf32, #tpu.memory_space<hbm>>
        %dma_wait3A_369 = arith.constant 0 : i32
        %dma_wait3A_370 = arith.constant 0 : i32
        %dma_wait3A_371 = tpu.memref_slice %arg8[%dma_wait3A_369, %dma_wait3A_370, %add3A_347] : memref<27x32x16384xf32, #tpu.memory_space<hbm>> -> memref<14x32x64xf32, #tpu.memory_space<hbm>>
        tpu.wait_dma2 semaphore(%run_scoped3A : memref<!tpu.dma_semaphore, #tpu.memory_space<semaphore_mem>>) src(%arg11 : memref<14x32x64xf32, #tpu.memory_space<vmem>>) dst(%dma_wait3A_371 : memref<14x32x64xf32, #tpu.memory_space<hbm>>)
        tpu.yield
      }) : () -> ()
    }
    %scan3A_25 = arith.constant 8 : i32
    %scan3A_26 = arith.constant 0 : i32
    %scan3A_27 = arith.constant 0 : i32
    %scan3A_28 = arith.constant 32 : i32
    %scan3A_29 = arith.addi %scan3A_27, %scan3A_28 : i32
    %scan3A_30 = arith.constant 1 : i32
    scf.for %scan3A_344 = %scan3A_27 to %scan3A_29 step %scan3A_30  : i32 {
      %dma_start3A_345 = arith.constant 3 : i32
      %dma_start3A_346 = arith.constant 3 : i32
      %dma_start3A_347 = arith.constant 0 : i32
      %dma_start3A_348 = tpu.memref_slice %arg15[%scan3A_344, %dma_start3A_347] : memref<32x512xf32, #tpu.memory_space<vmem>> -> memref<1x512xf32, #tpu.memory_space<vmem>>
      %dma_start3A_349 = tpu.memref_squeeze %dma_start3A_348 : memref<1x512xf32, #tpu.memory_space<vmem>> -> memref<512xf32, #tpu.memory_space<vmem>>
      %dma_start3A_350 = arith.constant 0 : i32
      %dma_start3A_351 = tpu.memref_slice %arg9[%dma_start3A_346, %dma_start3A_350] : memref<13x512xi32, #tpu.memory_space<vmem>> -> memref<1x512xi32, #tpu.memory_space<vmem>>
      %dma_start3A_352 = tpu.memref_squeeze %dma_start3A_351 : memref<1x512xi32, #tpu.memory_space<vmem>> -> memref<512xi32, #tpu.memory_space<vmem>>
      %dma_start3A_353 = arith.constant 0 : i32
      %dma_start3A_354 = tpu.memref_slice %arg3[%dma_start3A_345, %scan3A_344, %dma_start3A_353] : memref<26x32x100000xf32, #tpu.memory_space<hbm>> -> memref<1x1x100000xf32, #tpu.memory_space<hbm>>
      %dma_start3A_355 = tpu.memref_squeeze %dma_start3A_354 : memref<1x1x100000xf32, #tpu.memory_space<hbm>> -> memref<100000xf32, #tpu.memory_space<hbm>>
      %dma_start3A_356 = arith.constant 0 : i32
      %dma_start3A_357 = tpu.memref_slice %dma_start3A_355[%dma_start3A_356] : memref<100000xf32, #tpu.memory_space<hbm>> -> memref<100000xf32, #tpu.memory_space<hbm>>
      tpu.enqueue_indirect_dma source(%dma_start3A_357 : memref<100000xf32, #tpu.memory_space<hbm>>) target(%dma_start3A_349 : memref<512xf32, #tpu.memory_space<vmem>>) offsets(%dma_start3A_352 : memref<512xi32, #tpu.memory_space<vmem>>) semaphore(%arg19 : memref<!tpu.dma_semaphore, #tpu.memory_space<semaphore_mem>>)
    }
    %scan3A_31 = arith.constant 32 : i32
    %scan3A_32 = arith.constant 0 : i32
    %scan3A_33 = arith.constant 0 : i32
    %scan3A_34 = arith.constant 32 : i32
    %scan3A_35 = arith.addi %scan3A_33, %scan3A_34 : i32
    %scan3A_36 = arith.constant 1 : i32
    scf.for %scan3A_344 = %scan3A_33 to %scan3A_35 step %scan3A_36  : i32 {
      %dma_wait3A_345 = arith.constant 0 : i32
      %dma_wait3A_346 = arith.constant 0 : i32
      %dma_wait3A_347 = arith.constant 0 : i32
      %dma_wait3A_348 = tpu.memref_slice %arg12[%scan3A_344, %dma_wait3A_347] : memref<32x512xf32, #tpu.memory_space<vmem>> -> memref<1x512xf32, #tpu.memory_space<vmem>>
      %dma_wait3A_349 = tpu.memref_squeeze %dma_wait3A_348 : memref<1x512xf32, #tpu.memory_space<vmem>> -> memref<512xf32, #tpu.memory_space<vmem>>
      %dma_wait3A_350 = arith.constant 0 : i32
      %dma_wait3A_351 = tpu.memref_slice %arg9[%dma_wait3A_346, %dma_wait3A_350] : memref<13x512xi32, #tpu.memory_space<vmem>> -> memref<1x512xi32, #tpu.memory_space<vmem>>
      %dma_wait3A_352 = tpu.memref_squeeze %dma_wait3A_351 : memref<1x512xi32, #tpu.memory_space<vmem>> -> memref<512xi32, #tpu.memory_space<vmem>>
      %dma_wait3A_353 = arith.constant 0 : i32
      %dma_wait3A_354 = tpu.memref_slice %arg3[%dma_wait3A_345, %scan3A_344, %dma_wait3A_353] : memref<26x32x100000xf32, #tpu.memory_space<hbm>> -> memref<1x1x100000xf32, #tpu.memory_space<hbm>>
      %dma_wait3A_355 = tpu.memref_squeeze %dma_wait3A_354 : memref<1x1x100000xf32, #tpu.memory_space<hbm>> -> memref<100000xf32, #tpu.memory_space<hbm>>
      %dma_wait3A_356 = arith.constant 0 : i32
      %dma_wait3A_357 = tpu.memref_slice %dma_wait3A_355[%dma_wait3A_356] : memref<100000xf32, #tpu.memory_space<hbm>> -> memref<100000xf32, #tpu.memory_space<hbm>>
      tpu.wait_indirect_dma semaphore(%arg19 : memref<!tpu.dma_semaphore, #tpu.memory_space<semaphore_mem>>) src(%dma_wait3A_357 : memref<100000xf32, #tpu.memory_space<hbm>>) dst(%dma_wait3A_349 : memref<512xf32, #tpu.memory_space<vmem>>)
    }
    %scan3A_37 = arith.constant 32 : i32
    %dma_start3A = arith.constant 14 : i32
    %dma_start3A_38 = arith.constant 0 : i32
    %dma_start3A_39 = tpu.memref_slice %arg8[%dma_start3A, %dma_start3A_38, %mul3A_2] : memref<27x32x16384xf32, #tpu.memory_space<hbm>> -> memref<1x32x512xf32, #tpu.memory_space<hbm>>
    %dma_start3A_40 = tpu.memref_squeeze %dma_start3A_39 : memref<1x32x512xf32, #tpu.memory_space<hbm>> -> memref<32x512xf32, #tpu.memory_space<hbm>>
    %dma_start3A_41 = arith.constant 0 : i32
    %dma_start3A_42 = tpu.memref_slice %arg8[%dma_start3A, %dma_start3A_41, %mul3A_2] : memref<27x32x16384xf32, #tpu.memory_space<hbm>> -> memref<1x32x512xf32, #tpu.memory_space<hbm>>
    %dma_start3A_43 = tpu.memref_squeeze %dma_start3A_42 : memref<1x32x512xf32, #tpu.memory_space<hbm>> -> memref<32x512xf32, #tpu.memory_space<hbm>>
    tpu.enqueue_dma source(%arg12 : memref<32x512xf32, #tpu.memory_space<vmem>>) target(%dma_start3A_43 : memref<32x512xf32, #tpu.memory_space<hbm>>) target_semaphore(%arg20 : memref<!tpu.dma_semaphore, #tpu.memory_space<semaphore_mem>>)
    %dma_wait3A = arith.constant 14 : i32
    %dma_wait3A_44 = arith.constant 0 : i32
    %dma_wait3A_45 = tpu.memref_slice %arg8[%dma_wait3A, %dma_wait3A_44, %mul3A_2] : memref<27x32x16384xf32, #tpu.memory_space<hbm>> -> memref<1x32x512xf32, #tpu.memory_space<hbm>>
    %dma_wait3A_46 = tpu.memref_squeeze %dma_wait3A_45 : memref<1x32x512xf32, #tpu.memory_space<hbm>> -> memref<32x512xf32, #tpu.memory_space<hbm>>
    %dma_wait3A_47 = arith.constant 0 : i32
    %dma_wait3A_48 = tpu.memref_slice %arg8[%dma_wait3A, %dma_wait3A_47, %mul3A_2] : memref<27x32x16384xf32, #tpu.memory_space<hbm>> -> memref<1x32x512xf32, #tpu.memory_space<hbm>>
    %dma_wait3A_49 = tpu.memref_squeeze %dma_wait3A_48 : memref<1x32x512xf32, #tpu.memory_space<hbm>> -> memref<32x512xf32, #tpu.memory_space<hbm>>
    tpu.wait_dma2 semaphore(%arg20 : memref<!tpu.dma_semaphore, #tpu.memory_space<semaphore_mem>>) src(%arg12 : memref<32x512xf32, #tpu.memory_space<vmem>>) dst(%dma_wait3A_49 : memref<32x512xf32, #tpu.memory_space<hbm>>)
    %scan3A_50 = arith.constant 0 : i32
    %scan3A_51 = arith.constant 0 : i32
    %scan3A_52 = arith.constant 32 : i32
    %scan3A_53 = arith.addi %scan3A_51, %scan3A_52 : i32
    %scan3A_54 = arith.constant 1 : i32
    scf.for %scan3A_344 = %scan3A_51 to %scan3A_53 step %scan3A_54  : i32 {
      %dma_start3A_345 = arith.constant 4 : i32
      %dma_start3A_346 = arith.constant 4 : i32
      %dma_start3A_347 = arith.constant 0 : i32
      %dma_start3A_348 = tpu.memref_slice %arg12[%scan3A_344, %dma_start3A_347] : memref<32x512xf32, #tpu.memory_space<vmem>> -> memref<1x512xf32, #tpu.memory_space<vmem>>
      %dma_start3A_349 = tpu.memref_squeeze %dma_start3A_348 : memref<1x512xf32, #tpu.memory_space<vmem>> -> memref<512xf32, #tpu.memory_space<vmem>>
      %dma_start3A_350 = arith.constant 0 : i32
      %dma_start3A_351 = tpu.memref_slice %arg9[%dma_start3A_346, %dma_start3A_350] : memref<13x512xi32, #tpu.memory_space<vmem>> -> memref<1x512xi32, #tpu.memory_space<vmem>>
      %dma_start3A_352 = tpu.memref_squeeze %dma_start3A_351 : memref<1x512xi32, #tpu.memory_space<vmem>> -> memref<512xi32, #tpu.memory_space<vmem>>
      %dma_start3A_353 = arith.constant 0 : i32
      %dma_start3A_354 = tpu.memref_slice %arg3[%dma_start3A_345, %scan3A_344, %dma_start3A_353] : memref<26x32x100000xf32, #tpu.memory_space<hbm>> -> memref<1x1x100000xf32, #tpu.memory_space<hbm>>
      %dma_start3A_355 = tpu.memref_squeeze %dma_start3A_354 : memref<1x1x100000xf32, #tpu.memory_space<hbm>> -> memref<100000xf32, #tpu.memory_space<hbm>>
      %dma_start3A_356 = arith.constant 0 : i32
      %dma_start3A_357 = tpu.memref_slice %dma_start3A_355[%dma_start3A_356] : memref<100000xf32, #tpu.memory_space<hbm>> -> memref<100000xf32, #tpu.memory_space<hbm>>
      tpu.enqueue_indirect_dma source(%dma_start3A_357 : memref<100000xf32, #tpu.memory_space<hbm>>) target(%dma_start3A_349 : memref<512xf32, #tpu.memory_space<vmem>>) offsets(%dma_start3A_352 : memref<512xi32, #tpu.memory_space<vmem>>) semaphore(%arg19 : memref<!tpu.dma_semaphore, #tpu.memory_space<semaphore_mem>>)
    }
    %scan3A_55 = arith.constant 32 : i32
    %scan3A_56 = arith.constant 0 : i32
    %scan3A_57 = arith.constant 0 : i32
    %scan3A_58 = arith.constant 32 : i32
    %scan3A_59 = arith.addi %scan3A_57, %scan3A_58 : i32
    %scan3A_60 = arith.constant 1 : i32
    scf.for %scan3A_344 = %scan3A_57 to %scan3A_59 step %scan3A_60  : i32 {
      %dma_wait3A_345 = arith.constant 1 : i32
      %dma_wait3A_346 = arith.constant 1 : i32
      %dma_wait3A_347 = arith.constant 0 : i32
      %dma_wait3A_348 = tpu.memref_slice %arg13[%scan3A_344, %dma_wait3A_347] : memref<32x512xf32, #tpu.memory_space<vmem>> -> memref<1x512xf32, #tpu.memory_space<vmem>>
      %dma_wait3A_349 = tpu.memref_squeeze %dma_wait3A_348 : memref<1x512xf32, #tpu.memory_space<vmem>> -> memref<512xf32, #tpu.memory_space<vmem>>
      %dma_wait3A_350 = arith.constant 0 : i32
      %dma_wait3A_351 = tpu.memref_slice %arg9[%dma_wait3A_346, %dma_wait3A_350] : memref<13x512xi32, #tpu.memory_space<vmem>> -> memref<1x512xi32, #tpu.memory_space<vmem>>
      %dma_wait3A_352 = tpu.memref_squeeze %dma_wait3A_351 : memref<1x512xi32, #tpu.memory_space<vmem>> -> memref<512xi32, #tpu.memory_space<vmem>>
      %dma_wait3A_353 = arith.constant 0 : i32
      %dma_wait3A_354 = tpu.memref_slice %arg3[%dma_wait3A_345, %scan3A_344, %dma_wait3A_353] : memref<26x32x100000xf32, #tpu.memory_space<hbm>> -> memref<1x1x100000xf32, #tpu.memory_space<hbm>>
      %dma_wait3A_355 = tpu.memref_squeeze %dma_wait3A_354 : memref<1x1x100000xf32, #tpu.memory_space<hbm>> -> memref<100000xf32, #tpu.memory_space<hbm>>
      %dma_wait3A_356 = arith.constant 0 : i32
      %dma_wait3A_357 = tpu.memref_slice %dma_wait3A_355[%dma_wait3A_356] : memref<100000xf32, #tpu.memory_space<hbm>> -> memref<100000xf32, #tpu.memory_space<hbm>>
      tpu.wait_indirect_dma semaphore(%arg19 : memref<!tpu.dma_semaphore, #tpu.memory_space<semaphore_mem>>) src(%dma_wait3A_357 : memref<100000xf32, #tpu.memory_space<hbm>>) dst(%dma_wait3A_349 : memref<512xf32, #tpu.memory_space<vmem>>)
    }
    %scan3A_61 = arith.constant 32 : i32
    %dma_start3A_62 = arith.constant 15 : i32
    %dma_start3A_63 = arith.constant 0 : i32
    %dma_start3A_64 = tpu.memref_slice %arg8[%dma_start3A_62, %dma_start3A_63, %mul3A_2] : memref<27x32x16384xf32, #tpu.memory_space<hbm>> -> memref<1x32x512xf32, #tpu.memory_space<hbm>>
    %dma_start3A_65 = tpu.memref_squeeze %dma_start3A_64 : memref<1x32x512xf32, #tpu.memory_space<hbm>> -> memref<32x512xf32, #tpu.memory_space<hbm>>
    %dma_start3A_66 = arith.constant 0 : i32
    %dma_start3A_67 = tpu.memref_slice %arg8[%dma_start3A_62, %dma_start3A_66, %mul3A_2] : memref<27x32x16384xf32, #tpu.memory_space<hbm>> -> memref<1x32x512xf32, #tpu.memory_space<hbm>>
    %dma_start3A_68 = tpu.memref_squeeze %dma_start3A_67 : memref<1x32x512xf32, #tpu.memory_space<hbm>> -> memref<32x512xf32, #tpu.memory_space<hbm>>
    tpu.enqueue_dma source(%arg13 : memref<32x512xf32, #tpu.memory_space<vmem>>) target(%dma_start3A_68 : memref<32x512xf32, #tpu.memory_space<hbm>>) target_semaphore(%arg20 : memref<!tpu.dma_semaphore, #tpu.memory_space<semaphore_mem>>)
    %dma_wait3A_69 = arith.constant 15 : i32
    %dma_wait3A_70 = arith.constant 0 : i32
    %dma_wait3A_71 = tpu.memref_slice %arg8[%dma_wait3A_69, %dma_wait3A_70, %mul3A_2] : memref<27x32x16384xf32, #tpu.memory_space<hbm>> -> memref<1x32x512xf32, #tpu.memory_space<hbm>>
    %dma_wait3A_72 = tpu.memref_squeeze %dma_wait3A_71 : memref<1x32x512xf32, #tpu.memory_space<hbm>> -> memref<32x512xf32, #tpu.memory_space<hbm>>
    %dma_wait3A_73 = arith.constant 0 : i32
    %dma_wait3A_74 = tpu.memref_slice %arg8[%dma_wait3A_69, %dma_wait3A_73, %mul3A_2] : memref<27x32x16384xf32, #tpu.memory_space<hbm>> -> memref<1x32x512xf32, #tpu.memory_space<hbm>>
    %dma_wait3A_75 = tpu.memref_squeeze %dma_wait3A_74 : memref<1x32x512xf32, #tpu.memory_space<hbm>> -> memref<32x512xf32, #tpu.memory_space<hbm>>
    tpu.wait_dma2 semaphore(%arg20 : memref<!tpu.dma_semaphore, #tpu.memory_space<semaphore_mem>>) src(%arg13 : memref<32x512xf32, #tpu.memory_space<vmem>>) dst(%dma_wait3A_75 : memref<32x512xf32, #tpu.memory_space<hbm>>)
    %scan3A_76 = arith.constant 0 : i32
    %scan3A_77 = arith.constant 0 : i32
    %scan3A_78 = arith.constant 32 : i32
    %scan3A_79 = arith.addi %scan3A_77, %scan3A_78 : i32
    %scan3A_80 = arith.constant 1 : i32
    scf.for %scan3A_344 = %scan3A_77 to %scan3A_79 step %scan3A_80  : i32 {
      %dma_start3A_345 = arith.constant 5 : i32
      %dma_start3A_346 = arith.constant 5 : i32
      %dma_start3A_347 = arith.constant 0 : i32
      %dma_start3A_348 = tpu.memref_slice %arg13[%scan3A_344, %dma_start3A_347] : memref<32x512xf32, #tpu.memory_space<vmem>> -> memref<1x512xf32, #tpu.memory_space<vmem>>
      %dma_start3A_349 = tpu.memref_squeeze %dma_start3A_348 : memref<1x512xf32, #tpu.memory_space<vmem>> -> memref<512xf32, #tpu.memory_space<vmem>>
      %dma_start3A_350 = arith.constant 0 : i32
      %dma_start3A_351 = tpu.memref_slice %arg9[%dma_start3A_346, %dma_start3A_350] : memref<13x512xi32, #tpu.memory_space<vmem>> -> memref<1x512xi32, #tpu.memory_space<vmem>>
      %dma_start3A_352 = tpu.memref_squeeze %dma_start3A_351 : memref<1x512xi32, #tpu.memory_space<vmem>> -> memref<512xi32, #tpu.memory_space<vmem>>
      %dma_start3A_353 = arith.constant 0 : i32
      %dma_start3A_354 = tpu.memref_slice %arg3[%dma_start3A_345, %scan3A_344, %dma_start3A_353] : memref<26x32x100000xf32, #tpu.memory_space<hbm>> -> memref<1x1x100000xf32, #tpu.memory_space<hbm>>
      %dma_start3A_355 = tpu.memref_squeeze %dma_start3A_354 : memref<1x1x100000xf32, #tpu.memory_space<hbm>> -> memref<100000xf32, #tpu.memory_space<hbm>>
      %dma_start3A_356 = arith.constant 0 : i32
      %dma_start3A_357 = tpu.memref_slice %dma_start3A_355[%dma_start3A_356] : memref<100000xf32, #tpu.memory_space<hbm>> -> memref<100000xf32, #tpu.memory_space<hbm>>
      tpu.enqueue_indirect_dma source(%dma_start3A_357 : memref<100000xf32, #tpu.memory_space<hbm>>) target(%dma_start3A_349 : memref<512xf32, #tpu.memory_space<vmem>>) offsets(%dma_start3A_352 : memref<512xi32, #tpu.memory_space<vmem>>) semaphore(%arg19 : memref<!tpu.dma_semaphore, #tpu.memory_space<semaphore_mem>>)
    }
    %scan3A_81 = arith.constant 32 : i32
    %scan3A_82 = arith.constant 0 : i32
    %scan3A_83 = arith.constant 0 : i32
    %scan3A_84 = arith.constant 32 : i32
    %scan3A_85 = arith.addi %scan3A_83, %scan3A_84 : i32
    %scan3A_86 = arith.constant 1 : i32
    scf.for %scan3A_344 = %scan3A_83 to %scan3A_85 step %scan3A_86  : i32 {
      %dma_wait3A_345 = arith.constant 2 : i32
      %dma_wait3A_346 = arith.constant 2 : i32
      %dma_wait3A_347 = arith.constant 0 : i32
      %dma_wait3A_348 = tpu.memref_slice %arg14[%scan3A_344, %dma_wait3A_347] : memref<32x512xf32, #tpu.memory_space<vmem>> -> memref<1x512xf32, #tpu.memory_space<vmem>>
      %dma_wait3A_349 = tpu.memref_squeeze %dma_wait3A_348 : memref<1x512xf32, #tpu.memory_space<vmem>> -> memref<512xf32, #tpu.memory_space<vmem>>
      %dma_wait3A_350 = arith.constant 0 : i32
      %dma_wait3A_351 = tpu.memref_slice %arg9[%dma_wait3A_346, %dma_wait3A_350] : memref<13x512xi32, #tpu.memory_space<vmem>> -> memref<1x512xi32, #tpu.memory_space<vmem>>
      %dma_wait3A_352 = tpu.memref_squeeze %dma_wait3A_351 : memref<1x512xi32, #tpu.memory_space<vmem>> -> memref<512xi32, #tpu.memory_space<vmem>>
      %dma_wait3A_353 = arith.constant 0 : i32
      %dma_wait3A_354 = tpu.memref_slice %arg3[%dma_wait3A_345, %scan3A_344, %dma_wait3A_353] : memref<26x32x100000xf32, #tpu.memory_space<hbm>> -> memref<1x1x100000xf32, #tpu.memory_space<hbm>>
      %dma_wait3A_355 = tpu.memref_squeeze %dma_wait3A_354 : memref<1x1x100000xf32, #tpu.memory_space<hbm>> -> memref<100000xf32, #tpu.memory_space<hbm>>
      %dma_wait3A_356 = arith.constant 0 : i32
      %dma_wait3A_357 = tpu.memref_slice %dma_wait3A_355[%dma_wait3A_356] : memref<100000xf32, #tpu.memory_space<hbm>> -> memref<100000xf32, #tpu.memory_space<hbm>>
      tpu.wait_indirect_dma semaphore(%arg19 : memref<!tpu.dma_semaphore, #tpu.memory_space<semaphore_mem>>) src(%dma_wait3A_357 : memref<100000xf32, #tpu.memory_space<hbm>>) dst(%dma_wait3A_349 : memref<512xf32, #tpu.memory_space<vmem>>)
    }
    %scan3A_87 = arith.constant 32 : i32
    %dma_start3A_88 = arith.constant 16 : i32
    %dma_start3A_89 = arith.constant 0 : i32
    %dma_start3A_90 = tpu.memref_slice %arg8[%dma_start3A_88, %dma_start3A_89, %mul3A_2] : memref<27x32x16384xf32, #tpu.memory_space<hbm>> -> memref<1x32x512xf32, #tpu.memory_space<hbm>>
    %dma_start3A_91 = tpu.memref_squeeze %dma_start3A_90 : memref<1x32x512xf32, #tpu.memory_space<hbm>> -> memref<32x512xf32, #tpu.memory_space<hbm>>
    %dma_start3A_92 = arith.constant 0 : i32
    %dma_start3A_93 = tpu.memref_slice %arg8[%dma_start3A_88, %dma_start3A_92, %mul3A_2] : memref<27x32x16384xf32, #tpu.memory_space<hbm>> -> memref<1x32x512xf32, #tpu.memory_space<hbm>>
    %dma_start3A_94 = tpu.memref_squeeze %dma_start3A_93 : memref<1x32x512xf32, #tpu.memory_space<hbm>> -> memref<32x512xf32, #tpu.memory_space<hbm>>
    tpu.enqueue_dma source(%arg14 : memref<32x512xf32, #tpu.memory_space<vmem>>) target(%dma_start3A_94 : memref<32x512xf32, #tpu.memory_space<hbm>>) target_semaphore(%arg20 : memref<!tpu.dma_semaphore, #tpu.memory_space<semaphore_mem>>)
    %dma_wait3A_95 = arith.constant 16 : i32
    %dma_wait3A_96 = arith.constant 0 : i32
    %dma_wait3A_97 = tpu.memref_slice %arg8[%dma_wait3A_95, %dma_wait3A_96, %mul3A_2] : memref<27x32x16384xf32, #tpu.memory_space<hbm>> -> memref<1x32x512xf32, #tpu.memory_space<hbm>>
    %dma_wait3A_98 = tpu.memref_squeeze %dma_wait3A_97 : memref<1x32x512xf32, #tpu.memory_space<hbm>> -> memref<32x512xf32, #tpu.memory_space<hbm>>
    %dma_wait3A_99 = arith.constant 0 : i32
    %dma_wait3A_100 = tpu.memref_slice %arg8[%dma_wait3A_95, %dma_wait3A_99, %mul3A_2] : memref<27x32x16384xf32, #tpu.memory_space<hbm>> -> memref<1x32x512xf32, #tpu.memory_space<hbm>>
    %dma_wait3A_101 = tpu.memref_squeeze %dma_wait3A_100 : memref<1x32x512xf32, #tpu.memory_space<hbm>> -> memref<32x512xf32, #tpu.memory_space<hbm>>
    tpu.wait_dma2 semaphore(%arg20 : memref<!tpu.dma_semaphore, #tpu.memory_space<semaphore_mem>>) src(%arg14 : memref<32x512xf32, #tpu.memory_space<vmem>>) dst(%dma_wait3A_101 : memref<32x512xf32, #tpu.memory_space<hbm>>)
    %scan3A_102 = arith.constant 0 : i32
    %scan3A_103 = arith.constant 0 : i32
    %scan3A_104 = arith.constant 32 : i32
    %scan3A_105 = arith.addi %scan3A_103, %scan3A_104 : i32
    %scan3A_106 = arith.constant 1 : i32
    scf.for %scan3A_344 = %scan3A_103 to %scan3A_105 step %scan3A_106  : i32 {
      %dma_start3A_345 = arith.constant 6 : i32
      %dma_start3A_346 = arith.constant 6 : i32
      %dma_start3A_347 = arith.constant 0 : i32
      %dma_start3A_348 = tpu.memref_slice %arg14[%scan3A_344, %dma_start3A_347] : memref<32x512xf32, #tpu.memory_space<vmem>> -> memref<1x512xf32, #tpu.memory_space<vmem>>
      %dma_start3A_349 = tpu.memref_squeeze %dma_start3A_348 : memref<1x512xf32, #tpu.memory_space<vmem>> -> memref<512xf32, #tpu.memory_space<vmem>>
      %dma_start3A_350 = arith.constant 0 : i32
      %dma_start3A_351 = tpu.memref_slice %arg9[%dma_start3A_346, %dma_start3A_350] : memref<13x512xi32, #tpu.memory_space<vmem>> -> memref<1x512xi32, #tpu.memory_space<vmem>>
      %dma_start3A_352 = tpu.memref_squeeze %dma_start3A_351 : memref<1x512xi32, #tpu.memory_space<vmem>> -> memref<512xi32, #tpu.memory_space<vmem>>
      %dma_start3A_353 = arith.constant 0 : i32
      %dma_start3A_354 = tpu.memref_slice %arg3[%dma_start3A_345, %scan3A_344, %dma_start3A_353] : memref<26x32x100000xf32, #tpu.memory_space<hbm>> -> memref<1x1x100000xf32, #tpu.memory_space<hbm>>
      %dma_start3A_355 = tpu.memref_squeeze %dma_start3A_354 : memref<1x1x100000xf32, #tpu.memory_space<hbm>> -> memref<100000xf32, #tpu.memory_space<hbm>>
      %dma_start3A_356 = arith.constant 0 : i32
      %dma_start3A_357 = tpu.memref_slice %dma_start3A_355[%dma_start3A_356] : memref<100000xf32, #tpu.memory_space<hbm>> -> memref<100000xf32, #tpu.memory_space<hbm>>
      tpu.enqueue_indirect_dma source(%dma_start3A_357 : memref<100000xf32, #tpu.memory_space<hbm>>) target(%dma_start3A_349 : memref<512xf32, #tpu.memory_space<vmem>>) offsets(%dma_start3A_352 : memref<512xi32, #tpu.memory_space<vmem>>) semaphore(%arg19 : memref<!tpu.dma_semaphore, #tpu.memory_space<semaphore_mem>>)
    }
    %scan3A_107 = arith.constant 32 : i32
    %scan3A_108 = arith.constant 0 : i32
    %scan3A_109 = arith.constant 0 : i32
    %scan3A_110 = arith.constant 32 : i32
    %scan3A_111 = arith.addi %scan3A_109, %scan3A_110 : i32
    %scan3A_112 = arith.constant 1 : i32
    scf.for %scan3A_344 = %scan3A_109 to %scan3A_111 step %scan3A_112  : i32 {
      %dma_wait3A_345 = arith.constant 3 : i32
      %dma_wait3A_346 = arith.constant 3 : i32
      %dma_wait3A_347 = arith.constant 0 : i32
      %dma_wait3A_348 = tpu.memref_slice %arg15[%scan3A_344, %dma_wait3A_347] : memref<32x512xf32, #tpu.memory_space<vmem>> -> memref<1x512xf32, #tpu.memory_space<vmem>>
      %dma_wait3A_349 = tpu.memref_squeeze %dma_wait3A_348 : memref<1x512xf32, #tpu.memory_space<vmem>> -> memref<512xf32, #tpu.memory_space<vmem>>
      %dma_wait3A_350 = arith.constant 0 : i32
      %dma_wait3A_351 = tpu.memref_slice %arg9[%dma_wait3A_346, %dma_wait3A_350] : memref<13x512xi32, #tpu.memory_space<vmem>> -> memref<1x512xi32, #tpu.memory_space<vmem>>
      %dma_wait3A_352 = tpu.memref_squeeze %dma_wait3A_351 : memref<1x512xi32, #tpu.memory_space<vmem>> -> memref<512xi32, #tpu.memory_space<vmem>>
      %dma_wait3A_353 = arith.constant 0 : i32
      %dma_wait3A_354 = tpu.memref_slice %arg3[%dma_wait3A_345, %scan3A_344, %dma_wait3A_353] : memref<26x32x100000xf32, #tpu.memory_space<hbm>> -> memref<1x1x100000xf32, #tpu.memory_space<hbm>>
      %dma_wait3A_355 = tpu.memref_squeeze %dma_wait3A_354 : memref<1x1x100000xf32, #tpu.memory_space<hbm>> -> memref<100000xf32, #tpu.memory_space<hbm>>
      %dma_wait3A_356 = arith.constant 0 : i32
      %dma_wait3A_357 = tpu.memref_slice %dma_wait3A_355[%dma_wait3A_356] : memref<100000xf32, #tpu.memory_space<hbm>> -> memref<100000xf32, #tpu.memory_space<hbm>>
      tpu.wait_indirect_dma semaphore(%arg19 : memref<!tpu.dma_semaphore, #tpu.memory_space<semaphore_mem>>) src(%dma_wait3A_357 : memref<100000xf32, #tpu.memory_space<hbm>>) dst(%dma_wait3A_349 : memref<512xf32, #tpu.memory_space<vmem>>)
    }
    %scan3A_113 = arith.constant 32 : i32
    %dma_start3A_114 = arith.constant 17 : i32
    %dma_start3A_115 = arith.constant 0 : i32
    %dma_start3A_116 = tpu.memref_slice %arg8[%dma_start3A_114, %dma_start3A_115, %mul3A_2] : memref<27x32x16384xf32, #tpu.memory_space<hbm>> -> memref<1x32x512xf32, #tpu.memory_space<hbm>>
    %dma_start3A_117 = tpu.memref_squeeze %dma_start3A_116 : memref<1x32x512xf32, #tpu.memory_space<hbm>> -> memref<32x512xf32, #tpu.memory_space<hbm>>
    %dma_start3A_118 = arith.constant 0 : i32
    %dma_start3A_119 = tpu.memref_slice %arg8[%dma_start3A_114, %dma_start3A_118, %mul3A_2] : memref<27x32x16384xf32, #tpu.memory_space<hbm>> -> memref<1x32x512xf32, #tpu.memory_space<hbm>>
    %dma_start3A_120 = tpu.memref_squeeze %dma_start3A_119 : memref<1x32x512xf32, #tpu.memory_space<hbm>> -> memref<32x512xf32, #tpu.memory_space<hbm>>
    tpu.enqueue_dma source(%arg15 : memref<32x512xf32, #tpu.memory_space<vmem>>) target(%dma_start3A_120 : memref<32x512xf32, #tpu.memory_space<hbm>>) target_semaphore(%arg20 : memref<!tpu.dma_semaphore, #tpu.memory_space<semaphore_mem>>)
    %dma_wait3A_121 = arith.constant 17 : i32
    %dma_wait3A_122 = arith.constant 0 : i32
    %dma_wait3A_123 = tpu.memref_slice %arg8[%dma_wait3A_121, %dma_wait3A_122, %mul3A_2] : memref<27x32x16384xf32, #tpu.memory_space<hbm>> -> memref<1x32x512xf32, #tpu.memory_space<hbm>>
    %dma_wait3A_124 = tpu.memref_squeeze %dma_wait3A_123 : memref<1x32x512xf32, #tpu.memory_space<hbm>> -> memref<32x512xf32, #tpu.memory_space<hbm>>
    %dma_wait3A_125 = arith.constant 0 : i32
    %dma_wait3A_126 = tpu.memref_slice %arg8[%dma_wait3A_121, %dma_wait3A_125, %mul3A_2] : memref<27x32x16384xf32, #tpu.memory_space<hbm>> -> memref<1x32x512xf32, #tpu.memory_space<hbm>>
    %dma_wait3A_127 = tpu.memref_squeeze %dma_wait3A_126 : memref<1x32x512xf32, #tpu.memory_space<hbm>> -> memref<32x512xf32, #tpu.memory_space<hbm>>
    tpu.wait_dma2 semaphore(%arg20 : memref<!tpu.dma_semaphore, #tpu.memory_space<semaphore_mem>>) src(%arg15 : memref<32x512xf32, #tpu.memory_space<vmem>>) dst(%dma_wait3A_127 : memref<32x512xf32, #tpu.memory_space<hbm>>)
    %scan3A_128 = arith.constant 0 : i32
    %scan3A_129 = arith.constant 0 : i32
    %scan3A_130 = arith.constant 32 : i32
    %scan3A_131 = arith.addi %scan3A_129, %scan3A_130 : i32
    %scan3A_132 = arith.constant 1 : i32
    scf.for %scan3A_344 = %scan3A_129 to %scan3A_131 step %scan3A_132  : i32 {
      %dma_start3A_345 = arith.constant 7 : i32
      %dma_start3A_346 = arith.constant 7 : i32
      %dma_start3A_347 = arith.constant 0 : i32
      %dma_start3A_348 = tpu.memref_slice %arg15[%scan3A_344, %dma_start3A_347] : memref<32x512xf32, #tpu.memory_space<vmem>> -> memref<1x512xf32, #tpu.memory_space<vmem>>
      %dma_start3A_349 = tpu.memref_squeeze %dma_start3A_348 : memref<1x512xf32, #tpu.memory_space<vmem>> -> memref<512xf32, #tpu.memory_space<vmem>>
      %dma_start3A_350 = arith.constant 0 : i32
      %dma_start3A_351 = tpu.memref_slice %arg9[%dma_start3A_346, %dma_start3A_350] : memref<13x512xi32, #tpu.memory_space<vmem>> -> memref<1x512xi32, #tpu.memory_space<vmem>>
      %dma_start3A_352 = tpu.memref_squeeze %dma_start3A_351 : memref<1x512xi32, #tpu.memory_space<vmem>> -> memref<512xi32, #tpu.memory_space<vmem>>
      %dma_start3A_353 = arith.constant 0 : i32
      %dma_start3A_354 = tpu.memref_slice %arg3[%dma_start3A_345, %scan3A_344, %dma_start3A_353] : memref<26x32x100000xf32, #tpu.memory_space<hbm>> -> memref<1x1x100000xf32, #tpu.memory_space<hbm>>
      %dma_start3A_355 = tpu.memref_squeeze %dma_start3A_354 : memref<1x1x100000xf32, #tpu.memory_space<hbm>> -> memref<100000xf32, #tpu.memory_space<hbm>>
      %dma_start3A_356 = arith.constant 0 : i32
      %dma_start3A_357 = tpu.memref_slice %dma_start3A_355[%dma_start3A_356] : memref<100000xf32, #tpu.memory_space<hbm>> -> memref<100000xf32, #tpu.memory_space<hbm>>
      tpu.enqueue_indirect_dma source(%dma_start3A_357 : memref<100000xf32, #tpu.memory_space<hbm>>) target(%dma_start3A_349 : memref<512xf32, #tpu.memory_space<vmem>>) offsets(%dma_start3A_352 : memref<512xi32, #tpu.memory_space<vmem>>) semaphore(%arg19 : memref<!tpu.dma_semaphore, #tpu.memory_space<semaphore_mem>>)
    }
    %scan3A_133 = arith.constant 32 : i32
    %scan3A_134 = arith.constant 0 : i32
    %scan3A_135 = arith.constant 0 : i32
    %scan3A_136 = arith.constant 32 : i32
    %scan3A_137 = arith.addi %scan3A_135, %scan3A_136 : i32
    %scan3A_138 = arith.constant 1 : i32
    scf.for %scan3A_344 = %scan3A_135 to %scan3A_137 step %scan3A_138  : i32 {
      %dma_wait3A_345 = arith.constant 4 : i32
      %dma_wait3A_346 = arith.constant 4 : i32
      %dma_wait3A_347 = arith.constant 0 : i32
      %dma_wait3A_348 = tpu.memref_slice %arg12[%scan3A_344, %dma_wait3A_347] : memref<32x512xf32, #tpu.memory_space<vmem>> -> memref<1x512xf32, #tpu.memory_space<vmem>>
      %dma_wait3A_349 = tpu.memref_squeeze %dma_wait3A_348 : memref<1x512xf32, #tpu.memory_space<vmem>> -> memref<512xf32, #tpu.memory_space<vmem>>
      %dma_wait3A_350 = arith.constant 0 : i32
      %dma_wait3A_351 = tpu.memref_slice %arg9[%dma_wait3A_346, %dma_wait3A_350] : memref<13x512xi32, #tpu.memory_space<vmem>> -> memref<1x512xi32, #tpu.memory_space<vmem>>
      %dma_wait3A_352 = tpu.memref_squeeze %dma_wait3A_351 : memref<1x512xi32, #tpu.memory_space<vmem>> -> memref<512xi32, #tpu.memory_space<vmem>>
      %dma_wait3A_353 = arith.constant 0 : i32
      %dma_wait3A_354 = tpu.memref_slice %arg3[%dma_wait3A_345, %scan3A_344, %dma_wait3A_353] : memref<26x32x100000xf32, #tpu.memory_space<hbm>> -> memref<1x1x100000xf32, #tpu.memory_space<hbm>>
      %dma_wait3A_355 = tpu.memref_squeeze %dma_wait3A_354 : memref<1x1x100000xf32, #tpu.memory_space<hbm>> -> memref<100000xf32, #tpu.memory_space<hbm>>
      %dma_wait3A_356 = arith.constant 0 : i32
      %dma_wait3A_357 = tpu.memref_slice %dma_wait3A_355[%dma_wait3A_356] : memref<100000xf32, #tpu.memory_space<hbm>> -> memref<100000xf32, #tpu.memory_space<hbm>>
      tpu.wait_indirect_dma semaphore(%arg19 : memref<!tpu.dma_semaphore, #tpu.memory_space<semaphore_mem>>) src(%dma_wait3A_357 : memref<100000xf32, #tpu.memory_space<hbm>>) dst(%dma_wait3A_349 : memref<512xf32, #tpu.memory_space<vmem>>)
    }
    %scan3A_139 = arith.constant 32 : i32
    %dma_start3A_140 = arith.constant 18 : i32
    %dma_start3A_141 = arith.constant 0 : i32
    %dma_start3A_142 = tpu.memref_slice %arg8[%dma_start3A_140, %dma_start3A_141, %mul3A_2] : memref<27x32x16384xf32, #tpu.memory_space<hbm>> -> memref<1x32x512xf32, #tpu.memory_space<hbm>>
    %dma_start3A_143 = tpu.memref_squeeze %dma_start3A_142 : memref<1x32x512xf32, #tpu.memory_space<hbm>> -> memref<32x512xf32, #tpu.memory_space<hbm>>
    %dma_start3A_144 = arith.constant 0 : i32
    %dma_start3A_145 = tpu.memref_slice %arg8[%dma_start3A_140, %dma_start3A_144, %mul3A_2] : memref<27x32x16384xf32, #tpu.memory_space<hbm>> -> memref<1x32x512xf32, #tpu.memory_space<hbm>>
    %dma_start3A_146 = tpu.memref_squeeze %dma_start3A_145 : memref<1x32x512xf32, #tpu.memory_space<hbm>> -> memref<32x512xf32, #tpu.memory_space<hbm>>
    tpu.enqueue_dma source(%arg12 : memref<32x512xf32, #tpu.memory_space<vmem>>) target(%dma_start3A_146 : memref<32x512xf32, #tpu.memory_space<hbm>>) target_semaphore(%arg20 : memref<!tpu.dma_semaphore, #tpu.memory_space<semaphore_mem>>)
    %dma_wait3A_147 = arith.constant 18 : i32
    %dma_wait3A_148 = arith.constant 0 : i32
    %dma_wait3A_149 = tpu.memref_slice %arg8[%dma_wait3A_147, %dma_wait3A_148, %mul3A_2] : memref<27x32x16384xf32, #tpu.memory_space<hbm>> -> memref<1x32x512xf32, #tpu.memory_space<hbm>>
    %dma_wait3A_150 = tpu.memref_squeeze %dma_wait3A_149 : memref<1x32x512xf32, #tpu.memory_space<hbm>> -> memref<32x512xf32, #tpu.memory_space<hbm>>
    %dma_wait3A_151 = arith.constant 0 : i32
    %dma_wait3A_152 = tpu.memref_slice %arg8[%dma_wait3A_147, %dma_wait3A_151, %mul3A_2] : memref<27x32x16384xf32, #tpu.memory_space<hbm>> -> memref<1x32x512xf32, #tpu.memory_space<hbm>>
    %dma_wait3A_153 = tpu.memref_squeeze %dma_wait3A_152 : memref<1x32x512xf32, #tpu.memory_space<hbm>> -> memref<32x512xf32, #tpu.memory_space<hbm>>
    tpu.wait_dma2 semaphore(%arg20 : memref<!tpu.dma_semaphore, #tpu.memory_space<semaphore_mem>>) src(%arg12 : memref<32x512xf32, #tpu.memory_space<vmem>>) dst(%dma_wait3A_153 : memref<32x512xf32, #tpu.memory_space<hbm>>)
    %scan3A_154 = arith.constant 0 : i32
    %scan3A_155 = arith.constant 0 : i32
    %scan3A_156 = arith.constant 32 : i32
    %scan3A_157 = arith.addi %scan3A_155, %scan3A_156 : i32
    %scan3A_158 = arith.constant 1 : i32
    scf.for %scan3A_344 = %scan3A_155 to %scan3A_157 step %scan3A_158  : i32 {
      %dma_start3A_345 = arith.constant 8 : i32
      %dma_start3A_346 = arith.constant 8 : i32
      %dma_start3A_347 = arith.constant 0 : i32
      %dma_start3A_348 = tpu.memref_slice %arg12[%scan3A_344, %dma_start3A_347] : memref<32x512xf32, #tpu.memory_space<vmem>> -> memref<1x512xf32, #tpu.memory_space<vmem>>
      %dma_start3A_349 = tpu.memref_squeeze %dma_start3A_348 : memref<1x512xf32, #tpu.memory_space<vmem>> -> memref<512xf32, #tpu.memory_space<vmem>>
      %dma_start3A_350 = arith.constant 0 : i32
      %dma_start3A_351 = tpu.memref_slice %arg9[%dma_start3A_346, %dma_start3A_350] : memref<13x512xi32, #tpu.memory_space<vmem>> -> memref<1x512xi32, #tpu.memory_space<vmem>>
      %dma_start3A_352 = tpu.memref_squeeze %dma_start3A_351 : memref<1x512xi32, #tpu.memory_space<vmem>> -> memref<512xi32, #tpu.memory_space<vmem>>
      %dma_start3A_353 = arith.constant 0 : i32
      %dma_start3A_354 = tpu.memref_slice %arg3[%dma_start3A_345, %scan3A_344, %dma_start3A_353] : memref<26x32x100000xf32, #tpu.memory_space<hbm>> -> memref<1x1x100000xf32, #tpu.memory_space<hbm>>
      %dma_start3A_355 = tpu.memref_squeeze %dma_start3A_354 : memref<1x1x100000xf32, #tpu.memory_space<hbm>> -> memref<100000xf32, #tpu.memory_space<hbm>>
      %dma_start3A_356 = arith.constant 0 : i32
      %dma_start3A_357 = tpu.memref_slice %dma_start3A_355[%dma_start3A_356] : memref<100000xf32, #tpu.memory_space<hbm>> -> memref<100000xf32, #tpu.memory_space<hbm>>
      tpu.enqueue_indirect_dma source(%dma_start3A_357 : memref<100000xf32, #tpu.memory_space<hbm>>) target(%dma_start3A_349 : memref<512xf32, #tpu.memory_space<vmem>>) offsets(%dma_start3A_352 : memref<512xi32, #tpu.memory_space<vmem>>) semaphore(%arg19 : memref<!tpu.dma_semaphore, #tpu.memory_space<semaphore_mem>>)
    }
    %scan3A_159 = arith.constant 32 : i32
    %scan3A_160 = arith.constant 0 : i32
    %scan3A_161 = arith.constant 0 : i32
    %scan3A_162 = arith.constant 32 : i32
    %scan3A_163 = arith.addi %scan3A_161, %scan3A_162 : i32
    %scan3A_164 = arith.constant 1 : i32
    scf.for %scan3A_344 = %scan3A_161 to %scan3A_163 step %scan3A_164  : i32 {
      %dma_wait3A_345 = arith.constant 5 : i32
      %dma_wait3A_346 = arith.constant 5 : i32
      %dma_wait3A_347 = arith.constant 0 : i32
      %dma_wait3A_348 = tpu.memref_slice %arg13[%scan3A_344, %dma_wait3A_347] : memref<32x512xf32, #tpu.memory_space<vmem>> -> memref<1x512xf32, #tpu.memory_space<vmem>>
      %dma_wait3A_349 = tpu.memref_squeeze %dma_wait3A_348 : memref<1x512xf32, #tpu.memory_space<vmem>> -> memref<512xf32, #tpu.memory_space<vmem>>
      %dma_wait3A_350 = arith.constant 0 : i32
      %dma_wait3A_351 = tpu.memref_slice %arg9[%dma_wait3A_346, %dma_wait3A_350] : memref<13x512xi32, #tpu.memory_space<vmem>> -> memref<1x512xi32, #tpu.memory_space<vmem>>
      %dma_wait3A_352 = tpu.memref_squeeze %dma_wait3A_351 : memref<1x512xi32, #tpu.memory_space<vmem>> -> memref<512xi32, #tpu.memory_space<vmem>>
      %dma_wait3A_353 = arith.constant 0 : i32
      %dma_wait3A_354 = tpu.memref_slice %arg3[%dma_wait3A_345, %scan3A_344, %dma_wait3A_353] : memref<26x32x100000xf32, #tpu.memory_space<hbm>> -> memref<1x1x100000xf32, #tpu.memory_space<hbm>>
      %dma_wait3A_355 = tpu.memref_squeeze %dma_wait3A_354 : memref<1x1x100000xf32, #tpu.memory_space<hbm>> -> memref<100000xf32, #tpu.memory_space<hbm>>
      %dma_wait3A_356 = arith.constant 0 : i32
      %dma_wait3A_357 = tpu.memref_slice %dma_wait3A_355[%dma_wait3A_356] : memref<100000xf32, #tpu.memory_space<hbm>> -> memref<100000xf32, #tpu.memory_space<hbm>>
      tpu.wait_indirect_dma semaphore(%arg19 : memref<!tpu.dma_semaphore, #tpu.memory_space<semaphore_mem>>) src(%dma_wait3A_357 : memref<100000xf32, #tpu.memory_space<hbm>>) dst(%dma_wait3A_349 : memref<512xf32, #tpu.memory_space<vmem>>)
    }
    %scan3A_165 = arith.constant 32 : i32
    %dma_start3A_166 = arith.constant 19 : i32
    %dma_start3A_167 = arith.constant 0 : i32
    %dma_start3A_168 = tpu.memref_slice %arg8[%dma_start3A_166, %dma_start3A_167, %mul3A_2] : memref<27x32x16384xf32, #tpu.memory_space<hbm>> -> memref<1x32x512xf32, #tpu.memory_space<hbm>>
    %dma_start3A_169 = tpu.memref_squeeze %dma_start3A_168 : memref<1x32x512xf32, #tpu.memory_space<hbm>> -> memref<32x512xf32, #tpu.memory_space<hbm>>
    %dma_start3A_170 = arith.constant 0 : i32
    %dma_start3A_171 = tpu.memref_slice %arg8[%dma_start3A_166, %dma_start3A_170, %mul3A_2] : memref<27x32x16384xf32, #tpu.memory_space<hbm>> -> memref<1x32x512xf32, #tpu.memory_space<hbm>>
    %dma_start3A_172 = tpu.memref_squeeze %dma_start3A_171 : memref<1x32x512xf32, #tpu.memory_space<hbm>> -> memref<32x512xf32, #tpu.memory_space<hbm>>
    tpu.enqueue_dma source(%arg13 : memref<32x512xf32, #tpu.memory_space<vmem>>) target(%dma_start3A_172 : memref<32x512xf32, #tpu.memory_space<hbm>>) target_semaphore(%arg20 : memref<!tpu.dma_semaphore, #tpu.memory_space<semaphore_mem>>)
    %dma_wait3A_173 = arith.constant 19 : i32
    %dma_wait3A_174 = arith.constant 0 : i32
    %dma_wait3A_175 = tpu.memref_slice %arg8[%dma_wait3A_173, %dma_wait3A_174, %mul3A_2] : memref<27x32x16384xf32, #tpu.memory_space<hbm>> -> memref<1x32x512xf32, #tpu.memory_space<hbm>>
    %dma_wait3A_176 = tpu.memref_squeeze %dma_wait3A_175 : memref<1x32x512xf32, #tpu.memory_space<hbm>> -> memref<32x512xf32, #tpu.memory_space<hbm>>
    %dma_wait3A_177 = arith.constant 0 : i32
    %dma_wait3A_178 = tpu.memref_slice %arg8[%dma_wait3A_173, %dma_wait3A_177, %mul3A_2] : memref<27x32x16384xf32, #tpu.memory_space<hbm>> -> memref<1x32x512xf32, #tpu.memory_space<hbm>>
    %dma_wait3A_179 = tpu.memref_squeeze %dma_wait3A_178 : memref<1x32x512xf32, #tpu.memory_space<hbm>> -> memref<32x512xf32, #tpu.memory_space<hbm>>
    tpu.wait_dma2 semaphore(%arg20 : memref<!tpu.dma_semaphore, #tpu.memory_space<semaphore_mem>>) src(%arg13 : memref<32x512xf32, #tpu.memory_space<vmem>>) dst(%dma_wait3A_179 : memref<32x512xf32, #tpu.memory_space<hbm>>)
    %scan3A_180 = arith.constant 0 : i32
    %scan3A_181 = arith.constant 0 : i32
    %scan3A_182 = arith.constant 32 : i32
    %scan3A_183 = arith.addi %scan3A_181, %scan3A_182 : i32
    %scan3A_184 = arith.constant 1 : i32
    scf.for %scan3A_344 = %scan3A_181 to %scan3A_183 step %scan3A_184  : i32 {
      %dma_start3A_345 = arith.constant 9 : i32
      %dma_start3A_346 = arith.constant 9 : i32
      %dma_start3A_347 = arith.constant 0 : i32
      %dma_start3A_348 = tpu.memref_slice %arg13[%scan3A_344, %dma_start3A_347] : memref<32x512xf32, #tpu.memory_space<vmem>> -> memref<1x512xf32, #tpu.memory_space<vmem>>
      %dma_start3A_349 = tpu.memref_squeeze %dma_start3A_348 : memref<1x512xf32, #tpu.memory_space<vmem>> -> memref<512xf32, #tpu.memory_space<vmem>>
      %dma_start3A_350 = arith.constant 0 : i32
      %dma_start3A_351 = tpu.memref_slice %arg9[%dma_start3A_346, %dma_start3A_350] : memref<13x512xi32, #tpu.memory_space<vmem>> -> memref<1x512xi32, #tpu.memory_space<vmem>>
      %dma_start3A_352 = tpu.memref_squeeze %dma_start3A_351 : memref<1x512xi32, #tpu.memory_space<vmem>> -> memref<512xi32, #tpu.memory_space<vmem>>
      %dma_start3A_353 = arith.constant 0 : i32
      %dma_start3A_354 = tpu.memref_slice %arg3[%dma_start3A_345, %scan3A_344, %dma_start3A_353] : memref<26x32x100000xf32, #tpu.memory_space<hbm>> -> memref<1x1x100000xf32, #tpu.memory_space<hbm>>
      %dma_start3A_355 = tpu.memref_squeeze %dma_start3A_354 : memref<1x1x100000xf32, #tpu.memory_space<hbm>> -> memref<100000xf32, #tpu.memory_space<hbm>>
      %dma_start3A_356 = arith.constant 0 : i32
      %dma_start3A_357 = tpu.memref_slice %dma_start3A_355[%dma_start3A_356] : memref<100000xf32, #tpu.memory_space<hbm>> -> memref<100000xf32, #tpu.memory_space<hbm>>
      tpu.enqueue_indirect_dma source(%dma_start3A_357 : memref<100000xf32, #tpu.memory_space<hbm>>) target(%dma_start3A_349 : memref<512xf32, #tpu.memory_space<vmem>>) offsets(%dma_start3A_352 : memref<512xi32, #tpu.memory_space<vmem>>) semaphore(%arg19 : memref<!tpu.dma_semaphore, #tpu.memory_space<semaphore_mem>>)
    }
    %scan3A_185 = arith.constant 32 : i32
    %scan3A_186 = arith.constant 0 : i32
    %scan3A_187 = arith.constant 0 : i32
    %scan3A_188 = arith.constant 32 : i32
    %scan3A_189 = arith.addi %scan3A_187, %scan3A_188 : i32
    %scan3A_190 = arith.constant 1 : i32
    scf.for %scan3A_344 = %scan3A_187 to %scan3A_189 step %scan3A_190  : i32 {
      %dma_wait3A_345 = arith.constant 6 : i32
      %dma_wait3A_346 = arith.constant 6 : i32
      %dma_wait3A_347 = arith.constant 0 : i32
      %dma_wait3A_348 = tpu.memref_slice %arg14[%scan3A_344, %dma_wait3A_347] : memref<32x512xf32, #tpu.memory_space<vmem>> -> memref<1x512xf32, #tpu.memory_space<vmem>>
      %dma_wait3A_349 = tpu.memref_squeeze %dma_wait3A_348 : memref<1x512xf32, #tpu.memory_space<vmem>> -> memref<512xf32, #tpu.memory_space<vmem>>
      %dma_wait3A_350 = arith.constant 0 : i32
      %dma_wait3A_351 = tpu.memref_slice %arg9[%dma_wait3A_346, %dma_wait3A_350] : memref<13x512xi32, #tpu.memory_space<vmem>> -> memref<1x512xi32, #tpu.memory_space<vmem>>
      %dma_wait3A_352 = tpu.memref_squeeze %dma_wait3A_351 : memref<1x512xi32, #tpu.memory_space<vmem>> -> memref<512xi32, #tpu.memory_space<vmem>>
      %dma_wait3A_353 = arith.constant 0 : i32
      %dma_wait3A_354 = tpu.memref_slice %arg3[%dma_wait3A_345, %scan3A_344, %dma_wait3A_353] : memref<26x32x100000xf32, #tpu.memory_space<hbm>> -> memref<1x1x100000xf32, #tpu.memory_space<hbm>>
      %dma_wait3A_355 = tpu.memref_squeeze %dma_wait3A_354 : memref<1x1x100000xf32, #tpu.memory_space<hbm>> -> memref<100000xf32, #tpu.memory_space<hbm>>
      %dma_wait3A_356 = arith.constant 0 : i32
      %dma_wait3A_357 = tpu.memref_slice %dma_wait3A_355[%dma_wait3A_356] : memref<100000xf32, #tpu.memory_space<hbm>> -> memref<100000xf32, #tpu.memory_space<hbm>>
      tpu.wait_indirect_dma semaphore(%arg19 : memref<!tpu.dma_semaphore, #tpu.memory_space<semaphore_mem>>) src(%dma_wait3A_357 : memref<100000xf32, #tpu.memory_space<hbm>>) dst(%dma_wait3A_349 : memref<512xf32, #tpu.memory_space<vmem>>)
    }
    %scan3A_191 = arith.constant 32 : i32
    %dma_start3A_192 = arith.constant 20 : i32
    %dma_start3A_193 = arith.constant 0 : i32
    %dma_start3A_194 = tpu.memref_slice %arg8[%dma_start3A_192, %dma_start3A_193, %mul3A_2] : memref<27x32x16384xf32, #tpu.memory_space<hbm>> -> memref<1x32x512xf32, #tpu.memory_space<hbm>>
    %dma_start3A_195 = tpu.memref_squeeze %dma_start3A_194 : memref<1x32x512xf32, #tpu.memory_space<hbm>> -> memref<32x512xf32, #tpu.memory_space<hbm>>
    %dma_start3A_196 = arith.constant 0 : i32
    %dma_start3A_197 = tpu.memref_slice %arg8[%dma_start3A_192, %dma_start3A_196, %mul3A_2] : memref<27x32x16384xf32, #tpu.memory_space<hbm>> -> memref<1x32x512xf32, #tpu.memory_space<hbm>>
    %dma_start3A_198 = tpu.memref_squeeze %dma_start3A_197 : memref<1x32x512xf32, #tpu.memory_space<hbm>> -> memref<32x512xf32, #tpu.memory_space<hbm>>
    tpu.enqueue_dma source(%arg14 : memref<32x512xf32, #tpu.memory_space<vmem>>) target(%dma_start3A_198 : memref<32x512xf32, #tpu.memory_space<hbm>>) target_semaphore(%arg20 : memref<!tpu.dma_semaphore, #tpu.memory_space<semaphore_mem>>)
    %dma_wait3A_199 = arith.constant 20 : i32
    %dma_wait3A_200 = arith.constant 0 : i32
    %dma_wait3A_201 = tpu.memref_slice %arg8[%dma_wait3A_199, %dma_wait3A_200, %mul3A_2] : memref<27x32x16384xf32, #tpu.memory_space<hbm>> -> memref<1x32x512xf32, #tpu.memory_space<hbm>>
    %dma_wait3A_202 = tpu.memref_squeeze %dma_wait3A_201 : memref<1x32x512xf32, #tpu.memory_space<hbm>> -> memref<32x512xf32, #tpu.memory_space<hbm>>
    %dma_wait3A_203 = arith.constant 0 : i32
    %dma_wait3A_204 = tpu.memref_slice %arg8[%dma_wait3A_199, %dma_wait3A_203, %mul3A_2] : memref<27x32x16384xf32, #tpu.memory_space<hbm>> -> memref<1x32x512xf32, #tpu.memory_space<hbm>>
    %dma_wait3A_205 = tpu.memref_squeeze %dma_wait3A_204 : memref<1x32x512xf32, #tpu.memory_space<hbm>> -> memref<32x512xf32, #tpu.memory_space<hbm>>
    tpu.wait_dma2 semaphore(%arg20 : memref<!tpu.dma_semaphore, #tpu.memory_space<semaphore_mem>>) src(%arg14 : memref<32x512xf32, #tpu.memory_space<vmem>>) dst(%dma_wait3A_205 : memref<32x512xf32, #tpu.memory_space<hbm>>)
    %scan3A_206 = arith.constant 0 : i32
    %scan3A_207 = arith.constant 0 : i32
    %scan3A_208 = arith.constant 32 : i32
    %scan3A_209 = arith.addi %scan3A_207, %scan3A_208 : i32
    %scan3A_210 = arith.constant 1 : i32
    scf.for %scan3A_344 = %scan3A_207 to %scan3A_209 step %scan3A_210  : i32 {
      %dma_start3A_345 = arith.constant 10 : i32
      %dma_start3A_346 = arith.constant 10 : i32
      %dma_start3A_347 = arith.constant 0 : i32
      %dma_start3A_348 = tpu.memref_slice %arg14[%scan3A_344, %dma_start3A_347] : memref<32x512xf32, #tpu.memory_space<vmem>> -> memref<1x512xf32, #tpu.memory_space<vmem>>
      %dma_start3A_349 = tpu.memref_squeeze %dma_start3A_348 : memref<1x512xf32, #tpu.memory_space<vmem>> -> memref<512xf32, #tpu.memory_space<vmem>>
      %dma_start3A_350 = arith.constant 0 : i32
      %dma_start3A_351 = tpu.memref_slice %arg9[%dma_start3A_346, %dma_start3A_350] : memref<13x512xi32, #tpu.memory_space<vmem>> -> memref<1x512xi32, #tpu.memory_space<vmem>>
      %dma_start3A_352 = tpu.memref_squeeze %dma_start3A_351 : memref<1x512xi32, #tpu.memory_space<vmem>> -> memref<512xi32, #tpu.memory_space<vmem>>
      %dma_start3A_353 = arith.constant 0 : i32
      %dma_start3A_354 = tpu.memref_slice %arg3[%dma_start3A_345, %scan3A_344, %dma_start3A_353] : memref<26x32x100000xf32, #tpu.memory_space<hbm>> -> memref<1x1x100000xf32, #tpu.memory_space<hbm>>
      %dma_start3A_355 = tpu.memref_squeeze %dma_start3A_354 : memref<1x1x100000xf32, #tpu.memory_space<hbm>> -> memref<100000xf32, #tpu.memory_space<hbm>>
      %dma_start3A_356 = arith.constant 0 : i32
      %dma_start3A_357 = tpu.memref_slice %dma_start3A_355[%dma_start3A_356] : memref<100000xf32, #tpu.memory_space<hbm>> -> memref<100000xf32, #tpu.memory_space<hbm>>
      tpu.enqueue_indirect_dma source(%dma_start3A_357 : memref<100000xf32, #tpu.memory_space<hbm>>) target(%dma_start3A_349 : memref<512xf32, #tpu.memory_space<vmem>>) offsets(%dma_start3A_352 : memref<512xi32, #tpu.memory_space<vmem>>) semaphore(%arg19 : memref<!tpu.dma_semaphore, #tpu.memory_space<semaphore_mem>>)
    }
    %scan3A_211 = arith.constant 32 : i32
    %scan3A_212 = arith.constant 0 : i32
    %scan3A_213 = arith.constant 0 : i32
    %scan3A_214 = arith.constant 32 : i32
    %scan3A_215 = arith.addi %scan3A_213, %scan3A_214 : i32
    %scan3A_216 = arith.constant 1 : i32
    scf.for %scan3A_344 = %scan3A_213 to %scan3A_215 step %scan3A_216  : i32 {
      %dma_wait3A_345 = arith.constant 7 : i32
      %dma_wait3A_346 = arith.constant 7 : i32
      %dma_wait3A_347 = arith.constant 0 : i32
      %dma_wait3A_348 = tpu.memref_slice %arg15[%scan3A_344, %dma_wait3A_347] : memref<32x512xf32, #tpu.memory_space<vmem>> -> memref<1x512xf32, #tpu.memory_space<vmem>>
      %dma_wait3A_349 = tpu.memref_squeeze %dma_wait3A_348 : memref<1x512xf32, #tpu.memory_space<vmem>> -> memref<512xf32, #tpu.memory_space<vmem>>
      %dma_wait3A_350 = arith.constant 0 : i32
      %dma_wait3A_351 = tpu.memref_slice %arg9[%dma_wait3A_346, %dma_wait3A_350] : memref<13x512xi32, #tpu.memory_space<vmem>> -> memref<1x512xi32, #tpu.memory_space<vmem>>
      %dma_wait3A_352 = tpu.memref_squeeze %dma_wait3A_351 : memref<1x512xi32, #tpu.memory_space<vmem>> -> memref<512xi32, #tpu.memory_space<vmem>>
      %dma_wait3A_353 = arith.constant 0 : i32
      %dma_wait3A_354 = tpu.memref_slice %arg3[%dma_wait3A_345, %scan3A_344, %dma_wait3A_353] : memref<26x32x100000xf32, #tpu.memory_space<hbm>> -> memref<1x1x100000xf32, #tpu.memory_space<hbm>>
      %dma_wait3A_355 = tpu.memref_squeeze %dma_wait3A_354 : memref<1x1x100000xf32, #tpu.memory_space<hbm>> -> memref<100000xf32, #tpu.memory_space<hbm>>
      %dma_wait3A_356 = arith.constant 0 : i32
      %dma_wait3A_357 = tpu.memref_slice %dma_wait3A_355[%dma_wait3A_356] : memref<100000xf32, #tpu.memory_space<hbm>> -> memref<100000xf32, #tpu.memory_space<hbm>>
      tpu.wait_indirect_dma semaphore(%arg19 : memref<!tpu.dma_semaphore, #tpu.memory_space<semaphore_mem>>) src(%dma_wait3A_357 : memref<100000xf32, #tpu.memory_space<hbm>>) dst(%dma_wait3A_349 : memref<512xf32, #tpu.memory_space<vmem>>)
    }
    %scan3A_217 = arith.constant 32 : i32
    %dma_start3A_218 = arith.constant 21 : i32
    %dma_start3A_219 = arith.constant 0 : i32
    %dma_start3A_220 = tpu.memref_slice %arg8[%dma_start3A_218, %dma_start3A_219, %mul3A_2] : memref<27x32x16384xf32, #tpu.memory_space<hbm>> -> memref<1x32x512xf32, #tpu.memory_space<hbm>>
    %dma_start3A_221 = tpu.memref_squeeze %dma_start3A_220 : memref<1x32x512xf32, #tpu.memory_space<hbm>> -> memref<32x512xf32, #tpu.memory_space<hbm>>
    %dma_start3A_222 = arith.constant 0 : i32
    %dma_start3A_223 = tpu.memref_slice %arg8[%dma_start3A_218, %dma_start3A_222, %mul3A_2] : memref<27x32x16384xf32, #tpu.memory_space<hbm>> -> memref<1x32x512xf32, #tpu.memory_space<hbm>>
    %dma_start3A_224 = tpu.memref_squeeze %dma_start3A_223 : memref<1x32x512xf32, #tpu.memory_space<hbm>> -> memref<32x512xf32, #tpu.memory_space<hbm>>
    tpu.enqueue_dma source(%arg15 : memref<32x512xf32, #tpu.memory_space<vmem>>) target(%dma_start3A_224 : memref<32x512xf32, #tpu.memory_space<hbm>>) target_semaphore(%arg20 : memref<!tpu.dma_semaphore, #tpu.memory_space<semaphore_mem>>)
    %dma_wait3A_225 = arith.constant 21 : i32
    %dma_wait3A_226 = arith.constant 0 : i32
    %dma_wait3A_227 = tpu.memref_slice %arg8[%dma_wait3A_225, %dma_wait3A_226, %mul3A_2] : memref<27x32x16384xf32, #tpu.memory_space<hbm>> -> memref<1x32x512xf32, #tpu.memory_space<hbm>>
    %dma_wait3A_228 = tpu.memref_squeeze %dma_wait3A_227 : memref<1x32x512xf32, #tpu.memory_space<hbm>> -> memref<32x512xf32, #tpu.memory_space<hbm>>
    %dma_wait3A_229 = arith.constant 0 : i32
    %dma_wait3A_230 = tpu.memref_slice %arg8[%dma_wait3A_225, %dma_wait3A_229, %mul3A_2] : memref<27x32x16384xf32, #tpu.memory_space<hbm>> -> memref<1x32x512xf32, #tpu.memory_space<hbm>>
    %dma_wait3A_231 = tpu.memref_squeeze %dma_wait3A_230 : memref<1x32x512xf32, #tpu.memory_space<hbm>> -> memref<32x512xf32, #tpu.memory_space<hbm>>
    tpu.wait_dma2 semaphore(%arg20 : memref<!tpu.dma_semaphore, #tpu.memory_space<semaphore_mem>>) src(%arg15 : memref<32x512xf32, #tpu.memory_space<vmem>>) dst(%dma_wait3A_231 : memref<32x512xf32, #tpu.memory_space<hbm>>)
    %scan3A_232 = arith.constant 0 : i32
    %scan3A_233 = arith.constant 0 : i32
    %scan3A_234 = arith.constant 32 : i32
    %scan3A_235 = arith.addi %scan3A_233, %scan3A_234 : i32
    %scan3A_236 = arith.constant 1 : i32
    scf.for %scan3A_344 = %scan3A_233 to %scan3A_235 step %scan3A_236  : i32 {
      %dma_start3A_345 = arith.constant 11 : i32
      %dma_start3A_346 = arith.constant 11 : i32
      %dma_start3A_347 = arith.constant 0 : i32
      %dma_start3A_348 = tpu.memref_slice %arg15[%scan3A_344, %dma_start3A_347] : memref<32x512xf32, #tpu.memory_space<vmem>> -> memref<1x512xf32, #tpu.memory_space<vmem>>
      %dma_start3A_349 = tpu.memref_squeeze %dma_start3A_348 : memref<1x512xf32, #tpu.memory_space<vmem>> -> memref<512xf32, #tpu.memory_space<vmem>>
      %dma_start3A_350 = arith.constant 0 : i32
      %dma_start3A_351 = tpu.memref_slice %arg9[%dma_start3A_346, %dma_start3A_350] : memref<13x512xi32, #tpu.memory_space<vmem>> -> memref<1x512xi32, #tpu.memory_space<vmem>>
      %dma_start3A_352 = tpu.memref_squeeze %dma_start3A_351 : memref<1x512xi32, #tpu.memory_space<vmem>> -> memref<512xi32, #tpu.memory_space<vmem>>
      %dma_start3A_353 = arith.constant 0 : i32
      %dma_start3A_354 = tpu.memref_slice %arg3[%dma_start3A_345, %scan3A_344, %dma_start3A_353] : memref<26x32x100000xf32, #tpu.memory_space<hbm>> -> memref<1x1x100000xf32, #tpu.memory_space<hbm>>
      %dma_start3A_355 = tpu.memref_squeeze %dma_start3A_354 : memref<1x1x100000xf32, #tpu.memory_space<hbm>> -> memref<100000xf32, #tpu.memory_space<hbm>>
      %dma_start3A_356 = arith.constant 0 : i32
      %dma_start3A_357 = tpu.memref_slice %dma_start3A_355[%dma_start3A_356] : memref<100000xf32, #tpu.memory_space<hbm>> -> memref<100000xf32, #tpu.memory_space<hbm>>
      tpu.enqueue_indirect_dma source(%dma_start3A_357 : memref<100000xf32, #tpu.memory_space<hbm>>) target(%dma_start3A_349 : memref<512xf32, #tpu.memory_space<vmem>>) offsets(%dma_start3A_352 : memref<512xi32, #tpu.memory_space<vmem>>) semaphore(%arg19 : memref<!tpu.dma_semaphore, #tpu.memory_space<semaphore_mem>>)
    }
    %scan3A_237 = arith.constant 32 : i32
    %scan3A_238 = arith.constant 0 : i32
    %scan3A_239 = arith.constant 0 : i32
    %scan3A_240 = arith.constant 32 : i32
    %scan3A_241 = arith.addi %scan3A_239, %scan3A_240 : i32
    %scan3A_242 = arith.constant 1 : i32
    scf.for %scan3A_344 = %scan3A_239 to %scan3A_241 step %scan3A_242  : i32 {
      %dma_wait3A_345 = arith.constant 8 : i32
      %dma_wait3A_346 = arith.constant 8 : i32
      %dma_wait3A_347 = arith.constant 0 : i32
      %dma_wait3A_348 = tpu.memref_slice %arg12[%scan3A_344, %dma_wait3A_347] : memref<32x512xf32, #tpu.memory_space<vmem>> -> memref<1x512xf32, #tpu.memory_space<vmem>>
      %dma_wait3A_349 = tpu.memref_squeeze %dma_wait3A_348 : memref<1x512xf32, #tpu.memory_space<vmem>> -> memref<512xf32, #tpu.memory_space<vmem>>
      %dma_wait3A_350 = arith.constant 0 : i32
      %dma_wait3A_351 = tpu.memref_slice %arg9[%dma_wait3A_346, %dma_wait3A_350] : memref<13x512xi32, #tpu.memory_space<vmem>> -> memref<1x512xi32, #tpu.memory_space<vmem>>
      %dma_wait3A_352 = tpu.memref_squeeze %dma_wait3A_351 : memref<1x512xi32, #tpu.memory_space<vmem>> -> memref<512xi32, #tpu.memory_space<vmem>>
      %dma_wait3A_353 = arith.constant 0 : i32
      %dma_wait3A_354 = tpu.memref_slice %arg3[%dma_wait3A_345, %scan3A_344, %dma_wait3A_353] : memref<26x32x100000xf32, #tpu.memory_space<hbm>> -> memref<1x1x100000xf32, #tpu.memory_space<hbm>>
      %dma_wait3A_355 = tpu.memref_squeeze %dma_wait3A_354 : memref<1x1x100000xf32, #tpu.memory_space<hbm>> -> memref<100000xf32, #tpu.memory_space<hbm>>
      %dma_wait3A_356 = arith.constant 0 : i32
      %dma_wait3A_357 = tpu.memref_slice %dma_wait3A_355[%dma_wait3A_356] : memref<100000xf32, #tpu.memory_space<hbm>> -> memref<100000xf32, #tpu.memory_space<hbm>>
      tpu.wait_indirect_dma semaphore(%arg19 : memref<!tpu.dma_semaphore, #tpu.memory_space<semaphore_mem>>) src(%dma_wait3A_357 : memref<100000xf32, #tpu.memory_space<hbm>>) dst(%dma_wait3A_349 : memref<512xf32, #tpu.memory_space<vmem>>)
    }
    %scan3A_243 = arith.constant 32 : i32
    %dma_start3A_244 = arith.constant 22 : i32
    %dma_start3A_245 = arith.constant 0 : i32
    %dma_start3A_246 = tpu.memref_slice %arg8[%dma_start3A_244, %dma_start3A_245, %mul3A_2] : memref<27x32x16384xf32, #tpu.memory_space<hbm>> -> memref<1x32x512xf32, #tpu.memory_space<hbm>>
    %dma_start3A_247 = tpu.memref_squeeze %dma_start3A_246 : memref<1x32x512xf32, #tpu.memory_space<hbm>> -> memref<32x512xf32, #tpu.memory_space<hbm>>
    %dma_start3A_248 = arith.constant 0 : i32
    %dma_start3A_249 = tpu.memref_slice %arg8[%dma_start3A_244, %dma_start3A_248, %mul3A_2] : memref<27x32x16384xf32, #tpu.memory_space<hbm>> -> memref<1x32x512xf32, #tpu.memory_space<hbm>>
    %dma_start3A_250 = tpu.memref_squeeze %dma_start3A_249 : memref<1x32x512xf32, #tpu.memory_space<hbm>> -> memref<32x512xf32, #tpu.memory_space<hbm>>
    tpu.enqueue_dma source(%arg12 : memref<32x512xf32, #tpu.memory_space<vmem>>) target(%dma_start3A_250 : memref<32x512xf32, #tpu.memory_space<hbm>>) target_semaphore(%arg20 : memref<!tpu.dma_semaphore, #tpu.memory_space<semaphore_mem>>)
    %dma_wait3A_251 = arith.constant 22 : i32
    %dma_wait3A_252 = arith.constant 0 : i32
    %dma_wait3A_253 = tpu.memref_slice %arg8[%dma_wait3A_251, %dma_wait3A_252, %mul3A_2] : memref<27x32x16384xf32, #tpu.memory_space<hbm>> -> memref<1x32x512xf32, #tpu.memory_space<hbm>>
    %dma_wait3A_254 = tpu.memref_squeeze %dma_wait3A_253 : memref<1x32x512xf32, #tpu.memory_space<hbm>> -> memref<32x512xf32, #tpu.memory_space<hbm>>
    %dma_wait3A_255 = arith.constant 0 : i32
    %dma_wait3A_256 = tpu.memref_slice %arg8[%dma_wait3A_251, %dma_wait3A_255, %mul3A_2] : memref<27x32x16384xf32, #tpu.memory_space<hbm>> -> memref<1x32x512xf32, #tpu.memory_space<hbm>>
    %dma_wait3A_257 = tpu.memref_squeeze %dma_wait3A_256 : memref<1x32x512xf32, #tpu.memory_space<hbm>> -> memref<32x512xf32, #tpu.memory_space<hbm>>
    tpu.wait_dma2 semaphore(%arg20 : memref<!tpu.dma_semaphore, #tpu.memory_space<semaphore_mem>>) src(%arg12 : memref<32x512xf32, #tpu.memory_space<vmem>>) dst(%dma_wait3A_257 : memref<32x512xf32, #tpu.memory_space<hbm>>)
    %scan3A_258 = arith.constant 0 : i32
    %scan3A_259 = arith.constant 0 : i32
    %scan3A_260 = arith.constant 32 : i32
    %scan3A_261 = arith.addi %scan3A_259, %scan3A_260 : i32
    %scan3A_262 = arith.constant 1 : i32
    scf.for %scan3A_344 = %scan3A_259 to %scan3A_261 step %scan3A_262  : i32 {
      %dma_start3A_345 = arith.constant 12 : i32
      %dma_start3A_346 = arith.constant 12 : i32
      %dma_start3A_347 = arith.constant 0 : i32
      %dma_start3A_348 = tpu.memref_slice %arg12[%scan3A_344, %dma_start3A_347] : memref<32x512xf32, #tpu.memory_space<vmem>> -> memref<1x512xf32, #tpu.memory_space<vmem>>
      %dma_start3A_349 = tpu.memref_squeeze %dma_start3A_348 : memref<1x512xf32, #tpu.memory_space<vmem>> -> memref<512xf32, #tpu.memory_space<vmem>>
      %dma_start3A_350 = arith.constant 0 : i32
      %dma_start3A_351 = tpu.memref_slice %arg9[%dma_start3A_346, %dma_start3A_350] : memref<13x512xi32, #tpu.memory_space<vmem>> -> memref<1x512xi32, #tpu.memory_space<vmem>>
      %dma_start3A_352 = tpu.memref_squeeze %dma_start3A_351 : memref<1x512xi32, #tpu.memory_space<vmem>> -> memref<512xi32, #tpu.memory_space<vmem>>
      %dma_start3A_353 = arith.constant 0 : i32
      %dma_start3A_354 = tpu.memref_slice %arg3[%dma_start3A_345, %scan3A_344, %dma_start3A_353] : memref<26x32x100000xf32, #tpu.memory_space<hbm>> -> memref<1x1x100000xf32, #tpu.memory_space<hbm>>
      %dma_start3A_355 = tpu.memref_squeeze %dma_start3A_354 : memref<1x1x100000xf32, #tpu.memory_space<hbm>> -> memref<100000xf32, #tpu.memory_space<hbm>>
      %dma_start3A_356 = arith.constant 0 : i32
      %dma_start3A_357 = tpu.memref_slice %dma_start3A_355[%dma_start3A_356] : memref<100000xf32, #tpu.memory_space<hbm>> -> memref<100000xf32, #tpu.memory_space<hbm>>
      tpu.enqueue_indirect_dma source(%dma_start3A_357 : memref<100000xf32, #tpu.memory_space<hbm>>) target(%dma_start3A_349 : memref<512xf32, #tpu.memory_space<vmem>>) offsets(%dma_start3A_352 : memref<512xi32, #tpu.memory_space<vmem>>) semaphore(%arg19 : memref<!tpu.dma_semaphore, #tpu.memory_space<semaphore_mem>>)
    }
    %scan3A_263 = arith.constant 32 : i32
    %scan3A_264 = arith.constant 0 : i32
    %scan3A_265 = arith.constant 0 : i32
    %scan3A_266 = arith.constant 32 : i32
    %scan3A_267 = arith.addi %scan3A_265, %scan3A_266 : i32
    %scan3A_268 = arith.constant 1 : i32
    scf.for %scan3A_344 = %scan3A_265 to %scan3A_267 step %scan3A_268  : i32 {
      %dma_wait3A_345 = arith.constant 9 : i32
      %dma_wait3A_346 = arith.constant 9 : i32
      %dma_wait3A_347 = arith.constant 0 : i32
      %dma_wait3A_348 = tpu.memref_slice %arg13[%scan3A_344, %dma_wait3A_347] : memref<32x512xf32, #tpu.memory_space<vmem>> -> memref<1x512xf32, #tpu.memory_space<vmem>>
      %dma_wait3A_349 = tpu.memref_squeeze %dma_wait3A_348 : memref<1x512xf32, #tpu.memory_space<vmem>> -> memref<512xf32, #tpu.memory_space<vmem>>
      %dma_wait3A_350 = arith.constant 0 : i32
      %dma_wait3A_351 = tpu.memref_slice %arg9[%dma_wait3A_346, %dma_wait3A_350] : memref<13x512xi32, #tpu.memory_space<vmem>> -> memref<1x512xi32, #tpu.memory_space<vmem>>
      %dma_wait3A_352 = tpu.memref_squeeze %dma_wait3A_351 : memref<1x512xi32, #tpu.memory_space<vmem>> -> memref<512xi32, #tpu.memory_space<vmem>>
      %dma_wait3A_353 = arith.constant 0 : i32
      %dma_wait3A_354 = tpu.memref_slice %arg3[%dma_wait3A_345, %scan3A_344, %dma_wait3A_353] : memref<26x32x100000xf32, #tpu.memory_space<hbm>> -> memref<1x1x100000xf32, #tpu.memory_space<hbm>>
      %dma_wait3A_355 = tpu.memref_squeeze %dma_wait3A_354 : memref<1x1x100000xf32, #tpu.memory_space<hbm>> -> memref<100000xf32, #tpu.memory_space<hbm>>
      %dma_wait3A_356 = arith.constant 0 : i32
      %dma_wait3A_357 = tpu.memref_slice %dma_wait3A_355[%dma_wait3A_356] : memref<100000xf32, #tpu.memory_space<hbm>> -> memref<100000xf32, #tpu.memory_space<hbm>>
      tpu.wait_indirect_dma semaphore(%arg19 : memref<!tpu.dma_semaphore, #tpu.memory_space<semaphore_mem>>) src(%dma_wait3A_357 : memref<100000xf32, #tpu.memory_space<hbm>>) dst(%dma_wait3A_349 : memref<512xf32, #tpu.memory_space<vmem>>)
    }
    %scan3A_269 = arith.constant 32 : i32
    %dma_start3A_270 = arith.constant 23 : i32
    %dma_start3A_271 = arith.constant 0 : i32
    %dma_start3A_272 = tpu.memref_slice %arg8[%dma_start3A_270, %dma_start3A_271, %mul3A_2] : memref<27x32x16384xf32, #tpu.memory_space<hbm>> -> memref<1x32x512xf32, #tpu.memory_space<hbm>>
    %dma_start3A_273 = tpu.memref_squeeze %dma_start3A_272 : memref<1x32x512xf32, #tpu.memory_space<hbm>> -> memref<32x512xf32, #tpu.memory_space<hbm>>
    %dma_start3A_274 = arith.constant 0 : i32
    %dma_start3A_275 = tpu.memref_slice %arg8[%dma_start3A_270, %dma_start3A_274, %mul3A_2] : memref<27x32x16384xf32, #tpu.memory_space<hbm>> -> memref<1x32x512xf32, #tpu.memory_space<hbm>>
    %dma_start3A_276 = tpu.memref_squeeze %dma_start3A_275 : memref<1x32x512xf32, #tpu.memory_space<hbm>> -> memref<32x512xf32, #tpu.memory_space<hbm>>
    tpu.enqueue_dma source(%arg13 : memref<32x512xf32, #tpu.memory_space<vmem>>) target(%dma_start3A_276 : memref<32x512xf32, #tpu.memory_space<hbm>>) target_semaphore(%arg20 : memref<!tpu.dma_semaphore, #tpu.memory_space<semaphore_mem>>)
    %dma_wait3A_277 = arith.constant 23 : i32
    %dma_wait3A_278 = arith.constant 0 : i32
    %dma_wait3A_279 = tpu.memref_slice %arg8[%dma_wait3A_277, %dma_wait3A_278, %mul3A_2] : memref<27x32x16384xf32, #tpu.memory_space<hbm>> -> memref<1x32x512xf32, #tpu.memory_space<hbm>>
    %dma_wait3A_280 = tpu.memref_squeeze %dma_wait3A_279 : memref<1x32x512xf32, #tpu.memory_space<hbm>> -> memref<32x512xf32, #tpu.memory_space<hbm>>
    %dma_wait3A_281 = arith.constant 0 : i32
    %dma_wait3A_282 = tpu.memref_slice %arg8[%dma_wait3A_277, %dma_wait3A_281, %mul3A_2] : memref<27x32x16384xf32, #tpu.memory_space<hbm>> -> memref<1x32x512xf32, #tpu.memory_space<hbm>>
    %dma_wait3A_283 = tpu.memref_squeeze %dma_wait3A_282 : memref<1x32x512xf32, #tpu.memory_space<hbm>> -> memref<32x512xf32, #tpu.memory_space<hbm>>
    tpu.wait_dma2 semaphore(%arg20 : memref<!tpu.dma_semaphore, #tpu.memory_space<semaphore_mem>>) src(%arg13 : memref<32x512xf32, #tpu.memory_space<vmem>>) dst(%dma_wait3A_283 : memref<32x512xf32, #tpu.memory_space<hbm>>)
    %scan3A_284 = arith.constant 0 : i32
    %scan3A_285 = arith.constant 0 : i32
    %scan3A_286 = arith.constant 32 : i32
    %scan3A_287 = arith.addi %scan3A_285, %scan3A_286 : i32
    %scan3A_288 = arith.constant 1 : i32
    scf.for %scan3A_344 = %scan3A_285 to %scan3A_287 step %scan3A_288  : i32 {
      %dma_wait3A_345 = arith.constant 10 : i32
      %dma_wait3A_346 = arith.constant 10 : i32
      %dma_wait3A_347 = arith.constant 0 : i32
      %dma_wait3A_348 = tpu.memref_slice %arg14[%scan3A_344, %dma_wait3A_347] : memref<32x512xf32, #tpu.memory_space<vmem>> -> memref<1x512xf32, #tpu.memory_space<vmem>>
      %dma_wait3A_349 = tpu.memref_squeeze %dma_wait3A_348 : memref<1x512xf32, #tpu.memory_space<vmem>> -> memref<512xf32, #tpu.memory_space<vmem>>
      %dma_wait3A_350 = arith.constant 0 : i32
      %dma_wait3A_351 = tpu.memref_slice %arg9[%dma_wait3A_346, %dma_wait3A_350] : memref<13x512xi32, #tpu.memory_space<vmem>> -> memref<1x512xi32, #tpu.memory_space<vmem>>
      %dma_wait3A_352 = tpu.memref_squeeze %dma_wait3A_351 : memref<1x512xi32, #tpu.memory_space<vmem>> -> memref<512xi32, #tpu.memory_space<vmem>>
      %dma_wait3A_353 = arith.constant 0 : i32
      %dma_wait3A_354 = tpu.memref_slice %arg3[%dma_wait3A_345, %scan3A_344, %dma_wait3A_353] : memref<26x32x100000xf32, #tpu.memory_space<hbm>> -> memref<1x1x100000xf32, #tpu.memory_space<hbm>>
      %dma_wait3A_355 = tpu.memref_squeeze %dma_wait3A_354 : memref<1x1x100000xf32, #tpu.memory_space<hbm>> -> memref<100000xf32, #tpu.memory_space<hbm>>
      %dma_wait3A_356 = arith.constant 0 : i32
      %dma_wait3A_357 = tpu.memref_slice %dma_wait3A_355[%dma_wait3A_356] : memref<100000xf32, #tpu.memory_space<hbm>> -> memref<100000xf32, #tpu.memory_space<hbm>>
      tpu.wait_indirect_dma semaphore(%arg19 : memref<!tpu.dma_semaphore, #tpu.memory_space<semaphore_mem>>) src(%dma_wait3A_357 : memref<100000xf32, #tpu.memory_space<hbm>>) dst(%dma_wait3A_349 : memref<512xf32, #tpu.memory_space<vmem>>)
    }
    %scan3A_289 = arith.constant 32 : i32
    %dma_start3A_290 = arith.constant 24 : i32
    %dma_start3A_291 = arith.constant 0 : i32
    %dma_start3A_292 = tpu.memref_slice %arg8[%dma_start3A_290, %dma_start3A_291, %mul3A_2] : memref<27x32x16384xf32, #tpu.memory_space<hbm>> -> memref<1x32x512xf32, #tpu.memory_space<hbm>>
    %dma_start3A_293 = tpu.memref_squeeze %dma_start3A_292 : memref<1x32x512xf32, #tpu.memory_space<hbm>> -> memref<32x512xf32, #tpu.memory_space<hbm>>
    %dma_start3A_294 = arith.constant 0 : i32
    %dma_start3A_295 = tpu.memref_slice %arg8[%dma_start3A_290, %dma_start3A_294, %mul3A_2] : memref<27x32x16384xf32, #tpu.memory_space<hbm>> -> memref<1x32x512xf32, #tpu.memory_space<hbm>>
    %dma_start3A_296 = tpu.memref_squeeze %dma_start3A_295 : memref<1x32x512xf32, #tpu.memory_space<hbm>> -> memref<32x512xf32, #tpu.memory_space<hbm>>
    tpu.enqueue_dma source(%arg14 : memref<32x512xf32, #tpu.memory_space<vmem>>) target(%dma_start3A_296 : memref<32x512xf32, #tpu.memory_space<hbm>>) target_semaphore(%arg20 : memref<!tpu.dma_semaphore, #tpu.memory_space<semaphore_mem>>)
    %dma_wait3A_297 = arith.constant 24 : i32
    %dma_wait3A_298 = arith.constant 0 : i32
    %dma_wait3A_299 = tpu.memref_slice %arg8[%dma_wait3A_297, %dma_wait3A_298, %mul3A_2] : memref<27x32x16384xf32, #tpu.memory_space<hbm>> -> memref<1x32x512xf32, #tpu.memory_space<hbm>>
    %dma_wait3A_300 = tpu.memref_squeeze %dma_wait3A_299 : memref<1x32x512xf32, #tpu.memory_space<hbm>> -> memref<32x512xf32, #tpu.memory_space<hbm>>
    %dma_wait3A_301 = arith.constant 0 : i32
    %dma_wait3A_302 = tpu.memref_slice %arg8[%dma_wait3A_297, %dma_wait3A_301, %mul3A_2] : memref<27x32x16384xf32, #tpu.memory_space<hbm>> -> memref<1x32x512xf32, #tpu.memory_space<hbm>>
    %dma_wait3A_303 = tpu.memref_squeeze %dma_wait3A_302 : memref<1x32x512xf32, #tpu.memory_space<hbm>> -> memref<32x512xf32, #tpu.memory_space<hbm>>
    tpu.wait_dma2 semaphore(%arg20 : memref<!tpu.dma_semaphore, #tpu.memory_space<semaphore_mem>>) src(%arg14 : memref<32x512xf32, #tpu.memory_space<vmem>>) dst(%dma_wait3A_303 : memref<32x512xf32, #tpu.memory_space<hbm>>)
    %scan3A_304 = arith.constant 0 : i32
    %scan3A_305 = arith.constant 0 : i32
    %scan3A_306 = arith.constant 32 : i32
    %scan3A_307 = arith.addi %scan3A_305, %scan3A_306 : i32
    %scan3A_308 = arith.constant 1 : i32
    scf.for %scan3A_344 = %scan3A_305 to %scan3A_307 step %scan3A_308  : i32 {
      %dma_wait3A_345 = arith.constant 11 : i32
      %dma_wait3A_346 = arith.constant 11 : i32
      %dma_wait3A_347 = arith.constant 0 : i32
      %dma_wait3A_348 = tpu.memref_slice %arg15[%scan3A_344, %dma_wait3A_347] : memref<32x512xf32, #tpu.memory_space<vmem>> -> memref<1x512xf32, #tpu.memory_space<vmem>>
      %dma_wait3A_349 = tpu.memref_squeeze %dma_wait3A_348 : memref<1x512xf32, #tpu.memory_space<vmem>> -> memref<512xf32, #tpu.memory_space<vmem>>
      %dma_wait3A_350 = arith.constant 0 : i32
      %dma_wait3A_351 = tpu.memref_slice %arg9[%dma_wait3A_346, %dma_wait3A_350] : memref<13x512xi32, #tpu.memory_space<vmem>> -> memref<1x512xi32, #tpu.memory_space<vmem>>
      %dma_wait3A_352 = tpu.memref_squeeze %dma_wait3A_351 : memref<1x512xi32, #tpu.memory_space<vmem>> -> memref<512xi32, #tpu.memory_space<vmem>>
      %dma_wait3A_353 = arith.constant 0 : i32
      %dma_wait3A_354 = tpu.memref_slice %arg3[%dma_wait3A_345, %scan3A_344, %dma_wait3A_353] : memref<26x32x100000xf32, #tpu.memory_space<hbm>> -> memref<1x1x100000xf32, #tpu.memory_space<hbm>>
      %dma_wait3A_355 = tpu.memref_squeeze %dma_wait3A_354 : memref<1x1x100000xf32, #tpu.memory_space<hbm>> -> memref<100000xf32, #tpu.memory_space<hbm>>
      %dma_wait3A_356 = arith.constant 0 : i32
      %dma_wait3A_357 = tpu.memref_slice %dma_wait3A_355[%dma_wait3A_356] : memref<100000xf32, #tpu.memory_space<hbm>> -> memref<100000xf32, #tpu.memory_space<hbm>>
      tpu.wait_indirect_dma semaphore(%arg19 : memref<!tpu.dma_semaphore, #tpu.memory_space<semaphore_mem>>) src(%dma_wait3A_357 : memref<100000xf32, #tpu.memory_space<hbm>>) dst(%dma_wait3A_349 : memref<512xf32, #tpu.memory_space<vmem>>)
    }
    %scan3A_309 = arith.constant 32 : i32
    %dma_start3A_310 = arith.constant 25 : i32
    %dma_start3A_311 = arith.constant 0 : i32
    %dma_start3A_312 = tpu.memref_slice %arg8[%dma_start3A_310, %dma_start3A_311, %mul3A_2] : memref<27x32x16384xf32, #tpu.memory_space<hbm>> -> memref<1x32x512xf32, #tpu.memory_space<hbm>>
    %dma_start3A_313 = tpu.memref_squeeze %dma_start3A_312 : memref<1x32x512xf32, #tpu.memory_space<hbm>> -> memref<32x512xf32, #tpu.memory_space<hbm>>
    %dma_start3A_314 = arith.constant 0 : i32
    %dma_start3A_315 = tpu.memref_slice %arg8[%dma_start3A_310, %dma_start3A_314, %mul3A_2] : memref<27x32x16384xf32, #tpu.memory_space<hbm>> -> memref<1x32x512xf32, #tpu.memory_space<hbm>>
    %dma_start3A_316 = tpu.memref_squeeze %dma_start3A_315 : memref<1x32x512xf32, #tpu.memory_space<hbm>> -> memref<32x512xf32, #tpu.memory_space<hbm>>
    tpu.enqueue_dma source(%arg15 : memref<32x512xf32, #tpu.memory_space<vmem>>) target(%dma_start3A_316 : memref<32x512xf32, #tpu.memory_space<hbm>>) target_semaphore(%arg20 : memref<!tpu.dma_semaphore, #tpu.memory_space<semaphore_mem>>)
    %dma_wait3A_317 = arith.constant 25 : i32
    %dma_wait3A_318 = arith.constant 0 : i32
    %dma_wait3A_319 = tpu.memref_slice %arg8[%dma_wait3A_317, %dma_wait3A_318, %mul3A_2] : memref<27x32x16384xf32, #tpu.memory_space<hbm>> -> memref<1x32x512xf32, #tpu.memory_space<hbm>>
    %dma_wait3A_320 = tpu.memref_squeeze %dma_wait3A_319 : memref<1x32x512xf32, #tpu.memory_space<hbm>> -> memref<32x512xf32, #tpu.memory_space<hbm>>
    %dma_wait3A_321 = arith.constant 0 : i32
    %dma_wait3A_322 = tpu.memref_slice %arg8[%dma_wait3A_317, %dma_wait3A_321, %mul3A_2] : memref<27x32x16384xf32, #tpu.memory_space<hbm>> -> memref<1x32x512xf32, #tpu.memory_space<hbm>>
    %dma_wait3A_323 = tpu.memref_squeeze %dma_wait3A_322 : memref<1x32x512xf32, #tpu.memory_space<hbm>> -> memref<32x512xf32, #tpu.memory_space<hbm>>
    tpu.wait_dma2 semaphore(%arg20 : memref<!tpu.dma_semaphore, #tpu.memory_space<semaphore_mem>>) src(%arg15 : memref<32x512xf32, #tpu.memory_space<vmem>>) dst(%dma_wait3A_323 : memref<32x512xf32, #tpu.memory_space<hbm>>)
    %scan3A_324 = arith.constant 0 : i32
    %scan3A_325 = arith.constant 0 : i32
    %scan3A_326 = arith.constant 32 : i32
    %scan3A_327 = arith.addi %scan3A_325, %scan3A_326 : i32
    %scan3A_328 = arith.constant 1 : i32
    scf.for %scan3A_344 = %scan3A_325 to %scan3A_327 step %scan3A_328  : i32 {
      %dma_wait3A_345 = arith.constant 12 : i32
      %dma_wait3A_346 = arith.constant 12 : i32
      %dma_wait3A_347 = arith.constant 0 : i32
      %dma_wait3A_348 = tpu.memref_slice %arg12[%scan3A_344, %dma_wait3A_347] : memref<32x512xf32, #tpu.memory_space<vmem>> -> memref<1x512xf32, #tpu.memory_space<vmem>>
      %dma_wait3A_349 = tpu.memref_squeeze %dma_wait3A_348 : memref<1x512xf32, #tpu.memory_space<vmem>> -> memref<512xf32, #tpu.memory_space<vmem>>
      %dma_wait3A_350 = arith.constant 0 : i32
      %dma_wait3A_351 = tpu.memref_slice %arg9[%dma_wait3A_346, %dma_wait3A_350] : memref<13x512xi32, #tpu.memory_space<vmem>> -> memref<1x512xi32, #tpu.memory_space<vmem>>
      %dma_wait3A_352 = tpu.memref_squeeze %dma_wait3A_351 : memref<1x512xi32, #tpu.memory_space<vmem>> -> memref<512xi32, #tpu.memory_space<vmem>>
      %dma_wait3A_353 = arith.constant 0 : i32
      %dma_wait3A_354 = tpu.memref_slice %arg3[%dma_wait3A_345, %scan3A_344, %dma_wait3A_353] : memref<26x32x100000xf32, #tpu.memory_space<hbm>> -> memref<1x1x100000xf32, #tpu.memory_space<hbm>>
      %dma_wait3A_355 = tpu.memref_squeeze %dma_wait3A_354 : memref<1x1x100000xf32, #tpu.memory_space<hbm>> -> memref<100000xf32, #tpu.memory_space<hbm>>
      %dma_wait3A_356 = arith.constant 0 : i32
      %dma_wait3A_357 = tpu.memref_slice %dma_wait3A_355[%dma_wait3A_356] : memref<100000xf32, #tpu.memory_space<hbm>> -> memref<100000xf32, #tpu.memory_space<hbm>>
      tpu.wait_indirect_dma semaphore(%arg19 : memref<!tpu.dma_semaphore, #tpu.memory_space<semaphore_mem>>) src(%dma_wait3A_357 : memref<100000xf32, #tpu.memory_space<hbm>>) dst(%dma_wait3A_349 : memref<512xf32, #tpu.memory_space<vmem>>)
    }
    %scan3A_329 = arith.constant 32 : i32
    %dma_start3A_330 = arith.constant 26 : i32
    %dma_start3A_331 = arith.constant 0 : i32
    %dma_start3A_332 = tpu.memref_slice %arg8[%dma_start3A_330, %dma_start3A_331, %mul3A_2] : memref<27x32x16384xf32, #tpu.memory_space<hbm>> -> memref<1x32x512xf32, #tpu.memory_space<hbm>>
    %dma_start3A_333 = tpu.memref_squeeze %dma_start3A_332 : memref<1x32x512xf32, #tpu.memory_space<hbm>> -> memref<32x512xf32, #tpu.memory_space<hbm>>
    %dma_start3A_334 = arith.constant 0 : i32
    %dma_start3A_335 = tpu.memref_slice %arg8[%dma_start3A_330, %dma_start3A_334, %mul3A_2] : memref<27x32x16384xf32, #tpu.memory_space<hbm>> -> memref<1x32x512xf32, #tpu.memory_space<hbm>>
    %dma_start3A_336 = tpu.memref_squeeze %dma_start3A_335 : memref<1x32x512xf32, #tpu.memory_space<hbm>> -> memref<32x512xf32, #tpu.memory_space<hbm>>
    tpu.enqueue_dma source(%arg12 : memref<32x512xf32, #tpu.memory_space<vmem>>) target(%dma_start3A_336 : memref<32x512xf32, #tpu.memory_space<hbm>>) target_semaphore(%arg20 : memref<!tpu.dma_semaphore, #tpu.memory_space<semaphore_mem>>)
    %dma_wait3A_337 = arith.constant 26 : i32
    %dma_wait3A_338 = arith.constant 0 : i32
    %dma_wait3A_339 = tpu.memref_slice %arg8[%dma_wait3A_337, %dma_wait3A_338, %mul3A_2] : memref<27x32x16384xf32, #tpu.memory_space<hbm>> -> memref<1x32x512xf32, #tpu.memory_space<hbm>>
    %dma_wait3A_340 = tpu.memref_squeeze %dma_wait3A_339 : memref<1x32x512xf32, #tpu.memory_space<hbm>> -> memref<32x512xf32, #tpu.memory_space<hbm>>
    %dma_wait3A_341 = arith.constant 0 : i32
    %dma_wait3A_342 = tpu.memref_slice %arg8[%dma_wait3A_337, %dma_wait3A_341, %mul3A_2] : memref<27x32x16384xf32, #tpu.memory_space<hbm>> -> memref<1x32x512xf32, #tpu.memory_space<hbm>>
    %dma_wait3A_343 = tpu.memref_squeeze %dma_wait3A_342 : memref<1x32x512xf32, #tpu.memory_space<hbm>> -> memref<32x512xf32, #tpu.memory_space<hbm>>
    tpu.wait_dma2 semaphore(%arg20 : memref<!tpu.dma_semaphore, #tpu.memory_space<semaphore_mem>>) src(%arg12 : memref<32x512xf32, #tpu.memory_space<vmem>>) dst(%dma_wait3A_343 : memref<32x512xf32, #tpu.memory_space<hbm>>)
    return
  }
}

</mosaic_0001>

<sc_bundles>
// kernel: kernel.4.cloned.1.call-start
scs
__scs_entry_jumppad:
0x0: {  	(pc) =	sbr.rel $0x88, $3  }
0x1: {  	(tag) =	ssettag $0x0;
	lr =	simm.s32 $0x1  }
0x2: {  	[smem:$0x3F9B] =	sst lr;
	_ =	strace $0xD0000000  }
0x3: {  	_ = 	snop  }
0x4: {  	_ = 	snop  }
0x5: {  	_ = 	snop  }
0x6: {  	_ = 	snop  }
0x7: {  	_ = 	snop  }
__scs_overlays_trampoline_lowered:
0x8: {  	[smem:$0x3FAA] =	sst s0  }
0x9: {  	[smem:$0x3FAB] =	sst s1  }
0xa: {  	[smem:$0x3FAC] =	sst s2  }
0xb: {  	[smem:$0x3FAD] =	sst s3  }
0xc: {  	[smem:$0x3FAE] =	sst s4  }
0xd: {  	[smem:$0x3FAF] =	sst s5  }
0xe: {  	[smem:$0x3FB0] =	sst s6  }
0xf: {  	[smem:$0x3FB1] =	sst s7  }
0x10: {  	[smem:$0x3FB2] =	sst s8  }
0x11: {  	[smem:$0x3FB3] =	sst s9;
	s0 =	simm.s32 @!p0 $0x0  }
0x12: {  	s1 =	sld [smem:$0x3F99];
	s0 =	simm.s32 @p0 $0x1  }
0x13: {  	[smem:$0x3FB4] =	sst s0;
	s0 =	simm.s32 @!p1 $0x0  }
0x14: {  	s2 =	sld [smem:$0x3F98];
	s0 =	simm.s32 @p1 $0x1  }
0x15: {  	[smem:$0x3FB5] =	sst s0;
	s0 =	simm.s32 @!p2 $0x0  }
0x16: {  	s3 =	sld [smem:$0x3FDB];
	s0 =	simm.s32 @p2 $0x1  }
0x17: {  	s4 =	simm.s32 $0x1BF5;
	[smem:$0x3FB7] =	sst s0  }
0x18: {  	s0 =	sld [smem:$0x3F9A];
	_ =	swait.ge [sflag:s4], $0x0  }
0x19: {  	s7 =	sld [smem:$0x3F9B]  }
0x1a: {  	s8 =	sadd.s32 $0xFFFFE003, lr  }
0x1b: {  	s9 =	sadd.s32 $0xFFFFFEF7, lr;
	s5 =	simm.s32 $0xFFFFFFFF;
	p2 =	slt.u32 s8, $0xFFFFF086  }
0x1c: {  	p1 =	slt.u32 s9, $0xF7A;
	s5 =	simm.s32 @!p2 $0x0  }
0x1d: {  	s5 =	simm.s32 @p1 $0x1;
	p0 =	seq.s32 s7, s2  }
0x1e: {  	s7 =	smul.u32 @!p0 $0xF7A, s2;
	p2 =	seq.s32 @!p0 s5, $0x0  }
0x1f: {  	s9 =	smul.u32 $0xF7A, s1;
	s8 =	simm.s32 @!p0 $0x1BF5;
	p2 =	por !p2, p0  }
0x20: {  	[sflag:s8] =	ssyncset.s32 @!p0 $0xFFFFF086;
	s6 =	sadd.s32 @!p0 s3, s7;
	s7 =	simm.s32 @!p0 $0x108  }
0x21: {  	s3 =	sadd.s32 s3, s9;
	s6 =	sadd.s32 @!p0 $0x88, s6;
	s7 =	simm.s32 @p2 $0x1082  }
0x22: {  	[simem:s7], [sflag:s8] =	dma.local @!p0 [hbm:s6], $0xF7A  }
0x23: {  	s9 =	sor.u32 $0xD0000000, s2;
	s6 =	simm.s32 $0x108;
	_ =	swait.ge @!p0 [sflag:s8], $0x0  }
0x24: {  	s3 =	sadd.s32 $0x88, s3;
	s6 =	simm.s32 @!p1 $0x1082;
	[sflag:s4] =	ssyncset.s32 $0xFFFFF086  }
0x25: {  	[simem:s6], [sflag:s4] =	dma.local [hbm:s3], $0xF7A  }
0x26: {  	[smem:$0x3F9B] =	sst s1;
	(tag) =	ssettag s2;
	_ =	strace s9  }
0x27: {  	s1 =	sld [smem:$0x3FAB]  }
0x28: {  	s2 =	sld [smem:$0x3FAC]  }
0x29: {  	s4 =	sld [smem:$0x3FAE]  }
0x2a: {  	p0 =	seq.s32 s5, $0x0;
	s5 =	sld [smem:$0x3FAF]  }
0x2b: {  	s6 =	sld [smem:$0x3FB0]  }
0x2c: {  	s7 =	sld [smem:$0x3FB1]  }
0x2d: {  	s3 =	simm.s32 $0x108;
	s8 =	sld [smem:$0x3FB2]  }
0x2e: {  	s3 =	simm.s32 @!p0 $0x1082;
	s9 =	sld [smem:$0x3FB3]  }
0x2f: {  	lr =	sadd.s32 s0, s3;
	s0 =	sld [smem:$0x3FAA]  }
0x30: {  	s3 =	sld [smem:$0x3FAD]  }
0x31: {  	[smem:$0x3FB6] =	sst s10  }
0x32: {  	s10 =	sld [smem:$0x3FB4];
	_ =	sdelay $0x3  }
0x33: {  	p0 =	seq.s32 s10, $0x1;
	s10 =	sld [smem:$0x3FB6];
	_ =	sdelay $0x3  }
0x34: {  	[smem:$0x3FB6] =	sst s10  }
0x35: {  	s10 =	sld [smem:$0x3FB5];
	_ =	sdelay $0x3  }
0x36: {  	p1 =	seq.s32 s10, $0x1;
	s10 =	sld [smem:$0x3FB6];
	_ =	sdelay $0x3  }
0x37: {  	[smem:$0x3FB6] =	sst s10  }
0x38: {  	s10 =	sld [smem:$0x3FB7]  }
0x39: {  	_ = 	snop;
	(pc) =	sbr.ind lr, $3  }
0x3a: {  	_ = 	snop  }
0x3b: {  	_ = 	snop  }
0x3c: {  	p2 =	seq.s32 s10, $0x1;
	s10 =	sld [smem:$0x3FB6]  }
0x3d: {  	_ =	shalt  }
0x3e: {  	_ =	shalt  }
0x3f: {  	_ =	shalt  }
0x40: {  	_ =	shalt  }
0x41: {  	_ =	shalt  }
0x42: {  	_ =	shalt  }
0x43: {  	_ =	shalt  }
0x44: {  	_ =	shalt  }
0x45: {  	_ =	shalt  }
0x46: {  	_ =	shalt  }
0x47: {  	_ =	shalt  }
0x48: {  	_ =	shalt  }
0x49: {  	_ =	shalt  }
0x4a: {  	_ =	shalt  }
0x4b: {  	_ =	shalt  }
0x4c: {  	_ =	shalt  }
0x4d: {  	_ =	shalt  }
0x4e: {  	_ =	shalt  }
0x4f: {  	_ =	shalt  }
0x50: {  	_ =	shalt  }
0x51: {  	_ =	shalt  }
0x52: {  	_ =	shalt  }
0x53: {  	_ =	shalt  }
0x54: {  	_ =	shalt  }
0x55: {  	_ =	shalt  }
0x56: {  	_ =	shalt  }
0x57: {  	_ =	shalt  }
0x58: {  	_ =	shalt  }
0x59: {  	_ =	shalt  }
0x5a: {  	_ =	shalt  }
0x5b: {  	_ =	shalt  }
0x5c: {  	_ =	shalt  }
0x5d: {  	_ =	shalt  }
0x5e: {  	_ =	shalt  }
0x5f: {  	_ =	shalt  }
0x60: {  	_ =	shalt  }
0x61: {  	_ =	shalt  }
0x62: {  	_ =	shalt  }
0x63: {  	_ =	shalt  }
0x64: {  	_ =	shalt  }
0x65: {  	_ =	shalt  }
0x66: {  	_ =	shalt  }
0x67: {  	_ =	shalt  }
0x68: {  	_ =	shalt  }
0x69: {  	_ =	shalt  }
0x6a: {  	_ =	shalt  }
0x6b: {  	_ =	shalt  }
0x6c: {  	_ =	shalt  }
0x6d: {  	_ =	shalt  }
0x6e: {  	_ =	shalt  }
0x6f: {  	_ =	shalt  }
0x70: {  	_ =	shalt  }
0x71: {  	_ =	shalt  }
0x72: {  	_ =	shalt  }
0x73: {  	_ =	shalt  }
0x74: {  	_ =	shalt  }
0x75: {  	_ =	shalt  }
0x76: {  	_ =	shalt  }
0x77: {  	_ =	shalt  }
0x78: {  	_ =	shalt  }
0x79: {  	_ =	shalt  }
0x7a: {  	_ =	shalt  }
0x7b: {  	_ =	shalt  }
0x7c: {  	_ =	shalt  }
0x7d: {  	_ =	shalt  }
0x7e: {  	_ =	shalt  }
0x7f: {  	_ =	shalt  }
0x80: {  	_ =	shalt  }
0x81: {  	_ =	shalt  }
0x82: {  	_ =	shalt  }
0x83: {  	_ =	shalt  }
0x84: {  	_ =	shalt  }
0x85: {  	_ =	shalt  }
0x86: {  	_ =	shalt  }
0x87: {  	_ =	shalt  }
.Lfunc_end0:
.L_simem_size_0:
called_computation_lowered:
.L_overlay_start_0:
0x88: {  	s2 =	sld [smem:$0x3FD9]  }
0x89: {  	s3 =	sld [smem:$0x3FFE];
	_ =	sdelay $0x1  }
0x8a: {  	s1 =	srdreg.scid  }
0x8b: {  	s0 =	sand.u32 $0x1, s1  }
0x8c: {  	s17 =	sshll.u32 s0, $0xA;
	s2 =	sadd.s32 s3, s2  }
0x8d: {  	s2 =	sadd.s32 s2, s17  }
0x8e: {  	[smem:$0x3FC2] =	sst s2  }
0x8f: {  	_ = 	snop  }
0x90: {  	s18 =	sld [smem:$0x3FC4]  }
0x91: {  	s4 =	sld [smem:$0x3FD0];
	(tm) =	ssettm $0x1  }
0x92: {  	s19 =	sld [smem:$0x3FFB];
	_ =	sdelay $0x3  }
0x93: {  	_ =	strace s19  }
0x94: {  	s2 =	sld [smem:$0x3FFC];
	_ =	sdelay $0x3  }
0x95: {  	_ =	strace s2  }
0x96: {  	s2 =	sld [smem:$0x3FFD];
	_ =	sdelay $0x3  }
0x97: {  	_ =	strace s2  }
0x98: {  	_ =	strace $0x8FFFFFFF  }
0x99: {  	s20 =	sld [smem:$0x3FDB];
	_ =	sdelay $0x1  }
0x9a: {  	s5 =	simm.s32 $_scs_section_size  }
0x9b: {  	s6 =	simm.s32 $_size__tile_overlayer_lowered;
	s7 =	simm.s32 $_tile_overlayer_lowered  }
0x9c: {  	s8 =	simm.s32 $0x1BFF;
	s21 =	sshll.u32 s7, $0x1;
	s5 =	sadd.s32 s5, s20  }
0x9d: {  	s22 =	simm.s32 $0x0;
	s6 =	sshll.u32 s6, $0x1;
	s7 =	sadd.s32 s21, s5  }
0x9e: {  	[timem:s22], [sflag:s8] =	dma.local [hbm:s7], s6  }
0x9f: {  	_ =	swait.ge [sflag:s8], s6  }
0xa0: {  	s6 =	ssub.s32 $0x0, s6;
	[sflag:s8] =	ssyncset.done $0x0  }
0xa1: {  	[sflag:s8] =	ssyncadd.s32 s6;
	_ =	sdelay $0x1  }
0xa2: {  	s23 =	simm.s32 $0x1B8B  }
0xa3: {  	_ =	swait.ge [sflag:s23], $0x1  }
0xa4: {  	[sflag:s23] =	ssyncset.done $0x0  }
0xa5: {  	[sflag:s23] =	ssyncadd.s32 $0xFFFFFFFF  }
0xa6: {  	s6 =	sld [smem:$0x0]  }
0xa7: {  	s7 =	sand.u32 $0xFFFFFFFE, s1  }
0xa8: {  	p0 =	sne.s32 s1, s7  }
0xa9: {  	s7 =	sshll.u32 @p0 s7, $0xE  }
0xaa: {  	s7 =	sadd.s32 @p0 $0x11B8D, s7;
	s8 =	sshll.u32 @p0 s6, $0x11  }
0xab: {  	s7 =	sor.u32 @p0 s8, s7  }
0xac: {  	[sflag:s7] =	ssyncadd.remote.s32 @p0 $0x1;
	_ =	sdelay $0x1  }
0xad: {  	s7 =	simm.s32 @p0 $0x1B8D  }
0xae: {  	_ =	swait.eq @p0 [sflag:s7], $0x1  }
0xaf: {  	[sflag:s7] =	ssyncadd.s32 @p0 $0xFFFFFFFF  }
0xb0: {  	s8 =	sshll.u32 @!p0 s1, $0xE  }
0xb1: {  	s8 =	sor.u32 @!p0 $0x4000, s8;
	s7 =	simm.s32 @!p0 $0x1B8D  }
0xb2: {  	s6 =	sshll.u32 @!p0 s6, $0x11;
	s8 =	sadd.s32 @!p0 $0x11B8D, s8;
	_ =	swait.eq @!p0 [sflag:s7], $0x1  }
0xb3: {  	s6 =	sor.u32 @!p0 s6, s8;
	[sflag:s7] =	ssyncadd.s32 @!p0 $0xFFFFFFFF  }
0xb4: {  	s25 =	simm.s32 $0x1B8E;
	s24 =	sld [smem:$0x3FFE];
	[sflag:s6] =	ssyncadd.remote.s32 @!p0 $0x1  }
0xb5: {  	s26 =	simm.s32 $execute0_lowered;
	[smem:$0x3FD2] =	sst s25  }
0xb6: {  	s7 =	sshll.u32 s26, $0x1;
	_ =	strace $0x80000049;
	[dreg:$0x1] =	wrdreg $0xFFFFFFFF  }
0xb7: {  	s28 =	simm.s32 $_size_execute0_lowered;
	s5 =	sadd.s32 s5, s7;
	[dreg:$0x0] =	wrdreg $0x0  }
0xb8: {  	s7 =	sshll.u32 s28, $0x1;
	[dreg:$0x2] =	wrdreg s5  }
0xb9: {  	[dreg:$0x3] =	wrdreg s7  }
0xba: {  	[dreg:$0x4] =	wrdreg $0xC0  }
0xbb: {  	_ =	task [dreg:s22], $0x5FFFF  }
0xbc: {  	[dreg:$0x1] =	wrdreg $0xFFFFFFFF  }
0xbd: {  	[dreg:$0x0] =	wrdreg $0x60  }
0xbe: {  	[dreg:$0x2] =	wrdreg s24  }
0xbf: {  	[dreg:$0x3] =	wrdreg s18  }
0xc0: {  	[dreg:$0x4] =	wrdreg s4  }
0xc1: {  	[dreg:$0x5] =	wrdreg $0x9  }
0xc2: {  	_ =	task.clear_ibuf [dreg:s22], $0x6FFFF;
	_ =	strace $0x90000049  }
0xc3: {  	s29 =	simm.s32 $0x9;
	_ =	strace $0x8000004B  }
0xc4: {  	_ =	swait.ge [sflag:s29], $0x1  }
0xc5: {  	[sflag:s29] =	ssyncadd.s32 $0xFFFFFFFF  }
0xc6: {  	_ =	strace $0x9000004B  }
0xc7: {  	_ =	sfence  }
0xc8: {  	s30 =	sld [smem:$0x0];
	_ =	sdelay $0x2  }
0xc9: {  	s31 =	sshll.u32 s1, $0xD;
	s1 =	sshrl.u32 s1, $0x2  }
0xca: {  	s4 =	sand.u32 $0x4000, s31;
	s1 =	sadd.s32 s1, s30  }
0xcb: {  	s0 =	sor.u32 s4, s0;
	s1 =	sshll.u32 s1, $0x11  }
0xcc: {  	s0 =	sor.u32 s1, s0  }
0xcd: {  	s0 =	sadd.s32 $0x8F2B, s0  }
0xce: {  	[sflag:s0] =	ssyncadd.remote.s32 $0x1  }
0xcf: {  	_ =	sfence.sel $0xFFFF  }
0xd0: {  	[dreg:$0x0] =	wrdreg $0xFFFFFFFF;
	(pc) =	sbr.abs _section_cstart, $3  }
0xd1: {  	[dreg:$0x1] =	wrdreg $0xFFFFFFFF  }
0xd2: {  	_ =	task.clear_ibuf [dreg:s22], $0x2FFFF;
	_ =	strace $0x9FFFFFFF  }
0xd3: {  	(tm) =	ssettm $0x7FFFFFFF  }
tec
execute0_lowered:
.L_overlay_start_1:
0x0: {  	(tag) =	ssettag $0x1  }
0x1: {  	s0 =	rddreg [dreg:$0x0]  }
0x2: {  	s4 =	rddreg [dreg:$0x2];
	s5 =	simm.s32 $0x0  }
0x3: {  	[smem:$0x7FF] =	sst s5;
	s22 =	sadd.s32 $0xDE00, s0  }
0x4: {  	s6 =	sadd.s32 $0xAC9000, s0;
	_ =	strace $0x8000004A;
	[dreg:$0x4] =	wrdreg s22  }
0x5: {  	s25 =	sadd.s32 $0xAC9200, s0;
	[dreg:$0x5] =	wrdreg s6  }
0x6: {  	s16 =	sadd.s32 $0x6F880, s0;
	[dreg:$0x6] =	wrdreg s25  }
0x7: {  	s17 =	sadd.s32 $0xD1300, s0;
	[dreg:$0x16] =	wrdreg s16  }
0x8: {  	s1 =	srdreg.scid;
	s18 =	sadd.s32 $0x132D80, s0;
	[dreg:$0x17] =	wrdreg s17  }
0x9: {  	s2 =	stileid.u32;
	s19 =	sadd.s32 $0x194800, s0;
	[dreg:$0x18] =	wrdreg s18  }
0xa: {  	s1 =	sand.u32 $0x1, s1;
	s20 =	sadd.s32 $0x1F6280, s0;
	[dreg:$0x19] =	wrdreg s19  }
0xb: {  	s2 =	sshll.u32 s2, $0xA;
	s21 =	sadd.s32 $0x257D00, s0;
	[dreg:$0x1a] =	wrdreg s20  }
0xc: {  	s3 =	sshll.u32 s1, $0x9;
	s1 =	ssub.s32 $0x2, s1;
	[dreg:$0x1b] =	wrdreg s21  }
0xd: {  	s25 =	sadd.s32 $0x37CC80, s0;
	s5 =	sor.u32 s3, s2;
	s22 =	sshrl.u32 s1, $0x1  }
0xe: {  	[dreg:$0x1e] =	wrdreg s25;
	s23 =	sshrl.u32 s5, $0x3;
	s1 =	ssub.s32 s1, s22  }
0xf: {  	s24 =	sadd.s32 s23, s0;
	s2 =	sadd.s32 s23, s4;
	s23 =	sadd.s32 $0x2B9780, s0  }
0x10: {  	s1 =	smax.u32 s1, $0x1;
	[dreg:$0x1c] =	wrdreg s23  }
0x11: {  	s26 =	sadd.s32 $0xE00, s24;
	[smem:$0x7FB] =	sst s1  }
0x12: {  	s3 =	sadd.s32 $0xAC9400, s24;
	[dreg:$0x7] =	wrdreg s26  }
0x13: {  	s28 =	simm.s32 $0x1600;
	s30 =	sadd.s32 $0xE0000, s2;
	[dreg:$0x8] =	wrdreg s3  }
0x14: {  	s29 =	simm.s32 $0x1800;
	s4 =	sadd.s32 $0xF0000, s2;
	[dreg:$0x9] =	wrdreg s30  }
0x15: {  	s31 =	simm.s32 $0x0;
	s6 =	sadd.s32 $0x100000, s2;
	[dreg:$0xa] =	wrdreg s4  }
0x16: {  	s16 =	simm.s32 $0x400;
	s7 =	sadd.s32 $0x110000, s2;
	[dreg:$0xb] =	wrdreg s6  }
0x17: {  	s18 =	simm.s32 $0x3400;
	s8 =	sadd.s32 $0x120000, s2;
	[dreg:$0xc] =	wrdreg s7  }
0x18: {  	s19 =	simm.s32 $0x600;
	s9 =	sadd.s32 $0x130000, s2;
	[dreg:$0xd] =	wrdreg s8  }
0x19: {  	s20 =	simm.s32 $0x1;
	s10 =	sadd.s32 $0x140000, s2;
	[dreg:$0xe] =	wrdreg s9  }
0x1a: {  	s21 =	simm.s32 $0xE00;
	s11 =	sadd.s32 $0x150000, s2;
	[dreg:$0xf] =	wrdreg s10  }
0x1b: {  	s25 =	simm.s32 $0x1200;
	s12 =	sadd.s32 $0x160000, s2;
	[dreg:$0x10] =	wrdreg s11  }
0x1c: {  	s22 =	simm.s32 $0x2;
	s13 =	sadd.s32 $0x170000, s2;
	[dreg:$0x11] =	wrdreg s12  }
0x1d: {  	s14 =	sadd.s32 $0x180000, s2;
	s15 =	sadd.s32 $0x190000, s2;
	[dreg:$0x12] =	wrdreg s13  }
0x1e: {  	s2 =	sadd.s32 $0x1A0000, s2;
	s24 =	sadd.s32 $0x31B200, s0;
	[dreg:$0x13] =	wrdreg s14  }
0x1f: {  	s23 =	simm.s32 $0x800;
	s1 =	simm.s32 $0x0;
	[dreg:$0x14] =	wrdreg s15  }
0x20: {  	[dreg:$0x15] =	wrdreg s2;
	s26 =	sadd.s32 $0x3DE700, s0;
	s30 =	sadd.s32 $0x440180, s0  }
0x21: {  	[dreg:$0x1d] =	wrdreg s24;
	s0 =	sadd.s32 $0x4A1C00, s0;
	s10 =	simm.s32 $0x1A400  }
0x22: {  	s11 =	simm.s32 $0x3;
	s12 =	simm.s32 $0x1A5A0;
	s13 =	simm.s32 $0x1A740  }
0x23: {  	s14 =	simm.s32 $0x200;
	s15 =	simm.s32 $0x4000;
	[dreg:$0x1f] =	wrdreg s26  }
0x24: {  	s7 =	simm.s32 $0xA00;
	s6 =	simm.s32 $0xC00;
	[smem:$0x7FC] =	sst s30  }
0x25: {  	s24 =	simm.s32 $0x1000;
	[smem:$0x7FD] =	sst s0;
	s26 =	simm.s32 $0x1400  }
.LBB2_1:
0x26: {  	[smem:$0x7FA] =	sst s1  }
0x27: {  	s1 =	simm.s32 $0x0;
	s0 =	rddreg [dreg:$0x5]  }
0x28: {  	[tilespmem:s10], [sflag:$0x3] =	stream.linear.gather [hbm4b:s0+s1], $0x1A0, $0x38;
	[tilespmem:$0x1A760] =	vst v63  }
0x29: {  	_ =	swait.ge [sflag:s11], $0x1A0  }
0x2a: {  	[sflag:s11] =	ssyncset.done $0x0  }
0x2b: {  	s3 =	rddreg [dreg:$0x6];
	[sflag:s11] =	ssyncadd.s32 $0xFFFFFE60  }
0x2c: {  	[tilespmem:s12], [sflag:$0x3] =	stream.linear.gather [hbm4b:s3+s1], $0x1A0, $0x38;
	[tilespmem:$0x1A760] =	vst v63  }
0x2d: {  	_ =	swait.ge [sflag:s11], $0x1A0  }
0x2e: {  	[sflag:s11] =	ssyncset.done $0x0  }
0x2f: {  	[sflag:s11] =	ssyncadd.s32 $0xFFFFFE60  }
0x30: {  	s4 =	rddreg [dreg:$0x1]  }
0x31: {  	[tilespmem:s13], [sflag:$0x3] =	stream.linear.gather [hbm4b:s4+s1], $0x20, $0x38;
	[tilespmem:$0x1A760] =	vst v63  }
0x32: {  	_ =	swait.ge [sflag:s11], $0x20  }
0x33: {  	[sflag:s11] =	ssyncset.done $0x0  }
0x34: {  	s8 =	rddreg [dreg:$0x7];
	[sflag:s11] =	ssyncadd.s32 $0xFFFFFFE0  }
0x35: {  	[tilespmem:s1], [sflag:$0x3] =	stream.strided.gather [hbm4b:s8+s14], $0x1A00, s15, s14, $0x38;
	[tilespmem:$0x1A760] =	vst v63  }
0x36: {  	_ =	swait.ge [sflag:s11], $0x1A00  }
0x37: {  	[sflag:s11] =	ssyncset.done $0x0  }
0x38: {  	s2 =	simm.s32 $0x1A00;
	s9 =	rddreg [dreg:$0x8];
	[sflag:s11] =	ssyncadd.s32 $0xFFFFE600  }
0x39: {  	[tilespmem:s2], [sflag:$0x3] =	stream.strided.gather [hbm4b:s9+s14], $0x1A00, s15, s14, $0x38;
	[tilespmem:$0x1A760] =	vst v63  }
0x3a: {  	_ =	swait.ge [sflag:s11], $0x1A00  }
0x3b: {  	[sflag:s11] =	ssyncset.done $0x0  }
0x3c: {  	s17 =	simm.s32 $0xA400;
	s30 =	rddreg [dreg:$0x4];
	[sflag:s11] =	ssyncadd.s32 $0xFFFFE600  }
0x3d: {  	[tilespmem:s17], [sflag:$0x1] =	stream.indirect.gather [hbm4b:s30+s14], $0x1, s1, s14, $0xb8;
	[tilespmem:$0x1A760] =	vst v63  }
0x3e: {  	s0 =	simm.s32 $0x800;
	s1 =	smov.u32 s30  }
.LBB2_2:
0x3f: {  	p0 =	sne.s32 s0, $0xF800  }
.Ltmp0:
0x40: {  	_ = 	snop;
	(pc) =	sbr.rel @p0 .LBB2_2-.Ltmp0, $4  }
0x41: {  	_ = 	snop  }
0x42: {  	s2 =	sshra.s32 s0, $0x2;
	s0 =	sadd.s32 $0x800, s0  }
0x43: {  	s3 =	simm.s32 $0x0;
	s1 =	sadd.s32 $0x30D4, s1;
	s2 =	sadd.s32 $0xA400, s2  }
0x44: {  	[tilespmem:s2], [sflag:$0x1] =	stream.indirect.gather [hbm4b:s1+s14], $0x1, s3, s14, $0xb8;
	[tilespmem:$0x1A760] =	vst v63  }
0x45: {  	s0 =	simm.s32 $0xE400;
	s1 =	rddreg [dreg:$0x16]  }
0x46: {  	[tilespmem:s0], [sflag:$0x1] =	stream.indirect.gather [hbm4b:s1+s14], $0x1, s14, s14, $0xb8;
	[tilespmem:$0x1A760] =	vst v63  }
0x47: {  	s0 =	simm.s32 $0x800  }
.LBB2_4:
0x48: {  	p0 =	sne.s32 s0, $0xF800  }
.Ltmp1:
0x49: {  	_ = 	snop;
	(pc) =	sbr.rel @p0 .LBB2_4-.Ltmp1, $4  }
0x4a: {  	_ = 	snop  }
0x4b: {  	s2 =	sshra.s32 s0, $0x2;
	s0 =	sadd.s32 $0x800, s0  }
0x4c: {  	s1 =	sadd.s32 $0x30D4, s1;
	s2 =	sadd.s32 $0xE400, s2  }
0x4d: {  	[tilespmem:s2], [sflag:$0x1] =	stream.indirect.gather [hbm4b:s1+s14], $0x1, s14, s14, $0xb8;
	[tilespmem:$0x1A760] =	vst v63  }
0x4e: {  	s0 =	simm.s32 $0x12400;
	s1 =	rddreg [dreg:$0x17]  }
0x4f: {  	[tilespmem:s0], [sflag:$0x1] =	stream.indirect.gather [hbm4b:s1+s14], $0x1, s16, s14, $0xb8;
	[tilespmem:$0x1A760] =	vst v63  }
0x50: {  	s0 =	simm.s32 $0x800  }
.LBB2_6:
0x51: {  	p0 =	sne.s32 s0, $0xF800  }
.Ltmp2:
0x52: {  	_ = 	snop;
	(pc) =	sbr.rel @p0 .LBB2_6-.Ltmp2, $4  }
0x53: {  	_ = 	snop  }
0x54: {  	s2 =	sshra.s32 s0, $0x2;
	s0 =	sadd.s32 $0x800, s0  }
0x55: {  	s1 =	sadd.s32 $0x30D4, s1;
	s2 =	sadd.s32 $0x12400, s2  }
0x56: {  	[tilespmem:s2], [sflag:$0x1] =	stream.indirect.gather [hbm4b:s1+s14], $0x1, s16, s14, $0xb8;
	[tilespmem:$0x1A760] =	vst v63  }
0x57: {  	s0 =	simm.s32 $0x0  }
.LBB2_8:
0x58: {  	v0 =	vmov s31;
	_ =	sdelay $0x4  }
0x59: {  	v0 =	vld.idx.msk [tilespmem:v0+s13+$0x0], $0xffff;
	_ =	sdelay $0x2  }
0x5a: {  	s2 =	simm.s32 $0x1  }
0x5b: {  	s1 =	simm.s32 $0x3420;
	v1 =	vmov s2;
	s2 =	simm.s32 $0x2  }
.LBB2_9:
0x5c: {  	p0 =	seq.s32 s2, $0x1F;
	[tilespmem:s1+$0xFFFFFFE0] =	vst v0  }
0x5d: {  	[tilespmem:s1+$0xFFFFFFF0] =	vst v0  }
0x5e: {  	[tilespmem:s1+$0x0] =	vst v0  }
0x5f: {  	[tilespmem:s1+$0x10] =	vst v0  }
0x60: {  	v0 =	vld.idx.msk [tilespmem:v1+s13+$0x0], $0xffff  }
.Ltmp3:
0x61: {  	(pc) =	sbr.rel @!p0 .LBB2_9-.Ltmp3, $2  }
0x62: {  	_ =	sdelay $0x2  }
0x63: {  	s1 =	sadd.s32 $0x40, s1;
	v1 =	vmov s2;
	s2 =	sadd.s32 $0x1, s2  }
0x64: {  	[tilespmem:s1+$0xFFFFFFE0] =	vst v0  }
0x65: {  	[tilespmem:s1+$0xFFFFFFF0] =	vst v0  }
0x66: {  	[tilespmem:s1+$0x0] =	vst v0  }
0x67: {  	[tilespmem:s1+$0x10] =	vst v0  }
0x68: {  	v0 =	vld.idx.msk [tilespmem:v1+s13+$0x0], $0xffff;
	_ =	sdelay $0x3  }
0x69: {  	s30 =	sadd.s32 $0x40, s1  }
0x6a: {  	[tilespmem:s30+$0xFFFFFFE0] =	vst v0  }
0x6b: {  	[tilespmem:s30+$0xFFFFFFF0] =	vst v0  }
0x6c: {  	s1 =	sshll.u32 s0, $0x6;
	s8 =	simm.s32 $0x0;
	[tilespmem:s30+$0x0] =	vst v0  }
0x6d: {  	s3 =	simm.s32 $0x3C30;
	s4 =	simm.s32 $0x0;
	s2 =	sadd.s32 $0x1A00, s1;
	[tilespmem:s30+$0x10] =	vst v0  }
.LBB2_11:
0x6e: {  	s9 =	sshll.u32 s4, $0x5;
	v1 =	vmov s8  }
0x6f: {  	v0 =	vmov s9;
	v1 =	vand.u32 $0x1F, v1  }
0x70: {  	v1 =	vor.u32 v0, v1  }
0x71: {  	v2 =	vbroadcast v1, $0x0;
	_ =	sdelay $0x1  }
0x72: {  	s17 =	sshll.u32 s4, $0x9  }
0x73: {  	s9 =	sand.u32 $0x3FFFFE00, s17  }
0x74: {  	s30 =	sadd.s32 s9, s2  }
0x75: {  	v3 =	vld [tilespmem:s30+$0x0]  }
0x76: {  	v1 =	vld.idx.msk [tilespmem:v2+s10+$0x0], $0xffff;
	_ =	sdelay $0x1  }
0x77: {  	v2 =	vld.idx.msk [tilespmem:v2+s12+$0x0], $0xffff;
	_ =	sdelay $0x2  }
0x78: {  	v3 =	vmul.f32 v3, v1;
	_ =	sdelay $0x1  }
0x79: {  	v3 =	vadd.f32 v3, v2;
	_ =	sdelay $0x1  }
0x7a: {  	[tilespmem:s3+$0xFFFFFFD0] =	vst v3  }
0x7b: {  	v3 =	vld [tilespmem:s30+$0x10];
	_ =	sdelay $0x4  }
0x7c: {  	v3 =	vmul.f32 v3, v1;
	_ =	sdelay $0x1  }
0x7d: {  	v3 =	vadd.f32 v3, v2;
	_ =	sdelay $0x1  }
0x7e: {  	[tilespmem:s3+$0xFFFFFFE0] =	vst v3  }
0x7f: {  	v3 =	vld [tilespmem:s30+$0x20];
	_ =	sdelay $0x4  }
0x80: {  	v3 =	vmul.f32 v3, v1;
	_ =	sdelay $0x1  }
0x81: {  	v3 =	vadd.f32 v3, v2;
	_ =	sdelay $0x1  }
0x82: {  	[tilespmem:s3+$0xFFFFFFF0] =	vst v3  }
0x83: {  	s17 =	simm.s32 $0x1;
	v3 =	vld [tilespmem:s30+$0x30]  }
0x84: {  	v4 =	vmov s17;
	s17 =	simm.s32 $0x2;
	s9 =	smov.u32 s3  }
.LBB2_12:
0x85: {  	p0 =	sne.s32 s17, $0x1F;
	v4 =	vand.u32 $0x1F, v4  }
0x86: {  	v4 =	vor.u32 v0, v4  }
0x87: {  	v4 =	vbroadcast v4, $0x0  }
0x88: {  	v1 =	vmul.f32 v3, v1;
	_ =	sdelay $0x1  }
0x89: {  	v1 =	vadd.f32 v1, v2;
	_ =	sdelay $0x1  }
0x8a: {  	[tilespmem:s9+$0x0] =	vst v1  }
0x8b: {  	v1 =	vld.idx.msk [tilespmem:v4+s10+$0x0], $0xffff  }
0x8c: {  	v3 =	vld [tilespmem:s30+$0x0]  }
0x8d: {  	v2 =	vld.idx.msk [tilespmem:v4+s12+$0x0], $0xffff;
	_ =	sdelay $0x3  }
0x8e: {  	v3 =	vmul.f32 v3, v1;
	_ =	sdelay $0x1  }
0x8f: {  	v3 =	vadd.f32 v3, v2  }
0x90: {  	s9 =	sadd.s32 $0x40, s9  }
0x91: {  	[tilespmem:s9+$0xFFFFFFD0] =	vst v3  }
0x92: {  	v3 =	vld [tilespmem:s30+$0x10];
	_ =	sdelay $0x4  }
0x93: {  	v3 =	vmul.f32 v3, v1;
	_ =	sdelay $0x1  }
0x94: {  	v3 =	vadd.f32 v3, v2;
	_ =	sdelay $0x1  }
0x95: {  	[tilespmem:s9+$0xFFFFFFE0] =	vst v3  }
0x96: {  	v3 =	vld [tilespmem:s30+$0x20];
	_ =	sdelay $0x4  }
0x97: {  	v3 =	vmul.f32 v3, v1;
	_ =	sdelay $0x1  }
.Ltmp4:
0x98: {  	v3 =	vadd.f32 v3, v2;
	(pc) =	sbr.rel @p0 .LBB2_12-.Ltmp4, $4  }
0x99: {  	_ = 	snop  }
0x9a: {  	[tilespmem:s9+$0xFFFFFFF0] =	vst v3  }
0x9b: {  	v3 =	vld [tilespmem:s30+$0x30]  }
0x9c: {  	v4 =	vmov s17;
	s17 =	sadd.s32 $0x1, s17  }
0x9d: {  	v4 =	vand.u32 $0x1F, v4  }
0x9e: {  	v0 =	vor.u32 v0, v4  }
0x9f: {  	v0 =	vbroadcast v0, $0x0  }
0xa0: {  	v1 =	vmul.f32 v3, v1;
	_ =	sdelay $0x1  }
0xa1: {  	v1 =	vadd.f32 v1, v2;
	_ =	sdelay $0x1  }
0xa2: {  	[tilespmem:s9+$0x0] =	vst v1  }
0xa3: {  	v1 =	vld.idx.msk [tilespmem:v0+s10+$0x0], $0xffff  }
0xa4: {  	v63 =	vld [tilespmem:s30+$0x0];
	_ =	sdelay $0x1  }
0xa5: {  	v0 =	vld.idx.msk [tilespmem:v0+s12+$0x0], $0xffff;
	_ =	sdelay $0x2  }
0xa6: {  	v2 =	vmul.f32 v63, v1;
	_ =	sdelay $0x1  }
0xa7: {  	v2 =	vadd.f32 v2, v0  }
0xa8: {  	s17 =	sadd.s32 $0x40, s9  }
0xa9: {  	[tilespmem:s17+$0xFFFFFFD0] =	vst v2  }
0xaa: {  	v2 =	vld [tilespmem:s30+$0x10];
	_ =	sdelay $0x4  }
0xab: {  	v2 =	vmul.f32 v2, v1;
	_ =	sdelay $0x1  }
0xac: {  	v2 =	vadd.f32 v2, v0;
	_ =	sdelay $0x1  }
0xad: {  	[tilespmem:s17+$0xFFFFFFE0] =	vst v2  }
0xae: {  	v2 =	vld [tilespmem:s30+$0x20];
	_ =	sdelay $0x4  }
0xaf: {  	v2 =	vmul.f32 v2, v1;
	_ =	sdelay $0x1  }
0xb0: {  	v2 =	vadd.f32 v2, v0;
	_ =	sdelay $0x1  }
0xb1: {  	[tilespmem:s17+$0xFFFFFFF0] =	vst v2  }
0xb2: {  	v2 =	vld [tilespmem:s30+$0x30];
	_ =	sdelay $0x2  }
0xb3: {  	s4 =	sadd.s32 $0x1, s4  }
0xb4: {  	p0 =	sne.s32 s4, $0xD  }
.Ltmp5:
0xb5: {  	v1 =	vmul.f32 v2, v1;
	(pc) =	sbr.rel @p0 .LBB2_11-.Ltmp5, $3  }
0xb6: {  	_ = 	snop  }
0xb7: {  	v0 =	vadd.f32 v1, v0;
	_ =	sdelay $0x1  }
0xb8: {  	s3 =	sadd.s32 $0x800, s3;
	[tilespmem:s17+$0x0] =	vst v0  }
0xb9: {  	s1 =	sor.u32 s5, s1;
	s0 =	sadd.s32 $0x1, s0  }
0xba: {  	s2 =	rddreg [dreg:$0x2];
	s1 =	sshrl.u32 s1, $0x3;
	p0 =	sne.s32 s0, $0x8  }
.Ltmp6:
0xbb: {  	s30 =	simm.s32 $0x40;
	s1 =	sadd.s32 s2, s1;
	(pc) =	sbr.rel @p0 .LBB2_8-.Ltmp6, $4  }
0xbc: {  	[hbm4b:s1+s30] =	stream.strided.scatter [tilespmem:s18], [sflag:$0x3], $0x7000, s15, s30, $0x38;
	[tilespmem:$0x1A760] =	vst v63  }
0xbd: {  	_ =	swait.ge [sflag:s11], $0x7000  }
0xbe: {  	[sflag:s11] =	ssyncset.done $0x0  }
0xbf: {  	[sflag:s11] =	ssyncadd.s32 $0xFFFF9000  }
0xc0: {  	s0 =	simm.s32 $0x16400;
	s1 =	rddreg [dreg:$0x18]  }
0xc1: {  	[tilespmem:s0], [sflag:$0x1] =	stream.indirect.gather [hbm4b:s1+s14], $0x1, s19, s14, $0xb8;
	[tilespmem:$0x1A760] =	vst v63  }
0xc2: {  	s9 =	simm.s32 $0x16400;
	s0 =	simm.s32 $0x800  }
.LBB2_16:
0xc3: {  	p0 =	sne.s32 s0, $0xF800  }
.Ltmp7:
0xc4: {  	_ = 	snop;
	(pc) =	sbr.rel @p0 .LBB2_16-.Ltmp7, $4  }
0xc5: {  	_ = 	snop  }
0xc6: {  	s2 =	sshra.s32 s0, $0x2;
	s0 =	sadd.s32 $0x800, s0  }
0xc7: {  	s1 =	sadd.s32 $0x30D4, s1;
	s2 =	sadd.s32 $0x16400, s2  }
0xc8: {  	[tilespmem:s2], [sflag:$0x1] =	stream.indirect.gather [hbm4b:s1+s14], $0x1, s19, s14, $0xb8;
	[tilespmem:$0x1A760] =	vst v63  }
0xc9: {  	_ =	swait.ge [sflag:s20], $0x200  }
0xca: {  	[sflag:s20] =	ssyncset.done $0x0  }
0xcb: {  	[sflag:s20] =	ssyncadd.s32 $0xFFFFFE00  }
0xcc: {  	_ =	swait.ge [sflag:s20], $0x200  }
0xcd: {  	[sflag:s20] =	ssyncset.done $0x0  }
0xce: {  	[sflag:s20] =	ssyncadd.s32 $0xFFFFFE00  }
0xcf: {  	_ =	swait.ge [sflag:s20], $0x200  }
0xd0: {  	[sflag:s20] =	ssyncset.done $0x0  }
0xd1: {  	[sflag:s20] =	ssyncadd.s32 $0xFFFFFE00  }
0xd2: {  	_ =	swait.ge [sflag:s20], $0x200  }
0xd3: {  	[sflag:s20] =	ssyncset.done $0x0  }
0xd4: {  	[sflag:s20] =	ssyncadd.s32 $0xFFFFFE00  }
0xd5: {  	_ =	swait.ge [sflag:s20], $0x200  }
0xd6: {  	[sflag:s20] =	ssyncset.done $0x0  }
0xd7: {  	[sflag:s20] =	ssyncadd.s32 $0xFFFFFE00  }
0xd8: {  	_ =	swait.ge [sflag:s20], $0x200  }
0xd9: {  	[sflag:s20] =	ssyncset.done $0x0  }
0xda: {  	[sflag:s20] =	ssyncadd.s32 $0xFFFFFE00  }
0xdb: {  	_ =	swait.ge [sflag:s20], $0x200  }
0xdc: {  	[sflag:s20] =	ssyncset.done $0x0  }
0xdd: {  	[sflag:s20] =	ssyncadd.s32 $0xFFFFFE00  }
0xde: {  	_ =	swait.ge [sflag:s20], $0x200  }
0xdf: {  	[sflag:s20] =	ssyncset.done $0x0  }
0xe0: {  	[sflag:s20] =	ssyncadd.s32 $0xFFFFFE00  }
0xe1: {  	_ =	swait.ge [sflag:s20], $0x200  }
0xe2: {  	[sflag:s20] =	ssyncset.done $0x0  }
0xe3: {  	[sflag:s20] =	ssyncadd.s32 $0xFFFFFE00  }
0xe4: {  	_ =	swait.ge [sflag:s20], $0x200  }
0xe5: {  	[sflag:s20] =	ssyncset.done $0x0  }
0xe6: {  	[sflag:s20] =	ssyncadd.s32 $0xFFFFFE00  }
0xe7: {  	_ =	swait.ge [sflag:s20], $0x200  }
0xe8: {  	[sflag:s20] =	ssyncset.done $0x0  }
0xe9: {  	[sflag:s20] =	ssyncadd.s32 $0xFFFFFE00  }
0xea: {  	_ =	swait.ge [sflag:s20], $0x200  }
0xeb: {  	[sflag:s20] =	ssyncset.done $0x0  }
0xec: {  	[sflag:s20] =	ssyncadd.s32 $0xFFFFFE00  }
0xed: {  	_ =	swait.ge [sflag:s20], $0x200  }
0xee: {  	[sflag:s20] =	ssyncset.done $0x0  }
0xef: {  	[sflag:s20] =	ssyncadd.s32 $0xFFFFFE00  }
0xf0: {  	_ =	swait.ge [sflag:s20], $0x200  }
0xf1: {  	[sflag:s20] =	ssyncset.done $0x0  }
0xf2: {  	[sflag:s20] =	ssyncadd.s32 $0xFFFFFE00  }
0xf3: {  	_ =	swait.ge [sflag:s20], $0x200  }
0xf4: {  	[sflag:s20] =	ssyncset.done $0x0  }
0xf5: {  	[sflag:s20] =	ssyncadd.s32 $0xFFFFFE00  }
0xf6: {  	_ =	swait.ge [sflag:s20], $0x200  }
0xf7: {  	[sflag:s20] =	ssyncset.done $0x0  }
0xf8: {  	[sflag:s20] =	ssyncadd.s32 $0xFFFFFE00  }
0xf9: {  	_ =	swait.ge [sflag:s20], $0x200  }
0xfa: {  	[sflag:s20] =	ssyncset.done $0x0  }
0xfb: {  	[sflag:s20] =	ssyncadd.s32 $0xFFFFFE00  }
0xfc: {  	_ =	swait.ge [sflag:s20], $0x200  }
0xfd: {  	[sflag:s20] =	ssyncset.done $0x0  }
0xfe: {  	[sflag:s20] =	ssyncadd.s32 $0xFFFFFE00  }
0xff: {  	_ =	swait.ge [sflag:s20], $0x200  }
0x100: {  	[sflag:s20] =	ssyncset.done $0x0  }
0x101: {  	[sflag:s20] =	ssyncadd.s32 $0xFFFFFE00  }
0x102: {  	_ =	swait.ge [sflag:s20], $0x200  }
0x103: {  	[sflag:s20] =	ssyncset.done $0x0  }
0x104: {  	[sflag:s20] =	ssyncadd.s32 $0xFFFFFE00  }
0x105: {  	_ =	swait.ge [sflag:s20], $0x200  }
0x106: {  	[sflag:s20] =	ssyncset.done $0x0  }
0x107: {  	[sflag:s20] =	ssyncadd.s32 $0xFFFFFE00  }
0x108: {  	_ =	swait.ge [sflag:s20], $0x200  }
0x109: {  	[sflag:s20] =	ssyncset.done $0x0  }
0x10a: {  	[sflag:s20] =	ssyncadd.s32 $0xFFFFFE00  }
0x10b: {  	_ =	swait.ge [sflag:s20], $0x200  }
0x10c: {  	[sflag:s20] =	ssyncset.done $0x0  }
0x10d: {  	[sflag:s20] =	ssyncadd.s32 $0xFFFFFE00  }
0x10e: {  	_ =	swait.ge [sflag:s20], $0x200  }
0x10f: {  	[sflag:s20] =	ssyncset.done $0x0  }
0x110: {  	[sflag:s20] =	ssyncadd.s32 $0xFFFFFE00  }
0x111: {  	_ =	swait.ge [sflag:s20], $0x200  }
0x112: {  	[sflag:s20] =	ssyncset.done $0x0  }
0x113: {  	[sflag:s20] =	ssyncadd.s32 $0xFFFFFE00  }
0x114: {  	_ =	swait.ge [sflag:s20], $0x200  }
0x115: {  	[sflag:s20] =	ssyncset.done $0x0  }
0x116: {  	[sflag:s20] =	ssyncadd.s32 $0xFFFFFE00  }
0x117: {  	_ =	swait.ge [sflag:s20], $0x200  }
0x118: {  	[sflag:s20] =	ssyncset.done $0x0  }
0x119: {  	[sflag:s20] =	ssyncadd.s32 $0xFFFFFE00  }
0x11a: {  	_ =	swait.ge [sflag:s20], $0x200  }
0x11b: {  	[sflag:s20] =	ssyncset.done $0x0  }
0x11c: {  	[sflag:s20] =	ssyncadd.s32 $0xFFFFFE00  }
0x11d: {  	_ =	swait.ge [sflag:s20], $0x200  }
0x11e: {  	[sflag:s20] =	ssyncset.done $0x0  }
0x11f: {  	[sflag:s20] =	ssyncadd.s32 $0xFFFFFE00  }
0x120: {  	_ =	swait.ge [sflag:s20], $0x200  }
0x121: {  	[sflag:s20] =	ssyncset.done $0x0  }
0x122: {  	[sflag:s20] =	ssyncadd.s32 $0xFFFFFE00  }
0x123: {  	_ =	swait.ge [sflag:s20], $0x200  }
0x124: {  	[sflag:s20] =	ssyncset.done $0x0  }
0x125: {  	[sflag:s20] =	ssyncadd.s32 $0xFFFFFE00  }
0x126: {  	_ =	swait.ge [sflag:s20], $0x200  }
0x127: {  	[sflag:s20] =	ssyncset.done $0x0  }
0x128: {  	s3 =	simm.s32 $0xA400;
	s0 =	rddreg [dreg:$0x9];
	[sflag:s20] =	ssyncadd.s32 $0xFFFFFE00  }
0x129: {  	[hbm4b:s0+s14] =	stream.strided.scatter [tilespmem:s3], [sflag:$0x2], $0x4000, s15, s14, $0x38;
	[tilespmem:$0x1A760] =	vst v63  }
0x12a: {  	s30 =	simm.s32 $0xA400;
	_ =	swait.ge [sflag:s22], $0x4000  }
0x12b: {  	s4 =	simm.s32 $0xE400;
	s8 =	simm.s32 $0x12400;
	[sflag:s22] =	ssyncset.done $0x0  }
0x12c: {  	s0 =	simm.s32 $0x800;
	s1 =	rddreg [dreg:$0x19];
	[sflag:s22] =	ssyncadd.s32 $0xFFFFC000  }
0x12d: {  	[tilespmem:s30], [sflag:$0x1] =	stream.indirect.gather [hbm4b:s1+s14], $0x1, s23, s14, $0xb8;
	[tilespmem:$0x1A760] =	vst v63  }
.LBB2_18:
0x12e: {  	p0 =	sne.s32 s0, $0xF800  }
.Ltmp8:
0x12f: {  	_ = 	snop;
	(pc) =	sbr.rel @p0 .LBB2_18-.Ltmp8, $4  }
0x130: {  	_ = 	snop  }
0x131: {  	s2 =	sshra.s32 s0, $0x2;
	s0 =	sadd.s32 $0x800, s0  }
0x132: {  	s1 =	sadd.s32 $0x30D4, s1;
	s2 =	sadd.s32 $0xA400, s2  }
0x133: {  	[tilespmem:s2], [sflag:$0x1] =	stream.indirect.gather [hbm4b:s1+s14], $0x1, s23, s14, $0xb8;
	[tilespmem:$0x1A760] =	vst v63  }
0x134: {  	_ =	swait.ge [sflag:s20], $0x200  }
0x135: {  	[sflag:s20] =	ssyncset.done $0x0  }
0x136: {  	[sflag:s20] =	ssyncadd.s32 $0xFFFFFE00  }
0x137: {  	_ =	swait.ge [sflag:s20], $0x200  }
0x138: {  	[sflag:s20] =	ssyncset.done $0x0  }
0x139: {  	[sflag:s20] =	ssyncadd.s32 $0xFFFFFE00  }
0x13a: {  	_ =	swait.ge [sflag:s20], $0x200  }
0x13b: {  	[sflag:s20] =	ssyncset.done $0x0  }
0x13c: {  	[sflag:s20] =	ssyncadd.s32 $0xFFFFFE00  }
0x13d: {  	_ =	swait.ge [sflag:s20], $0x200  }
0x13e: {  	[sflag:s20] =	ssyncset.done $0x0  }
0x13f: {  	[sflag:s20] =	ssyncadd.s32 $0xFFFFFE00  }
0x140: {  	_ =	swait.ge [sflag:s20], $0x200  }
0x141: {  	[sflag:s20] =	ssyncset.done $0x0  }
0x142: {  	[sflag:s20] =	ssyncadd.s32 $0xFFFFFE00  }
0x143: {  	_ =	swait.ge [sflag:s20], $0x200  }
0x144: {  	[sflag:s20] =	ssyncset.done $0x0  }
0x145: {  	[sflag:s20] =	ssyncadd.s32 $0xFFFFFE00  }
0x146: {  	_ =	swait.ge [sflag:s20], $0x200  }
0x147: {  	[sflag:s20] =	ssyncset.done $0x0  }
0x148: {  	[sflag:s20] =	ssyncadd.s32 $0xFFFFFE00  }
0x149: {  	_ =	swait.ge [sflag:s20], $0x200  }
0x14a: {  	[sflag:s20] =	ssyncset.done $0x0  }
0x14b: {  	[sflag:s20] =	ssyncadd.s32 $0xFFFFFE00  }
0x14c: {  	_ =	swait.ge [sflag:s20], $0x200  }
0x14d: {  	[sflag:s20] =	ssyncset.done $0x0  }
0x14e: {  	[sflag:s20] =	ssyncadd.s32 $0xFFFFFE00  }
0x14f: {  	_ =	swait.ge [sflag:s20], $0x200  }
0x150: {  	[sflag:s20] =	ssyncset.done $0x0  }
0x151: {  	[sflag:s20] =	ssyncadd.s32 $0xFFFFFE00  }
0x152: {  	_ =	swait.ge [sflag:s20], $0x200  }
0x153: {  	[sflag:s20] =	ssyncset.done $0x0  }
0x154: {  	[sflag:s20] =	ssyncadd.s32 $0xFFFFFE00  }
0x155: {  	_ =	swait.ge [sflag:s20], $0x200  }
0x156: {  	[sflag:s20] =	ssyncset.done $0x0  }
0x157: {  	[sflag:s20] =	ssyncadd.s32 $0xFFFFFE00  }
0x158: {  	_ =	swait.ge [sflag:s20], $0x200  }
0x159: {  	[sflag:s20] =	ssyncset.done $0x0  }
0x15a: {  	[sflag:s20] =	ssyncadd.s32 $0xFFFFFE00  }
0x15b: {  	_ =	swait.ge [sflag:s20], $0x200  }
0x15c: {  	[sflag:s20] =	ssyncset.done $0x0  }
0x15d: {  	[sflag:s20] =	ssyncadd.s32 $0xFFFFFE00  }
0x15e: {  	_ =	swait.ge [sflag:s20], $0x200  }
0x15f: {  	[sflag:s20] =	ssyncset.done $0x0  }
0x160: {  	[sflag:s20] =	ssyncadd.s32 $0xFFFFFE00  }
0x161: {  	_ =	swait.ge [sflag:s20], $0x200  }
0x162: {  	[sflag:s20] =	ssyncset.done $0x0  }
0x163: {  	[sflag:s20] =	ssyncadd.s32 $0xFFFFFE00  }
0x164: {  	_ =	swait.ge [sflag:s20], $0x200  }
0x165: {  	[sflag:s20] =	ssyncset.done $0x0  }
0x166: {  	[sflag:s20] =	ssyncadd.s32 $0xFFFFFE00  }
0x167: {  	_ =	swait.ge [sflag:s20], $0x200  }
0x168: {  	[sflag:s20] =	ssyncset.done $0x0  }
0x169: {  	[sflag:s20] =	ssyncadd.s32 $0xFFFFFE00  }
0x16a: {  	_ =	swait.ge [sflag:s20], $0x200  }
0x16b: {  	[sflag:s20] =	ssyncset.done $0x0  }
0x16c: {  	[sflag:s20] =	ssyncadd.s32 $0xFFFFFE00  }
0x16d: {  	_ =	swait.ge [sflag:s20], $0x200  }
0x16e: {  	[sflag:s20] =	ssyncset.done $0x0  }
0x16f: {  	[sflag:s20] =	ssyncadd.s32 $0xFFFFFE00  }
0x170: {  	_ =	swait.ge [sflag:s20], $0x200  }
0x171: {  	[sflag:s20] =	ssyncset.done $0x0  }
0x172: {  	[sflag:s20] =	ssyncadd.s32 $0xFFFFFE00  }
0x173: {  	_ =	swait.ge [sflag:s20], $0x200  }
0x174: {  	[sflag:s20] =	ssyncset.done $0x0  }
0x175: {  	[sflag:s20] =	ssyncadd.s32 $0xFFFFFE00  }
0x176: {  	_ =	swait.ge [sflag:s20], $0x200  }
0x177: {  	[sflag:s20] =	ssyncset.done $0x0  }
0x178: {  	[sflag:s20] =	ssyncadd.s32 $0xFFFFFE00  }
0x179: {  	_ =	swait.ge [sflag:s20], $0x200  }
0x17a: {  	[sflag:s20] =	ssyncset.done $0x0  }
0x17b: {  	[sflag:s20] =	ssyncadd.s32 $0xFFFFFE00  }
0x17c: {  	_ =	swait.ge [sflag:s20], $0x200  }
0x17d: {  	[sflag:s20] =	ssyncset.done $0x0  }
0x17e: {  	[sflag:s20] =	ssyncadd.s32 $0xFFFFFE00  }
0x17f: {  	_ =	swait.ge [sflag:s20], $0x200  }
0x180: {  	[sflag:s20] =	ssyncset.done $0x0  }
0x181: {  	[sflag:s20] =	ssyncadd.s32 $0xFFFFFE00  }
0x182: {  	_ =	swait.ge [sflag:s20], $0x200  }
0x183: {  	[sflag:s20] =	ssyncset.done $0x0  }
0x184: {  	[sflag:s20] =	ssyncadd.s32 $0xFFFFFE00  }
0x185: {  	_ =	swait.ge [sflag:s20], $0x200  }
0x186: {  	[sflag:s20] =	ssyncset.done $0x0  }
0x187: {  	[sflag:s20] =	ssyncadd.s32 $0xFFFFFE00  }
0x188: {  	_ =	swait.ge [sflag:s20], $0x200  }
0x189: {  	[sflag:s20] =	ssyncset.done $0x0  }
0x18a: {  	[sflag:s20] =	ssyncadd.s32 $0xFFFFFE00  }
0x18b: {  	_ =	swait.ge [sflag:s20], $0x200  }
0x18c: {  	[sflag:s20] =	ssyncset.done $0x0  }
0x18d: {  	[sflag:s20] =	ssyncadd.s32 $0xFFFFFE00  }
0x18e: {  	_ =	swait.ge [sflag:s20], $0x200  }
0x18f: {  	[sflag:s20] =	ssyncset.done $0x0  }
0x190: {  	[sflag:s20] =	ssyncadd.s32 $0xFFFFFE00  }
0x191: {  	_ =	swait.ge [sflag:s20], $0x200  }
0x192: {  	[sflag:s20] =	ssyncset.done $0x0  }
0x193: {  	s0 =	rddreg [dreg:$0xa];
	[sflag:s20] =	ssyncadd.s32 $0xFFFFFE00  }
0x194: {  	[hbm4b:s0+s14] =	stream.strided.scatter [tilespmem:s4], [sflag:$0x2], $0x4000, s15, s14, $0x38;
	[tilespmem:$0x1A760] =	vst v63  }
0x195: {  	_ =	swait.ge [sflag:s22], $0x4000  }
0x196: {  	s30 =	simm.s32 $0xE400;
	[sflag:s22] =	ssyncset.done $0x0  }
0x197: {  	s0 =	simm.s32 $0x800;
	s1 =	rddreg [dreg:$0x1a];
	[sflag:s22] =	ssyncadd.s32 $0xFFFFC000  }
0x198: {  	[tilespmem:s30], [sflag:$0x1] =	stream.indirect.gather [hbm4b:s1+s14], $0x1, s7, s14, $0xb8;
	[tilespmem:$0x1A760] =	vst v63  }
.LBB2_20:
0x199: {  	p0 =	sne.s32 s0, $0xF800  }
.Ltmp9:
0x19a: {  	_ = 	snop;
	(pc) =	sbr.rel @p0 .LBB2_20-.Ltmp9, $4  }
0x19b: {  	_ = 	snop  }
0x19c: {  	s2 =	sshra.s32 s0, $0x2;
	s0 =	sadd.s32 $0x800, s0  }
0x19d: {  	s1 =	sadd.s32 $0x30D4, s1;
	s2 =	sadd.s32 $0xE400, s2  }
0x19e: {  	[tilespmem:s2], [sflag:$0x1] =	stream.indirect.gather [hbm4b:s1+s14], $0x1, s7, s14, $0xb8;
	[tilespmem:$0x1A760] =	vst v63  }
0x19f: {  	_ =	swait.ge [sflag:s20], $0x200  }
0x1a0: {  	[sflag:s20] =	ssyncset.done $0x0  }
0x1a1: {  	[sflag:s20] =	ssyncadd.s32 $0xFFFFFE00  }
0x1a2: {  	_ =	swait.ge [sflag:s20], $0x200  }
0x1a3: {  	[sflag:s20] =	ssyncset.done $0x0  }
0x1a4: {  	[sflag:s20] =	ssyncadd.s32 $0xFFFFFE00  }
0x1a5: {  	_ =	swait.ge [sflag:s20], $0x200  }
0x1a6: {  	[sflag:s20] =	ssyncset.done $0x0  }
0x1a7: {  	[sflag:s20] =	ssyncadd.s32 $0xFFFFFE00  }
0x1a8: {  	_ =	swait.ge [sflag:s20], $0x200  }
0x1a9: {  	[sflag:s20] =	ssyncset.done $0x0  }
0x1aa: {  	[sflag:s20] =	ssyncadd.s32 $0xFFFFFE00  }
0x1ab: {  	_ =	swait.ge [sflag:s20], $0x200  }
0x1ac: {  	[sflag:s20] =	ssyncset.done $0x0  }
0x1ad: {  	[sflag:s20] =	ssyncadd.s32 $0xFFFFFE00  }
0x1ae: {  	_ =	swait.ge [sflag:s20], $0x200  }
0x1af: {  	[sflag:s20] =	ssyncset.done $0x0  }
0x1b0: {  	[sflag:s20] =	ssyncadd.s32 $0xFFFFFE00  }
0x1b1: {  	_ =	swait.ge [sflag:s20], $0x200  }
0x1b2: {  	[sflag:s20] =	ssyncset.done $0x0  }
0x1b3: {  	[sflag:s20] =	ssyncadd.s32 $0xFFFFFE00  }
0x1b4: {  	_ =	swait.ge [sflag:s20], $0x200  }
0x1b5: {  	[sflag:s20] =	ssyncset.done $0x0  }
0x1b6: {  	[sflag:s20] =	ssyncadd.s32 $0xFFFFFE00  }
0x1b7: {  	_ =	swait.ge [sflag:s20], $0x200  }
0x1b8: {  	[sflag:s20] =	ssyncset.done $0x0  }
0x1b9: {  	[sflag:s20] =	ssyncadd.s32 $0xFFFFFE00  }
0x1ba: {  	_ =	swait.ge [sflag:s20], $0x200  }
0x1bb: {  	[sflag:s20] =	ssyncset.done $0x0  }
0x1bc: {  	[sflag:s20] =	ssyncadd.s32 $0xFFFFFE00  }
0x1bd: {  	_ =	swait.ge [sflag:s20], $0x200  }
0x1be: {  	[sflag:s20] =	ssyncset.done $0x0  }
0x1bf: {  	[sflag:s20] =	ssyncadd.s32 $0xFFFFFE00  }
0x1c0: {  	_ =	swait.ge [sflag:s20], $0x200  }
0x1c1: {  	[sflag:s20] =	ssyncset.done $0x0  }
0x1c2: {  	[sflag:s20] =	ssyncadd.s32 $0xFFFFFE00  }
0x1c3: {  	_ =	swait.ge [sflag:s20], $0x200  }
0x1c4: {  	[sflag:s20] =	ssyncset.done $0x0  }
0x1c5: {  	[sflag:s20] =	ssyncadd.s32 $0xFFFFFE00  }
0x1c6: {  	_ =	swait.ge [sflag:s20], $0x200  }
0x1c7: {  	[sflag:s20] =	ssyncset.done $0x0  }
0x1c8: {  	[sflag:s20] =	ssyncadd.s32 $0xFFFFFE00  }
0x1c9: {  	_ =	swait.ge [sflag:s20], $0x200  }
0x1ca: {  	[sflag:s20] =	ssyncset.done $0x0  }
0x1cb: {  	[sflag:s20] =	ssyncadd.s32 $0xFFFFFE00  }
0x1cc: {  	_ =	swait.ge [sflag:s20], $0x200  }
0x1cd: {  	[sflag:s20] =	ssyncset.done $0x0  }
0x1ce: {  	[sflag:s20] =	ssyncadd.s32 $0xFFFFFE00  }
0x1cf: {  	_ =	swait.ge [sflag:s20], $0x200  }
0x1d0: {  	[sflag:s20] =	ssyncset.done $0x0  }
0x1d1: {  	[sflag:s20] =	ssyncadd.s32 $0xFFFFFE00  }
0x1d2: {  	_ =	swait.ge [sflag:s20], $0x200  }
0x1d3: {  	[sflag:s20] =	ssyncset.done $0x0  }
0x1d4: {  	[sflag:s20] =	ssyncadd.s32 $0xFFFFFE00  }
0x1d5: {  	_ =	swait.ge [sflag:s20], $0x200  }
0x1d6: {  	[sflag:s20] =	ssyncset.done $0x0  }
0x1d7: {  	[sflag:s20] =	ssyncadd.s32 $0xFFFFFE00  }
0x1d8: {  	_ =	swait.ge [sflag:s20], $0x200  }
0x1d9: {  	[sflag:s20] =	ssyncset.done $0x0  }
0x1da: {  	[sflag:s20] =	ssyncadd.s32 $0xFFFFFE00  }
0x1db: {  	_ =	swait.ge [sflag:s20], $0x200  }
0x1dc: {  	[sflag:s20] =	ssyncset.done $0x0  }
0x1dd: {  	[sflag:s20] =	ssyncadd.s32 $0xFFFFFE00  }
0x1de: {  	_ =	swait.ge [sflag:s20], $0x200  }
0x1df: {  	[sflag:s20] =	ssyncset.done $0x0  }
0x1e0: {  	[sflag:s20] =	ssyncadd.s32 $0xFFFFFE00  }
0x1e1: {  	_ =	swait.ge [sflag:s20], $0x200  }
0x1e2: {  	[sflag:s20] =	ssyncset.done $0x0  }
0x1e3: {  	[sflag:s20] =	ssyncadd.s32 $0xFFFFFE00  }
0x1e4: {  	_ =	swait.ge [sflag:s20], $0x200  }
0x1e5: {  	[sflag:s20] =	ssyncset.done $0x0  }
0x1e6: {  	[sflag:s20] =	ssyncadd.s32 $0xFFFFFE00  }
0x1e7: {  	_ =	swait.ge [sflag:s20], $0x200  }
0x1e8: {  	[sflag:s20] =	ssyncset.done $0x0  }
0x1e9: {  	[sflag:s20] =	ssyncadd.s32 $0xFFFFFE00  }
0x1ea: {  	_ =	swait.ge [sflag:s20], $0x200  }
0x1eb: {  	[sflag:s20] =	ssyncset.done $0x0  }
0x1ec: {  	[sflag:s20] =	ssyncadd.s32 $0xFFFFFE00  }
0x1ed: {  	_ =	swait.ge [sflag:s20], $0x200  }
0x1ee: {  	[sflag:s20] =	ssyncset.done $0x0  }
0x1ef: {  	[sflag:s20] =	ssyncadd.s32 $0xFFFFFE00  }
0x1f0: {  	_ =	swait.ge [sflag:s20], $0x200  }
0x1f1: {  	[sflag:s20] =	ssyncset.done $0x0  }
0x1f2: {  	[sflag:s20] =	ssyncadd.s32 $0xFFFFFE00  }
0x1f3: {  	_ =	swait.ge [sflag:s20], $0x200  }
0x1f4: {  	[sflag:s20] =	ssyncset.done $0x0  }
0x1f5: {  	[sflag:s20] =	ssyncadd.s32 $0xFFFFFE00  }
0x1f6: {  	_ =	swait.ge [sflag:s20], $0x200  }
0x1f7: {  	[sflag:s20] =	ssyncset.done $0x0  }
0x1f8: {  	[sflag:s20] =	ssyncadd.s32 $0xFFFFFE00  }
0x1f9: {  	_ =	swait.ge [sflag:s20], $0x200  }
0x1fa: {  	[sflag:s20] =	ssyncset.done $0x0  }
0x1fb: {  	[sflag:s20] =	ssyncadd.s32 $0xFFFFFE00  }
0x1fc: {  	_ =	swait.ge [sflag:s20], $0x200  }
0x1fd: {  	[sflag:s20] =	ssyncset.done $0x0  }
0x1fe: {  	s0 =	rddreg [dreg:$0xb];
	[sflag:s20] =	ssyncadd.s32 $0xFFFFFE00  }
0x1ff: {  	[hbm4b:s0+s14] =	stream.strided.scatter [tilespmem:s8], [sflag:$0x2], $0x4000, s15, s14, $0x38;
	[tilespmem:$0x1A760] =	vst v63  }
0x200: {  	_ =	swait.ge [sflag:s22], $0x4000  }
0x201: {  	s30 =	simm.s32 $0x12400;
	[sflag:s22] =	ssyncset.done $0x0  }
0x202: {  	s0 =	simm.s32 $0x800;
	s1 =	rddreg [dreg:$0x1b];
	[sflag:s22] =	ssyncadd.s32 $0xFFFFC000  }
0x203: {  	[tilespmem:s30], [sflag:$0x1] =	stream.indirect.gather [hbm4b:s1+s14], $0x1, s6, s14, $0xb8;
	[tilespmem:$0x1A760] =	vst v63  }
.LBB2_22:
0x204: {  	p0 =	sne.s32 s0, $0xF800  }
.Ltmp10:
0x205: {  	_ = 	snop;
	(pc) =	sbr.rel @p0 .LBB2_22-.Ltmp10, $4  }
0x206: {  	_ = 	snop  }
0x207: {  	s2 =	sshra.s32 s0, $0x2;
	s0 =	sadd.s32 $0x800, s0  }
0x208: {  	s1 =	sadd.s32 $0x30D4, s1;
	s2 =	sadd.s32 $0x12400, s2  }
0x209: {  	[tilespmem:s2], [sflag:$0x1] =	stream.indirect.gather [hbm4b:s1+s14], $0x1, s6, s14, $0xb8;
	[tilespmem:$0x1A760] =	vst v63  }
0x20a: {  	_ =	swait.ge [sflag:s20], $0x200  }
0x20b: {  	[sflag:s20] =	ssyncset.done $0x0  }
0x20c: {  	[sflag:s20] =	ssyncadd.s32 $0xFFFFFE00  }
0x20d: {  	_ =	swait.ge [sflag:s20], $0x200  }
0x20e: {  	[sflag:s20] =	ssyncset.done $0x0  }
0x20f: {  	[sflag:s20] =	ssyncadd.s32 $0xFFFFFE00  }
0x210: {  	_ =	swait.ge [sflag:s20], $0x200  }
0x211: {  	[sflag:s20] =	ssyncset.done $0x0  }
0x212: {  	[sflag:s20] =	ssyncadd.s32 $0xFFFFFE00  }
0x213: {  	_ =	swait.ge [sflag:s20], $0x200  }
0x214: {  	[sflag:s20] =	ssyncset.done $0x0  }
0x215: {  	[sflag:s20] =	ssyncadd.s32 $0xFFFFFE00  }
0x216: {  	_ =	swait.ge [sflag:s20], $0x200  }
0x217: {  	[sflag:s20] =	ssyncset.done $0x0  }
0x218: {  	[sflag:s20] =	ssyncadd.s32 $0xFFFFFE00  }
0x219: {  	_ =	swait.ge [sflag:s20], $0x200  }
0x21a: {  	[sflag:s20] =	ssyncset.done $0x0  }
0x21b: {  	[sflag:s20] =	ssyncadd.s32 $0xFFFFFE00  }
0x21c: {  	_ =	swait.ge [sflag:s20], $0x200  }
0x21d: {  	[sflag:s20] =	ssyncset.done $0x0  }
0x21e: {  	[sflag:s20] =	ssyncadd.s32 $0xFFFFFE00  }
0x21f: {  	_ =	swait.ge [sflag:s20], $0x200  }
0x220: {  	[sflag:s20] =	ssyncset.done $0x0  }
0x221: {  	[sflag:s20] =	ssyncadd.s32 $0xFFFFFE00  }
0x222: {  	_ =	swait.ge [sflag:s20], $0x200  }
0x223: {  	[sflag:s20] =	ssyncset.done $0x0  }
0x224: {  	[sflag:s20] =	ssyncadd.s32 $0xFFFFFE00  }
0x225: {  	_ =	swait.ge [sflag:s20], $0x200  }
0x226: {  	[sflag:s20] =	ssyncset.done $0x0  }
0x227: {  	[sflag:s20] =	ssyncadd.s32 $0xFFFFFE00  }
0x228: {  	_ =	swait.ge [sflag:s20], $0x200  }
0x229: {  	[sflag:s20] =	ssyncset.done $0x0  }
0x22a: {  	[sflag:s20] =	ssyncadd.s32 $0xFFFFFE00  }
0x22b: {  	_ =	swait.ge [sflag:s20], $0x200  }
0x22c: {  	[sflag:s20] =	ssyncset.done $0x0  }
0x22d: {  	[sflag:s20] =	ssyncadd.s32 $0xFFFFFE00  }
0x22e: {  	_ =	swait.ge [sflag:s20], $0x200  }
0x22f: {  	[sflag:s20] =	ssyncset.done $0x0  }
0x230: {  	[sflag:s20] =	ssyncadd.s32 $0xFFFFFE00  }
0x231: {  	_ =	swait.ge [sflag:s20], $0x200  }
0x232: {  	[sflag:s20] =	ssyncset.done $0x0  }
0x233: {  	[sflag:s20] =	ssyncadd.s32 $0xFFFFFE00  }
0x234: {  	_ =	swait.ge [sflag:s20], $0x200  }
0x235: {  	[sflag:s20] =	ssyncset.done $0x0  }
0x236: {  	[sflag:s20] =	ssyncadd.s32 $0xFFFFFE00  }
0x237: {  	_ =	swait.ge [sflag:s20], $0x200  }
0x238: {  	[sflag:s20] =	ssyncset.done $0x0  }
0x239: {  	[sflag:s20] =	ssyncadd.s32 $0xFFFFFE00  }
0x23a: {  	_ =	swait.ge [sflag:s20], $0x200  }
0x23b: {  	[sflag:s20] =	ssyncset.done $0x0  }
0x23c: {  	[sflag:s20] =	ssyncadd.s32 $0xFFFFFE00  }
0x23d: {  	_ =	swait.ge [sflag:s20], $0x200  }
0x23e: {  	[sflag:s20] =	ssyncset.done $0x0  }
0x23f: {  	[sflag:s20] =	ssyncadd.s32 $0xFFFFFE00  }
0x240: {  	_ =	swait.ge [sflag:s20], $0x200  }
0x241: {  	[sflag:s20] =	ssyncset.done $0x0  }
0x242: {  	[sflag:s20] =	ssyncadd.s32 $0xFFFFFE00  }
0x243: {  	_ =	swait.ge [sflag:s20], $0x200  }
0x244: {  	[sflag:s20] =	ssyncset.done $0x0  }
0x245: {  	[sflag:s20] =	ssyncadd.s32 $0xFFFFFE00  }
0x246: {  	_ =	swait.ge [sflag:s20], $0x200  }
0x247: {  	[sflag:s20] =	ssyncset.done $0x0  }
0x248: {  	[sflag:s20] =	ssyncadd.s32 $0xFFFFFE00  }
0x249: {  	_ =	swait.ge [sflag:s20], $0x200  }
0x24a: {  	[sflag:s20] =	ssyncset.done $0x0  }
0x24b: {  	[sflag:s20] =	ssyncadd.s32 $0xFFFFFE00  }
0x24c: {  	_ =	swait.ge [sflag:s20], $0x200  }
0x24d: {  	[sflag:s20] =	ssyncset.done $0x0  }
0x24e: {  	[sflag:s20] =	ssyncadd.s32 $0xFFFFFE00  }
0x24f: {  	_ =	swait.ge [sflag:s20], $0x200  }
0x250: {  	[sflag:s20] =	ssyncset.done $0x0  }
0x251: {  	[sflag:s20] =	ssyncadd.s32 $0xFFFFFE00  }
0x252: {  	_ =	swait.ge [sflag:s20], $0x200  }
0x253: {  	[sflag:s20] =	ssyncset.done $0x0  }
0x254: {  	[sflag:s20] =	ssyncadd.s32 $0xFFFFFE00  }
0x255: {  	_ =	swait.ge [sflag:s20], $0x200  }
0x256: {  	[sflag:s20] =	ssyncset.done $0x0  }
0x257: {  	[sflag:s20] =	ssyncadd.s32 $0xFFFFFE00  }
0x258: {  	_ =	swait.ge [sflag:s20], $0x200  }
0x259: {  	[sflag:s20] =	ssyncset.done $0x0  }
0x25a: {  	[sflag:s20] =	ssyncadd.s32 $0xFFFFFE00  }
0x25b: {  	_ =	swait.ge [sflag:s20], $0x200  }
0x25c: {  	[sflag:s20] =	ssyncset.done $0x0  }
0x25d: {  	[sflag:s20] =	ssyncadd.s32 $0xFFFFFE00  }
0x25e: {  	_ =	swait.ge [sflag:s20], $0x200  }
0x25f: {  	[sflag:s20] =	ssyncset.done $0x0  }
0x260: {  	[sflag:s20] =	ssyncadd.s32 $0xFFFFFE00  }
0x261: {  	_ =	swait.ge [sflag:s20], $0x200  }
0x262: {  	[sflag:s20] =	ssyncset.done $0x0  }
0x263: {  	[sflag:s20] =	ssyncadd.s32 $0xFFFFFE00  }
0x264: {  	_ =	swait.ge [sflag:s20], $0x200  }
0x265: {  	[sflag:s20] =	ssyncset.done $0x0  }
0x266: {  	[sflag:s20] =	ssyncadd.s32 $0xFFFFFE00  }
0x267: {  	_ =	swait.ge [sflag:s20], $0x200  }
0x268: {  	[sflag:s20] =	ssyncset.done $0x0  }
0x269: {  	s0 =	rddreg [dreg:$0xc];
	[sflag:s20] =	ssyncadd.s32 $0xFFFFFE00  }
0x26a: {  	[hbm4b:s0+s14] =	stream.strided.scatter [tilespmem:s9], [sflag:$0x2], $0x4000, s15, s14, $0x38;
	[tilespmem:$0x1A760] =	vst v63  }
0x26b: {  	_ =	swait.ge [sflag:s22], $0x4000  }
0x26c: {  	s30 =	simm.s32 $0x16400;
	[sflag:s22] =	ssyncset.done $0x0  }
0x26d: {  	s0 =	simm.s32 $0x800;
	s1 =	rddreg [dreg:$0x1c];
	[sflag:s22] =	ssyncadd.s32 $0xFFFFC000  }
0x26e: {  	[tilespmem:s30], [sflag:$0x1] =	stream.indirect.gather [hbm4b:s1+s14], $0x1, s21, s14, $0xb8;
	[tilespmem:$0x1A760] =	vst v63  }
.LBB2_24:
0x26f: {  	p0 =	sne.s32 s0, $0xF800  }
.Ltmp11:
0x270: {  	_ = 	snop;
	(pc) =	sbr.rel @p0 .LBB2_24-.Ltmp11, $4  }
0x271: {  	_ = 	snop  }
0x272: {  	s2 =	sshra.s32 s0, $0x2;
	s0 =	sadd.s32 $0x800, s0  }
0x273: {  	s1 =	sadd.s32 $0x30D4, s1;
	s2 =	sadd.s32 $0x16400, s2  }
0x274: {  	[tilespmem:s2], [sflag:$0x1] =	stream.indirect.gather [hbm4b:s1+s14], $0x1, s21, s14, $0xb8;
	[tilespmem:$0x1A760] =	vst v63  }
0x275: {  	_ =	swait.ge [sflag:s20], $0x200  }
0x276: {  	[sflag:s20] =	ssyncset.done $0x0  }
0x277: {  	[sflag:s20] =	ssyncadd.s32 $0xFFFFFE00  }
0x278: {  	_ =	swait.ge [sflag:s20], $0x200  }
0x279: {  	[sflag:s20] =	ssyncset.done $0x0  }
0x27a: {  	[sflag:s20] =	ssyncadd.s32 $0xFFFFFE00  }
0x27b: {  	_ =	swait.ge [sflag:s20], $0x200  }
0x27c: {  	[sflag:s20] =	ssyncset.done $0x0  }
0x27d: {  	[sflag:s20] =	ssyncadd.s32 $0xFFFFFE00  }
0x27e: {  	_ =	swait.ge [sflag:s20], $0x200  }
0x27f: {  	[sflag:s20] =	ssyncset.done $0x0  }
0x280: {  	[sflag:s20] =	ssyncadd.s32 $0xFFFFFE00  }
0x281: {  	_ =	swait.ge [sflag:s20], $0x200  }
0x282: {  	[sflag:s20] =	ssyncset.done $0x0  }
0x283: {  	[sflag:s20] =	ssyncadd.s32 $0xFFFFFE00  }
0x284: {  	_ =	swait.ge [sflag:s20], $0x200  }
0x285: {  	[sflag:s20] =	ssyncset.done $0x0  }
0x286: {  	[sflag:s20] =	ssyncadd.s32 $0xFFFFFE00  }
0x287: {  	_ =	swait.ge [sflag:s20], $0x200  }
0x288: {  	[sflag:s20] =	ssyncset.done $0x0  }
0x289: {  	[sflag:s20] =	ssyncadd.s32 $0xFFFFFE00  }
0x28a: {  	_ =	swait.ge [sflag:s20], $0x200  }
0x28b: {  	[sflag:s20] =	ssyncset.done $0x0  }
0x28c: {  	[sflag:s20] =	ssyncadd.s32 $0xFFFFFE00  }
0x28d: {  	_ =	swait.ge [sflag:s20], $0x200  }
0x28e: {  	[sflag:s20] =	ssyncset.done $0x0  }
0x28f: {  	[sflag:s20] =	ssyncadd.s32 $0xFFFFFE00  }
0x290: {  	_ =	swait.ge [sflag:s20], $0x200  }
0x291: {  	[sflag:s20] =	ssyncset.done $0x0  }
0x292: {  	[sflag:s20] =	ssyncadd.s32 $0xFFFFFE00  }
0x293: {  	_ =	swait.ge [sflag:s20], $0x200  }
0x294: {  	[sflag:s20] =	ssyncset.done $0x0  }
0x295: {  	[sflag:s20] =	ssyncadd.s32 $0xFFFFFE00  }
0x296: {  	_ =	swait.ge [sflag:s20], $0x200  }
0x297: {  	[sflag:s20] =	ssyncset.done $0x0  }
0x298: {  	[sflag:s20] =	ssyncadd.s32 $0xFFFFFE00  }
0x299: {  	_ =	swait.ge [sflag:s20], $0x200  }
0x29a: {  	[sflag:s20] =	ssyncset.done $0x0  }
0x29b: {  	[sflag:s20] =	ssyncadd.s32 $0xFFFFFE00  }
0x29c: {  	_ =	swait.ge [sflag:s20], $0x200  }
0x29d: {  	[sflag:s20] =	ssyncset.done $0x0  }
0x29e: {  	[sflag:s20] =	ssyncadd.s32 $0xFFFFFE00  }
0x29f: {  	_ =	swait.ge [sflag:s20], $0x200  }
0x2a0: {  	[sflag:s20] =	ssyncset.done $0x0  }
0x2a1: {  	[sflag:s20] =	ssyncadd.s32 $0xFFFFFE00  }
0x2a2: {  	_ =	swait.ge [sflag:s20], $0x200  }
0x2a3: {  	[sflag:s20] =	ssyncset.done $0x0  }
0x2a4: {  	[sflag:s20] =	ssyncadd.s32 $0xFFFFFE00  }
0x2a5: {  	_ =	swait.ge [sflag:s20], $0x200  }
0x2a6: {  	[sflag:s20] =	ssyncset.done $0x0  }
0x2a7: {  	[sflag:s20] =	ssyncadd.s32 $0xFFFFFE00  }
0x2a8: {  	_ =	swait.ge [sflag:s20], $0x200  }
0x2a9: {  	[sflag:s20] =	ssyncset.done $0x0  }
0x2aa: {  	[sflag:s20] =	ssyncadd.s32 $0xFFFFFE00  }
0x2ab: {  	_ =	swait.ge [sflag:s20], $0x200  }
0x2ac: {  	[sflag:s20] =	ssyncset.done $0x0  }
0x2ad: {  	[sflag:s20] =	ssyncadd.s32 $0xFFFFFE00  }
0x2ae: {  	_ =	swait.ge [sflag:s20], $0x200  }
0x2af: {  	[sflag:s20] =	ssyncset.done $0x0  }
0x2b0: {  	[sflag:s20] =	ssyncadd.s32 $0xFFFFFE00  }
0x2b1: {  	_ =	swait.ge [sflag:s20], $0x200  }
0x2b2: {  	[sflag:s20] =	ssyncset.done $0x0  }
0x2b3: {  	[sflag:s20] =	ssyncadd.s32 $0xFFFFFE00  }
0x2b4: {  	_ =	swait.ge [sflag:s20], $0x200  }
0x2b5: {  	[sflag:s20] =	ssyncset.done $0x0  }
0x2b6: {  	[sflag:s20] =	ssyncadd.s32 $0xFFFFFE00  }
0x2b7: {  	_ =	swait.ge [sflag:s20], $0x200  }
0x2b8: {  	[sflag:s20] =	ssyncset.done $0x0  }
0x2b9: {  	[sflag:s20] =	ssyncadd.s32 $0xFFFFFE00  }
0x2ba: {  	_ =	swait.ge [sflag:s20], $0x200  }
0x2bb: {  	[sflag:s20] =	ssyncset.done $0x0  }
0x2bc: {  	[sflag:s20] =	ssyncadd.s32 $0xFFFFFE00  }
0x2bd: {  	_ =	swait.ge [sflag:s20], $0x200  }
0x2be: {  	[sflag:s20] =	ssyncset.done $0x0  }
0x2bf: {  	[sflag:s20] =	ssyncadd.s32 $0xFFFFFE00  }
0x2c0: {  	_ =	swait.ge [sflag:s20], $0x200  }
0x2c1: {  	[sflag:s20] =	ssyncset.done $0x0  }
0x2c2: {  	[sflag:s20] =	ssyncadd.s32 $0xFFFFFE00  }
0x2c3: {  	_ =	swait.ge [sflag:s20], $0x200  }
0x2c4: {  	[sflag:s20] =	ssyncset.done $0x0  }
0x2c5: {  	[sflag:s20] =	ssyncadd.s32 $0xFFFFFE00  }
0x2c6: {  	_ =	swait.ge [sflag:s20], $0x200  }
0x2c7: {  	[sflag:s20] =	ssyncset.done $0x0  }
0x2c8: {  	[sflag:s20] =	ssyncadd.s32 $0xFFFFFE00  }
0x2c9: {  	_ =	swait.ge [sflag:s20], $0x200  }
0x2ca: {  	[sflag:s20] =	ssyncset.done $0x0  }
0x2cb: {  	[sflag:s20] =	ssyncadd.s32 $0xFFFFFE00  }
0x2cc: {  	_ =	swait.ge [sflag:s20], $0x200  }
0x2cd: {  	[sflag:s20] =	ssyncset.done $0x0  }
0x2ce: {  	[sflag:s20] =	ssyncadd.s32 $0xFFFFFE00  }
0x2cf: {  	_ =	swait.ge [sflag:s20], $0x200  }
0x2d0: {  	[sflag:s20] =	ssyncset.done $0x0  }
0x2d1: {  	[sflag:s20] =	ssyncadd.s32 $0xFFFFFE00  }
0x2d2: {  	_ =	swait.ge [sflag:s20], $0x200  }
0x2d3: {  	[sflag:s20] =	ssyncset.done $0x0  }
0x2d4: {  	s0 =	rddreg [dreg:$0xd];
	[sflag:s20] =	ssyncadd.s32 $0xFFFFFE00  }
0x2d5: {  	[hbm4b:s0+s14] =	stream.strided.scatter [tilespmem:s3], [sflag:$0x2], $0x4000, s15, s14, $0x38;
	[tilespmem:$0x1A760] =	vst v63  }
0x2d6: {  	_ =	swait.ge [sflag:s22], $0x4000  }
0x2d7: {  	s30 =	simm.s32 $0xA400;
	[sflag:s22] =	ssyncset.done $0x0  }
0x2d8: {  	s0 =	simm.s32 $0x800;
	s1 =	rddreg [dreg:$0x1d];
	[sflag:s22] =	ssyncadd.s32 $0xFFFFC000  }
0x2d9: {  	[tilespmem:s30], [sflag:$0x1] =	stream.indirect.gather [hbm4b:s1+s14], $0x1, s24, s14, $0xb8;
	[tilespmem:$0x1A760] =	vst v63  }
.LBB2_26:
0x2da: {  	p0 =	sne.s32 s0, $0xF800  }
.Ltmp12:
0x2db: {  	_ = 	snop;
	(pc) =	sbr.rel @p0 .LBB2_26-.Ltmp12, $4  }
0x2dc: {  	_ = 	snop  }
0x2dd: {  	s2 =	sshra.s32 s0, $0x2;
	s0 =	sadd.s32 $0x800, s0  }
0x2de: {  	s1 =	sadd.s32 $0x30D4, s1;
	s2 =	sadd.s32 $0xA400, s2  }
0x2df: {  	[tilespmem:s2], [sflag:$0x1] =	stream.indirect.gather [hbm4b:s1+s14], $0x1, s24, s14, $0xb8;
	[tilespmem:$0x1A760] =	vst v63  }
0x2e0: {  	_ =	swait.ge [sflag:s20], $0x200  }
0x2e1: {  	[sflag:s20] =	ssyncset.done $0x0  }
0x2e2: {  	[sflag:s20] =	ssyncadd.s32 $0xFFFFFE00  }
0x2e3: {  	_ =	swait.ge [sflag:s20], $0x200  }
0x2e4: {  	[sflag:s20] =	ssyncset.done $0x0  }
0x2e5: {  	[sflag:s20] =	ssyncadd.s32 $0xFFFFFE00  }
0x2e6: {  	_ =	swait.ge [sflag:s20], $0x200  }
0x2e7: {  	[sflag:s20] =	ssyncset.done $0x0  }
0x2e8: {  	[sflag:s20] =	ssyncadd.s32 $0xFFFFFE00  }
0x2e9: {  	_ =	swait.ge [sflag:s20], $0x200  }
0x2ea: {  	[sflag:s20] =	ssyncset.done $0x0  }
0x2eb: {  	[sflag:s20] =	ssyncadd.s32 $0xFFFFFE00  }
0x2ec: {  	_ =	swait.ge [sflag:s20], $0x200  }
0x2ed: {  	[sflag:s20] =	ssyncset.done $0x0  }
0x2ee: {  	[sflag:s20] =	ssyncadd.s32 $0xFFFFFE00  }
0x2ef: {  	_ =	swait.ge [sflag:s20], $0x200  }
0x2f0: {  	[sflag:s20] =	ssyncset.done $0x0  }
0x2f1: {  	[sflag:s20] =	ssyncadd.s32 $0xFFFFFE00  }
0x2f2: {  	_ =	swait.ge [sflag:s20], $0x200  }
0x2f3: {  	[sflag:s20] =	ssyncset.done $0x0  }
0x2f4: {  	[sflag:s20] =	ssyncadd.s32 $0xFFFFFE00  }
0x2f5: {  	_ =	swait.ge [sflag:s20], $0x200  }
0x2f6: {  	[sflag:s20] =	ssyncset.done $0x0  }
0x2f7: {  	[sflag:s20] =	ssyncadd.s32 $0xFFFFFE00  }
0x2f8: {  	_ =	swait.ge [sflag:s20], $0x200  }
0x2f9: {  	[sflag:s20] =	ssyncset.done $0x0  }
0x2fa: {  	[sflag:s20] =	ssyncadd.s32 $0xFFFFFE00  }
0x2fb: {  	_ =	swait.ge [sflag:s20], $0x200  }
0x2fc: {  	[sflag:s20] =	ssyncset.done $0x0  }
0x2fd: {  	[sflag:s20] =	ssyncadd.s32 $0xFFFFFE00  }
0x2fe: {  	_ =	swait.ge [sflag:s20], $0x200  }
0x2ff: {  	[sflag:s20] =	ssyncset.done $0x0  }
0x300: {  	[sflag:s20] =	ssyncadd.s32 $0xFFFFFE00  }
0x301: {  	_ =	swait.ge [sflag:s20], $0x200  }
0x302: {  	[sflag:s20] =	ssyncset.done $0x0  }
0x303: {  	[sflag:s20] =	ssyncadd.s32 $0xFFFFFE00  }
0x304: {  	_ =	swait.ge [sflag:s20], $0x200  }
0x305: {  	[sflag:s20] =	ssyncset.done $0x0  }
0x306: {  	[sflag:s20] =	ssyncadd.s32 $0xFFFFFE00  }
0x307: {  	_ =	swait.ge [sflag:s20], $0x200  }
0x308: {  	[sflag:s20] =	ssyncset.done $0x0  }
0x309: {  	[sflag:s20] =	ssyncadd.s32 $0xFFFFFE00  }
0x30a: {  	_ =	swait.ge [sflag:s20], $0x200  }
0x30b: {  	[sflag:s20] =	ssyncset.done $0x0  }
0x30c: {  	[sflag:s20] =	ssyncadd.s32 $0xFFFFFE00  }
0x30d: {  	_ =	swait.ge [sflag:s20], $0x200  }
0x30e: {  	[sflag:s20] =	ssyncset.done $0x0  }
0x30f: {  	[sflag:s20] =	ssyncadd.s32 $0xFFFFFE00  }
0x310: {  	_ =	swait.ge [sflag:s20], $0x200  }
0x311: {  	[sflag:s20] =	ssyncset.done $0x0  }
0x312: {  	[sflag:s20] =	ssyncadd.s32 $0xFFFFFE00  }
0x313: {  	_ =	swait.ge [sflag:s20], $0x200  }
0x314: {  	[sflag:s20] =	ssyncset.done $0x0  }
0x315: {  	[sflag:s20] =	ssyncadd.s32 $0xFFFFFE00  }
0x316: {  	_ =	swait.ge [sflag:s20], $0x200  }
0x317: {  	[sflag:s20] =	ssyncset.done $0x0  }
0x318: {  	[sflag:s20] =	ssyncadd.s32 $0xFFFFFE00  }
0x319: {  	_ =	swait.ge [sflag:s20], $0x200  }
0x31a: {  	[sflag:s20] =	ssyncset.done $0x0  }
0x31b: {  	[sflag:s20] =	ssyncadd.s32 $0xFFFFFE00  }
0x31c: {  	_ =	swait.ge [sflag:s20], $0x200  }
0x31d: {  	[sflag:s20] =	ssyncset.done $0x0  }
0x31e: {  	[sflag:s20] =	ssyncadd.s32 $0xFFFFFE00  }
0x31f: {  	_ =	swait.ge [sflag:s20], $0x200  }
0x320: {  	[sflag:s20] =	ssyncset.done $0x0  }
0x321: {  	[sflag:s20] =	ssyncadd.s32 $0xFFFFFE00  }
0x322: {  	_ =	swait.ge [sflag:s20], $0x200  }
0x323: {  	[sflag:s20] =	ssyncset.done $0x0  }
0x324: {  	[sflag:s20] =	ssyncadd.s32 $0xFFFFFE00  }
0x325: {  	_ =	swait.ge [sflag:s20], $0x200  }
0x326: {  	[sflag:s20] =	ssyncset.done $0x0  }
0x327: {  	[sflag:s20] =	ssyncadd.s32 $0xFFFFFE00  }
0x328: {  	_ =	swait.ge [sflag:s20], $0x200  }
0x329: {  	[sflag:s20] =	ssyncset.done $0x0  }
0x32a: {  	[sflag:s20] =	ssyncadd.s32 $0xFFFFFE00  }
0x32b: {  	_ =	swait.ge [sflag:s20], $0x200  }
0x32c: {  	[sflag:s20] =	ssyncset.done $0x0  }
0x32d: {  	[sflag:s20] =	ssyncadd.s32 $0xFFFFFE00  }
0x32e: {  	_ =	swait.ge [sflag:s20], $0x200  }
0x32f: {  	[sflag:s20] =	ssyncset.done $0x0  }
0x330: {  	[sflag:s20] =	ssyncadd.s32 $0xFFFFFE00  }
0x331: {  	_ =	swait.ge [sflag:s20], $0x200  }
0x332: {  	[sflag:s20] =	ssyncset.done $0x0  }
0x333: {  	[sflag:s20] =	ssyncadd.s32 $0xFFFFFE00  }
0x334: {  	_ =	swait.ge [sflag:s20], $0x200  }
0x335: {  	[sflag:s20] =	ssyncset.done $0x0  }
0x336: {  	[sflag:s20] =	ssyncadd.s32 $0xFFFFFE00  }
0x337: {  	_ =	swait.ge [sflag:s20], $0x200  }
0x338: {  	[sflag:s20] =	ssyncset.done $0x0  }
0x339: {  	[sflag:s20] =	ssyncadd.s32 $0xFFFFFE00  }
0x33a: {  	_ =	swait.ge [sflag:s20], $0x200  }
0x33b: {  	[sflag:s20] =	ssyncset.done $0x0  }
0x33c: {  	[sflag:s20] =	ssyncadd.s32 $0xFFFFFE00  }
0x33d: {  	_ =	swait.ge [sflag:s20], $0x200  }
0x33e: {  	[sflag:s20] =	ssyncset.done $0x0  }
0x33f: {  	s0 =	rddreg [dreg:$0xe];
	[sflag:s20] =	ssyncadd.s32 $0xFFFFFE00  }
0x340: {  	[hbm4b:s0+s14] =	stream.strided.scatter [tilespmem:s4], [sflag:$0x2], $0x4000, s15, s14, $0x38;
	[tilespmem:$0x1A760] =	vst v63  }
0x341: {  	_ =	swait.ge [sflag:s22], $0x4000  }
0x342: {  	s30 =	simm.s32 $0xE400;
	[sflag:s22] =	ssyncset.done $0x0  }
0x343: {  	s0 =	simm.s32 $0x800;
	s1 =	rddreg [dreg:$0x1e];
	[sflag:s22] =	ssyncadd.s32 $0xFFFFC000  }
0x344: {  	[tilespmem:s30], [sflag:$0x1] =	stream.indirect.gather [hbm4b:s1+s14], $0x1, s25, s14, $0xb8;
	[tilespmem:$0x1A760] =	vst v63  }
.LBB2_28:
0x345: {  	p0 =	sne.s32 s0, $0xF800  }
.Ltmp13:
0x346: {  	_ = 	snop;
	(pc) =	sbr.rel @p0 .LBB2_28-.Ltmp13, $4  }
0x347: {  	_ = 	snop  }
0x348: {  	s2 =	sshra.s32 s0, $0x2;
	s0 =	sadd.s32 $0x800, s0  }
0x349: {  	s1 =	sadd.s32 $0x30D4, s1;
	s2 =	sadd.s32 $0xE400, s2  }
0x34a: {  	[tilespmem:s2], [sflag:$0x1] =	stream.indirect.gather [hbm4b:s1+s14], $0x1, s25, s14, $0xb8;
	[tilespmem:$0x1A760] =	vst v63  }
0x34b: {  	_ =	swait.ge [sflag:s20], $0x200  }
0x34c: {  	[sflag:s20] =	ssyncset.done $0x0  }
0x34d: {  	[sflag:s20] =	ssyncadd.s32 $0xFFFFFE00  }
0x34e: {  	_ =	swait.ge [sflag:s20], $0x200  }
0x34f: {  	[sflag:s20] =	ssyncset.done $0x0  }
0x350: {  	[sflag:s20] =	ssyncadd.s32 $0xFFFFFE00  }
0x351: {  	_ =	swait.ge [sflag:s20], $0x200  }
0x352: {  	[sflag:s20] =	ssyncset.done $0x0  }
0x353: {  	[sflag:s20] =	ssyncadd.s32 $0xFFFFFE00  }
0x354: {  	_ =	swait.ge [sflag:s20], $0x200  }
0x355: {  	[sflag:s20] =	ssyncset.done $0x0  }
0x356: {  	[sflag:s20] =	ssyncadd.s32 $0xFFFFFE00  }
0x357: {  	_ =	swait.ge [sflag:s20], $0x200  }
0x358: {  	[sflag:s20] =	ssyncset.done $0x0  }
0x359: {  	[sflag:s20] =	ssyncadd.s32 $0xFFFFFE00  }
0x35a: {  	_ =	swait.ge [sflag:s20], $0x200  }
0x35b: {  	[sflag:s20] =	ssyncset.done $0x0  }
0x35c: {  	[sflag:s20] =	ssyncadd.s32 $0xFFFFFE00  }
0x35d: {  	_ =	swait.ge [sflag:s20], $0x200  }
0x35e: {  	[sflag:s20] =	ssyncset.done $0x0  }
0x35f: {  	[sflag:s20] =	ssyncadd.s32 $0xFFFFFE00  }
0x360: {  	_ =	swait.ge [sflag:s20], $0x200  }
0x361: {  	[sflag:s20] =	ssyncset.done $0x0  }
0x362: {  	[sflag:s20] =	ssyncadd.s32 $0xFFFFFE00  }
0x363: {  	_ =	swait.ge [sflag:s20], $0x200  }
0x364: {  	[sflag:s20] =	ssyncset.done $0x0  }
0x365: {  	[sflag:s20] =	ssyncadd.s32 $0xFFFFFE00  }
0x366: {  	_ =	swait.ge [sflag:s20], $0x200  }
0x367: {  	[sflag:s20] =	ssyncset.done $0x0  }
0x368: {  	[sflag:s20] =	ssyncadd.s32 $0xFFFFFE00  }
0x369: {  	_ =	swait.ge [sflag:s20], $0x200  }
0x36a: {  	[sflag:s20] =	ssyncset.done $0x0  }
0x36b: {  	[sflag:s20] =	ssyncadd.s32 $0xFFFFFE00  }
0x36c: {  	_ =	swait.ge [sflag:s20], $0x200  }
0x36d: {  	[sflag:s20] =	ssyncset.done $0x0  }
0x36e: {  	[sflag:s20] =	ssyncadd.s32 $0xFFFFFE00  }
0x36f: {  	_ =	swait.ge [sflag:s20], $0x200  }
0x370: {  	[sflag:s20] =	ssyncset.done $0x0  }
0x371: {  	[sflag:s20] =	ssyncadd.s32 $0xFFFFFE00  }
0x372: {  	_ =	swait.ge [sflag:s20], $0x200  }
0x373: {  	[sflag:s20] =	ssyncset.done $0x0  }
0x374: {  	[sflag:s20] =	ssyncadd.s32 $0xFFFFFE00  }
0x375: {  	_ =	swait.ge [sflag:s20], $0x200  }
0x376: {  	[sflag:s20] =	ssyncset.done $0x0  }
0x377: {  	[sflag:s20] =	ssyncadd.s32 $0xFFFFFE00  }
0x378: {  	_ =	swait.ge [sflag:s20], $0x200  }
0x379: {  	[sflag:s20] =	ssyncset.done $0x0  }
0x37a: {  	[sflag:s20] =	ssyncadd.s32 $0xFFFFFE00  }
0x37b: {  	_ =	swait.ge [sflag:s20], $0x200  }
0x37c: {  	[sflag:s20] =	ssyncset.done $0x0  }
0x37d: {  	[sflag:s20] =	ssyncadd.s32 $0xFFFFFE00  }
0x37e: {  	_ =	swait.ge [sflag:s20], $0x200  }
0x37f: {  	[sflag:s20] =	ssyncset.done $0x0  }
0x380: {  	[sflag:s20] =	ssyncadd.s32 $0xFFFFFE00  }
0x381: {  	_ =	swait.ge [sflag:s20], $0x200  }
0x382: {  	[sflag:s20] =	ssyncset.done $0x0  }
0x383: {  	[sflag:s20] =	ssyncadd.s32 $0xFFFFFE00  }
0x384: {  	_ =	swait.ge [sflag:s20], $0x200  }
0x385: {  	[sflag:s20] =	ssyncset.done $0x0  }
0x386: {  	[sflag:s20] =	ssyncadd.s32 $0xFFFFFE00  }
0x387: {  	_ =	swait.ge [sflag:s20], $0x200  }
0x388: {  	[sflag:s20] =	ssyncset.done $0x0  }
0x389: {  	[sflag:s20] =	ssyncadd.s32 $0xFFFFFE00  }
0x38a: {  	_ =	swait.ge [sflag:s20], $0x200  }
0x38b: {  	[sflag:s20] =	ssyncset.done $0x0  }
0x38c: {  	[sflag:s20] =	ssyncadd.s32 $0xFFFFFE00  }
0x38d: {  	_ =	swait.ge [sflag:s20], $0x200  }
0x38e: {  	[sflag:s20] =	ssyncset.done $0x0  }
0x38f: {  	[sflag:s20] =	ssyncadd.s32 $0xFFFFFE00  }
0x390: {  	_ =	swait.ge [sflag:s20], $0x200  }
0x391: {  	[sflag:s20] =	ssyncset.done $0x0  }
0x392: {  	[sflag:s20] =	ssyncadd.s32 $0xFFFFFE00  }
0x393: {  	_ =	swait.ge [sflag:s20], $0x200  }
0x394: {  	[sflag:s20] =	ssyncset.done $0x0  }
0x395: {  	[sflag:s20] =	ssyncadd.s32 $0xFFFFFE00  }
0x396: {  	_ =	swait.ge [sflag:s20], $0x200  }
0x397: {  	[sflag:s20] =	ssyncset.done $0x0  }
0x398: {  	[sflag:s20] =	ssyncadd.s32 $0xFFFFFE00  }
0x399: {  	_ =	swait.ge [sflag:s20], $0x200  }
0x39a: {  	[sflag:s20] =	ssyncset.done $0x0  }
0x39b: {  	[sflag:s20] =	ssyncadd.s32 $0xFFFFFE00  }
0x39c: {  	_ =	swait.ge [sflag:s20], $0x200  }
0x39d: {  	[sflag:s20] =	ssyncset.done $0x0  }
0x39e: {  	[sflag:s20] =	ssyncadd.s32 $0xFFFFFE00  }
0x39f: {  	_ =	swait.ge [sflag:s20], $0x200  }
0x3a0: {  	[sflag:s20] =	ssyncset.done $0x0  }
0x3a1: {  	[sflag:s20] =	ssyncadd.s32 $0xFFFFFE00  }
0x3a2: {  	_ =	swait.ge [sflag:s20], $0x200  }
0x3a3: {  	[sflag:s20] =	ssyncset.done $0x0  }
0x3a4: {  	[sflag:s20] =	ssyncadd.s32 $0xFFFFFE00  }
0x3a5: {  	_ =	swait.ge [sflag:s20], $0x200  }
0x3a6: {  	[sflag:s20] =	ssyncset.done $0x0  }
0x3a7: {  	[sflag:s20] =	ssyncadd.s32 $0xFFFFFE00  }
0x3a8: {  	_ =	swait.ge [sflag:s20], $0x200  }
0x3a9: {  	[sflag:s20] =	ssyncset.done $0x0  }
0x3aa: {  	s0 =	rddreg [dreg:$0xf];
	[sflag:s20] =	ssyncadd.s32 $0xFFFFFE00  }
0x3ab: {  	[hbm4b:s0+s14] =	stream.strided.scatter [tilespmem:s8], [sflag:$0x2], $0x4000, s15, s14, $0x38;
	[tilespmem:$0x1A760] =	vst v63  }
0x3ac: {  	_ =	swait.ge [sflag:s22], $0x4000  }
0x3ad: {  	s30 =	simm.s32 $0x12400;
	[sflag:s22] =	ssyncset.done $0x0  }
0x3ae: {  	s0 =	simm.s32 $0x800;
	s1 =	rddreg [dreg:$0x1f];
	[sflag:s22] =	ssyncadd.s32 $0xFFFFC000  }
0x3af: {  	[tilespmem:s30], [sflag:$0x1] =	stream.indirect.gather [hbm4b:s1+s14], $0x1, s26, s14, $0xb8;
	[tilespmem:$0x1A760] =	vst v63  }
.LBB2_30:
0x3b0: {  	p0 =	sne.s32 s0, $0xF800  }
.Ltmp14:
0x3b1: {  	_ = 	snop;
	(pc) =	sbr.rel @p0 .LBB2_30-.Ltmp14, $4  }
0x3b2: {  	_ = 	snop  }
0x3b3: {  	s2 =	sshra.s32 s0, $0x2;
	s0 =	sadd.s32 $0x800, s0  }
0x3b4: {  	s1 =	sadd.s32 $0x30D4, s1;
	s2 =	sadd.s32 $0x12400, s2  }
0x3b5: {  	[tilespmem:s2], [sflag:$0x1] =	stream.indirect.gather [hbm4b:s1+s14], $0x1, s26, s14, $0xb8;
	[tilespmem:$0x1A760] =	vst v63  }
0x3b6: {  	_ =	swait.ge [sflag:s20], $0x200  }
0x3b7: {  	[sflag:s20] =	ssyncset.done $0x0  }
0x3b8: {  	[sflag:s20] =	ssyncadd.s32 $0xFFFFFE00  }
0x3b9: {  	_ =	swait.ge [sflag:s20], $0x200  }
0x3ba: {  	[sflag:s20] =	ssyncset.done $0x0  }
0x3bb: {  	[sflag:s20] =	ssyncadd.s32 $0xFFFFFE00  }
0x3bc: {  	_ =	swait.ge [sflag:s20], $0x200  }
0x3bd: {  	[sflag:s20] =	ssyncset.done $0x0  }
0x3be: {  	[sflag:s20] =	ssyncadd.s32 $0xFFFFFE00  }
0x3bf: {  	_ =	swait.ge [sflag:s20], $0x200  }
0x3c0: {  	[sflag:s20] =	ssyncset.done $0x0  }
0x3c1: {  	[sflag:s20] =	ssyncadd.s32 $0xFFFFFE00  }
0x3c2: {  	_ =	swait.ge [sflag:s20], $0x200  }
0x3c3: {  	[sflag:s20] =	ssyncset.done $0x0  }
0x3c4: {  	[sflag:s20] =	ssyncadd.s32 $0xFFFFFE00  }
0x3c5: {  	_ =	swait.ge [sflag:s20], $0x200  }
0x3c6: {  	[sflag:s20] =	ssyncset.done $0x0  }
0x3c7: {  	[sflag:s20] =	ssyncadd.s32 $0xFFFFFE00  }
0x3c8: {  	_ =	swait.ge [sflag:s20], $0x200  }
0x3c9: {  	[sflag:s20] =	ssyncset.done $0x0  }
0x3ca: {  	[sflag:s20] =	ssyncadd.s32 $0xFFFFFE00  }
0x3cb: {  	_ =	swait.ge [sflag:s20], $0x200  }
0x3cc: {  	[sflag:s20] =	ssyncset.done $0x0  }
0x3cd: {  	[sflag:s20] =	ssyncadd.s32 $0xFFFFFE00  }
0x3ce: {  	_ =	swait.ge [sflag:s20], $0x200  }
0x3cf: {  	[sflag:s20] =	ssyncset.done $0x0  }
0x3d0: {  	[sflag:s20] =	ssyncadd.s32 $0xFFFFFE00  }
0x3d1: {  	_ =	swait.ge [sflag:s20], $0x200  }
0x3d2: {  	[sflag:s20] =	ssyncset.done $0x0  }
0x3d3: {  	[sflag:s20] =	ssyncadd.s32 $0xFFFFFE00  }
0x3d4: {  	_ =	swait.ge [sflag:s20], $0x200  }
0x3d5: {  	[sflag:s20] =	ssyncset.done $0x0  }
0x3d6: {  	[sflag:s20] =	ssyncadd.s32 $0xFFFFFE00  }
0x3d7: {  	_ =	swait.ge [sflag:s20], $0x200  }
0x3d8: {  	[sflag:s20] =	ssyncset.done $0x0  }
0x3d9: {  	[sflag:s20] =	ssyncadd.s32 $0xFFFFFE00  }
0x3da: {  	_ =	swait.ge [sflag:s20], $0x200  }
0x3db: {  	[sflag:s20] =	ssyncset.done $0x0  }
0x3dc: {  	[sflag:s20] =	ssyncadd.s32 $0xFFFFFE00  }
0x3dd: {  	_ =	swait.ge [sflag:s20], $0x200  }
0x3de: {  	[sflag:s20] =	ssyncset.done $0x0  }
0x3df: {  	[sflag:s20] =	ssyncadd.s32 $0xFFFFFE00  }
0x3e0: {  	_ =	swait.ge [sflag:s20], $0x200  }
0x3e1: {  	[sflag:s20] =	ssyncset.done $0x0  }
0x3e2: {  	[sflag:s20] =	ssyncadd.s32 $0xFFFFFE00  }
0x3e3: {  	_ =	swait.ge [sflag:s20], $0x200  }
0x3e4: {  	[sflag:s20] =	ssyncset.done $0x0  }
0x3e5: {  	[sflag:s20] =	ssyncadd.s32 $0xFFFFFE00  }
0x3e6: {  	_ =	swait.ge [sflag:s20], $0x200  }
0x3e7: {  	[sflag:s20] =	ssyncset.done $0x0  }
0x3e8: {  	[sflag:s20] =	ssyncadd.s32 $0xFFFFFE00  }
0x3e9: {  	_ =	swait.ge [sflag:s20], $0x200  }
0x3ea: {  	[sflag:s20] =	ssyncset.done $0x0  }
0x3eb: {  	[sflag:s20] =	ssyncadd.s32 $0xFFFFFE00  }
0x3ec: {  	_ =	swait.ge [sflag:s20], $0x200  }
0x3ed: {  	[sflag:s20] =	ssyncset.done $0x0  }
0x3ee: {  	[sflag:s20] =	ssyncadd.s32 $0xFFFFFE00  }
0x3ef: {  	_ =	swait.ge [sflag:s20], $0x200  }
0x3f0: {  	[sflag:s20] =	ssyncset.done $0x0  }
0x3f1: {  	[sflag:s20] =	ssyncadd.s32 $0xFFFFFE00  }
0x3f2: {  	_ =	swait.ge [sflag:s20], $0x200  }
0x3f3: {  	[sflag:s20] =	ssyncset.done $0x0  }
0x3f4: {  	[sflag:s20] =	ssyncadd.s32 $0xFFFFFE00  }
0x3f5: {  	_ =	swait.ge [sflag:s20], $0x200  }
0x3f6: {  	[sflag:s20] =	ssyncset.done $0x0  }
0x3f7: {  	[sflag:s20] =	ssyncadd.s32 $0xFFFFFE00  }
0x3f8: {  	_ =	swait.ge [sflag:s20], $0x200  }
0x3f9: {  	[sflag:s20] =	ssyncset.done $0x0  }
0x3fa: {  	[sflag:s20] =	ssyncadd.s32 $0xFFFFFE00  }
0x3fb: {  	_ =	swait.ge [sflag:s20], $0x200  }
0x3fc: {  	[sflag:s20] =	ssyncset.done $0x0  }
0x3fd: {  	[sflag:s20] =	ssyncadd.s32 $0xFFFFFE00  }
0x3fe: {  	_ =	swait.ge [sflag:s20], $0x200  }
0x3ff: {  	[sflag:s20] =	ssyncset.done $0x0  }
0x400: {  	[sflag:s20] =	ssyncadd.s32 $0xFFFFFE00  }
0x401: {  	_ =	swait.ge [sflag:s20], $0x200  }
0x402: {  	[sflag:s20] =	ssyncset.done $0x0  }
0x403: {  	[sflag:s20] =	ssyncadd.s32 $0xFFFFFE00  }
0x404: {  	_ =	swait.ge [sflag:s20], $0x200  }
0x405: {  	[sflag:s20] =	ssyncset.done $0x0  }
0x406: {  	[sflag:s20] =	ssyncadd.s32 $0xFFFFFE00  }
0x407: {  	_ =	swait.ge [sflag:s20], $0x200  }
0x408: {  	[sflag:s20] =	ssyncset.done $0x0  }
0x409: {  	[sflag:s20] =	ssyncadd.s32 $0xFFFFFE00  }
0x40a: {  	_ =	swait.ge [sflag:s20], $0x200  }
0x40b: {  	[sflag:s20] =	ssyncset.done $0x0  }
0x40c: {  	[sflag:s20] =	ssyncadd.s32 $0xFFFFFE00  }
0x40d: {  	_ =	swait.ge [sflag:s20], $0x200  }
0x40e: {  	[sflag:s20] =	ssyncset.done $0x0  }
0x40f: {  	[sflag:s20] =	ssyncadd.s32 $0xFFFFFE00  }
0x410: {  	_ =	swait.ge [sflag:s20], $0x200  }
0x411: {  	[sflag:s20] =	ssyncset.done $0x0  }
0x412: {  	[sflag:s20] =	ssyncadd.s32 $0xFFFFFE00  }
0x413: {  	_ =	swait.ge [sflag:s20], $0x200  }
0x414: {  	[sflag:s20] =	ssyncset.done $0x0  }
0x415: {  	s0 =	rddreg [dreg:$0x10];
	[sflag:s20] =	ssyncadd.s32 $0xFFFFFE00  }
0x416: {  	[hbm4b:s0+s14] =	stream.strided.scatter [tilespmem:s9], [sflag:$0x2], $0x4000, s15, s14, $0x38;
	[tilespmem:$0x1A760] =	vst v63  }
0x417: {  	_ =	swait.ge [sflag:s22], $0x4000  }
0x418: {  	s1 =	sld [smem:$0x7FC]  }
0x419: {  	[sflag:s22] =	ssyncset.done $0x0  }
0x41a: {  	s30 =	simm.s32 $0x16400;
	s0 =	simm.s32 $0x800;
	[sflag:s22] =	ssyncadd.s32 $0xFFFFC000  }
0x41b: {  	[tilespmem:s30], [sflag:$0x1] =	stream.indirect.gather [hbm4b:s1+s14], $0x1, s28, s14, $0xb8;
	[tilespmem:$0x1A760] =	vst v63  }
.LBB2_32:
0x41c: {  	p0 =	sne.s32 s0, $0xF800  }
.Ltmp15:
0x41d: {  	_ = 	snop;
	(pc) =	sbr.rel @p0 .LBB2_32-.Ltmp15, $4  }
0x41e: {  	_ = 	snop  }
0x41f: {  	s2 =	sshra.s32 s0, $0x2;
	s0 =	sadd.s32 $0x800, s0  }
0x420: {  	s1 =	sadd.s32 $0x30D4, s1;
	s2 =	sadd.s32 $0x16400, s2  }
0x421: {  	[tilespmem:s2], [sflag:$0x1] =	stream.indirect.gather [hbm4b:s1+s14], $0x1, s28, s14, $0xb8;
	[tilespmem:$0x1A760] =	vst v63  }
0x422: {  	_ =	swait.ge [sflag:s20], $0x200  }
0x423: {  	[sflag:s20] =	ssyncset.done $0x0  }
0x424: {  	[sflag:s20] =	ssyncadd.s32 $0xFFFFFE00  }
0x425: {  	_ =	swait.ge [sflag:s20], $0x200  }
0x426: {  	[sflag:s20] =	ssyncset.done $0x0  }
0x427: {  	[sflag:s20] =	ssyncadd.s32 $0xFFFFFE00  }
0x428: {  	_ =	swait.ge [sflag:s20], $0x200  }
0x429: {  	[sflag:s20] =	ssyncset.done $0x0  }
0x42a: {  	[sflag:s20] =	ssyncadd.s32 $0xFFFFFE00  }
0x42b: {  	_ =	swait.ge [sflag:s20], $0x200  }
0x42c: {  	[sflag:s20] =	ssyncset.done $0x0  }
0x42d: {  	[sflag:s20] =	ssyncadd.s32 $0xFFFFFE00  }
0x42e: {  	_ =	swait.ge [sflag:s20], $0x200  }
0x42f: {  	[sflag:s20] =	ssyncset.done $0x0  }
0x430: {  	[sflag:s20] =	ssyncadd.s32 $0xFFFFFE00  }
0x431: {  	_ =	swait.ge [sflag:s20], $0x200  }
0x432: {  	[sflag:s20] =	ssyncset.done $0x0  }
0x433: {  	[sflag:s20] =	ssyncadd.s32 $0xFFFFFE00  }
0x434: {  	_ =	swait.ge [sflag:s20], $0x200  }
0x435: {  	[sflag:s20] =	ssyncset.done $0x0  }
0x436: {  	[sflag:s20] =	ssyncadd.s32 $0xFFFFFE00  }
0x437: {  	_ =	swait.ge [sflag:s20], $0x200  }
0x438: {  	[sflag:s20] =	ssyncset.done $0x0  }
0x439: {  	[sflag:s20] =	ssyncadd.s32 $0xFFFFFE00  }
0x43a: {  	_ =	swait.ge [sflag:s20], $0x200  }
0x43b: {  	[sflag:s20] =	ssyncset.done $0x0  }
0x43c: {  	[sflag:s20] =	ssyncadd.s32 $0xFFFFFE00  }
0x43d: {  	_ =	swait.ge [sflag:s20], $0x200  }
0x43e: {  	[sflag:s20] =	ssyncset.done $0x0  }
0x43f: {  	[sflag:s20] =	ssyncadd.s32 $0xFFFFFE00  }
0x440: {  	_ =	swait.ge [sflag:s20], $0x200  }
0x441: {  	[sflag:s20] =	ssyncset.done $0x0  }
0x442: {  	[sflag:s20] =	ssyncadd.s32 $0xFFFFFE00  }
0x443: {  	_ =	swait.ge [sflag:s20], $0x200  }
0x444: {  	[sflag:s20] =	ssyncset.done $0x0  }
0x445: {  	[sflag:s20] =	ssyncadd.s32 $0xFFFFFE00  }
0x446: {  	_ =	swait.ge [sflag:s20], $0x200  }
0x447: {  	[sflag:s20] =	ssyncset.done $0x0  }
0x448: {  	[sflag:s20] =	ssyncadd.s32 $0xFFFFFE00  }
0x449: {  	_ =	swait.ge [sflag:s20], $0x200  }
0x44a: {  	[sflag:s20] =	ssyncset.done $0x0  }
0x44b: {  	[sflag:s20] =	ssyncadd.s32 $0xFFFFFE00  }
0x44c: {  	_ =	swait.ge [sflag:s20], $0x200  }
0x44d: {  	[sflag:s20] =	ssyncset.done $0x0  }
0x44e: {  	[sflag:s20] =	ssyncadd.s32 $0xFFFFFE00  }
0x44f: {  	_ =	swait.ge [sflag:s20], $0x200  }
0x450: {  	[sflag:s20] =	ssyncset.done $0x0  }
0x451: {  	[sflag:s20] =	ssyncadd.s32 $0xFFFFFE00  }
0x452: {  	_ =	swait.ge [sflag:s20], $0x200  }
0x453: {  	[sflag:s20] =	ssyncset.done $0x0  }
0x454: {  	[sflag:s20] =	ssyncadd.s32 $0xFFFFFE00  }
0x455: {  	_ =	swait.ge [sflag:s20], $0x200  }
0x456: {  	[sflag:s20] =	ssyncset.done $0x0  }
0x457: {  	[sflag:s20] =	ssyncadd.s32 $0xFFFFFE00  }
0x458: {  	_ =	swait.ge [sflag:s20], $0x200  }
0x459: {  	[sflag:s20] =	ssyncset.done $0x0  }
0x45a: {  	[sflag:s20] =	ssyncadd.s32 $0xFFFFFE00  }
0x45b: {  	_ =	swait.ge [sflag:s20], $0x200  }
0x45c: {  	[sflag:s20] =	ssyncset.done $0x0  }
0x45d: {  	[sflag:s20] =	ssyncadd.s32 $0xFFFFFE00  }
0x45e: {  	_ =	swait.ge [sflag:s20], $0x200  }
0x45f: {  	[sflag:s20] =	ssyncset.done $0x0  }
0x460: {  	[sflag:s20] =	ssyncadd.s32 $0xFFFFFE00  }
0x461: {  	_ =	swait.ge [sflag:s20], $0x200  }
0x462: {  	[sflag:s20] =	ssyncset.done $0x0  }
0x463: {  	[sflag:s20] =	ssyncadd.s32 $0xFFFFFE00  }
0x464: {  	_ =	swait.ge [sflag:s20], $0x200  }
0x465: {  	[sflag:s20] =	ssyncset.done $0x0  }
0x466: {  	[sflag:s20] =	ssyncadd.s32 $0xFFFFFE00  }
0x467: {  	_ =	swait.ge [sflag:s20], $0x200  }
0x468: {  	[sflag:s20] =	ssyncset.done $0x0  }
0x469: {  	[sflag:s20] =	ssyncadd.s32 $0xFFFFFE00  }
0x46a: {  	_ =	swait.ge [sflag:s20], $0x200  }
0x46b: {  	[sflag:s20] =	ssyncset.done $0x0  }
0x46c: {  	[sflag:s20] =	ssyncadd.s32 $0xFFFFFE00  }
0x46d: {  	_ =	swait.ge [sflag:s20], $0x200  }
0x46e: {  	[sflag:s20] =	ssyncset.done $0x0  }
0x46f: {  	[sflag:s20] =	ssyncadd.s32 $0xFFFFFE00  }
0x470: {  	_ =	swait.ge [sflag:s20], $0x200  }
0x471: {  	[sflag:s20] =	ssyncset.done $0x0  }
0x472: {  	[sflag:s20] =	ssyncadd.s32 $0xFFFFFE00  }
0x473: {  	_ =	swait.ge [sflag:s20], $0x200  }
0x474: {  	[sflag:s20] =	ssyncset.done $0x0  }
0x475: {  	[sflag:s20] =	ssyncadd.s32 $0xFFFFFE00  }
0x476: {  	_ =	swait.ge [sflag:s20], $0x200  }
0x477: {  	[sflag:s20] =	ssyncset.done $0x0  }
0x478: {  	[sflag:s20] =	ssyncadd.s32 $0xFFFFFE00  }
0x479: {  	_ =	swait.ge [sflag:s20], $0x200  }
0x47a: {  	[sflag:s20] =	ssyncset.done $0x0  }
0x47b: {  	[sflag:s20] =	ssyncadd.s32 $0xFFFFFE00  }
0x47c: {  	_ =	swait.ge [sflag:s20], $0x200  }
0x47d: {  	[sflag:s20] =	ssyncset.done $0x0  }
0x47e: {  	[sflag:s20] =	ssyncadd.s32 $0xFFFFFE00  }
0x47f: {  	_ =	swait.ge [sflag:s20], $0x200  }
0x480: {  	[sflag:s20] =	ssyncset.done $0x0  }
0x481: {  	s0 =	rddreg [dreg:$0x11];
	[sflag:s20] =	ssyncadd.s32 $0xFFFFFE00  }
0x482: {  	[hbm4b:s0+s14] =	stream.strided.scatter [tilespmem:s3], [sflag:$0x2], $0x4000, s15, s14, $0x38;
	[tilespmem:$0x1A760] =	vst v63  }
0x483: {  	_ =	swait.ge [sflag:s22], $0x4000  }
0x484: {  	s1 =	sld [smem:$0x7FD]  }
0x485: {  	[sflag:s22] =	ssyncset.done $0x0  }
0x486: {  	s30 =	simm.s32 $0xA400;
	s0 =	simm.s32 $0x800;
	[sflag:s22] =	ssyncadd.s32 $0xFFFFC000  }
0x487: {  	[tilespmem:s30], [sflag:$0x1] =	stream.indirect.gather [hbm4b:s1+s14], $0x1, s29, s14, $0xb8;
	[tilespmem:$0x1A760] =	vst v63  }
.LBB2_34:
0x488: {  	p0 =	sne.s32 s0, $0xF800  }
.Ltmp16:
0x489: {  	_ = 	snop;
	(pc) =	sbr.rel @p0 .LBB2_34-.Ltmp16, $4  }
0x48a: {  	_ = 	snop  }
0x48b: {  	s2 =	sshra.s32 s0, $0x2;
	s0 =	sadd.s32 $0x800, s0  }
0x48c: {  	s1 =	sadd.s32 $0x30D4, s1;
	s2 =	sadd.s32 $0xA400, s2  }
0x48d: {  	[tilespmem:s2], [sflag:$0x1] =	stream.indirect.gather [hbm4b:s1+s14], $0x1, s29, s14, $0xb8;
	[tilespmem:$0x1A760] =	vst v63  }
0x48e: {  	_ =	swait.ge [sflag:s20], $0x200  }
0x48f: {  	[sflag:s20] =	ssyncset.done $0x0  }
0x490: {  	[sflag:s20] =	ssyncadd.s32 $0xFFFFFE00  }
0x491: {  	_ =	swait.ge [sflag:s20], $0x200  }
0x492: {  	[sflag:s20] =	ssyncset.done $0x0  }
0x493: {  	[sflag:s20] =	ssyncadd.s32 $0xFFFFFE00  }
0x494: {  	_ =	swait.ge [sflag:s20], $0x200  }
0x495: {  	[sflag:s20] =	ssyncset.done $0x0  }
0x496: {  	[sflag:s20] =	ssyncadd.s32 $0xFFFFFE00  }
0x497: {  	_ =	swait.ge [sflag:s20], $0x200  }
0x498: {  	[sflag:s20] =	ssyncset.done $0x0  }
0x499: {  	[sflag:s20] =	ssyncadd.s32 $0xFFFFFE00  }
0x49a: {  	_ =	swait.ge [sflag:s20], $0x200  }
0x49b: {  	[sflag:s20] =	ssyncset.done $0x0  }
0x49c: {  	[sflag:s20] =	ssyncadd.s32 $0xFFFFFE00  }
0x49d: {  	_ =	swait.ge [sflag:s20], $0x200  }
0x49e: {  	[sflag:s20] =	ssyncset.done $0x0  }
0x49f: {  	[sflag:s20] =	ssyncadd.s32 $0xFFFFFE00  }
0x4a0: {  	_ =	swait.ge [sflag:s20], $0x200  }
0x4a1: {  	[sflag:s20] =	ssyncset.done $0x0  }
0x4a2: {  	[sflag:s20] =	ssyncadd.s32 $0xFFFFFE00  }
0x4a3: {  	_ =	swait.ge [sflag:s20], $0x200  }
0x4a4: {  	[sflag:s20] =	ssyncset.done $0x0  }
0x4a5: {  	[sflag:s20] =	ssyncadd.s32 $0xFFFFFE00  }
0x4a6: {  	_ =	swait.ge [sflag:s20], $0x200  }
0x4a7: {  	[sflag:s20] =	ssyncset.done $0x0  }
0x4a8: {  	[sflag:s20] =	ssyncadd.s32 $0xFFFFFE00  }
0x4a9: {  	_ =	swait.ge [sflag:s20], $0x200  }
0x4aa: {  	[sflag:s20] =	ssyncset.done $0x0  }
0x4ab: {  	[sflag:s20] =	ssyncadd.s32 $0xFFFFFE00  }
0x4ac: {  	_ =	swait.ge [sflag:s20], $0x200  }
0x4ad: {  	[sflag:s20] =	ssyncset.done $0x0  }
0x4ae: {  	[sflag:s20] =	ssyncadd.s32 $0xFFFFFE00  }
0x4af: {  	_ =	swait.ge [sflag:s20], $0x200  }
0x4b0: {  	[sflag:s20] =	ssyncset.done $0x0  }
0x4b1: {  	[sflag:s20] =	ssyncadd.s32 $0xFFFFFE00  }
0x4b2: {  	_ =	swait.ge [sflag:s20], $0x200  }
0x4b3: {  	[sflag:s20] =	ssyncset.done $0x0  }
0x4b4: {  	[sflag:s20] =	ssyncadd.s32 $0xFFFFFE00  }
0x4b5: {  	_ =	swait.ge [sflag:s20], $0x200  }
0x4b6: {  	[sflag:s20] =	ssyncset.done $0x0  }
0x4b7: {  	[sflag:s20] =	ssyncadd.s32 $0xFFFFFE00  }
0x4b8: {  	_ =	swait.ge [sflag:s20], $0x200  }
0x4b9: {  	[sflag:s20] =	ssyncset.done $0x0  }
0x4ba: {  	[sflag:s20] =	ssyncadd.s32 $0xFFFFFE00  }
0x4bb: {  	_ =	swait.ge [sflag:s20], $0x200  }
0x4bc: {  	[sflag:s20] =	ssyncset.done $0x0  }
0x4bd: {  	[sflag:s20] =	ssyncadd.s32 $0xFFFFFE00  }
0x4be: {  	_ =	swait.ge [sflag:s20], $0x200  }
0x4bf: {  	[sflag:s20] =	ssyncset.done $0x0  }
0x4c0: {  	[sflag:s20] =	ssyncadd.s32 $0xFFFFFE00  }
0x4c1: {  	_ =	swait.ge [sflag:s20], $0x200  }
0x4c2: {  	[sflag:s20] =	ssyncset.done $0x0  }
0x4c3: {  	[sflag:s20] =	ssyncadd.s32 $0xFFFFFE00  }
0x4c4: {  	_ =	swait.ge [sflag:s20], $0x200  }
0x4c5: {  	[sflag:s20] =	ssyncset.done $0x0  }
0x4c6: {  	[sflag:s20] =	ssyncadd.s32 $0xFFFFFE00  }
0x4c7: {  	_ =	swait.ge [sflag:s20], $0x200  }
0x4c8: {  	[sflag:s20] =	ssyncset.done $0x0  }
0x4c9: {  	[sflag:s20] =	ssyncadd.s32 $0xFFFFFE00  }
0x4ca: {  	_ =	swait.ge [sflag:s20], $0x200  }
0x4cb: {  	[sflag:s20] =	ssyncset.done $0x0  }
0x4cc: {  	[sflag:s20] =	ssyncadd.s32 $0xFFFFFE00  }
0x4cd: {  	_ =	swait.ge [sflag:s20], $0x200  }
0x4ce: {  	[sflag:s20] =	ssyncset.done $0x0  }
0x4cf: {  	[sflag:s20] =	ssyncadd.s32 $0xFFFFFE00  }
0x4d0: {  	_ =	swait.ge [sflag:s20], $0x200  }
0x4d1: {  	[sflag:s20] =	ssyncset.done $0x0  }
0x4d2: {  	[sflag:s20] =	ssyncadd.s32 $0xFFFFFE00  }
0x4d3: {  	_ =	swait.ge [sflag:s20], $0x200  }
0x4d4: {  	[sflag:s20] =	ssyncset.done $0x0  }
0x4d5: {  	[sflag:s20] =	ssyncadd.s32 $0xFFFFFE00  }
0x4d6: {  	_ =	swait.ge [sflag:s20], $0x200  }
0x4d7: {  	[sflag:s20] =	ssyncset.done $0x0  }
0x4d8: {  	[sflag:s20] =	ssyncadd.s32 $0xFFFFFE00  }
0x4d9: {  	_ =	swait.ge [sflag:s20], $0x200  }
0x4da: {  	[sflag:s20] =	ssyncset.done $0x0  }
0x4db: {  	[sflag:s20] =	ssyncadd.s32 $0xFFFFFE00  }
0x4dc: {  	_ =	swait.ge [sflag:s20], $0x200  }
0x4dd: {  	[sflag:s20] =	ssyncset.done $0x0  }
0x4de: {  	[sflag:s20] =	ssyncadd.s32 $0xFFFFFE00  }
0x4df: {  	_ =	swait.ge [sflag:s20], $0x200  }
0x4e0: {  	[sflag:s20] =	ssyncset.done $0x0  }
0x4e1: {  	[sflag:s20] =	ssyncadd.s32 $0xFFFFFE00  }
0x4e2: {  	_ =	swait.ge [sflag:s20], $0x200  }
0x4e3: {  	[sflag:s20] =	ssyncset.done $0x0  }
0x4e4: {  	[sflag:s20] =	ssyncadd.s32 $0xFFFFFE00  }
0x4e5: {  	_ =	swait.ge [sflag:s20], $0x200  }
0x4e6: {  	[sflag:s20] =	ssyncset.done $0x0  }
0x4e7: {  	[sflag:s20] =	ssyncadd.s32 $0xFFFFFE00  }
0x4e8: {  	_ =	swait.ge [sflag:s20], $0x200  }
0x4e9: {  	[sflag:s20] =	ssyncset.done $0x0  }
0x4ea: {  	[sflag:s20] =	ssyncadd.s32 $0xFFFFFE00  }
0x4eb: {  	_ =	swait.ge [sflag:s20], $0x200  }
0x4ec: {  	[sflag:s20] =	ssyncset.done $0x0  }
0x4ed: {  	s0 =	rddreg [dreg:$0x12];
	[sflag:s20] =	ssyncadd.s32 $0xFFFFFE00  }
0x4ee: {  	[hbm4b:s0+s14] =	stream.strided.scatter [tilespmem:s4], [sflag:$0x2], $0x4000, s15, s14, $0x38;
	[tilespmem:$0x1A760] =	vst v63  }
0x4ef: {  	_ =	swait.ge [sflag:s22], $0x4000  }
0x4f0: {  	[sflag:s22] =	ssyncset.done $0x0  }
0x4f1: {  	[sflag:s22] =	ssyncadd.s32 $0xFFFFC000  }
0x4f2: {  	_ =	swait.ge [sflag:s20], $0x200  }
0x4f3: {  	[sflag:s20] =	ssyncset.done $0x0  }
0x4f4: {  	[sflag:s20] =	ssyncadd.s32 $0xFFFFFE00  }
0x4f5: {  	_ =	swait.ge [sflag:s20], $0x200  }
0x4f6: {  	[sflag:s20] =	ssyncset.done $0x0  }
0x4f7: {  	[sflag:s20] =	ssyncadd.s32 $0xFFFFFE00  }
0x4f8: {  	_ =	swait.ge [sflag:s20], $0x200  }
0x4f9: {  	[sflag:s20] =	ssyncset.done $0x0  }
0x4fa: {  	[sflag:s20] =	ssyncadd.s32 $0xFFFFFE00  }
0x4fb: {  	_ =	swait.ge [sflag:s20], $0x200  }
0x4fc: {  	[sflag:s20] =	ssyncset.done $0x0  }
0x4fd: {  	[sflag:s20] =	ssyncadd.s32 $0xFFFFFE00  }
0x4fe: {  	_ =	swait.ge [sflag:s20], $0x200  }
0x4ff: {  	[sflag:s20] =	ssyncset.done $0x0  }
0x500: {  	[sflag:s20] =	ssyncadd.s32 $0xFFFFFE00  }
0x501: {  	_ =	swait.ge [sflag:s20], $0x200  }
0x502: {  	[sflag:s20] =	ssyncset.done $0x0  }
0x503: {  	[sflag:s20] =	ssyncadd.s32 $0xFFFFFE00  }
0x504: {  	_ =	swait.ge [sflag:s20], $0x200  }
0x505: {  	[sflag:s20] =	ssyncset.done $0x0  }
0x506: {  	[sflag:s20] =	ssyncadd.s32 $0xFFFFFE00  }
0x507: {  	_ =	swait.ge [sflag:s20], $0x200  }
0x508: {  	[sflag:s20] =	ssyncset.done $0x0  }
0x509: {  	[sflag:s20] =	ssyncadd.s32 $0xFFFFFE00  }
0x50a: {  	_ =	swait.ge [sflag:s20], $0x200  }
0x50b: {  	[sflag:s20] =	ssyncset.done $0x0  }
0x50c: {  	[sflag:s20] =	ssyncadd.s32 $0xFFFFFE00  }
0x50d: {  	_ =	swait.ge [sflag:s20], $0x200  }
0x50e: {  	[sflag:s20] =	ssyncset.done $0x0  }
0x50f: {  	[sflag:s20] =	ssyncadd.s32 $0xFFFFFE00  }
0x510: {  	_ =	swait.ge [sflag:s20], $0x200  }
0x511: {  	[sflag:s20] =	ssyncset.done $0x0  }
0x512: {  	[sflag:s20] =	ssyncadd.s32 $0xFFFFFE00  }
0x513: {  	_ =	swait.ge [sflag:s20], $0x200  }
0x514: {  	[sflag:s20] =	ssyncset.done $0x0  }
0x515: {  	[sflag:s20] =	ssyncadd.s32 $0xFFFFFE00  }
0x516: {  	_ =	swait.ge [sflag:s20], $0x200  }
0x517: {  	[sflag:s20] =	ssyncset.done $0x0  }
0x518: {  	[sflag:s20] =	ssyncadd.s32 $0xFFFFFE00  }
0x519: {  	_ =	swait.ge [sflag:s20], $0x200  }
0x51a: {  	[sflag:s20] =	ssyncset.done $0x0  }
0x51b: {  	[sflag:s20] =	ssyncadd.s32 $0xFFFFFE00  }
0x51c: {  	_ =	swait.ge [sflag:s20], $0x200  }
0x51d: {  	[sflag:s20] =	ssyncset.done $0x0  }
0x51e: {  	[sflag:s20] =	ssyncadd.s32 $0xFFFFFE00  }
0x51f: {  	_ =	swait.ge [sflag:s20], $0x200  }
0x520: {  	[sflag:s20] =	ssyncset.done $0x0  }
0x521: {  	[sflag:s20] =	ssyncadd.s32 $0xFFFFFE00  }
0x522: {  	_ =	swait.ge [sflag:s20], $0x200  }
0x523: {  	[sflag:s20] =	ssyncset.done $0x0  }
0x524: {  	[sflag:s20] =	ssyncadd.s32 $0xFFFFFE00  }
0x525: {  	_ =	swait.ge [sflag:s20], $0x200  }
0x526: {  	[sflag:s20] =	ssyncset.done $0x0  }
0x527: {  	[sflag:s20] =	ssyncadd.s32 $0xFFFFFE00  }
0x528: {  	_ =	swait.ge [sflag:s20], $0x200  }
0x529: {  	[sflag:s20] =	ssyncset.done $0x0  }
0x52a: {  	[sflag:s20] =	ssyncadd.s32 $0xFFFFFE00  }
0x52b: {  	_ =	swait.ge [sflag:s20], $0x200  }
0x52c: {  	[sflag:s20] =	ssyncset.done $0x0  }
0x52d: {  	[sflag:s20] =	ssyncadd.s32 $0xFFFFFE00  }
0x52e: {  	_ =	swait.ge [sflag:s20], $0x200  }
0x52f: {  	[sflag:s20] =	ssyncset.done $0x0  }
0x530: {  	[sflag:s20] =	ssyncadd.s32 $0xFFFFFE00  }
0x531: {  	_ =	swait.ge [sflag:s20], $0x200  }
0x532: {  	[sflag:s20] =	ssyncset.done $0x0  }
0x533: {  	[sflag:s20] =	ssyncadd.s32 $0xFFFFFE00  }
0x534: {  	_ =	swait.ge [sflag:s20], $0x200  }
0x535: {  	[sflag:s20] =	ssyncset.done $0x0  }
0x536: {  	[sflag:s20] =	ssyncadd.s32 $0xFFFFFE00  }
0x537: {  	_ =	swait.ge [sflag:s20], $0x200  }
0x538: {  	[sflag:s20] =	ssyncset.done $0x0  }
0x539: {  	[sflag:s20] =	ssyncadd.s32 $0xFFFFFE00  }
0x53a: {  	_ =	swait.ge [sflag:s20], $0x200  }
0x53b: {  	[sflag:s20] =	ssyncset.done $0x0  }
0x53c: {  	[sflag:s20] =	ssyncadd.s32 $0xFFFFFE00  }
0x53d: {  	_ =	swait.ge [sflag:s20], $0x200  }
0x53e: {  	[sflag:s20] =	ssyncset.done $0x0  }
0x53f: {  	[sflag:s20] =	ssyncadd.s32 $0xFFFFFE00  }
0x540: {  	_ =	swait.ge [sflag:s20], $0x200  }
0x541: {  	[sflag:s20] =	ssyncset.done $0x0  }
0x542: {  	[sflag:s20] =	ssyncadd.s32 $0xFFFFFE00  }
0x543: {  	_ =	swait.ge [sflag:s20], $0x200  }
0x544: {  	[sflag:s20] =	ssyncset.done $0x0  }
0x545: {  	[sflag:s20] =	ssyncadd.s32 $0xFFFFFE00  }
0x546: {  	_ =	swait.ge [sflag:s20], $0x200  }
0x547: {  	[sflag:s20] =	ssyncset.done $0x0  }
0x548: {  	[sflag:s20] =	ssyncadd.s32 $0xFFFFFE00  }
0x549: {  	_ =	swait.ge [sflag:s20], $0x200  }
0x54a: {  	[sflag:s20] =	ssyncset.done $0x0  }
0x54b: {  	[sflag:s20] =	ssyncadd.s32 $0xFFFFFE00  }
0x54c: {  	_ =	swait.ge [sflag:s20], $0x200  }
0x54d: {  	[sflag:s20] =	ssyncset.done $0x0  }
0x54e: {  	[sflag:s20] =	ssyncadd.s32 $0xFFFFFE00  }
0x54f: {  	_ =	swait.ge [sflag:s20], $0x200  }
0x550: {  	[sflag:s20] =	ssyncset.done $0x0  }
0x551: {  	s4 =	rddreg [dreg:$0x13];
	[sflag:s20] =	ssyncadd.s32 $0xFFFFFE00  }
0x552: {  	[hbm4b:s4+s14] =	stream.strided.scatter [tilespmem:s8], [sflag:$0x2], $0x4000, s15, s14, $0x38;
	[tilespmem:$0x1A760] =	vst v63  }
0x553: {  	_ =	swait.ge [sflag:s22], $0x4000  }
0x554: {  	[sflag:s22] =	ssyncset.done $0x0  }
0x555: {  	[sflag:s22] =	ssyncadd.s32 $0xFFFFC000  }
0x556: {  	_ =	swait.ge [sflag:s20], $0x200  }
0x557: {  	[sflag:s20] =	ssyncset.done $0x0  }
0x558: {  	[sflag:s20] =	ssyncadd.s32 $0xFFFFFE00  }
0x559: {  	_ =	swait.ge [sflag:s20], $0x200  }
0x55a: {  	[sflag:s20] =	ssyncset.done $0x0  }
0x55b: {  	[sflag:s20] =	ssyncadd.s32 $0xFFFFFE00  }
0x55c: {  	_ =	swait.ge [sflag:s20], $0x200  }
0x55d: {  	[sflag:s20] =	ssyncset.done $0x0  }
0x55e: {  	[sflag:s20] =	ssyncadd.s32 $0xFFFFFE00  }
0x55f: {  	_ =	swait.ge [sflag:s20], $0x200  }
0x560: {  	[sflag:s20] =	ssyncset.done $0x0  }
0x561: {  	[sflag:s20] =	ssyncadd.s32 $0xFFFFFE00  }
0x562: {  	_ =	swait.ge [sflag:s20], $0x200  }
0x563: {  	[sflag:s20] =	ssyncset.done $0x0  }
0x564: {  	[sflag:s20] =	ssyncadd.s32 $0xFFFFFE00  }
0x565: {  	_ =	swait.ge [sflag:s20], $0x200  }
0x566: {  	[sflag:s20] =	ssyncset.done $0x0  }
0x567: {  	[sflag:s20] =	ssyncadd.s32 $0xFFFFFE00  }
0x568: {  	_ =	swait.ge [sflag:s20], $0x200  }
0x569: {  	[sflag:s20] =	ssyncset.done $0x0  }
0x56a: {  	[sflag:s20] =	ssyncadd.s32 $0xFFFFFE00  }
0x56b: {  	_ =	swait.ge [sflag:s20], $0x200  }
0x56c: {  	[sflag:s20] =	ssyncset.done $0x0  }
0x56d: {  	[sflag:s20] =	ssyncadd.s32 $0xFFFFFE00  }
0x56e: {  	_ =	swait.ge [sflag:s20], $0x200  }
0x56f: {  	[sflag:s20] =	ssyncset.done $0x0  }
0x570: {  	[sflag:s20] =	ssyncadd.s32 $0xFFFFFE00  }
0x571: {  	_ =	swait.ge [sflag:s20], $0x200  }
0x572: {  	[sflag:s20] =	ssyncset.done $0x0  }
0x573: {  	[sflag:s20] =	ssyncadd.s32 $0xFFFFFE00  }
0x574: {  	_ =	swait.ge [sflag:s20], $0x200  }
0x575: {  	[sflag:s20] =	ssyncset.done $0x0  }
0x576: {  	[sflag:s20] =	ssyncadd.s32 $0xFFFFFE00  }
0x577: {  	_ =	swait.ge [sflag:s20], $0x200  }
0x578: {  	[sflag:s20] =	ssyncset.done $0x0  }
0x579: {  	[sflag:s20] =	ssyncadd.s32 $0xFFFFFE00  }
0x57a: {  	_ =	swait.ge [sflag:s20], $0x200  }
0x57b: {  	[sflag:s20] =	ssyncset.done $0x0  }
0x57c: {  	[sflag:s20] =	ssyncadd.s32 $0xFFFFFE00  }
0x57d: {  	_ =	swait.ge [sflag:s20], $0x200  }
0x57e: {  	[sflag:s20] =	ssyncset.done $0x0  }
0x57f: {  	[sflag:s20] =	ssyncadd.s32 $0xFFFFFE00  }
0x580: {  	_ =	swait.ge [sflag:s20], $0x200  }
0x581: {  	[sflag:s20] =	ssyncset.done $0x0  }
0x582: {  	[sflag:s20] =	ssyncadd.s32 $0xFFFFFE00  }
0x583: {  	_ =	swait.ge [sflag:s20], $0x200  }
0x584: {  	[sflag:s20] =	ssyncset.done $0x0  }
0x585: {  	[sflag:s20] =	ssyncadd.s32 $0xFFFFFE00  }
0x586: {  	_ =	swait.ge [sflag:s20], $0x200  }
0x587: {  	[sflag:s20] =	ssyncset.done $0x0  }
0x588: {  	[sflag:s20] =	ssyncadd.s32 $0xFFFFFE00  }
0x589: {  	_ =	swait.ge [sflag:s20], $0x200  }
0x58a: {  	[sflag:s20] =	ssyncset.done $0x0  }
0x58b: {  	[sflag:s20] =	ssyncadd.s32 $0xFFFFFE00  }
0x58c: {  	_ =	swait.ge [sflag:s20], $0x200  }
0x58d: {  	[sflag:s20] =	ssyncset.done $0x0  }
0x58e: {  	[sflag:s20] =	ssyncadd.s32 $0xFFFFFE00  }
0x58f: {  	_ =	swait.ge [sflag:s20], $0x200  }
0x590: {  	[sflag:s20] =	ssyncset.done $0x0  }
0x591: {  	[sflag:s20] =	ssyncadd.s32 $0xFFFFFE00  }
0x592: {  	_ =	swait.ge [sflag:s20], $0x200  }
0x593: {  	[sflag:s20] =	ssyncset.done $0x0  }
0x594: {  	[sflag:s20] =	ssyncadd.s32 $0xFFFFFE00  }
0x595: {  	_ =	swait.ge [sflag:s20], $0x200  }
0x596: {  	[sflag:s20] =	ssyncset.done $0x0  }
0x597: {  	[sflag:s20] =	ssyncadd.s32 $0xFFFFFE00  }
0x598: {  	_ =	swait.ge [sflag:s20], $0x200  }
0x599: {  	[sflag:s20] =	ssyncset.done $0x0  }
0x59a: {  	[sflag:s20] =	ssyncadd.s32 $0xFFFFFE00  }
0x59b: {  	_ =	swait.ge [sflag:s20], $0x200  }
0x59c: {  	[sflag:s20] =	ssyncset.done $0x0  }
0x59d: {  	[sflag:s20] =	ssyncadd.s32 $0xFFFFFE00  }
0x59e: {  	_ =	swait.ge [sflag:s20], $0x200  }
0x59f: {  	[sflag:s20] =	ssyncset.done $0x0  }
0x5a0: {  	[sflag:s20] =	ssyncadd.s32 $0xFFFFFE00  }
0x5a1: {  	_ =	swait.ge [sflag:s20], $0x200  }
0x5a2: {  	[sflag:s20] =	ssyncset.done $0x0  }
0x5a3: {  	[sflag:s20] =	ssyncadd.s32 $0xFFFFFE00  }
0x5a4: {  	_ =	swait.ge [sflag:s20], $0x200  }
0x5a5: {  	[sflag:s20] =	ssyncset.done $0x0  }
0x5a6: {  	[sflag:s20] =	ssyncadd.s32 $0xFFFFFE00  }
0x5a7: {  	_ =	swait.ge [sflag:s20], $0x200  }
0x5a8: {  	[sflag:s20] =	ssyncset.done $0x0  }
0x5a9: {  	[sflag:s20] =	ssyncadd.s32 $0xFFFFFE00  }
0x5aa: {  	_ =	swait.ge [sflag:s20], $0x200  }
0x5ab: {  	[sflag:s20] =	ssyncset.done $0x0  }
0x5ac: {  	[sflag:s20] =	ssyncadd.s32 $0xFFFFFE00  }
0x5ad: {  	_ =	swait.ge [sflag:s20], $0x200  }
0x5ae: {  	[sflag:s20] =	ssyncset.done $0x0  }
0x5af: {  	[sflag:s20] =	ssyncadd.s32 $0xFFFFFE00  }
0x5b0: {  	_ =	swait.ge [sflag:s20], $0x200  }
0x5b1: {  	[sflag:s20] =	ssyncset.done $0x0  }
0x5b2: {  	[sflag:s20] =	ssyncadd.s32 $0xFFFFFE00  }
0x5b3: {  	_ =	swait.ge [sflag:s20], $0x200  }
0x5b4: {  	[sflag:s20] =	ssyncset.done $0x0  }
0x5b5: {  	s8 =	rddreg [dreg:$0x14];
	[sflag:s20] =	ssyncadd.s32 $0xFFFFFE00  }
0x5b6: {  	[hbm4b:s8+s14] =	stream.strided.scatter [tilespmem:s9], [sflag:$0x2], $0x4000, s15, s14, $0x38;
	[tilespmem:$0x1A760] =	vst v63  }
0x5b7: {  	_ =	swait.ge [sflag:s22], $0x4000  }
0x5b8: {  	[sflag:s22] =	ssyncset.done $0x0  }
0x5b9: {  	[sflag:s22] =	ssyncadd.s32 $0xFFFFC000  }
0x5ba: {  	_ =	swait.ge [sflag:s20], $0x200  }
0x5bb: {  	[sflag:s20] =	ssyncset.done $0x0  }
0x5bc: {  	[sflag:s20] =	ssyncadd.s32 $0xFFFFFE00  }
0x5bd: {  	_ =	swait.ge [sflag:s20], $0x200  }
0x5be: {  	[sflag:s20] =	ssyncset.done $0x0  }
0x5bf: {  	[sflag:s20] =	ssyncadd.s32 $0xFFFFFE00  }
0x5c0: {  	_ =	swait.ge [sflag:s20], $0x200  }
0x5c1: {  	[sflag:s20] =	ssyncset.done $0x0  }
0x5c2: {  	[sflag:s20] =	ssyncadd.s32 $0xFFFFFE00  }
0x5c3: {  	_ =	swait.ge [sflag:s20], $0x200  }
0x5c4: {  	[sflag:s20] =	ssyncset.done $0x0  }
0x5c5: {  	[sflag:s20] =	ssyncadd.s32 $0xFFFFFE00  }
0x5c6: {  	_ =	swait.ge [sflag:s20], $0x200  }
0x5c7: {  	[sflag:s20] =	ssyncset.done $0x0  }
0x5c8: {  	[sflag:s20] =	ssyncadd.s32 $0xFFFFFE00  }
0x5c9: {  	_ =	swait.ge [sflag:s20], $0x200  }
0x5ca: {  	[sflag:s20] =	ssyncset.done $0x0  }
0x5cb: {  	[sflag:s20] =	ssyncadd.s32 $0xFFFFFE00  }
0x5cc: {  	_ =	swait.ge [sflag:s20], $0x200  }
0x5cd: {  	[sflag:s20] =	ssyncset.done $0x0  }
0x5ce: {  	[sflag:s20] =	ssyncadd.s32 $0xFFFFFE00  }
0x5cf: {  	_ =	swait.ge [sflag:s20], $0x200  }
0x5d0: {  	[sflag:s20] =	ssyncset.done $0x0  }
0x5d1: {  	[sflag:s20] =	ssyncadd.s32 $0xFFFFFE00  }
0x5d2: {  	_ =	swait.ge [sflag:s20], $0x200  }
0x5d3: {  	[sflag:s20] =	ssyncset.done $0x0  }
0x5d4: {  	[sflag:s20] =	ssyncadd.s32 $0xFFFFFE00  }
0x5d5: {  	_ =	swait.ge [sflag:s20], $0x200  }
0x5d6: {  	[sflag:s20] =	ssyncset.done $0x0  }
0x5d7: {  	[sflag:s20] =	ssyncadd.s32 $0xFFFFFE00  }
0x5d8: {  	_ =	swait.ge [sflag:s20], $0x200  }
0x5d9: {  	[sflag:s20] =	ssyncset.done $0x0  }
0x5da: {  	[sflag:s20] =	ssyncadd.s32 $0xFFFFFE00  }
0x5db: {  	_ =	swait.ge [sflag:s20], $0x200  }
0x5dc: {  	[sflag:s20] =	ssyncset.done $0x0  }
0x5dd: {  	[sflag:s20] =	ssyncadd.s32 $0xFFFFFE00  }
0x5de: {  	_ =	swait.ge [sflag:s20], $0x200  }
0x5df: {  	[sflag:s20] =	ssyncset.done $0x0  }
0x5e0: {  	[sflag:s20] =	ssyncadd.s32 $0xFFFFFE00  }
0x5e1: {  	_ =	swait.ge [sflag:s20], $0x200  }
0x5e2: {  	[sflag:s20] =	ssyncset.done $0x0  }
0x5e3: {  	[sflag:s20] =	ssyncadd.s32 $0xFFFFFE00  }
0x5e4: {  	_ =	swait.ge [sflag:s20], $0x200  }
0x5e5: {  	[sflag:s20] =	ssyncset.done $0x0  }
0x5e6: {  	[sflag:s20] =	ssyncadd.s32 $0xFFFFFE00  }
0x5e7: {  	_ =	swait.ge [sflag:s20], $0x200  }
0x5e8: {  	[sflag:s20] =	ssyncset.done $0x0  }
0x5e9: {  	[sflag:s20] =	ssyncadd.s32 $0xFFFFFE00  }
0x5ea: {  	_ =	swait.ge [sflag:s20], $0x200  }
0x5eb: {  	[sflag:s20] =	ssyncset.done $0x0  }
0x5ec: {  	[sflag:s20] =	ssyncadd.s32 $0xFFFFFE00  }
0x5ed: {  	_ =	swait.ge [sflag:s20], $0x200  }
0x5ee: {  	[sflag:s20] =	ssyncset.done $0x0  }
0x5ef: {  	[sflag:s20] =	ssyncadd.s32 $0xFFFFFE00  }
0x5f0: {  	_ =	swait.ge [sflag:s20], $0x200  }
0x5f1: {  	[sflag:s20] =	ssyncset.done $0x0  }
0x5f2: {  	[sflag:s20] =	ssyncadd.s32 $0xFFFFFE00  }
0x5f3: {  	_ =	swait.ge [sflag:s20], $0x200  }
0x5f4: {  	[sflag:s20] =	ssyncset.done $0x0  }
0x5f5: {  	[sflag:s20] =	ssyncadd.s32 $0xFFFFFE00  }
0x5f6: {  	_ =	swait.ge [sflag:s20], $0x200  }
0x5f7: {  	[sflag:s20] =	ssyncset.done $0x0  }
0x5f8: {  	[sflag:s20] =	ssyncadd.s32 $0xFFFFFE00  }
0x5f9: {  	_ =	swait.ge [sflag:s20], $0x200  }
0x5fa: {  	[sflag:s20] =	ssyncset.done $0x0  }
0x5fb: {  	[sflag:s20] =	ssyncadd.s32 $0xFFFFFE00  }
0x5fc: {  	_ =	swait.ge [sflag:s20], $0x200  }
0x5fd: {  	[sflag:s20] =	ssyncset.done $0x0  }
0x5fe: {  	[sflag:s20] =	ssyncadd.s32 $0xFFFFFE00  }
0x5ff: {  	_ =	swait.ge [sflag:s20], $0x200  }
0x600: {  	[sflag:s20] =	ssyncset.done $0x0  }
0x601: {  	[sflag:s20] =	ssyncadd.s32 $0xFFFFFE00  }
0x602: {  	_ =	swait.ge [sflag:s20], $0x200  }
0x603: {  	[sflag:s20] =	ssyncset.done $0x0  }
0x604: {  	[sflag:s20] =	ssyncadd.s32 $0xFFFFFE00  }
0x605: {  	_ =	swait.ge [sflag:s20], $0x200  }
0x606: {  	[sflag:s20] =	ssyncset.done $0x0  }
0x607: {  	[sflag:s20] =	ssyncadd.s32 $0xFFFFFE00  }
0x608: {  	_ =	swait.ge [sflag:s20], $0x200  }
0x609: {  	[sflag:s20] =	ssyncset.done $0x0  }
0x60a: {  	[sflag:s20] =	ssyncadd.s32 $0xFFFFFE00  }
0x60b: {  	_ =	swait.ge [sflag:s20], $0x200  }
0x60c: {  	[sflag:s20] =	ssyncset.done $0x0  }
0x60d: {  	[sflag:s20] =	ssyncadd.s32 $0xFFFFFE00  }
0x60e: {  	_ =	swait.ge [sflag:s20], $0x200  }
0x60f: {  	[sflag:s20] =	ssyncset.done $0x0  }
0x610: {  	[sflag:s20] =	ssyncadd.s32 $0xFFFFFE00  }
0x611: {  	_ =	swait.ge [sflag:s20], $0x200  }
0x612: {  	[sflag:s20] =	ssyncset.done $0x0  }
0x613: {  	[sflag:s20] =	ssyncadd.s32 $0xFFFFFE00  }
0x614: {  	_ =	swait.ge [sflag:s20], $0x200  }
0x615: {  	[sflag:s20] =	ssyncset.done $0x0  }
0x616: {  	[sflag:s20] =	ssyncadd.s32 $0xFFFFFE00  }
0x617: {  	_ =	swait.ge [sflag:s20], $0x200  }
0x618: {  	[sflag:s20] =	ssyncset.done $0x0  }
0x619: {  	s17 =	rddreg [dreg:$0x15];
	[sflag:s20] =	ssyncadd.s32 $0xFFFFFE00  }
0x61a: {  	[hbm4b:s17+s14] =	stream.strided.scatter [tilespmem:s3], [sflag:$0x2], $0x4000, s15, s14, $0x38;
	[tilespmem:$0x1A760] =	vst v63  }
0x61b: {  	_ =	swait.ge [sflag:s22], $0x4000  }
0x61c: {  	s1 =	sld [smem:$0x7FA]  }
0x61d: {  	s30 =	sld [smem:$0x7FB];
	_ =	sdelay $0x1  }
0x61e: {  	s1 =	sadd.s32 $0x1, s1  }
0x61f: {  	p0 =	sne.s32 s1, s30  }
.Ltmp17:
0x620: {  	_ = 	snop;
	(pc) =	sbr.rel @p0 .LBB2_1-.Ltmp17, $3  }
0x621: {  	_ =	sdelay $0x1  }
0x622: {  	[sflag:s22] =	ssyncset.done $0x0  }
0x623: {  	[sflag:s22] =	ssyncadd.s32 $0xFFFFC000  }
0x624: {  	_ =	sfence.sel $0x180000  }
0x625: {  	[bflag:$0x0] =	sbarrier.arrive $0xFFFF  }
0x626: {  	_ =	strace $0x9000004A  }
0x627: {  	s0 =	stileid.u32;
	[bflag:$0x2] =	sbarrier.arrive $0xFFFF  }
0x628: {  	p0 =	sne.s32 s0, $0x0;
	s0 =	rddreg [dreg:$0x3]  }
0x629: {  	s0 =	sadd.s32 @!p0 $0x100000, s0  }
0x62a: {  	[sflag:s0] =	ssyncadd.tile.s32 @!p0 $0x1;
	_ =	shalt  }
.Lfunc_end2:
_tile_overlayer_lowered:
.L_overlay_start_2:
0x62b: {  	(tag) =	ssettag $0x2  }
0x62c: {  	s0 =	rddreg [dreg:$0x0];
	s2 =	stileid.u32  }
0x62d: {  	s1 =	rddreg [dreg:$0x1];
	p0 =	sne.s32 s2, $0x0  }
0x62e: {  	s3 =	rddreg [dreg:$0x2];
	[bflag:$0x3] =	sbarrier.arrive $0xFFFF;
	s2 =	simm.s32 @!p0 $0x1C03  }
0x62f: {  	[timem:s3], [sflag:s2] =	dma.local @!p0 [hbm:s0], s1  }
0x630: {  	s0 =	simm.s32 @!p0 $0x3  }
0x631: {  	_ =	swait.ge @!p0 [sflag:s0], s1  }
0x632: {  	s1 =	ssub.s32 @!p0 $0x0, s1;
	[sflag:s0] =	ssyncset.done @!p0 $0x0  }
0x633: {  	[sflag:s0] =	ssyncadd.s32 @!p0 s1  }
0x634: {  	[bflag:$0x3] =	sbarrier.arrive $0xFFFF  }
0x635: {  	_ =	shalt  }

// kernel: kernel.7.cloned.1.call-start
scs
__scs_entry_jumppad:
0x0: {  	(pc) =	sbr.rel $0x88, $3  }
0x1: {  	(tag) =	ssettag $0x0;
	lr =	simm.s32 $0x1  }
0x2: {  	[smem:$0x3F9B] =	sst lr;
	_ =	strace $0xD0000000  }
0x3: {  	_ = 	snop  }
0x4: {  	_ = 	snop  }
0x5: {  	_ = 	snop  }
0x6: {  	_ = 	snop  }
0x7: {  	_ = 	snop  }
__scs_overlays_trampoline_lowered:
0x8: {  	[smem:$0x3FAA] =	sst s0  }
0x9: {  	[smem:$0x3FAB] =	sst s1  }
0xa: {  	[smem:$0x3FAC] =	sst s2  }
0xb: {  	[smem:$0x3FAD] =	sst s3  }
0xc: {  	[smem:$0x3FAE] =	sst s4  }
0xd: {  	[smem:$0x3FAF] =	sst s5  }
0xe: {  	[smem:$0x3FB0] =	sst s6  }
0xf: {  	[smem:$0x3FB1] =	sst s7  }
0x10: {  	[smem:$0x3FB2] =	sst s8  }
0x11: {  	[smem:$0x3FB3] =	sst s9;
	s0 =	simm.s32 @!p0 $0x0  }
0x12: {  	s1 =	sld [smem:$0x3F99];
	s0 =	simm.s32 @p0 $0x1  }
0x13: {  	[smem:$0x3FB4] =	sst s0;
	s0 =	simm.s32 @!p1 $0x0  }
0x14: {  	s2 =	sld [smem:$0x3F98];
	s0 =	simm.s32 @p1 $0x1  }
0x15: {  	[smem:$0x3FB5] =	sst s0;
	s0 =	simm.s32 @!p2 $0x0  }
0x16: {  	s3 =	sld [smem:$0x3FDB];
	s0 =	simm.s32 @p2 $0x1  }
0x17: {  	s4 =	simm.s32 $0x1BF5;
	[smem:$0x3FB7] =	sst s0  }
0x18: {  	s0 =	sld [smem:$0x3F9A];
	_ =	swait.ge [sflag:s4], $0x0  }
0x19: {  	s7 =	sld [smem:$0x3F9B]  }
0x1a: {  	s8 =	sadd.s32 $0xFFFFE003, lr  }
0x1b: {  	s9 =	sadd.s32 $0xFFFFFEF7, lr;
	s5 =	simm.s32 $0xFFFFFFFF;
	p2 =	slt.u32 s8, $0xFFFFF086  }
0x1c: {  	p1 =	slt.u32 s9, $0xF7A;
	s5 =	simm.s32 @!p2 $0x0  }
0x1d: {  	s5 =	simm.s32 @p1 $0x1;
	p0 =	seq.s32 s7, s2  }
0x1e: {  	s7 =	smul.u32 @!p0 $0xF7A, s2;
	p2 =	seq.s32 @!p0 s5, $0x0  }
0x1f: {  	s9 =	smul.u32 $0xF7A, s1;
	s8 =	simm.s32 @!p0 $0x1BF5;
	p2 =	por !p2, p0  }
0x20: {  	[sflag:s8] =	ssyncset.s32 @!p0 $0xFFFFF086;
	s6 =	sadd.s32 @!p0 s3, s7;
	s7 =	simm.s32 @!p0 $0x108  }
0x21: {  	s3 =	sadd.s32 s3, s9;
	s6 =	sadd.s32 @!p0 $0x88, s6;
	s7 =	simm.s32 @p2 $0x1082  }
0x22: {  	[simem:s7], [sflag:s8] =	dma.local @!p0 [hbm:s6], $0xF7A  }
0x23: {  	s9 =	sor.u32 $0xD0000000, s2;
	s6 =	simm.s32 $0x108;
	_ =	swait.ge @!p0 [sflag:s8], $0x0  }
0x24: {  	s3 =	sadd.s32 $0x88, s3;
	s6 =	simm.s32 @!p1 $0x1082;
	[sflag:s4] =	ssyncset.s32 $0xFFFFF086  }
0x25: {  	[simem:s6], [sflag:s4] =	dma.local [hbm:s3], $0xF7A  }
0x26: {  	[smem:$0x3F9B] =	sst s1;
	(tag) =	ssettag s2;
	_ =	strace s9  }
0x27: {  	s1 =	sld [smem:$0x3FAB]  }
0x28: {  	s2 =	sld [smem:$0x3FAC]  }
0x29: {  	s4 =	sld [smem:$0x3FAE]  }
0x2a: {  	p0 =	seq.s32 s5, $0x0;
	s5 =	sld [smem:$0x3FAF]  }
0x2b: {  	s6 =	sld [smem:$0x3FB0]  }
0x2c: {  	s7 =	sld [smem:$0x3FB1]  }
0x2d: {  	s3 =	simm.s32 $0x108;
	s8 =	sld [smem:$0x3FB2]  }
0x2e: {  	s3 =	simm.s32 @!p0 $0x1082;
	s9 =	sld [smem:$0x3FB3]  }
0x2f: {  	lr =	sadd.s32 s0, s3;
	s0 =	sld [smem:$0x3FAA]  }
0x30: {  	s3 =	sld [smem:$0x3FAD]  }
0x31: {  	[smem:$0x3FB6] =	sst s10  }
0x32: {  	s10 =	sld [smem:$0x3FB4];
	_ =	sdelay $0x3  }
0x33: {  	p0 =	seq.s32 s10, $0x1;
	s10 =	sld [smem:$0x3FB6];
	_ =	sdelay $0x3  }
0x34: {  	[smem:$0x3FB6] =	sst s10  }
0x35: {  	s10 =	sld [smem:$0x3FB5];
	_ =	sdelay $0x3  }
0x36: {  	p1 =	seq.s32 s10, $0x1;
	s10 =	sld [smem:$0x3FB6];
	_ =	sdelay $0x3  }
0x37: {  	[smem:$0x3FB6] =	sst s10  }
0x38: {  	s10 =	sld [smem:$0x3FB7]  }
0x39: {  	_ = 	snop;
	(pc) =	sbr.ind lr, $3  }
0x3a: {  	_ = 	snop  }
0x3b: {  	_ = 	snop  }
0x3c: {  	p2 =	seq.s32 s10, $0x1;
	s10 =	sld [smem:$0x3FB6]  }
0x3d: {  	_ =	shalt  }
0x3e: {  	_ =	shalt  }
0x3f: {  	_ =	shalt  }
0x40: {  	_ =	shalt  }
0x41: {  	_ =	shalt  }
0x42: {  	_ =	shalt  }
0x43: {  	_ =	shalt  }
0x44: {  	_ =	shalt  }
0x45: {  	_ =	shalt  }
0x46: {  	_ =	shalt  }
0x47: {  	_ =	shalt  }
0x48: {  	_ =	shalt  }
0x49: {  	_ =	shalt  }
0x4a: {  	_ =	shalt  }
0x4b: {  	_ =	shalt  }
0x4c: {  	_ =	shalt  }
0x4d: {  	_ =	shalt  }
0x4e: {  	_ =	shalt  }
0x4f: {  	_ =	shalt  }
0x50: {  	_ =	shalt  }
0x51: {  	_ =	shalt  }
0x52: {  	_ =	shalt  }
0x53: {  	_ =	shalt  }
0x54: {  	_ =	shalt  }
0x55: {  	_ =	shalt  }
0x56: {  	_ =	shalt  }
0x57: {  	_ =	shalt  }
0x58: {  	_ =	shalt  }
0x59: {  	_ =	shalt  }
0x5a: {  	_ =	shalt  }
0x5b: {  	_ =	shalt  }
0x5c: {  	_ =	shalt  }
0x5d: {  	_ =	shalt  }
0x5e: {  	_ =	shalt  }
0x5f: {  	_ =	shalt  }
0x60: {  	_ =	shalt  }
0x61: {  	_ =	shalt  }
0x62: {  	_ =	shalt  }
0x63: {  	_ =	shalt  }
0x64: {  	_ =	shalt  }
0x65: {  	_ =	shalt  }
0x66: {  	_ =	shalt  }
0x67: {  	_ =	shalt  }
0x68: {  	_ =	shalt  }
0x69: {  	_ =	shalt  }
0x6a: {  	_ =	shalt  }
0x6b: {  	_ =	shalt  }
0x6c: {  	_ =	shalt  }
0x6d: {  	_ =	shalt  }
0x6e: {  	_ =	shalt  }
0x6f: {  	_ =	shalt  }
0x70: {  	_ =	shalt  }
0x71: {  	_ =	shalt  }
0x72: {  	_ =	shalt  }
0x73: {  	_ =	shalt  }
0x74: {  	_ =	shalt  }
0x75: {  	_ =	shalt  }
0x76: {  	_ =	shalt  }
0x77: {  	_ =	shalt  }
0x78: {  	_ =	shalt  }
0x79: {  	_ =	shalt  }
0x7a: {  	_ =	shalt  }
0x7b: {  	_ =	shalt  }
0x7c: {  	_ =	shalt  }
0x7d: {  	_ =	shalt  }
0x7e: {  	_ =	shalt  }
0x7f: {  	_ =	shalt  }
0x80: {  	_ =	shalt  }
0x81: {  	_ =	shalt  }
0x82: {  	_ =	shalt  }
0x83: {  	_ =	shalt  }
0x84: {  	_ =	shalt  }
0x85: {  	_ =	shalt  }
0x86: {  	_ =	shalt  }
0x87: {  	_ =	shalt  }
.Lfunc_end0:
.L_simem_size_0:
called_computation.1_lowered:
.L_overlay_start_0:
0x88: {  	s2 =	sld [smem:$0x3FD9]  }
0x89: {  	s3 =	sld [smem:$0x3FFE];
	_ =	sdelay $0x1  }
0x8a: {  	s1 =	srdreg.scid  }
0x8b: {  	s0 =	sand.u32 $0x1, s1  }
0x8c: {  	s16 =	sshll.u32 s0, $0xA;
	s2 =	sadd.s32 s3, s2  }
0x8d: {  	s2 =	sadd.s32 s2, s16  }
0x8e: {  	[smem:$0x3FC2] =	sst s2  }
0x8f: {  	_ = 	snop  }
0x90: {  	(tm) =	ssettm $0x1  }
0x91: {  	s17 =	sld [smem:$0x3FFB];
	_ =	sdelay $0x3  }
0x92: {  	_ =	strace s17  }
0x93: {  	s2 =	sld [smem:$0x3FFC];
	_ =	sdelay $0x3  }
0x94: {  	_ =	strace s2  }
0x95: {  	s2 =	sld [smem:$0x3FFD];
	_ =	sdelay $0x3  }
0x96: {  	_ =	strace s2  }
0x97: {  	_ =	strace $0x8FFFFFFF  }
0x98: {  	s18 =	sld [smem:$0x3FDB];
	_ =	sdelay $0x1  }
0x99: {  	s19 =	simm.s32 $_scs_section_size  }
0x9a: {  	s4 =	simm.s32 $_size__tile_overlayer_lowered;
	s5 =	simm.s32 $_tile_overlayer_lowered  }
0x9b: {  	s22 =	simm.s32 $0x1BFF;
	s21 =	sshll.u32 s5, $0x1;
	s2 =	sadd.s32 s19, s18  }
0x9c: {  	s6 =	simm.s32 $0x0;
	s20 =	sshll.u32 s4, $0x1;
	s4 =	sadd.s32 s21, s2  }
0x9d: {  	[timem:s6], [sflag:s22] =	dma.local [hbm:s4], s20  }
0x9e: {  	_ =	swait.ge [sflag:s22], s20  }
0x9f: {  	s3 =	ssub.s32 $0x0, s20;
	[sflag:s22] =	ssyncset.done $0x0  }
0xa0: {  	[sflag:s22] =	ssyncadd.s32 s3;
	_ =	sdelay $0x1  }
0xa1: {  	s23 =	simm.s32 $0x1B8B  }
0xa2: {  	_ =	swait.ge [sflag:s23], $0x1  }
0xa3: {  	[sflag:s23] =	ssyncset.done $0x0  }
0xa4: {  	s25 =	simm.s32 $0x1B8E;
	s24 =	sld [smem:$0x3FFE];
	[sflag:s23] =	ssyncadd.s32 $0xFFFFFFFF  }
0xa5: {  	s26 =	simm.s32 $execute0_lowered;
	[smem:$0x3FD2] =	sst s25  }
0xa6: {  	s4 =	sshll.u32 s26, $0x1;
	_ =	strace $0x80000046;
	[dreg:$0x1] =	wrdreg $0xFFFFFFFF  }
0xa7: {  	s28 =	simm.s32 $_size_execute0_lowered;
	s2 =	sadd.s32 s2, s4;
	[dreg:$0x0] =	wrdreg $0x0  }
0xa8: {  	s4 =	sshll.u32 s28, $0x1;
	[dreg:$0x2] =	wrdreg s2  }
0xa9: {  	[dreg:$0x3] =	wrdreg s4  }
0xaa: {  	[dreg:$0x4] =	wrdreg $0xC0  }
0xab: {  	_ =	task [dreg:s6], $0x5FFFF  }
0xac: {  	[dreg:$0x1] =	wrdreg $0xFFFFFFFF  }
0xad: {  	[dreg:$0x0] =	wrdreg $0x60  }
0xae: {  	[dreg:$0x2] =	wrdreg s24  }
0xaf: {  	[dreg:$0x3] =	wrdreg $0xA  }
0xb0: {  	_ =	task.clear_ibuf [dreg:s6], $0x4FFFF;
	_ =	strace $0x90000046  }
0xb1: {  	s29 =	simm.s32 $0xA;
	_ =	strace $0x80000048  }
0xb2: {  	_ =	swait.ge [sflag:s29], $0x1  }
0xb3: {  	[sflag:s29] =	ssyncadd.s32 $0xFFFFFFFF  }
0xb4: {  	_ =	strace $0x90000048  }
0xb5: {  	_ =	sfence  }
0xb6: {  	s30 =	sld [smem:$0x0];
	_ =	sdelay $0x2  }
0xb7: {  	s31 =	sshll.u32 s1, $0xD;
	s1 =	sshrl.u32 s1, $0x2  }
0xb8: {  	s3 =	sand.u32 $0x4000, s31;
	s1 =	sadd.s32 s1, s30  }
0xb9: {  	s0 =	sor.u32 s3, s0;
	s1 =	sshll.u32 s1, $0x11  }
0xba: {  	s0 =	sor.u32 s1, s0  }
0xbb: {  	s0 =	sadd.s32 $0x8F2B, s0  }
0xbc: {  	[sflag:s0] =	ssyncadd.remote.s32 $0x1  }
0xbd: {  	_ =	sfence.sel $0xFFFF  }
0xbe: {  	[dreg:$0x0] =	wrdreg $0xFFFFFFFF;
	(pc) =	sbr.abs _section_cstart, $3  }
0xbf: {  	[dreg:$0x1] =	wrdreg $0xFFFFFFFF  }
0xc0: {  	_ =	task.clear_ibuf [dreg:s6], $0x2FFFF;
	_ =	strace $0x9FFFFFFF  }
0xc1: {  	(tm) =	ssettm $0x7FFFFFFF  }
tec
execute0_lowered:
.L_overlay_start_1:
0x0: {  	(tag) =	ssettag $0x1  }
0x1: {  	s0 =	rddreg [dreg:$0x0]  }
0x2: {  	s1 =	srdreg.scid;
	s2 =	stileid.u32  }
0x3: {  	s4 =	simm.s32 $0x0;
	s5 =	simm.s32 $0x1;
	s7 =	simm.s32 $0x2  }
0x4: {  	s8 =	simm.s32 $0x800;
	s10 =	simm.s32 $0xA00;
	s29 =	simm.s32 $0x1400  }
0x5: {  	s9 =	simm.s32 $0x0;
	s1 =	sand.u32 $0x1, s1;
	s2 =	sshll.u32 s2, $0x7  }
0x6: {  	[smem:$0x7FF] =	sst s4;
	s24 =	sadd.s32 $0x503680, s0;
	s3 =	sshll.u32 s1, $0x6  }
0x7: {  	s25 =	sadd.s32 $0x5C6B80, s0;
	s28 =	sadd.s32 $0x8D3F80, s0;
	s2 =	sor.u32 s3, s2  }
0x8: {  	_ =	strace $0x80000047;
	[dreg:$0x10] =	wrdreg s24;
	s2 =	sadd.s32 s2, s0  }
0x9: {  	s30 =	sadd.s32 $0x935A00, s0;
	[dreg:$0x11] =	wrdreg s25;
	s11 =	sadd.s32 $0x7600, s2  }
0xa: {  	s31 =	sadd.s32 $0x997480, s0;
	s12 =	sadd.s32 $0x9F9000, s2;
	[dreg:$0x2] =	wrdreg s11  }
0xb: {  	s4 =	simm.s32 $0x600;
	s13 =	sadd.s32 $0xA09000, s2;
	[dreg:$0x3] =	wrdreg s12  }
0xc: {  	s1 =	ssub.s32 $0x2, s1;
	s14 =	sadd.s32 $0xA19000, s2;
	[dreg:$0x4] =	wrdreg s13  }
0xd: {  	s24 =	sadd.s32 $0x7AF000, s0;
	s15 =	sadd.s32 $0xA29000, s2;
	[dreg:$0x5] =	wrdreg s14  }
0xe: {  	s25 =	sadd.s32 $0x810A80, s0;
	s16 =	sadd.s32 $0xA39000, s2;
	[dreg:$0x6] =	wrdreg s15  }
0xf: {  	s26 =	sshrl.u32 s1, $0x1;
	s17 =	sadd.s32 $0xA49000, s2;
	[dreg:$0x7] =	wrdreg s16  }
0x10: {  	s3 =	simm.s32 $0x400;
	s18 =	sadd.s32 $0xA59000, s2;
	[dreg:$0x8] =	wrdreg s17  }
0x11: {  	s1 =	ssub.s32 s1, s26;
	s19 =	sadd.s32 $0xA69000, s2;
	[dreg:$0x9] =	wrdreg s18  }
0x12: {  	s26 =	sadd.s32 $0x872500, s0;
	s20 =	sadd.s32 $0xA79000, s2;
	[dreg:$0xa] =	wrdreg s19  }
0x13: {  	s21 =	sadd.s32 $0xA89000, s2;
	s22 =	sadd.s32 $0xA99000, s2;
	[dreg:$0xb] =	wrdreg s20  }
0x14: {  	s23 =	sadd.s32 $0xAA9000, s2;
	s2 =	sadd.s32 $0xAB9000, s2;
	[dreg:$0xc] =	wrdreg s21  }
0x15: {  	s1 =	smax.u32 s1, $0x1;
	[dreg:$0xd] =	wrdreg s22;
	s18 =	sadd.s32 $0x565100, s0  }
0x16: {  	[dreg:$0xe] =	wrdreg s23;
	s20 =	sadd.s32 $0x628600, s0;
	s21 =	sadd.s32 $0x68A080, s0  }
0x17: {  	[dreg:$0xf] =	wrdreg s2;
	s22 =	sadd.s32 $0x6EBB00, s0;
	s23 =	sadd.s32 $0x74D580, s0  }
0x18: {  	[dreg:$0x12] =	wrdreg s1;
	s0 =	simm.s32 $0x200;
	s1 =	simm.s32 $0x4000  }
0x19: {  	s12 =	simm.s32 $0xC00;
	s14 =	simm.s32 $0xE00;
	s15 =	simm.s32 $0x1000  }
0x1a: {  	s16 =	simm.s32 $0x1200;
	s19 =	simm.s32 $0x1600;
	s2 =	simm.s32 $0x1800  }
.LBB2_1:
0x1b: {  	s6 =	simm.s32 $0x0;
	s11 =	rddreg [dreg:$0x2];
	s17 =	simm.s32 $0x3  }
0x1c: {  	[tilespmem:s6], [sflag:$0x3] =	stream.strided.gather [hbm4b:s11+s0], $0x1A00, s1, s0, $0x38;
	[tilespmem:$0x11A00] =	vst v63  }
0x1d: {  	_ =	swait.ge [sflag:s17], $0x1A00  }
0x1e: {  	[sflag:s17] =	ssyncset.done $0x0  }
0x1f: {  	s13 =	simm.s32 $0x1A00;
	[sflag:s17] =	ssyncadd.s32 $0xFFFFE600;
	s17 =	rddreg [dreg:$0x10]  }
0x20: {  	[tilespmem:s13], [sflag:$0x1] =	stream.indirect.gather [hbm4b:s17+s0], $0x1, s6, s0, $0xb8;
	[tilespmem:$0x11A00] =	vst v63  }
0x21: {  	s13 =	simm.s32 $0x800  }
.LBB2_2:
0x22: {  	p0 =	sne.s32 s13, $0xF800  }
.Ltmp0:
0x23: {  	_ = 	snop;
	(pc) =	sbr.rel @p0 .LBB2_2-.Ltmp0, $4  }
0x24: {  	_ = 	snop  }
0x25: {  	s11 =	sshra.s32 s13, $0x2;
	s13 =	sadd.s32 $0x800, s13  }
0x26: {  	s17 =	sadd.s32 $0x30D4, s17;
	s6 =	sadd.s32 $0x1A00, s11;
	s11 =	simm.s32 $0x0  }
0x27: {  	[tilespmem:s6], [sflag:$0x1] =	stream.indirect.gather [hbm4b:s17+s0], $0x1, s11, s0, $0xb8;
	[tilespmem:$0x11A00] =	vst v63  }
0x28: {  	s6 =	simm.s32 $0x5A00;
	s13 =	simm.s32 $0x800;
	s17 =	smov.u32 s18  }
0x29: {  	[tilespmem:s6], [sflag:$0x1] =	stream.indirect.gather [hbm4b:s18+s0], $0x1, s0, s0, $0xb8;
	[tilespmem:$0x11A00] =	vst v63  }
.LBB2_4:
0x2a: {  	p0 =	sne.s32 s13, $0xF800  }
.Ltmp1:
0x2b: {  	_ = 	snop;
	(pc) =	sbr.rel @p0 .LBB2_4-.Ltmp1, $4  }
0x2c: {  	_ = 	snop  }
0x2d: {  	s6 =	sshra.s32 s13, $0x2;
	s13 =	sadd.s32 $0x800, s13  }
0x2e: {  	s17 =	sadd.s32 $0x30D4, s17;
	s6 =	sadd.s32 $0x5A00, s6  }
0x2f: {  	[tilespmem:s6], [sflag:$0x1] =	stream.indirect.gather [hbm4b:s17+s0], $0x1, s0, s0, $0xb8;
	[tilespmem:$0x11A00] =	vst v63  }
0x30: {  	s13 =	rddreg [dreg:$0x11]  }
.LBB2_6:
0x31: {  	p0 =	sne.s32 s11, $0xF800  }
.Ltmp2:
0x32: {  	_ = 	snop;
	(pc) =	sbr.rel @p0 .LBB2_6-.Ltmp2, $4  }
0x33: {  	s6 =	sshra.s32 s11, $0x2  }
0x34: {  	s6 =	sadd.s32 $0x9A00, s6  }
0x35: {  	[tilespmem:s6], [sflag:$0x1] =	stream.indirect.gather [hbm4b:s13+s0], $0x1, s3, s0, $0xb8;
	[tilespmem:$0x11A00] =	vst v63  }
0x36: {  	s11 =	sadd.s32 $0x800, s11;
	s13 =	sadd.s32 $0x30D4, s13  }
0x37: {  	s6 =	simm.s32 $0xDA00  }
0x38: {  	s11 =	simm.s32 $0x800;
	s13 =	smov.u32 s20;
	s17 =	simm.s32 $0x1A00  }
0x39: {  	[tilespmem:s6], [sflag:$0x1] =	stream.indirect.gather [hbm4b:s20+s0], $0x1, s4, s0, $0xb8;
	[tilespmem:$0x11A00] =	vst v63  }
.LBB2_8:
0x3a: {  	p0 =	sne.s32 s11, $0xF800  }
.Ltmp3:
0x3b: {  	_ = 	snop;
	(pc) =	sbr.rel @p0 .LBB2_8-.Ltmp3, $4  }
0x3c: {  	_ = 	snop  }
0x3d: {  	s6 =	sshra.s32 s11, $0x2;
	s11 =	sadd.s32 $0x800, s11  }
0x3e: {  	s13 =	sadd.s32 $0x30D4, s13;
	s6 =	sadd.s32 $0xDA00, s6  }
0x3f: {  	[tilespmem:s6], [sflag:$0x1] =	stream.indirect.gather [hbm4b:s13+s0], $0x1, s4, s0, $0xb8;
	[tilespmem:$0x11A00] =	vst v63  }
0x40: {  	_ =	swait.ge [sflag:s5], $0x200  }
0x41: {  	[sflag:s5] =	ssyncset.done $0x0  }
0x42: {  	[sflag:s5] =	ssyncadd.s32 $0xFFFFFE00  }
0x43: {  	_ =	swait.ge [sflag:s5], $0x200  }
0x44: {  	[sflag:s5] =	ssyncset.done $0x0  }
0x45: {  	[sflag:s5] =	ssyncadd.s32 $0xFFFFFE00  }
0x46: {  	_ =	swait.ge [sflag:s5], $0x200  }
0x47: {  	[sflag:s5] =	ssyncset.done $0x0  }
0x48: {  	[sflag:s5] =	ssyncadd.s32 $0xFFFFFE00  }
0x49: {  	_ =	swait.ge [sflag:s5], $0x200  }
0x4a: {  	[sflag:s5] =	ssyncset.done $0x0  }
0x4b: {  	[sflag:s5] =	ssyncadd.s32 $0xFFFFFE00  }
0x4c: {  	_ =	swait.ge [sflag:s5], $0x200  }
0x4d: {  	[sflag:s5] =	ssyncset.done $0x0  }
0x4e: {  	[sflag:s5] =	ssyncadd.s32 $0xFFFFFE00  }
0x4f: {  	_ =	swait.ge [sflag:s5], $0x200  }
0x50: {  	[sflag:s5] =	ssyncset.done $0x0  }
0x51: {  	[sflag:s5] =	ssyncadd.s32 $0xFFFFFE00  }
0x52: {  	_ =	swait.ge [sflag:s5], $0x200  }
0x53: {  	[sflag:s5] =	ssyncset.done $0x0  }
0x54: {  	[sflag:s5] =	ssyncadd.s32 $0xFFFFFE00  }
0x55: {  	_ =	swait.ge [sflag:s5], $0x200  }
0x56: {  	[sflag:s5] =	ssyncset.done $0x0  }
0x57: {  	[sflag:s5] =	ssyncadd.s32 $0xFFFFFE00  }
0x58: {  	_ =	swait.ge [sflag:s5], $0x200  }
0x59: {  	[sflag:s5] =	ssyncset.done $0x0  }
0x5a: {  	[sflag:s5] =	ssyncadd.s32 $0xFFFFFE00  }
0x5b: {  	_ =	swait.ge [sflag:s5], $0x200  }
0x5c: {  	[sflag:s5] =	ssyncset.done $0x0  }
0x5d: {  	[sflag:s5] =	ssyncadd.s32 $0xFFFFFE00  }
0x5e: {  	_ =	swait.ge [sflag:s5], $0x200  }
0x5f: {  	[sflag:s5] =	ssyncset.done $0x0  }
0x60: {  	[sflag:s5] =	ssyncadd.s32 $0xFFFFFE00  }
0x61: {  	_ =	swait.ge [sflag:s5], $0x200  }
0x62: {  	[sflag:s5] =	ssyncset.done $0x0  }
0x63: {  	[sflag:s5] =	ssyncadd.s32 $0xFFFFFE00  }
0x64: {  	_ =	swait.ge [sflag:s5], $0x200  }
0x65: {  	[sflag:s5] =	ssyncset.done $0x0  }
0x66: {  	[sflag:s5] =	ssyncadd.s32 $0xFFFFFE00  }
0x67: {  	_ =	swait.ge [sflag:s5], $0x200  }
0x68: {  	[sflag:s5] =	ssyncset.done $0x0  }
0x69: {  	[sflag:s5] =	ssyncadd.s32 $0xFFFFFE00  }
0x6a: {  	_ =	swait.ge [sflag:s5], $0x200  }
0x6b: {  	[sflag:s5] =	ssyncset.done $0x0  }
0x6c: {  	[sflag:s5] =	ssyncadd.s32 $0xFFFFFE00  }
0x6d: {  	_ =	swait.ge [sflag:s5], $0x200  }
0x6e: {  	[sflag:s5] =	ssyncset.done $0x0  }
0x6f: {  	[sflag:s5] =	ssyncadd.s32 $0xFFFFFE00  }
0x70: {  	_ =	swait.ge [sflag:s5], $0x200  }
0x71: {  	[sflag:s5] =	ssyncset.done $0x0  }
0x72: {  	[sflag:s5] =	ssyncadd.s32 $0xFFFFFE00  }
0x73: {  	_ =	swait.ge [sflag:s5], $0x200  }
0x74: {  	[sflag:s5] =	ssyncset.done $0x0  }
0x75: {  	[sflag:s5] =	ssyncadd.s32 $0xFFFFFE00  }
0x76: {  	_ =	swait.ge [sflag:s5], $0x200  }
0x77: {  	[sflag:s5] =	ssyncset.done $0x0  }
0x78: {  	[sflag:s5] =	ssyncadd.s32 $0xFFFFFE00  }
0x79: {  	_ =	swait.ge [sflag:s5], $0x200  }
0x7a: {  	[sflag:s5] =	ssyncset.done $0x0  }
0x7b: {  	[sflag:s5] =	ssyncadd.s32 $0xFFFFFE00  }
0x7c: {  	_ =	swait.ge [sflag:s5], $0x200  }
0x7d: {  	[sflag:s5] =	ssyncset.done $0x0  }
0x7e: {  	[sflag:s5] =	ssyncadd.s32 $0xFFFFFE00  }
0x7f: {  	_ =	swait.ge [sflag:s5], $0x200  }
0x80: {  	[sflag:s5] =	ssyncset.done $0x0  }
0x81: {  	[sflag:s5] =	ssyncadd.s32 $0xFFFFFE00  }
0x82: {  	_ =	swait.ge [sflag:s5], $0x200  }
0x83: {  	[sflag:s5] =	ssyncset.done $0x0  }
0x84: {  	[sflag:s5] =	ssyncadd.s32 $0xFFFFFE00  }
0x85: {  	_ =	swait.ge [sflag:s5], $0x200  }
0x86: {  	[sflag:s5] =	ssyncset.done $0x0  }
0x87: {  	[sflag:s5] =	ssyncadd.s32 $0xFFFFFE00  }
0x88: {  	_ =	swait.ge [sflag:s5], $0x200  }
0x89: {  	[sflag:s5] =	ssyncset.done $0x0  }
0x8a: {  	[sflag:s5] =	ssyncadd.s32 $0xFFFFFE00  }
0x8b: {  	_ =	swait.ge [sflag:s5], $0x200  }
0x8c: {  	[sflag:s5] =	ssyncset.done $0x0  }
0x8d: {  	[sflag:s5] =	ssyncadd.s32 $0xFFFFFE00  }
0x8e: {  	_ =	swait.ge [sflag:s5], $0x200  }
0x8f: {  	[sflag:s5] =	ssyncset.done $0x0  }
0x90: {  	[sflag:s5] =	ssyncadd.s32 $0xFFFFFE00  }
0x91: {  	_ =	swait.ge [sflag:s5], $0x200  }
0x92: {  	[sflag:s5] =	ssyncset.done $0x0  }
0x93: {  	[sflag:s5] =	ssyncadd.s32 $0xFFFFFE00  }
0x94: {  	_ =	swait.ge [sflag:s5], $0x200  }
0x95: {  	[sflag:s5] =	ssyncset.done $0x0  }
0x96: {  	[sflag:s5] =	ssyncadd.s32 $0xFFFFFE00  }
0x97: {  	_ =	swait.ge [sflag:s5], $0x200  }
0x98: {  	[sflag:s5] =	ssyncset.done $0x0  }
0x99: {  	[sflag:s5] =	ssyncadd.s32 $0xFFFFFE00  }
0x9a: {  	_ =	swait.ge [sflag:s5], $0x200  }
0x9b: {  	[sflag:s5] =	ssyncset.done $0x0  }
0x9c: {  	[sflag:s5] =	ssyncadd.s32 $0xFFFFFE00  }
0x9d: {  	_ =	swait.ge [sflag:s5], $0x200  }
0x9e: {  	[sflag:s5] =	ssyncset.done $0x0  }
0x9f: {  	s6 =	rddreg [dreg:$0x3];
	[sflag:s5] =	ssyncadd.s32 $0xFFFFFE00  }
0xa0: {  	[hbm4b:s6+s0] =	stream.strided.scatter [tilespmem:s17], [sflag:$0x2], $0x4000, s1, s0, $0x38;
	[tilespmem:$0x11A00] =	vst v63  }
0xa1: {  	_ =	swait.ge [sflag:s7], $0x4000  }
0xa2: {  	[sflag:s7] =	ssyncset.done $0x0  }
0xa3: {  	s13 =	simm.s32 $0x1A00;
	[sflag:s7] =	ssyncadd.s32 $0xFFFFC000  }
0xa4: {  	[tilespmem:s13], [sflag:$0x1] =	stream.indirect.gather [hbm4b:s21+s0], $0x1, s8, s0, $0xb8;
	[tilespmem:$0x11A00] =	vst v63  }
0xa5: {  	s11 =	simm.s32 $0x800;
	s13 =	smov.u32 s21  }
.LBB2_10:
0xa6: {  	p0 =	sne.s32 s11, $0xF800  }
.Ltmp4:
0xa7: {  	_ = 	snop;
	(pc) =	sbr.rel @p0 .LBB2_10-.Ltmp4, $4  }
0xa8: {  	_ = 	snop  }
0xa9: {  	s6 =	sshra.s32 s11, $0x2;
	s11 =	sadd.s32 $0x800, s11  }
0xaa: {  	s13 =	sadd.s32 $0x30D4, s13;
	s6 =	sadd.s32 $0x1A00, s6  }
0xab: {  	[tilespmem:s6], [sflag:$0x1] =	stream.indirect.gather [hbm4b:s13+s0], $0x1, s8, s0, $0xb8;
	[tilespmem:$0x11A00] =	vst v63  }
0xac: {  	_ =	swait.ge [sflag:s5], $0x200  }
0xad: {  	[sflag:s5] =	ssyncset.done $0x0  }
0xae: {  	[sflag:s5] =	ssyncadd.s32 $0xFFFFFE00  }
0xaf: {  	_ =	swait.ge [sflag:s5], $0x200  }
0xb0: {  	[sflag:s5] =	ssyncset.done $0x0  }
0xb1: {  	[sflag:s5] =	ssyncadd.s32 $0xFFFFFE00  }
0xb2: {  	_ =	swait.ge [sflag:s5], $0x200  }
0xb3: {  	[sflag:s5] =	ssyncset.done $0x0  }
0xb4: {  	[sflag:s5] =	ssyncadd.s32 $0xFFFFFE00  }
0xb5: {  	_ =	swait.ge [sflag:s5], $0x200  }
0xb6: {  	[sflag:s5] =	ssyncset.done $0x0  }
0xb7: {  	[sflag:s5] =	ssyncadd.s32 $0xFFFFFE00  }
0xb8: {  	_ =	swait.ge [sflag:s5], $0x200  }
0xb9: {  	[sflag:s5] =	ssyncset.done $0x0  }
0xba: {  	[sflag:s5] =	ssyncadd.s32 $0xFFFFFE00  }
0xbb: {  	_ =	swait.ge [sflag:s5], $0x200  }
0xbc: {  	[sflag:s5] =	ssyncset.done $0x0  }
0xbd: {  	[sflag:s5] =	ssyncadd.s32 $0xFFFFFE00  }
0xbe: {  	_ =	swait.ge [sflag:s5], $0x200  }
0xbf: {  	[sflag:s5] =	ssyncset.done $0x0  }
0xc0: {  	[sflag:s5] =	ssyncadd.s32 $0xFFFFFE00  }
0xc1: {  	_ =	swait.ge [sflag:s5], $0x200  }
0xc2: {  	[sflag:s5] =	ssyncset.done $0x0  }
0xc3: {  	[sflag:s5] =	ssyncadd.s32 $0xFFFFFE00  }
0xc4: {  	_ =	swait.ge [sflag:s5], $0x200  }
0xc5: {  	[sflag:s5] =	ssyncset.done $0x0  }
0xc6: {  	[sflag:s5] =	ssyncadd.s32 $0xFFFFFE00  }
0xc7: {  	_ =	swait.ge [sflag:s5], $0x200  }
0xc8: {  	[sflag:s5] =	ssyncset.done $0x0  }
0xc9: {  	[sflag:s5] =	ssyncadd.s32 $0xFFFFFE00  }
0xca: {  	_ =	swait.ge [sflag:s5], $0x200  }
0xcb: {  	[sflag:s5] =	ssyncset.done $0x0  }
0xcc: {  	[sflag:s5] =	ssyncadd.s32 $0xFFFFFE00  }
0xcd: {  	_ =	swait.ge [sflag:s5], $0x200  }
0xce: {  	[sflag:s5] =	ssyncset.done $0x0  }
0xcf: {  	[sflag:s5] =	ssyncadd.s32 $0xFFFFFE00  }
0xd0: {  	_ =	swait.ge [sflag:s5], $0x200  }
0xd1: {  	[sflag:s5] =	ssyncset.done $0x0  }
0xd2: {  	[sflag:s5] =	ssyncadd.s32 $0xFFFFFE00  }
0xd3: {  	_ =	swait.ge [sflag:s5], $0x200  }
0xd4: {  	[sflag:s5] =	ssyncset.done $0x0  }
0xd5: {  	[sflag:s5] =	ssyncadd.s32 $0xFFFFFE00  }
0xd6: {  	_ =	swait.ge [sflag:s5], $0x200  }
0xd7: {  	[sflag:s5] =	ssyncset.done $0x0  }
0xd8: {  	[sflag:s5] =	ssyncadd.s32 $0xFFFFFE00  }
0xd9: {  	_ =	swait.ge [sflag:s5], $0x200  }
0xda: {  	[sflag:s5] =	ssyncset.done $0x0  }
0xdb: {  	[sflag:s5] =	ssyncadd.s32 $0xFFFFFE00  }
0xdc: {  	_ =	swait.ge [sflag:s5], $0x200  }
0xdd: {  	[sflag:s5] =	ssyncset.done $0x0  }
0xde: {  	[sflag:s5] =	ssyncadd.s32 $0xFFFFFE00  }
0xdf: {  	_ =	swait.ge [sflag:s5], $0x200  }
0xe0: {  	[sflag:s5] =	ssyncset.done $0x0  }
0xe1: {  	[sflag:s5] =	ssyncadd.s32 $0xFFFFFE00  }
0xe2: {  	_ =	swait.ge [sflag:s5], $0x200  }
0xe3: {  	[sflag:s5] =	ssyncset.done $0x0  }
0xe4: {  	[sflag:s5] =	ssyncadd.s32 $0xFFFFFE00  }
0xe5: {  	_ =	swait.ge [sflag:s5], $0x200  }
0xe6: {  	[sflag:s5] =	ssyncset.done $0x0  }
0xe7: {  	[sflag:s5] =	ssyncadd.s32 $0xFFFFFE00  }
0xe8: {  	_ =	swait.ge [sflag:s5], $0x200  }
0xe9: {  	[sflag:s5] =	ssyncset.done $0x0  }
0xea: {  	[sflag:s5] =	ssyncadd.s32 $0xFFFFFE00  }
0xeb: {  	_ =	swait.ge [sflag:s5], $0x200  }
0xec: {  	[sflag:s5] =	ssyncset.done $0x0  }
0xed: {  	[sflag:s5] =	ssyncadd.s32 $0xFFFFFE00  }
0xee: {  	_ =	swait.ge [sflag:s5], $0x200  }
0xef: {  	[sflag:s5] =	ssyncset.done $0x0  }
0xf0: {  	[sflag:s5] =	ssyncadd.s32 $0xFFFFFE00  }
0xf1: {  	_ =	swait.ge [sflag:s5], $0x200  }
0xf2: {  	[sflag:s5] =	ssyncset.done $0x0  }
0xf3: {  	[sflag:s5] =	ssyncadd.s32 $0xFFFFFE00  }
0xf4: {  	_ =	swait.ge [sflag:s5], $0x200  }
0xf5: {  	[sflag:s5] =	ssyncset.done $0x0  }
0xf6: {  	[sflag:s5] =	ssyncadd.s32 $0xFFFFFE00  }
0xf7: {  	_ =	swait.ge [sflag:s5], $0x200  }
0xf8: {  	[sflag:s5] =	ssyncset.done $0x0  }
0xf9: {  	[sflag:s5] =	ssyncadd.s32 $0xFFFFFE00  }
0xfa: {  	_ =	swait.ge [sflag:s5], $0x200  }
0xfb: {  	[sflag:s5] =	ssyncset.done $0x0  }
0xfc: {  	[sflag:s5] =	ssyncadd.s32 $0xFFFFFE00  }
0xfd: {  	_ =	swait.ge [sflag:s5], $0x200  }
0xfe: {  	[sflag:s5] =	ssyncset.done $0x0  }
0xff: {  	[sflag:s5] =	ssyncadd.s32 $0xFFFFFE00  }
0x100: {  	_ =	swait.ge [sflag:s5], $0x200  }
0x101: {  	[sflag:s5] =	ssyncset.done $0x0  }
0x102: {  	[sflag:s5] =	ssyncadd.s32 $0xFFFFFE00  }
0x103: {  	_ =	swait.ge [sflag:s5], $0x200  }
0x104: {  	[sflag:s5] =	ssyncset.done $0x0  }
0x105: {  	[sflag:s5] =	ssyncadd.s32 $0xFFFFFE00  }
0x106: {  	_ =	swait.ge [sflag:s5], $0x200  }
0x107: {  	[sflag:s5] =	ssyncset.done $0x0  }
0x108: {  	[sflag:s5] =	ssyncadd.s32 $0xFFFFFE00  }
0x109: {  	_ =	swait.ge [sflag:s5], $0x200  }
0x10a: {  	[sflag:s5] =	ssyncset.done $0x0  }
0x10b: {  	s11 =	simm.s32 $0x5A00;
	s6 =	rddreg [dreg:$0x4];
	[sflag:s5] =	ssyncadd.s32 $0xFFFFFE00  }
0x10c: {  	[hbm4b:s6+s0] =	stream.strided.scatter [tilespmem:s11], [sflag:$0x2], $0x4000, s1, s0, $0x38;
	[tilespmem:$0x11A00] =	vst v63  }
0x10d: {  	_ =	swait.ge [sflag:s7], $0x4000  }
0x10e: {  	[sflag:s7] =	ssyncset.done $0x0  }
0x10f: {  	s13 =	simm.s32 $0x5A00;
	[sflag:s7] =	ssyncadd.s32 $0xFFFFC000  }
0x110: {  	[tilespmem:s13], [sflag:$0x1] =	stream.indirect.gather [hbm4b:s22+s0], $0x1, s10, s0, $0xb8;
	[tilespmem:$0x11A00] =	vst v63  }
0x111: {  	s11 =	simm.s32 $0x800;
	s13 =	smov.u32 s22  }
.LBB2_12:
0x112: {  	p0 =	sne.s32 s11, $0xF800  }
.Ltmp5:
0x113: {  	_ = 	snop;
	(pc) =	sbr.rel @p0 .LBB2_12-.Ltmp5, $4  }
0x114: {  	_ = 	snop  }
0x115: {  	s6 =	sshra.s32 s11, $0x2;
	s11 =	sadd.s32 $0x800, s11  }
0x116: {  	s13 =	sadd.s32 $0x30D4, s13;
	s6 =	sadd.s32 $0x5A00, s6  }
0x117: {  	[tilespmem:s6], [sflag:$0x1] =	stream.indirect.gather [hbm4b:s13+s0], $0x1, s10, s0, $0xb8;
	[tilespmem:$0x11A00] =	vst v63  }
0x118: {  	_ =	swait.ge [sflag:s5], $0x200  }
0x119: {  	[sflag:s5] =	ssyncset.done $0x0  }
0x11a: {  	[sflag:s5] =	ssyncadd.s32 $0xFFFFFE00  }
0x11b: {  	_ =	swait.ge [sflag:s5], $0x200  }
0x11c: {  	[sflag:s5] =	ssyncset.done $0x0  }
0x11d: {  	[sflag:s5] =	ssyncadd.s32 $0xFFFFFE00  }
0x11e: {  	_ =	swait.ge [sflag:s5], $0x200  }
0x11f: {  	[sflag:s5] =	ssyncset.done $0x0  }
0x120: {  	[sflag:s5] =	ssyncadd.s32 $0xFFFFFE00  }
0x121: {  	_ =	swait.ge [sflag:s5], $0x200  }
0x122: {  	[sflag:s5] =	ssyncset.done $0x0  }
0x123: {  	[sflag:s5] =	ssyncadd.s32 $0xFFFFFE00  }
0x124: {  	_ =	swait.ge [sflag:s5], $0x200  }
0x125: {  	[sflag:s5] =	ssyncset.done $0x0  }
0x126: {  	[sflag:s5] =	ssyncadd.s32 $0xFFFFFE00  }
0x127: {  	_ =	swait.ge [sflag:s5], $0x200  }
0x128: {  	[sflag:s5] =	ssyncset.done $0x0  }
0x129: {  	[sflag:s5] =	ssyncadd.s32 $0xFFFFFE00  }
0x12a: {  	_ =	swait.ge [sflag:s5], $0x200  }
0x12b: {  	[sflag:s5] =	ssyncset.done $0x0  }
0x12c: {  	[sflag:s5] =	ssyncadd.s32 $0xFFFFFE00  }
0x12d: {  	_ =	swait.ge [sflag:s5], $0x200  }
0x12e: {  	[sflag:s5] =	ssyncset.done $0x0  }
0x12f: {  	[sflag:s5] =	ssyncadd.s32 $0xFFFFFE00  }
0x130: {  	_ =	swait.ge [sflag:s5], $0x200  }
0x131: {  	[sflag:s5] =	ssyncset.done $0x0  }
0x132: {  	[sflag:s5] =	ssyncadd.s32 $0xFFFFFE00  }
0x133: {  	_ =	swait.ge [sflag:s5], $0x200  }
0x134: {  	[sflag:s5] =	ssyncset.done $0x0  }
0x135: {  	[sflag:s5] =	ssyncadd.s32 $0xFFFFFE00  }
0x136: {  	_ =	swait.ge [sflag:s5], $0x200  }
0x137: {  	[sflag:s5] =	ssyncset.done $0x0  }
0x138: {  	[sflag:s5] =	ssyncadd.s32 $0xFFFFFE00  }
0x139: {  	_ =	swait.ge [sflag:s5], $0x200  }
0x13a: {  	[sflag:s5] =	ssyncset.done $0x0  }
0x13b: {  	[sflag:s5] =	ssyncadd.s32 $0xFFFFFE00  }
0x13c: {  	_ =	swait.ge [sflag:s5], $0x200  }
0x13d: {  	[sflag:s5] =	ssyncset.done $0x0  }
0x13e: {  	[sflag:s5] =	ssyncadd.s32 $0xFFFFFE00  }
0x13f: {  	_ =	swait.ge [sflag:s5], $0x200  }
0x140: {  	[sflag:s5] =	ssyncset.done $0x0  }
0x141: {  	[sflag:s5] =	ssyncadd.s32 $0xFFFFFE00  }
0x142: {  	_ =	swait.ge [sflag:s5], $0x200  }
0x143: {  	[sflag:s5] =	ssyncset.done $0x0  }
0x144: {  	[sflag:s5] =	ssyncadd.s32 $0xFFFFFE00  }
0x145: {  	_ =	swait.ge [sflag:s5], $0x200  }
0x146: {  	[sflag:s5] =	ssyncset.done $0x0  }
0x147: {  	[sflag:s5] =	ssyncadd.s32 $0xFFFFFE00  }
0x148: {  	_ =	swait.ge [sflag:s5], $0x200  }
0x149: {  	[sflag:s5] =	ssyncset.done $0x0  }
0x14a: {  	[sflag:s5] =	ssyncadd.s32 $0xFFFFFE00  }
0x14b: {  	_ =	swait.ge [sflag:s5], $0x200  }
0x14c: {  	[sflag:s5] =	ssyncset.done $0x0  }
0x14d: {  	[sflag:s5] =	ssyncadd.s32 $0xFFFFFE00  }
0x14e: {  	_ =	swait.ge [sflag:s5], $0x200  }
0x14f: {  	[sflag:s5] =	ssyncset.done $0x0  }
0x150: {  	[sflag:s5] =	ssyncadd.s32 $0xFFFFFE00  }
0x151: {  	_ =	swait.ge [sflag:s5], $0x200  }
0x152: {  	[sflag:s5] =	ssyncset.done $0x0  }
0x153: {  	[sflag:s5] =	ssyncadd.s32 $0xFFFFFE00  }
0x154: {  	_ =	swait.ge [sflag:s5], $0x200  }
0x155: {  	[sflag:s5] =	ssyncset.done $0x0  }
0x156: {  	[sflag:s5] =	ssyncadd.s32 $0xFFFFFE00  }
0x157: {  	_ =	swait.ge [sflag:s5], $0x200  }
0x158: {  	[sflag:s5] =	ssyncset.done $0x0  }
0x159: {  	[sflag:s5] =	ssyncadd.s32 $0xFFFFFE00  }
0x15a: {  	_ =	swait.ge [sflag:s5], $0x200  }
0x15b: {  	[sflag:s5] =	ssyncset.done $0x0  }
0x15c: {  	[sflag:s5] =	ssyncadd.s32 $0xFFFFFE00  }
0x15d: {  	_ =	swait.ge [sflag:s5], $0x200  }
0x15e: {  	[sflag:s5] =	ssyncset.done $0x0  }
0x15f: {  	[sflag:s5] =	ssyncadd.s32 $0xFFFFFE00  }
0x160: {  	_ =	swait.ge [sflag:s5], $0x200  }
0x161: {  	[sflag:s5] =	ssyncset.done $0x0  }
0x162: {  	[sflag:s5] =	ssyncadd.s32 $0xFFFFFE00  }
0x163: {  	_ =	swait.ge [sflag:s5], $0x200  }
0x164: {  	[sflag:s5] =	ssyncset.done $0x0  }
0x165: {  	[sflag:s5] =	ssyncadd.s32 $0xFFFFFE00  }
0x166: {  	_ =	swait.ge [sflag:s5], $0x200  }
0x167: {  	[sflag:s5] =	ssyncset.done $0x0  }
0x168: {  	[sflag:s5] =	ssyncadd.s32 $0xFFFFFE00  }
0x169: {  	_ =	swait.ge [sflag:s5], $0x200  }
0x16a: {  	[sflag:s5] =	ssyncset.done $0x0  }
0x16b: {  	[sflag:s5] =	ssyncadd.s32 $0xFFFFFE00  }
0x16c: {  	_ =	swait.ge [sflag:s5], $0x200  }
0x16d: {  	[sflag:s5] =	ssyncset.done $0x0  }
0x16e: {  	[sflag:s5] =	ssyncadd.s32 $0xFFFFFE00  }
0x16f: {  	_ =	swait.ge [sflag:s5], $0x200  }
0x170: {  	[sflag:s5] =	ssyncset.done $0x0  }
0x171: {  	[sflag:s5] =	ssyncadd.s32 $0xFFFFFE00  }
0x172: {  	_ =	swait.ge [sflag:s5], $0x200  }
0x173: {  	[sflag:s5] =	ssyncset.done $0x0  }
0x174: {  	[sflag:s5] =	ssyncadd.s32 $0xFFFFFE00  }
0x175: {  	_ =	swait.ge [sflag:s5], $0x200  }
0x176: {  	[sflag:s5] =	ssyncset.done $0x0  }
0x177: {  	s11 =	simm.s32 $0x9A00;
	s6 =	rddreg [dreg:$0x5];
	[sflag:s5] =	ssyncadd.s32 $0xFFFFFE00  }
0x178: {  	[hbm4b:s6+s0] =	stream.strided.scatter [tilespmem:s11], [sflag:$0x2], $0x4000, s1, s0, $0x38;
	[tilespmem:$0x11A00] =	vst v63  }
0x179: {  	_ =	swait.ge [sflag:s7], $0x4000  }
0x17a: {  	[sflag:s7] =	ssyncset.done $0x0  }
0x17b: {  	s13 =	simm.s32 $0x9A00;
	[sflag:s7] =	ssyncadd.s32 $0xFFFFC000  }
0x17c: {  	[tilespmem:s13], [sflag:$0x1] =	stream.indirect.gather [hbm4b:s23+s0], $0x1, s12, s0, $0xb8;
	[tilespmem:$0x11A00] =	vst v63  }
0x17d: {  	s11 =	simm.s32 $0x800;
	s13 =	smov.u32 s23  }
.LBB2_14:
0x17e: {  	p0 =	sne.s32 s11, $0xF800  }
.Ltmp6:
0x17f: {  	_ = 	snop;
	(pc) =	sbr.rel @p0 .LBB2_14-.Ltmp6, $4  }
0x180: {  	_ = 	snop  }
0x181: {  	s6 =	sshra.s32 s11, $0x2;
	s11 =	sadd.s32 $0x800, s11  }
0x182: {  	s13 =	sadd.s32 $0x30D4, s13;
	s6 =	sadd.s32 $0x9A00, s6  }
0x183: {  	[tilespmem:s6], [sflag:$0x1] =	stream.indirect.gather [hbm4b:s13+s0], $0x1, s12, s0, $0xb8;
	[tilespmem:$0x11A00] =	vst v63  }
0x184: {  	_ =	swait.ge [sflag:s5], $0x200  }
0x185: {  	[sflag:s5] =	ssyncset.done $0x0  }
0x186: {  	[sflag:s5] =	ssyncadd.s32 $0xFFFFFE00  }
0x187: {  	_ =	swait.ge [sflag:s5], $0x200  }
0x188: {  	[sflag:s5] =	ssyncset.done $0x0  }
0x189: {  	[sflag:s5] =	ssyncadd.s32 $0xFFFFFE00  }
0x18a: {  	_ =	swait.ge [sflag:s5], $0x200  }
0x18b: {  	[sflag:s5] =	ssyncset.done $0x0  }
0x18c: {  	[sflag:s5] =	ssyncadd.s32 $0xFFFFFE00  }
0x18d: {  	_ =	swait.ge [sflag:s5], $0x200  }
0x18e: {  	[sflag:s5] =	ssyncset.done $0x0  }
0x18f: {  	[sflag:s5] =	ssyncadd.s32 $0xFFFFFE00  }
0x190: {  	_ =	swait.ge [sflag:s5], $0x200  }
0x191: {  	[sflag:s5] =	ssyncset.done $0x0  }
0x192: {  	[sflag:s5] =	ssyncadd.s32 $0xFFFFFE00  }
0x193: {  	_ =	swait.ge [sflag:s5], $0x200  }
0x194: {  	[sflag:s5] =	ssyncset.done $0x0  }
0x195: {  	[sflag:s5] =	ssyncadd.s32 $0xFFFFFE00  }
0x196: {  	_ =	swait.ge [sflag:s5], $0x200  }
0x197: {  	[sflag:s5] =	ssyncset.done $0x0  }
0x198: {  	[sflag:s5] =	ssyncadd.s32 $0xFFFFFE00  }
0x199: {  	_ =	swait.ge [sflag:s5], $0x200  }
0x19a: {  	[sflag:s5] =	ssyncset.done $0x0  }
0x19b: {  	[sflag:s5] =	ssyncadd.s32 $0xFFFFFE00  }
0x19c: {  	_ =	swait.ge [sflag:s5], $0x200  }
0x19d: {  	[sflag:s5] =	ssyncset.done $0x0  }
0x19e: {  	[sflag:s5] =	ssyncadd.s32 $0xFFFFFE00  }
0x19f: {  	_ =	swait.ge [sflag:s5], $0x200  }
0x1a0: {  	[sflag:s5] =	ssyncset.done $0x0  }
0x1a1: {  	[sflag:s5] =	ssyncadd.s32 $0xFFFFFE00  }
0x1a2: {  	_ =	swait.ge [sflag:s5], $0x200  }
0x1a3: {  	[sflag:s5] =	ssyncset.done $0x0  }
0x1a4: {  	[sflag:s5] =	ssyncadd.s32 $0xFFFFFE00  }
0x1a5: {  	_ =	swait.ge [sflag:s5], $0x200  }
0x1a6: {  	[sflag:s5] =	ssyncset.done $0x0  }
0x1a7: {  	[sflag:s5] =	ssyncadd.s32 $0xFFFFFE00  }
0x1a8: {  	_ =	swait.ge [sflag:s5], $0x200  }
0x1a9: {  	[sflag:s5] =	ssyncset.done $0x0  }
0x1aa: {  	[sflag:s5] =	ssyncadd.s32 $0xFFFFFE00  }
0x1ab: {  	_ =	swait.ge [sflag:s5], $0x200  }
0x1ac: {  	[sflag:s5] =	ssyncset.done $0x0  }
0x1ad: {  	[sflag:s5] =	ssyncadd.s32 $0xFFFFFE00  }
0x1ae: {  	_ =	swait.ge [sflag:s5], $0x200  }
0x1af: {  	[sflag:s5] =	ssyncset.done $0x0  }
0x1b0: {  	[sflag:s5] =	ssyncadd.s32 $0xFFFFFE00  }
0x1b1: {  	_ =	swait.ge [sflag:s5], $0x200  }
0x1b2: {  	[sflag:s5] =	ssyncset.done $0x0  }
0x1b3: {  	[sflag:s5] =	ssyncadd.s32 $0xFFFFFE00  }
0x1b4: {  	_ =	swait.ge [sflag:s5], $0x200  }
0x1b5: {  	[sflag:s5] =	ssyncset.done $0x0  }
0x1b6: {  	[sflag:s5] =	ssyncadd.s32 $0xFFFFFE00  }
0x1b7: {  	_ =	swait.ge [sflag:s5], $0x200  }
0x1b8: {  	[sflag:s5] =	ssyncset.done $0x0  }
0x1b9: {  	[sflag:s5] =	ssyncadd.s32 $0xFFFFFE00  }
0x1ba: {  	_ =	swait.ge [sflag:s5], $0x200  }
0x1bb: {  	[sflag:s5] =	ssyncset.done $0x0  }
0x1bc: {  	[sflag:s5] =	ssyncadd.s32 $0xFFFFFE00  }
0x1bd: {  	_ =	swait.ge [sflag:s5], $0x200  }
0x1be: {  	[sflag:s5] =	ssyncset.done $0x0  }
0x1bf: {  	[sflag:s5] =	ssyncadd.s32 $0xFFFFFE00  }
0x1c0: {  	_ =	swait.ge [sflag:s5], $0x200  }
0x1c1: {  	[sflag:s5] =	ssyncset.done $0x0  }
0x1c2: {  	[sflag:s5] =	ssyncadd.s32 $0xFFFFFE00  }
0x1c3: {  	_ =	swait.ge [sflag:s5], $0x200  }
0x1c4: {  	[sflag:s5] =	ssyncset.done $0x0  }
0x1c5: {  	[sflag:s5] =	ssyncadd.s32 $0xFFFFFE00  }
0x1c6: {  	_ =	swait.ge [sflag:s5], $0x200  }
0x1c7: {  	[sflag:s5] =	ssyncset.done $0x0  }
0x1c8: {  	[sflag:s5] =	ssyncadd.s32 $0xFFFFFE00  }
0x1c9: {  	_ =	swait.ge [sflag:s5], $0x200  }
0x1ca: {  	[sflag:s5] =	ssyncset.done $0x0  }
0x1cb: {  	[sflag:s5] =	ssyncadd.s32 $0xFFFFFE00  }
0x1cc: {  	_ =	swait.ge [sflag:s5], $0x200  }
0x1cd: {  	[sflag:s5] =	ssyncset.done $0x0  }
0x1ce: {  	[sflag:s5] =	ssyncadd.s32 $0xFFFFFE00  }
0x1cf: {  	_ =	swait.ge [sflag:s5], $0x200  }
0x1d0: {  	[sflag:s5] =	ssyncset.done $0x0  }
0x1d1: {  	[sflag:s5] =	ssyncadd.s32 $0xFFFFFE00  }
0x1d2: {  	_ =	swait.ge [sflag:s5], $0x200  }
0x1d3: {  	[sflag:s5] =	ssyncset.done $0x0  }
0x1d4: {  	[sflag:s5] =	ssyncadd.s32 $0xFFFFFE00  }
0x1d5: {  	_ =	swait.ge [sflag:s5], $0x200  }
0x1d6: {  	[sflag:s5] =	ssyncset.done $0x0  }
0x1d7: {  	[sflag:s5] =	ssyncadd.s32 $0xFFFFFE00  }
0x1d8: {  	_ =	swait.ge [sflag:s5], $0x200  }
0x1d9: {  	[sflag:s5] =	ssyncset.done $0x0  }
0x1da: {  	[sflag:s5] =	ssyncadd.s32 $0xFFFFFE00  }
0x1db: {  	_ =	swait.ge [sflag:s5], $0x200  }
0x1dc: {  	[sflag:s5] =	ssyncset.done $0x0  }
0x1dd: {  	[sflag:s5] =	ssyncadd.s32 $0xFFFFFE00  }
0x1de: {  	_ =	swait.ge [sflag:s5], $0x200  }
0x1df: {  	[sflag:s5] =	ssyncset.done $0x0  }
0x1e0: {  	[sflag:s5] =	ssyncadd.s32 $0xFFFFFE00  }
0x1e1: {  	_ =	swait.ge [sflag:s5], $0x200  }
0x1e2: {  	[sflag:s5] =	ssyncset.done $0x0  }
0x1e3: {  	s11 =	simm.s32 $0xDA00;
	s6 =	rddreg [dreg:$0x6];
	[sflag:s5] =	ssyncadd.s32 $0xFFFFFE00  }
0x1e4: {  	[hbm4b:s6+s0] =	stream.strided.scatter [tilespmem:s11], [sflag:$0x2], $0x4000, s1, s0, $0x38;
	[tilespmem:$0x11A00] =	vst v63  }
0x1e5: {  	_ =	swait.ge [sflag:s7], $0x4000  }
0x1e6: {  	[sflag:s7] =	ssyncset.done $0x0  }
0x1e7: {  	s13 =	simm.s32 $0xDA00;
	[sflag:s7] =	ssyncadd.s32 $0xFFFFC000  }
0x1e8: {  	[tilespmem:s13], [sflag:$0x1] =	stream.indirect.gather [hbm4b:s24+s0], $0x1, s14, s0, $0xb8;
	[tilespmem:$0x11A00] =	vst v63  }
0x1e9: {  	s11 =	simm.s32 $0x800;
	s13 =	smov.u32 s24  }
.LBB2_16:
0x1ea: {  	p0 =	sne.s32 s11, $0xF800  }
.Ltmp7:
0x1eb: {  	_ = 	snop;
	(pc) =	sbr.rel @p0 .LBB2_16-.Ltmp7, $4  }
0x1ec: {  	_ = 	snop  }
0x1ed: {  	s6 =	sshra.s32 s11, $0x2;
	s11 =	sadd.s32 $0x800, s11  }
0x1ee: {  	s13 =	sadd.s32 $0x30D4, s13;
	s6 =	sadd.s32 $0xDA00, s6  }
0x1ef: {  	[tilespmem:s6], [sflag:$0x1] =	stream.indirect.gather [hbm4b:s13+s0], $0x1, s14, s0, $0xb8;
	[tilespmem:$0x11A00] =	vst v63  }
0x1f0: {  	_ =	swait.ge [sflag:s5], $0x200  }
0x1f1: {  	[sflag:s5] =	ssyncset.done $0x0  }
0x1f2: {  	[sflag:s5] =	ssyncadd.s32 $0xFFFFFE00  }
0x1f3: {  	_ =	swait.ge [sflag:s5], $0x200  }
0x1f4: {  	[sflag:s5] =	ssyncset.done $0x0  }
0x1f5: {  	[sflag:s5] =	ssyncadd.s32 $0xFFFFFE00  }
0x1f6: {  	_ =	swait.ge [sflag:s5], $0x200  }
0x1f7: {  	[sflag:s5] =	ssyncset.done $0x0  }
0x1f8: {  	[sflag:s5] =	ssyncadd.s32 $0xFFFFFE00  }
0x1f9: {  	_ =	swait.ge [sflag:s5], $0x200  }
0x1fa: {  	[sflag:s5] =	ssyncset.done $0x0  }
0x1fb: {  	[sflag:s5] =	ssyncadd.s32 $0xFFFFFE00  }
0x1fc: {  	_ =	swait.ge [sflag:s5], $0x200  }
0x1fd: {  	[sflag:s5] =	ssyncset.done $0x0  }
0x1fe: {  	[sflag:s5] =	ssyncadd.s32 $0xFFFFFE00  }
0x1ff: {  	_ =	swait.ge [sflag:s5], $0x200  }
0x200: {  	[sflag:s5] =	ssyncset.done $0x0  }
0x201: {  	[sflag:s5] =	ssyncadd.s32 $0xFFFFFE00  }
0x202: {  	_ =	swait.ge [sflag:s5], $0x200  }
0x203: {  	[sflag:s5] =	ssyncset.done $0x0  }
0x204: {  	[sflag:s5] =	ssyncadd.s32 $0xFFFFFE00  }
0x205: {  	_ =	swait.ge [sflag:s5], $0x200  }
0x206: {  	[sflag:s5] =	ssyncset.done $0x0  }
0x207: {  	[sflag:s5] =	ssyncadd.s32 $0xFFFFFE00  }
0x208: {  	_ =	swait.ge [sflag:s5], $0x200  }
0x209: {  	[sflag:s5] =	ssyncset.done $0x0  }
0x20a: {  	[sflag:s5] =	ssyncadd.s32 $0xFFFFFE00  }
0x20b: {  	_ =	swait.ge [sflag:s5], $0x200  }
0x20c: {  	[sflag:s5] =	ssyncset.done $0x0  }
0x20d: {  	[sflag:s5] =	ssyncadd.s32 $0xFFFFFE00  }
0x20e: {  	_ =	swait.ge [sflag:s5], $0x200  }
0x20f: {  	[sflag:s5] =	ssyncset.done $0x0  }
0x210: {  	[sflag:s5] =	ssyncadd.s32 $0xFFFFFE00  }
0x211: {  	_ =	swait.ge [sflag:s5], $0x200  }
0x212: {  	[sflag:s5] =	ssyncset.done $0x0  }
0x213: {  	[sflag:s5] =	ssyncadd.s32 $0xFFFFFE00  }
0x214: {  	_ =	swait.ge [sflag:s5], $0x200  }
0x215: {  	[sflag:s5] =	ssyncset.done $0x0  }
0x216: {  	[sflag:s5] =	ssyncadd.s32 $0xFFFFFE00  }
0x217: {  	_ =	swait.ge [sflag:s5], $0x200  }
0x218: {  	[sflag:s5] =	ssyncset.done $0x0  }
0x219: {  	[sflag:s5] =	ssyncadd.s32 $0xFFFFFE00  }
0x21a: {  	_ =	swait.ge [sflag:s5], $0x200  }
0x21b: {  	[sflag:s5] =	ssyncset.done $0x0  }
0x21c: {  	[sflag:s5] =	ssyncadd.s32 $0xFFFFFE00  }
0x21d: {  	_ =	swait.ge [sflag:s5], $0x200  }
0x21e: {  	[sflag:s5] =	ssyncset.done $0x0  }
0x21f: {  	[sflag:s5] =	ssyncadd.s32 $0xFFFFFE00  }
0x220: {  	_ =	swait.ge [sflag:s5], $0x200  }
0x221: {  	[sflag:s5] =	ssyncset.done $0x0  }
0x222: {  	[sflag:s5] =	ssyncadd.s32 $0xFFFFFE00  }
0x223: {  	_ =	swait.ge [sflag:s5], $0x200  }
0x224: {  	[sflag:s5] =	ssyncset.done $0x0  }
0x225: {  	[sflag:s5] =	ssyncadd.s32 $0xFFFFFE00  }
0x226: {  	_ =	swait.ge [sflag:s5], $0x200  }
0x227: {  	[sflag:s5] =	ssyncset.done $0x0  }
0x228: {  	[sflag:s5] =	ssyncadd.s32 $0xFFFFFE00  }
0x229: {  	_ =	swait.ge [sflag:s5], $0x200  }
0x22a: {  	[sflag:s5] =	ssyncset.done $0x0  }
0x22b: {  	[sflag:s5] =	ssyncadd.s32 $0xFFFFFE00  }
0x22c: {  	_ =	swait.ge [sflag:s5], $0x200  }
0x22d: {  	[sflag:s5] =	ssyncset.done $0x0  }
0x22e: {  	[sflag:s5] =	ssyncadd.s32 $0xFFFFFE00  }
0x22f: {  	_ =	swait.ge [sflag:s5], $0x200  }
0x230: {  	[sflag:s5] =	ssyncset.done $0x0  }
0x231: {  	[sflag:s5] =	ssyncadd.s32 $0xFFFFFE00  }
0x232: {  	_ =	swait.ge [sflag:s5], $0x200  }
0x233: {  	[sflag:s5] =	ssyncset.done $0x0  }
0x234: {  	[sflag:s5] =	ssyncadd.s32 $0xFFFFFE00  }
0x235: {  	_ =	swait.ge [sflag:s5], $0x200  }
0x236: {  	[sflag:s5] =	ssyncset.done $0x0  }
0x237: {  	[sflag:s5] =	ssyncadd.s32 $0xFFFFFE00  }
0x238: {  	_ =	swait.ge [sflag:s5], $0x200  }
0x239: {  	[sflag:s5] =	ssyncset.done $0x0  }
0x23a: {  	[sflag:s5] =	ssyncadd.s32 $0xFFFFFE00  }
0x23b: {  	_ =	swait.ge [sflag:s5], $0x200  }
0x23c: {  	[sflag:s5] =	ssyncset.done $0x0  }
0x23d: {  	[sflag:s5] =	ssyncadd.s32 $0xFFFFFE00  }
0x23e: {  	_ =	swait.ge [sflag:s5], $0x200  }
0x23f: {  	[sflag:s5] =	ssyncset.done $0x0  }
0x240: {  	[sflag:s5] =	ssyncadd.s32 $0xFFFFFE00  }
0x241: {  	_ =	swait.ge [sflag:s5], $0x200  }
0x242: {  	[sflag:s5] =	ssyncset.done $0x0  }
0x243: {  	[sflag:s5] =	ssyncadd.s32 $0xFFFFFE00  }
0x244: {  	_ =	swait.ge [sflag:s5], $0x200  }
0x245: {  	[sflag:s5] =	ssyncset.done $0x0  }
0x246: {  	[sflag:s5] =	ssyncadd.s32 $0xFFFFFE00  }
0x247: {  	_ =	swait.ge [sflag:s5], $0x200  }
0x248: {  	[sflag:s5] =	ssyncset.done $0x0  }
0x249: {  	[sflag:s5] =	ssyncadd.s32 $0xFFFFFE00  }
0x24a: {  	_ =	swait.ge [sflag:s5], $0x200  }
0x24b: {  	[sflag:s5] =	ssyncset.done $0x0  }
0x24c: {  	[sflag:s5] =	ssyncadd.s32 $0xFFFFFE00  }
0x24d: {  	_ =	swait.ge [sflag:s5], $0x200  }
0x24e: {  	[sflag:s5] =	ssyncset.done $0x0  }
0x24f: {  	s6 =	rddreg [dreg:$0x7];
	[sflag:s5] =	ssyncadd.s32 $0xFFFFFE00  }
0x250: {  	[hbm4b:s6+s0] =	stream.strided.scatter [tilespmem:s17], [sflag:$0x2], $0x4000, s1, s0, $0x38;
	[tilespmem:$0x11A00] =	vst v63  }
0x251: {  	_ =	swait.ge [sflag:s7], $0x4000  }
0x252: {  	[sflag:s7] =	ssyncset.done $0x0  }
0x253: {  	s13 =	simm.s32 $0x1A00;
	[sflag:s7] =	ssyncadd.s32 $0xFFFFC000  }
0x254: {  	[tilespmem:s13], [sflag:$0x1] =	stream.indirect.gather [hbm4b:s25+s0], $0x1, s15, s0, $0xb8;
	[tilespmem:$0x11A00] =	vst v63  }
0x255: {  	s11 =	simm.s32 $0x800;
	s13 =	smov.u32 s25  }
.LBB2_18:
0x256: {  	p0 =	sne.s32 s11, $0xF800  }
.Ltmp8:
0x257: {  	_ = 	snop;
	(pc) =	sbr.rel @p0 .LBB2_18-.Ltmp8, $4  }
0x258: {  	_ = 	snop  }
0x259: {  	s6 =	sshra.s32 s11, $0x2;
	s11 =	sadd.s32 $0x800, s11  }
0x25a: {  	s13 =	sadd.s32 $0x30D4, s13;
	s6 =	sadd.s32 $0x1A00, s6  }
0x25b: {  	[tilespmem:s6], [sflag:$0x1] =	stream.indirect.gather [hbm4b:s13+s0], $0x1, s15, s0, $0xb8;
	[tilespmem:$0x11A00] =	vst v63  }
0x25c: {  	_ =	swait.ge [sflag:s5], $0x200  }
0x25d: {  	[sflag:s5] =	ssyncset.done $0x0  }
0x25e: {  	[sflag:s5] =	ssyncadd.s32 $0xFFFFFE00  }
0x25f: {  	_ =	swait.ge [sflag:s5], $0x200  }
0x260: {  	[sflag:s5] =	ssyncset.done $0x0  }
0x261: {  	[sflag:s5] =	ssyncadd.s32 $0xFFFFFE00  }
0x262: {  	_ =	swait.ge [sflag:s5], $0x200  }
0x263: {  	[sflag:s5] =	ssyncset.done $0x0  }
0x264: {  	[sflag:s5] =	ssyncadd.s32 $0xFFFFFE00  }
0x265: {  	_ =	swait.ge [sflag:s5], $0x200  }
0x266: {  	[sflag:s5] =	ssyncset.done $0x0  }
0x267: {  	[sflag:s5] =	ssyncadd.s32 $0xFFFFFE00  }
0x268: {  	_ =	swait.ge [sflag:s5], $0x200  }
0x269: {  	[sflag:s5] =	ssyncset.done $0x0  }
0x26a: {  	[sflag:s5] =	ssyncadd.s32 $0xFFFFFE00  }
0x26b: {  	_ =	swait.ge [sflag:s5], $0x200  }
0x26c: {  	[sflag:s5] =	ssyncset.done $0x0  }
0x26d: {  	[sflag:s5] =	ssyncadd.s32 $0xFFFFFE00  }
0x26e: {  	_ =	swait.ge [sflag:s5], $0x200  }
0x26f: {  	[sflag:s5] =	ssyncset.done $0x0  }
0x270: {  	[sflag:s5] =	ssyncadd.s32 $0xFFFFFE00  }
0x271: {  	_ =	swait.ge [sflag:s5], $0x200  }
0x272: {  	[sflag:s5] =	ssyncset.done $0x0  }
0x273: {  	[sflag:s5] =	ssyncadd.s32 $0xFFFFFE00  }
0x274: {  	_ =	swait.ge [sflag:s5], $0x200  }
0x275: {  	[sflag:s5] =	ssyncset.done $0x0  }
0x276: {  	[sflag:s5] =	ssyncadd.s32 $0xFFFFFE00  }
0x277: {  	_ =	swait.ge [sflag:s5], $0x200  }
0x278: {  	[sflag:s5] =	ssyncset.done $0x0  }
0x279: {  	[sflag:s5] =	ssyncadd.s32 $0xFFFFFE00  }
0x27a: {  	_ =	swait.ge [sflag:s5], $0x200  }
0x27b: {  	[sflag:s5] =	ssyncset.done $0x0  }
0x27c: {  	[sflag:s5] =	ssyncadd.s32 $0xFFFFFE00  }
0x27d: {  	_ =	swait.ge [sflag:s5], $0x200  }
0x27e: {  	[sflag:s5] =	ssyncset.done $0x0  }
0x27f: {  	[sflag:s5] =	ssyncadd.s32 $0xFFFFFE00  }
0x280: {  	_ =	swait.ge [sflag:s5], $0x200  }
0x281: {  	[sflag:s5] =	ssyncset.done $0x0  }
0x282: {  	[sflag:s5] =	ssyncadd.s32 $0xFFFFFE00  }
0x283: {  	_ =	swait.ge [sflag:s5], $0x200  }
0x284: {  	[sflag:s5] =	ssyncset.done $0x0  }
0x285: {  	[sflag:s5] =	ssyncadd.s32 $0xFFFFFE00  }
0x286: {  	_ =	swait.ge [sflag:s5], $0x200  }
0x287: {  	[sflag:s5] =	ssyncset.done $0x0  }
0x288: {  	[sflag:s5] =	ssyncadd.s32 $0xFFFFFE00  }
0x289: {  	_ =	swait.ge [sflag:s5], $0x200  }
0x28a: {  	[sflag:s5] =	ssyncset.done $0x0  }
0x28b: {  	[sflag:s5] =	ssyncadd.s32 $0xFFFFFE00  }
0x28c: {  	_ =	swait.ge [sflag:s5], $0x200  }
0x28d: {  	[sflag:s5] =	ssyncset.done $0x0  }
0x28e: {  	[sflag:s5] =	ssyncadd.s32 $0xFFFFFE00  }
0x28f: {  	_ =	swait.ge [sflag:s5], $0x200  }
0x290: {  	[sflag:s5] =	ssyncset.done $0x0  }
0x291: {  	[sflag:s5] =	ssyncadd.s32 $0xFFFFFE00  }
0x292: {  	_ =	swait.ge [sflag:s5], $0x200  }
0x293: {  	[sflag:s5] =	ssyncset.done $0x0  }
0x294: {  	[sflag:s5] =	ssyncadd.s32 $0xFFFFFE00  }
0x295: {  	_ =	swait.ge [sflag:s5], $0x200  }
0x296: {  	[sflag:s5] =	ssyncset.done $0x0  }
0x297: {  	[sflag:s5] =	ssyncadd.s32 $0xFFFFFE00  }
0x298: {  	_ =	swait.ge [sflag:s5], $0x200  }
0x299: {  	[sflag:s5] =	ssyncset.done $0x0  }
0x29a: {  	[sflag:s5] =	ssyncadd.s32 $0xFFFFFE00  }
0x29b: {  	_ =	swait.ge [sflag:s5], $0x200  }
0x29c: {  	[sflag:s5] =	ssyncset.done $0x0  }
0x29d: {  	[sflag:s5] =	ssyncadd.s32 $0xFFFFFE00  }
0x29e: {  	_ =	swait.ge [sflag:s5], $0x200  }
0x29f: {  	[sflag:s5] =	ssyncset.done $0x0  }
0x2a0: {  	[sflag:s5] =	ssyncadd.s32 $0xFFFFFE00  }
0x2a1: {  	_ =	swait.ge [sflag:s5], $0x200  }
0x2a2: {  	[sflag:s5] =	ssyncset.done $0x0  }
0x2a3: {  	[sflag:s5] =	ssyncadd.s32 $0xFFFFFE00  }
0x2a4: {  	_ =	swait.ge [sflag:s5], $0x200  }
0x2a5: {  	[sflag:s5] =	ssyncset.done $0x0  }
0x2a6: {  	[sflag:s5] =	ssyncadd.s32 $0xFFFFFE00  }
0x2a7: {  	_ =	swait.ge [sflag:s5], $0x200  }
0x2a8: {  	[sflag:s5] =	ssyncset.done $0x0  }
0x2a9: {  	[sflag:s5] =	ssyncadd.s32 $0xFFFFFE00  }
0x2aa: {  	_ =	swait.ge [sflag:s5], $0x200  }
0x2ab: {  	[sflag:s5] =	ssyncset.done $0x0  }
0x2ac: {  	[sflag:s5] =	ssyncadd.s32 $0xFFFFFE00  }
0x2ad: {  	_ =	swait.ge [sflag:s5], $0x200  }
0x2ae: {  	[sflag:s5] =	ssyncset.done $0x0  }
0x2af: {  	[sflag:s5] =	ssyncadd.s32 $0xFFFFFE00  }
0x2b0: {  	_ =	swait.ge [sflag:s5], $0x200  }
0x2b1: {  	[sflag:s5] =	ssyncset.done $0x0  }
0x2b2: {  	[sflag:s5] =	ssyncadd.s32 $0xFFFFFE00  }
0x2b3: {  	_ =	swait.ge [sflag:s5], $0x200  }
0x2b4: {  	[sflag:s5] =	ssyncset.done $0x0  }
0x2b5: {  	[sflag:s5] =	ssyncadd.s32 $0xFFFFFE00  }
0x2b6: {  	_ =	swait.ge [sflag:s5], $0x200  }
0x2b7: {  	[sflag:s5] =	ssyncset.done $0x0  }
0x2b8: {  	[sflag:s5] =	ssyncadd.s32 $0xFFFFFE00  }
0x2b9: {  	_ =	swait.ge [sflag:s5], $0x200  }
0x2ba: {  	[sflag:s5] =	ssyncset.done $0x0  }
0x2bb: {  	s11 =	simm.s32 $0x5A00;
	s6 =	rddreg [dreg:$0x8];
	[sflag:s5] =	ssyncadd.s32 $0xFFFFFE00  }
0x2bc: {  	[hbm4b:s6+s0] =	stream.strided.scatter [tilespmem:s11], [sflag:$0x2], $0x4000, s1, s0, $0x38;
	[tilespmem:$0x11A00] =	vst v63  }
0x2bd: {  	_ =	swait.ge [sflag:s7], $0x4000  }
0x2be: {  	[sflag:s7] =	ssyncset.done $0x0  }
0x2bf: {  	s13 =	simm.s32 $0x5A00;
	[sflag:s7] =	ssyncadd.s32 $0xFFFFC000  }
0x2c0: {  	[tilespmem:s13], [sflag:$0x1] =	stream.indirect.gather [hbm4b:s26+s0], $0x1, s16, s0, $0xb8;
	[tilespmem:$0x11A00] =	vst v63  }
0x2c1: {  	s11 =	simm.s32 $0x800;
	s13 =	smov.u32 s26  }
.LBB2_20:
0x2c2: {  	p0 =	sne.s32 s11, $0xF800  }
.Ltmp9:
0x2c3: {  	_ = 	snop;
	(pc) =	sbr.rel @p0 .LBB2_20-.Ltmp9, $4  }
0x2c4: {  	_ = 	snop  }
0x2c5: {  	s6 =	sshra.s32 s11, $0x2;
	s11 =	sadd.s32 $0x800, s11  }
0x2c6: {  	s13 =	sadd.s32 $0x30D4, s13;
	s6 =	sadd.s32 $0x5A00, s6  }
0x2c7: {  	[tilespmem:s6], [sflag:$0x1] =	stream.indirect.gather [hbm4b:s13+s0], $0x1, s16, s0, $0xb8;
	[tilespmem:$0x11A00] =	vst v63  }
0x2c8: {  	_ =	swait.ge [sflag:s5], $0x200  }
0x2c9: {  	[sflag:s5] =	ssyncset.done $0x0  }
0x2ca: {  	[sflag:s5] =	ssyncadd.s32 $0xFFFFFE00  }
0x2cb: {  	_ =	swait.ge [sflag:s5], $0x200  }
0x2cc: {  	[sflag:s5] =	ssyncset.done $0x0  }
0x2cd: {  	[sflag:s5] =	ssyncadd.s32 $0xFFFFFE00  }
0x2ce: {  	_ =	swait.ge [sflag:s5], $0x200  }
0x2cf: {  	[sflag:s5] =	ssyncset.done $0x0  }
0x2d0: {  	[sflag:s5] =	ssyncadd.s32 $0xFFFFFE00  }
0x2d1: {  	_ =	swait.ge [sflag:s5], $0x200  }
0x2d2: {  	[sflag:s5] =	ssyncset.done $0x0  }
0x2d3: {  	[sflag:s5] =	ssyncadd.s32 $0xFFFFFE00  }
0x2d4: {  	_ =	swait.ge [sflag:s5], $0x200  }
0x2d5: {  	[sflag:s5] =	ssyncset.done $0x0  }
0x2d6: {  	[sflag:s5] =	ssyncadd.s32 $0xFFFFFE00  }
0x2d7: {  	_ =	swait.ge [sflag:s5], $0x200  }
0x2d8: {  	[sflag:s5] =	ssyncset.done $0x0  }
0x2d9: {  	[sflag:s5] =	ssyncadd.s32 $0xFFFFFE00  }
0x2da: {  	_ =	swait.ge [sflag:s5], $0x200  }
0x2db: {  	[sflag:s5] =	ssyncset.done $0x0  }
0x2dc: {  	[sflag:s5] =	ssyncadd.s32 $0xFFFFFE00  }
0x2dd: {  	_ =	swait.ge [sflag:s5], $0x200  }
0x2de: {  	[sflag:s5] =	ssyncset.done $0x0  }
0x2df: {  	[sflag:s5] =	ssyncadd.s32 $0xFFFFFE00  }
0x2e0: {  	_ =	swait.ge [sflag:s5], $0x200  }
0x2e1: {  	[sflag:s5] =	ssyncset.done $0x0  }
0x2e2: {  	[sflag:s5] =	ssyncadd.s32 $0xFFFFFE00  }
0x2e3: {  	_ =	swait.ge [sflag:s5], $0x200  }
0x2e4: {  	[sflag:s5] =	ssyncset.done $0x0  }
0x2e5: {  	[sflag:s5] =	ssyncadd.s32 $0xFFFFFE00  }
0x2e6: {  	_ =	swait.ge [sflag:s5], $0x200  }
0x2e7: {  	[sflag:s5] =	ssyncset.done $0x0  }
0x2e8: {  	[sflag:s5] =	ssyncadd.s32 $0xFFFFFE00  }
0x2e9: {  	_ =	swait.ge [sflag:s5], $0x200  }
0x2ea: {  	[sflag:s5] =	ssyncset.done $0x0  }
0x2eb: {  	[sflag:s5] =	ssyncadd.s32 $0xFFFFFE00  }
0x2ec: {  	_ =	swait.ge [sflag:s5], $0x200  }
0x2ed: {  	[sflag:s5] =	ssyncset.done $0x0  }
0x2ee: {  	[sflag:s5] =	ssyncadd.s32 $0xFFFFFE00  }
0x2ef: {  	_ =	swait.ge [sflag:s5], $0x200  }
0x2f0: {  	[sflag:s5] =	ssyncset.done $0x0  }
0x2f1: {  	[sflag:s5] =	ssyncadd.s32 $0xFFFFFE00  }
0x2f2: {  	_ =	swait.ge [sflag:s5], $0x200  }
0x2f3: {  	[sflag:s5] =	ssyncset.done $0x0  }
0x2f4: {  	[sflag:s5] =	ssyncadd.s32 $0xFFFFFE00  }
0x2f5: {  	_ =	swait.ge [sflag:s5], $0x200  }
0x2f6: {  	[sflag:s5] =	ssyncset.done $0x0  }
0x2f7: {  	[sflag:s5] =	ssyncadd.s32 $0xFFFFFE00  }
0x2f8: {  	_ =	swait.ge [sflag:s5], $0x200  }
0x2f9: {  	[sflag:s5] =	ssyncset.done $0x0  }
0x2fa: {  	[sflag:s5] =	ssyncadd.s32 $0xFFFFFE00  }
0x2fb: {  	_ =	swait.ge [sflag:s5], $0x200  }
0x2fc: {  	[sflag:s5] =	ssyncset.done $0x0  }
0x2fd: {  	[sflag:s5] =	ssyncadd.s32 $0xFFFFFE00  }
0x2fe: {  	_ =	swait.ge [sflag:s5], $0x200  }
0x2ff: {  	[sflag:s5] =	ssyncset.done $0x0  }
0x300: {  	[sflag:s5] =	ssyncadd.s32 $0xFFFFFE00  }
0x301: {  	_ =	swait.ge [sflag:s5], $0x200  }
0x302: {  	[sflag:s5] =	ssyncset.done $0x0  }
0x303: {  	[sflag:s5] =	ssyncadd.s32 $0xFFFFFE00  }
0x304: {  	_ =	swait.ge [sflag:s5], $0x200  }
0x305: {  	[sflag:s5] =	ssyncset.done $0x0  }
0x306: {  	[sflag:s5] =	ssyncadd.s32 $0xFFFFFE00  }
0x307: {  	_ =	swait.ge [sflag:s5], $0x200  }
0x308: {  	[sflag:s5] =	ssyncset.done $0x0  }
0x309: {  	[sflag:s5] =	ssyncadd.s32 $0xFFFFFE00  }
0x30a: {  	_ =	swait.ge [sflag:s5], $0x200  }
0x30b: {  	[sflag:s5] =	ssyncset.done $0x0  }
0x30c: {  	[sflag:s5] =	ssyncadd.s32 $0xFFFFFE00  }
0x30d: {  	_ =	swait.ge [sflag:s5], $0x200  }
0x30e: {  	[sflag:s5] =	ssyncset.done $0x0  }
0x30f: {  	[sflag:s5] =	ssyncadd.s32 $0xFFFFFE00  }
0x310: {  	_ =	swait.ge [sflag:s5], $0x200  }
0x311: {  	[sflag:s5] =	ssyncset.done $0x0  }
0x312: {  	[sflag:s5] =	ssyncadd.s32 $0xFFFFFE00  }
0x313: {  	_ =	swait.ge [sflag:s5], $0x200  }
0x314: {  	[sflag:s5] =	ssyncset.done $0x0  }
0x315: {  	[sflag:s5] =	ssyncadd.s32 $0xFFFFFE00  }
0x316: {  	_ =	swait.ge [sflag:s5], $0x200  }
0x317: {  	[sflag:s5] =	ssyncset.done $0x0  }
0x318: {  	[sflag:s5] =	ssyncadd.s32 $0xFFFFFE00  }
0x319: {  	_ =	swait.ge [sflag:s5], $0x200  }
0x31a: {  	[sflag:s5] =	ssyncset.done $0x0  }
0x31b: {  	[sflag:s5] =	ssyncadd.s32 $0xFFFFFE00  }
0x31c: {  	_ =	swait.ge [sflag:s5], $0x200  }
0x31d: {  	[sflag:s5] =	ssyncset.done $0x0  }
0x31e: {  	[sflag:s5] =	ssyncadd.s32 $0xFFFFFE00  }
0x31f: {  	_ =	swait.ge [sflag:s5], $0x200  }
0x320: {  	[sflag:s5] =	ssyncset.done $0x0  }
0x321: {  	[sflag:s5] =	ssyncadd.s32 $0xFFFFFE00  }
0x322: {  	_ =	swait.ge [sflag:s5], $0x200  }
0x323: {  	[sflag:s5] =	ssyncset.done $0x0  }
0x324: {  	[sflag:s5] =	ssyncadd.s32 $0xFFFFFE00  }
0x325: {  	_ =	swait.ge [sflag:s5], $0x200  }
0x326: {  	[sflag:s5] =	ssyncset.done $0x0  }
0x327: {  	s11 =	simm.s32 $0x9A00;
	s6 =	rddreg [dreg:$0x9];
	[sflag:s5] =	ssyncadd.s32 $0xFFFFFE00  }
0x328: {  	[hbm4b:s6+s0] =	stream.strided.scatter [tilespmem:s11], [sflag:$0x2], $0x4000, s1, s0, $0x38;
	[tilespmem:$0x11A00] =	vst v63  }
0x329: {  	_ =	swait.ge [sflag:s7], $0x4000  }
0x32a: {  	[sflag:s7] =	ssyncset.done $0x0  }
0x32b: {  	s13 =	simm.s32 $0x9A00;
	[sflag:s7] =	ssyncadd.s32 $0xFFFFC000  }
0x32c: {  	[tilespmem:s13], [sflag:$0x1] =	stream.indirect.gather [hbm4b:s28+s0], $0x1, s29, s0, $0xb8;
	[tilespmem:$0x11A00] =	vst v63  }
0x32d: {  	s11 =	simm.s32 $0x800;
	s13 =	smov.u32 s28  }
.LBB2_22:
0x32e: {  	p0 =	sne.s32 s11, $0xF800  }
.Ltmp10:
0x32f: {  	_ = 	snop;
	(pc) =	sbr.rel @p0 .LBB2_22-.Ltmp10, $4  }
0x330: {  	_ = 	snop  }
0x331: {  	s6 =	sshra.s32 s11, $0x2;
	s11 =	sadd.s32 $0x800, s11  }
0x332: {  	s13 =	sadd.s32 $0x30D4, s13;
	s6 =	sadd.s32 $0x9A00, s6  }
0x333: {  	[tilespmem:s6], [sflag:$0x1] =	stream.indirect.gather [hbm4b:s13+s0], $0x1, s29, s0, $0xb8;
	[tilespmem:$0x11A00] =	vst v63  }
0x334: {  	_ =	swait.ge [sflag:s5], $0x200  }
0x335: {  	[sflag:s5] =	ssyncset.done $0x0  }
0x336: {  	[sflag:s5] =	ssyncadd.s32 $0xFFFFFE00  }
0x337: {  	_ =	swait.ge [sflag:s5], $0x200  }
0x338: {  	[sflag:s5] =	ssyncset.done $0x0  }
0x339: {  	[sflag:s5] =	ssyncadd.s32 $0xFFFFFE00  }
0x33a: {  	_ =	swait.ge [sflag:s5], $0x200  }
0x33b: {  	[sflag:s5] =	ssyncset.done $0x0  }
0x33c: {  	[sflag:s5] =	ssyncadd.s32 $0xFFFFFE00  }
0x33d: {  	_ =	swait.ge [sflag:s5], $0x200  }
0x33e: {  	[sflag:s5] =	ssyncset.done $0x0  }
0x33f: {  	[sflag:s5] =	ssyncadd.s32 $0xFFFFFE00  }
0x340: {  	_ =	swait.ge [sflag:s5], $0x200  }
0x341: {  	[sflag:s5] =	ssyncset.done $0x0  }
0x342: {  	[sflag:s5] =	ssyncadd.s32 $0xFFFFFE00  }
0x343: {  	_ =	swait.ge [sflag:s5], $0x200  }
0x344: {  	[sflag:s5] =	ssyncset.done $0x0  }
0x345: {  	[sflag:s5] =	ssyncadd.s32 $0xFFFFFE00  }
0x346: {  	_ =	swait.ge [sflag:s5], $0x200  }
0x347: {  	[sflag:s5] =	ssyncset.done $0x0  }
0x348: {  	[sflag:s5] =	ssyncadd.s32 $0xFFFFFE00  }
0x349: {  	_ =	swait.ge [sflag:s5], $0x200  }
0x34a: {  	[sflag:s5] =	ssyncset.done $0x0  }
0x34b: {  	[sflag:s5] =	ssyncadd.s32 $0xFFFFFE00  }
0x34c: {  	_ =	swait.ge [sflag:s5], $0x200  }
0x34d: {  	[sflag:s5] =	ssyncset.done $0x0  }
0x34e: {  	[sflag:s5] =	ssyncadd.s32 $0xFFFFFE00  }
0x34f: {  	_ =	swait.ge [sflag:s5], $0x200  }
0x350: {  	[sflag:s5] =	ssyncset.done $0x0  }
0x351: {  	[sflag:s5] =	ssyncadd.s32 $0xFFFFFE00  }
0x352: {  	_ =	swait.ge [sflag:s5], $0x200  }
0x353: {  	[sflag:s5] =	ssyncset.done $0x0  }
0x354: {  	[sflag:s5] =	ssyncadd.s32 $0xFFFFFE00  }
0x355: {  	_ =	swait.ge [sflag:s5], $0x200  }
0x356: {  	[sflag:s5] =	ssyncset.done $0x0  }
0x357: {  	[sflag:s5] =	ssyncadd.s32 $0xFFFFFE00  }
0x358: {  	_ =	swait.ge [sflag:s5], $0x200  }
0x359: {  	[sflag:s5] =	ssyncset.done $0x0  }
0x35a: {  	[sflag:s5] =	ssyncadd.s32 $0xFFFFFE00  }
0x35b: {  	_ =	swait.ge [sflag:s5], $0x200  }
0x35c: {  	[sflag:s5] =	ssyncset.done $0x0  }
0x35d: {  	[sflag:s5] =	ssyncadd.s32 $0xFFFFFE00  }
0x35e: {  	_ =	swait.ge [sflag:s5], $0x200  }
0x35f: {  	[sflag:s5] =	ssyncset.done $0x0  }
0x360: {  	[sflag:s5] =	ssyncadd.s32 $0xFFFFFE00  }
0x361: {  	_ =	swait.ge [sflag:s5], $0x200  }
0x362: {  	[sflag:s5] =	ssyncset.done $0x0  }
0x363: {  	[sflag:s5] =	ssyncadd.s32 $0xFFFFFE00  }
0x364: {  	_ =	swait.ge [sflag:s5], $0x200  }
0x365: {  	[sflag:s5] =	ssyncset.done $0x0  }
0x366: {  	[sflag:s5] =	ssyncadd.s32 $0xFFFFFE00  }
0x367: {  	_ =	swait.ge [sflag:s5], $0x200  }
0x368: {  	[sflag:s5] =	ssyncset.done $0x0  }
0x369: {  	[sflag:s5] =	ssyncadd.s32 $0xFFFFFE00  }
0x36a: {  	_ =	swait.ge [sflag:s5], $0x200  }
0x36b: {  	[sflag:s5] =	ssyncset.done $0x0  }
0x36c: {  	[sflag:s5] =	ssyncadd.s32 $0xFFFFFE00  }
0x36d: {  	_ =	swait.ge [sflag:s5], $0x200  }
0x36e: {  	[sflag:s5] =	ssyncset.done $0x0  }
0x36f: {  	[sflag:s5] =	ssyncadd.s32 $0xFFFFFE00  }
0x370: {  	_ =	swait.ge [sflag:s5], $0x200  }
0x371: {  	[sflag:s5] =	ssyncset.done $0x0  }
0x372: {  	[sflag:s5] =	ssyncadd.s32 $0xFFFFFE00  }
0x373: {  	_ =	swait.ge [sflag:s5], $0x200  }
0x374: {  	[sflag:s5] =	ssyncset.done $0x0  }
0x375: {  	[sflag:s5] =	ssyncadd.s32 $0xFFFFFE00  }
0x376: {  	_ =	swait.ge [sflag:s5], $0x200  }
0x377: {  	[sflag:s5] =	ssyncset.done $0x0  }
0x378: {  	[sflag:s5] =	ssyncadd.s32 $0xFFFFFE00  }
0x379: {  	_ =	swait.ge [sflag:s5], $0x200  }
0x37a: {  	[sflag:s5] =	ssyncset.done $0x0  }
0x37b: {  	[sflag:s5] =	ssyncadd.s32 $0xFFFFFE00  }
0x37c: {  	_ =	swait.ge [sflag:s5], $0x200  }
0x37d: {  	[sflag:s5] =	ssyncset.done $0x0  }
0x37e: {  	[sflag:s5] =	ssyncadd.s32 $0xFFFFFE00  }
0x37f: {  	_ =	swait.ge [sflag:s5], $0x200  }
0x380: {  	[sflag:s5] =	ssyncset.done $0x0  }
0x381: {  	[sflag:s5] =	ssyncadd.s32 $0xFFFFFE00  }
0x382: {  	_ =	swait.ge [sflag:s5], $0x200  }
0x383: {  	[sflag:s5] =	ssyncset.done $0x0  }
0x384: {  	[sflag:s5] =	ssyncadd.s32 $0xFFFFFE00  }
0x385: {  	_ =	swait.ge [sflag:s5], $0x200  }
0x386: {  	[sflag:s5] =	ssyncset.done $0x0  }
0x387: {  	[sflag:s5] =	ssyncadd.s32 $0xFFFFFE00  }
0x388: {  	_ =	swait.ge [sflag:s5], $0x200  }
0x389: {  	[sflag:s5] =	ssyncset.done $0x0  }
0x38a: {  	[sflag:s5] =	ssyncadd.s32 $0xFFFFFE00  }
0x38b: {  	_ =	swait.ge [sflag:s5], $0x200  }
0x38c: {  	[sflag:s5] =	ssyncset.done $0x0  }
0x38d: {  	[sflag:s5] =	ssyncadd.s32 $0xFFFFFE00  }
0x38e: {  	_ =	swait.ge [sflag:s5], $0x200  }
0x38f: {  	[sflag:s5] =	ssyncset.done $0x0  }
0x390: {  	[sflag:s5] =	ssyncadd.s32 $0xFFFFFE00  }
0x391: {  	_ =	swait.ge [sflag:s5], $0x200  }
0x392: {  	[sflag:s5] =	ssyncset.done $0x0  }
0x393: {  	s11 =	simm.s32 $0xDA00;
	s6 =	rddreg [dreg:$0xa];
	[sflag:s5] =	ssyncadd.s32 $0xFFFFFE00  }
0x394: {  	[hbm4b:s6+s0] =	stream.strided.scatter [tilespmem:s11], [sflag:$0x2], $0x4000, s1, s0, $0x38;
	[tilespmem:$0x11A00] =	vst v63  }
0x395: {  	_ =	swait.ge [sflag:s7], $0x4000  }
0x396: {  	[sflag:s7] =	ssyncset.done $0x0  }
0x397: {  	s13 =	simm.s32 $0xDA00;
	[sflag:s7] =	ssyncadd.s32 $0xFFFFC000  }
0x398: {  	[tilespmem:s13], [sflag:$0x1] =	stream.indirect.gather [hbm4b:s30+s0], $0x1, s19, s0, $0xb8;
	[tilespmem:$0x11A00] =	vst v63  }
0x399: {  	s11 =	simm.s32 $0x800;
	s13 =	smov.u32 s30  }
.LBB2_24:
0x39a: {  	p0 =	sne.s32 s11, $0xF800  }
.Ltmp11:
0x39b: {  	_ = 	snop;
	(pc) =	sbr.rel @p0 .LBB2_24-.Ltmp11, $4  }
0x39c: {  	_ = 	snop  }
0x39d: {  	s6 =	sshra.s32 s11, $0x2;
	s11 =	sadd.s32 $0x800, s11  }
0x39e: {  	s13 =	sadd.s32 $0x30D4, s13;
	s6 =	sadd.s32 $0xDA00, s6  }
0x39f: {  	[tilespmem:s6], [sflag:$0x1] =	stream.indirect.gather [hbm4b:s13+s0], $0x1, s19, s0, $0xb8;
	[tilespmem:$0x11A00] =	vst v63  }
0x3a0: {  	_ =	swait.ge [sflag:s5], $0x200  }
0x3a1: {  	[sflag:s5] =	ssyncset.done $0x0  }
0x3a2: {  	[sflag:s5] =	ssyncadd.s32 $0xFFFFFE00  }
0x3a3: {  	_ =	swait.ge [sflag:s5], $0x200  }
0x3a4: {  	[sflag:s5] =	ssyncset.done $0x0  }
0x3a5: {  	[sflag:s5] =	ssyncadd.s32 $0xFFFFFE00  }
0x3a6: {  	_ =	swait.ge [sflag:s5], $0x200  }
0x3a7: {  	[sflag:s5] =	ssyncset.done $0x0  }
0x3a8: {  	[sflag:s5] =	ssyncadd.s32 $0xFFFFFE00  }
0x3a9: {  	_ =	swait.ge [sflag:s5], $0x200  }
0x3aa: {  	[sflag:s5] =	ssyncset.done $0x0  }
0x3ab: {  	[sflag:s5] =	ssyncadd.s32 $0xFFFFFE00  }
0x3ac: {  	_ =	swait.ge [sflag:s5], $0x200  }
0x3ad: {  	[sflag:s5] =	ssyncset.done $0x0  }
0x3ae: {  	[sflag:s5] =	ssyncadd.s32 $0xFFFFFE00  }
0x3af: {  	_ =	swait.ge [sflag:s5], $0x200  }
0x3b0: {  	[sflag:s5] =	ssyncset.done $0x0  }
0x3b1: {  	[sflag:s5] =	ssyncadd.s32 $0xFFFFFE00  }
0x3b2: {  	_ =	swait.ge [sflag:s5], $0x200  }
0x3b3: {  	[sflag:s5] =	ssyncset.done $0x0  }
0x3b4: {  	[sflag:s5] =	ssyncadd.s32 $0xFFFFFE00  }
0x3b5: {  	_ =	swait.ge [sflag:s5], $0x200  }
0x3b6: {  	[sflag:s5] =	ssyncset.done $0x0  }
0x3b7: {  	[sflag:s5] =	ssyncadd.s32 $0xFFFFFE00  }
0x3b8: {  	_ =	swait.ge [sflag:s5], $0x200  }
0x3b9: {  	[sflag:s5] =	ssyncset.done $0x0  }
0x3ba: {  	[sflag:s5] =	ssyncadd.s32 $0xFFFFFE00  }
0x3bb: {  	_ =	swait.ge [sflag:s5], $0x200  }
0x3bc: {  	[sflag:s5] =	ssyncset.done $0x0  }
0x3bd: {  	[sflag:s5] =	ssyncadd.s32 $0xFFFFFE00  }
0x3be: {  	_ =	swait.ge [sflag:s5], $0x200  }
0x3bf: {  	[sflag:s5] =	ssyncset.done $0x0  }
0x3c0: {  	[sflag:s5] =	ssyncadd.s32 $0xFFFFFE00  }
0x3c1: {  	_ =	swait.ge [sflag:s5], $0x200  }
0x3c2: {  	[sflag:s5] =	ssyncset.done $0x0  }
0x3c3: {  	[sflag:s5] =	ssyncadd.s32 $0xFFFFFE00  }
0x3c4: {  	_ =	swait.ge [sflag:s5], $0x200  }
0x3c5: {  	[sflag:s5] =	ssyncset.done $0x0  }
0x3c6: {  	[sflag:s5] =	ssyncadd.s32 $0xFFFFFE00  }
0x3c7: {  	_ =	swait.ge [sflag:s5], $0x200  }
0x3c8: {  	[sflag:s5] =	ssyncset.done $0x0  }
0x3c9: {  	[sflag:s5] =	ssyncadd.s32 $0xFFFFFE00  }
0x3ca: {  	_ =	swait.ge [sflag:s5], $0x200  }
0x3cb: {  	[sflag:s5] =	ssyncset.done $0x0  }
0x3cc: {  	[sflag:s5] =	ssyncadd.s32 $0xFFFFFE00  }
0x3cd: {  	_ =	swait.ge [sflag:s5], $0x200  }
0x3ce: {  	[sflag:s5] =	ssyncset.done $0x0  }
0x3cf: {  	[sflag:s5] =	ssyncadd.s32 $0xFFFFFE00  }
0x3d0: {  	_ =	swait.ge [sflag:s5], $0x200  }
0x3d1: {  	[sflag:s5] =	ssyncset.done $0x0  }
0x3d2: {  	[sflag:s5] =	ssyncadd.s32 $0xFFFFFE00  }
0x3d3: {  	_ =	swait.ge [sflag:s5], $0x200  }
0x3d4: {  	[sflag:s5] =	ssyncset.done $0x0  }
0x3d5: {  	[sflag:s5] =	ssyncadd.s32 $0xFFFFFE00  }
0x3d6: {  	_ =	swait.ge [sflag:s5], $0x200  }
0x3d7: {  	[sflag:s5] =	ssyncset.done $0x0  }
0x3d8: {  	[sflag:s5] =	ssyncadd.s32 $0xFFFFFE00  }
0x3d9: {  	_ =	swait.ge [sflag:s5], $0x200  }
0x3da: {  	[sflag:s5] =	ssyncset.done $0x0  }
0x3db: {  	[sflag:s5] =	ssyncadd.s32 $0xFFFFFE00  }
0x3dc: {  	_ =	swait.ge [sflag:s5], $0x200  }
0x3dd: {  	[sflag:s5] =	ssyncset.done $0x0  }
0x3de: {  	[sflag:s5] =	ssyncadd.s32 $0xFFFFFE00  }
0x3df: {  	_ =	swait.ge [sflag:s5], $0x200  }
0x3e0: {  	[sflag:s5] =	ssyncset.done $0x0  }
0x3e1: {  	[sflag:s5] =	ssyncadd.s32 $0xFFFFFE00  }
0x3e2: {  	_ =	swait.ge [sflag:s5], $0x200  }
0x3e3: {  	[sflag:s5] =	ssyncset.done $0x0  }
0x3e4: {  	[sflag:s5] =	ssyncadd.s32 $0xFFFFFE00  }
0x3e5: {  	_ =	swait.ge [sflag:s5], $0x200  }
0x3e6: {  	[sflag:s5] =	ssyncset.done $0x0  }
0x3e7: {  	[sflag:s5] =	ssyncadd.s32 $0xFFFFFE00  }
0x3e8: {  	_ =	swait.ge [sflag:s5], $0x200  }
0x3e9: {  	[sflag:s5] =	ssyncset.done $0x0  }
0x3ea: {  	[sflag:s5] =	ssyncadd.s32 $0xFFFFFE00  }
0x3eb: {  	_ =	swait.ge [sflag:s5], $0x200  }
0x3ec: {  	[sflag:s5] =	ssyncset.done $0x0  }
0x3ed: {  	[sflag:s5] =	ssyncadd.s32 $0xFFFFFE00  }
0x3ee: {  	_ =	swait.ge [sflag:s5], $0x200  }
0x3ef: {  	[sflag:s5] =	ssyncset.done $0x0  }
0x3f0: {  	[sflag:s5] =	ssyncadd.s32 $0xFFFFFE00  }
0x3f1: {  	_ =	swait.ge [sflag:s5], $0x200  }
0x3f2: {  	[sflag:s5] =	ssyncset.done $0x0  }
0x3f3: {  	[sflag:s5] =	ssyncadd.s32 $0xFFFFFE00  }
0x3f4: {  	_ =	swait.ge [sflag:s5], $0x200  }
0x3f5: {  	[sflag:s5] =	ssyncset.done $0x0  }
0x3f6: {  	[sflag:s5] =	ssyncadd.s32 $0xFFFFFE00  }
0x3f7: {  	_ =	swait.ge [sflag:s5], $0x200  }
0x3f8: {  	[sflag:s5] =	ssyncset.done $0x0  }
0x3f9: {  	[sflag:s5] =	ssyncadd.s32 $0xFFFFFE00  }
0x3fa: {  	_ =	swait.ge [sflag:s5], $0x200  }
0x3fb: {  	[sflag:s5] =	ssyncset.done $0x0  }
0x3fc: {  	[sflag:s5] =	ssyncadd.s32 $0xFFFFFE00  }
0x3fd: {  	_ =	swait.ge [sflag:s5], $0x200  }
0x3fe: {  	[sflag:s5] =	ssyncset.done $0x0  }
0x3ff: {  	s6 =	rddreg [dreg:$0xb];
	[sflag:s5] =	ssyncadd.s32 $0xFFFFFE00  }
0x400: {  	[hbm4b:s6+s0] =	stream.strided.scatter [tilespmem:s17], [sflag:$0x2], $0x4000, s1, s0, $0x38;
	[tilespmem:$0x11A00] =	vst v63  }
0x401: {  	_ =	swait.ge [sflag:s7], $0x4000  }
0x402: {  	[sflag:s7] =	ssyncset.done $0x0  }
0x403: {  	s13 =	simm.s32 $0x1A00;
	[sflag:s7] =	ssyncadd.s32 $0xFFFFC000  }
0x404: {  	[tilespmem:s13], [sflag:$0x1] =	stream.indirect.gather [hbm4b:s31+s0], $0x1, s2, s0, $0xb8;
	[tilespmem:$0x11A00] =	vst v63  }
0x405: {  	s11 =	simm.s32 $0x800;
	s13 =	smov.u32 s31  }
.LBB2_26:
0x406: {  	p0 =	sne.s32 s11, $0xF800  }
.Ltmp12:
0x407: {  	_ = 	snop;
	(pc) =	sbr.rel @p0 .LBB2_26-.Ltmp12, $4  }
0x408: {  	_ = 	snop  }
0x409: {  	s6 =	sshra.s32 s11, $0x2;
	s11 =	sadd.s32 $0x800, s11  }
0x40a: {  	s13 =	sadd.s32 $0x30D4, s13;
	s6 =	sadd.s32 $0x1A00, s6  }
0x40b: {  	[tilespmem:s6], [sflag:$0x1] =	stream.indirect.gather [hbm4b:s13+s0], $0x1, s2, s0, $0xb8;
	[tilespmem:$0x11A00] =	vst v63  }
0x40c: {  	_ =	swait.ge [sflag:s5], $0x200  }
0x40d: {  	[sflag:s5] =	ssyncset.done $0x0  }
0x40e: {  	[sflag:s5] =	ssyncadd.s32 $0xFFFFFE00  }
0x40f: {  	_ =	swait.ge [sflag:s5], $0x200  }
0x410: {  	[sflag:s5] =	ssyncset.done $0x0  }
0x411: {  	[sflag:s5] =	ssyncadd.s32 $0xFFFFFE00  }
0x412: {  	_ =	swait.ge [sflag:s5], $0x200  }
0x413: {  	[sflag:s5] =	ssyncset.done $0x0  }
0x414: {  	[sflag:s5] =	ssyncadd.s32 $0xFFFFFE00  }
0x415: {  	_ =	swait.ge [sflag:s5], $0x200  }
0x416: {  	[sflag:s5] =	ssyncset.done $0x0  }
0x417: {  	[sflag:s5] =	ssyncadd.s32 $0xFFFFFE00  }
0x418: {  	_ =	swait.ge [sflag:s5], $0x200  }
0x419: {  	[sflag:s5] =	ssyncset.done $0x0  }
0x41a: {  	[sflag:s5] =	ssyncadd.s32 $0xFFFFFE00  }
0x41b: {  	_ =	swait.ge [sflag:s5], $0x200  }
0x41c: {  	[sflag:s5] =	ssyncset.done $0x0  }
0x41d: {  	[sflag:s5] =	ssyncadd.s32 $0xFFFFFE00  }
0x41e: {  	_ =	swait.ge [sflag:s5], $0x200  }
0x41f: {  	[sflag:s5] =	ssyncset.done $0x0  }
0x420: {  	[sflag:s5] =	ssyncadd.s32 $0xFFFFFE00  }
0x421: {  	_ =	swait.ge [sflag:s5], $0x200  }
0x422: {  	[sflag:s5] =	ssyncset.done $0x0  }
0x423: {  	[sflag:s5] =	ssyncadd.s32 $0xFFFFFE00  }
0x424: {  	_ =	swait.ge [sflag:s5], $0x200  }
0x425: {  	[sflag:s5] =	ssyncset.done $0x0  }
0x426: {  	[sflag:s5] =	ssyncadd.s32 $0xFFFFFE00  }
0x427: {  	_ =	swait.ge [sflag:s5], $0x200  }
0x428: {  	[sflag:s5] =	ssyncset.done $0x0  }
0x429: {  	[sflag:s5] =	ssyncadd.s32 $0xFFFFFE00  }
0x42a: {  	_ =	swait.ge [sflag:s5], $0x200  }
0x42b: {  	[sflag:s5] =	ssyncset.done $0x0  }
0x42c: {  	[sflag:s5] =	ssyncadd.s32 $0xFFFFFE00  }
0x42d: {  	_ =	swait.ge [sflag:s5], $0x200  }
0x42e: {  	[sflag:s5] =	ssyncset.done $0x0  }
0x42f: {  	[sflag:s5] =	ssyncadd.s32 $0xFFFFFE00  }
0x430: {  	_ =	swait.ge [sflag:s5], $0x200  }
0x431: {  	[sflag:s5] =	ssyncset.done $0x0  }
0x432: {  	[sflag:s5] =	ssyncadd.s32 $0xFFFFFE00  }
0x433: {  	_ =	swait.ge [sflag:s5], $0x200  }
0x434: {  	[sflag:s5] =	ssyncset.done $0x0  }
0x435: {  	[sflag:s5] =	ssyncadd.s32 $0xFFFFFE00  }
0x436: {  	_ =	swait.ge [sflag:s5], $0x200  }
0x437: {  	[sflag:s5] =	ssyncset.done $0x0  }
0x438: {  	[sflag:s5] =	ssyncadd.s32 $0xFFFFFE00  }
0x439: {  	_ =	swait.ge [sflag:s5], $0x200  }
0x43a: {  	[sflag:s5] =	ssyncset.done $0x0  }
0x43b: {  	[sflag:s5] =	ssyncadd.s32 $0xFFFFFE00  }
0x43c: {  	_ =	swait.ge [sflag:s5], $0x200  }
0x43d: {  	[sflag:s5] =	ssyncset.done $0x0  }
0x43e: {  	[sflag:s5] =	ssyncadd.s32 $0xFFFFFE00  }
0x43f: {  	_ =	swait.ge [sflag:s5], $0x200  }
0x440: {  	[sflag:s5] =	ssyncset.done $0x0  }
0x441: {  	[sflag:s5] =	ssyncadd.s32 $0xFFFFFE00  }
0x442: {  	_ =	swait.ge [sflag:s5], $0x200  }
0x443: {  	[sflag:s5] =	ssyncset.done $0x0  }
0x444: {  	[sflag:s5] =	ssyncadd.s32 $0xFFFFFE00  }
0x445: {  	_ =	swait.ge [sflag:s5], $0x200  }
0x446: {  	[sflag:s5] =	ssyncset.done $0x0  }
0x447: {  	[sflag:s5] =	ssyncadd.s32 $0xFFFFFE00  }
0x448: {  	_ =	swait.ge [sflag:s5], $0x200  }
0x449: {  	[sflag:s5] =	ssyncset.done $0x0  }
0x44a: {  	[sflag:s5] =	ssyncadd.s32 $0xFFFFFE00  }
0x44b: {  	_ =	swait.ge [sflag:s5], $0x200  }
0x44c: {  	[sflag:s5] =	ssyncset.done $0x0  }
0x44d: {  	[sflag:s5] =	ssyncadd.s32 $0xFFFFFE00  }
0x44e: {  	_ =	swait.ge [sflag:s5], $0x200  }
0x44f: {  	[sflag:s5] =	ssyncset.done $0x0  }
0x450: {  	[sflag:s5] =	ssyncadd.s32 $0xFFFFFE00  }
0x451: {  	_ =	swait.ge [sflag:s5], $0x200  }
0x452: {  	[sflag:s5] =	ssyncset.done $0x0  }
0x453: {  	[sflag:s5] =	ssyncadd.s32 $0xFFFFFE00  }
0x454: {  	_ =	swait.ge [sflag:s5], $0x200  }
0x455: {  	[sflag:s5] =	ssyncset.done $0x0  }
0x456: {  	[sflag:s5] =	ssyncadd.s32 $0xFFFFFE00  }
0x457: {  	_ =	swait.ge [sflag:s5], $0x200  }
0x458: {  	[sflag:s5] =	ssyncset.done $0x0  }
0x459: {  	[sflag:s5] =	ssyncadd.s32 $0xFFFFFE00  }
0x45a: {  	_ =	swait.ge [sflag:s5], $0x200  }
0x45b: {  	[sflag:s5] =	ssyncset.done $0x0  }
0x45c: {  	[sflag:s5] =	ssyncadd.s32 $0xFFFFFE00  }
0x45d: {  	_ =	swait.ge [sflag:s5], $0x200  }
0x45e: {  	[sflag:s5] =	ssyncset.done $0x0  }
0x45f: {  	[sflag:s5] =	ssyncadd.s32 $0xFFFFFE00  }
0x460: {  	_ =	swait.ge [sflag:s5], $0x200  }
0x461: {  	[sflag:s5] =	ssyncset.done $0x0  }
0x462: {  	[sflag:s5] =	ssyncadd.s32 $0xFFFFFE00  }
0x463: {  	_ =	swait.ge [sflag:s5], $0x200  }
0x464: {  	[sflag:s5] =	ssyncset.done $0x0  }
0x465: {  	[sflag:s5] =	ssyncadd.s32 $0xFFFFFE00  }
0x466: {  	_ =	swait.ge [sflag:s5], $0x200  }
0x467: {  	[sflag:s5] =	ssyncset.done $0x0  }
0x468: {  	[sflag:s5] =	ssyncadd.s32 $0xFFFFFE00  }
0x469: {  	_ =	swait.ge [sflag:s5], $0x200  }
0x46a: {  	[sflag:s5] =	ssyncset.done $0x0  }
0x46b: {  	s11 =	simm.s32 $0x5A00;
	s6 =	rddreg [dreg:$0xc];
	[sflag:s5] =	ssyncadd.s32 $0xFFFFFE00  }
0x46c: {  	[hbm4b:s6+s0] =	stream.strided.scatter [tilespmem:s11], [sflag:$0x2], $0x4000, s1, s0, $0x38;
	[tilespmem:$0x11A00] =	vst v63  }
0x46d: {  	_ =	swait.ge [sflag:s7], $0x4000  }
0x46e: {  	[sflag:s7] =	ssyncset.done $0x0  }
0x46f: {  	[sflag:s7] =	ssyncadd.s32 $0xFFFFC000  }
0x470: {  	_ =	swait.ge [sflag:s5], $0x200  }
0x471: {  	[sflag:s5] =	ssyncset.done $0x0  }
0x472: {  	[sflag:s5] =	ssyncadd.s32 $0xFFFFFE00  }
0x473: {  	_ =	swait.ge [sflag:s5], $0x200  }
0x474: {  	[sflag:s5] =	ssyncset.done $0x0  }
0x475: {  	[sflag:s5] =	ssyncadd.s32 $0xFFFFFE00  }
0x476: {  	_ =	swait.ge [sflag:s5], $0x200  }
0x477: {  	[sflag:s5] =	ssyncset.done $0x0  }
0x478: {  	[sflag:s5] =	ssyncadd.s32 $0xFFFFFE00  }
0x479: {  	_ =	swait.ge [sflag:s5], $0x200  }
0x47a: {  	[sflag:s5] =	ssyncset.done $0x0  }
0x47b: {  	[sflag:s5] =	ssyncadd.s32 $0xFFFFFE00  }
0x47c: {  	_ =	swait.ge [sflag:s5], $0x200  }
0x47d: {  	[sflag:s5] =	ssyncset.done $0x0  }
0x47e: {  	[sflag:s5] =	ssyncadd.s32 $0xFFFFFE00  }
0x47f: {  	_ =	swait.ge [sflag:s5], $0x200  }
0x480: {  	[sflag:s5] =	ssyncset.done $0x0  }
0x481: {  	[sflag:s5] =	ssyncadd.s32 $0xFFFFFE00  }
0x482: {  	_ =	swait.ge [sflag:s5], $0x200  }
0x483: {  	[sflag:s5] =	ssyncset.done $0x0  }
0x484: {  	[sflag:s5] =	ssyncadd.s32 $0xFFFFFE00  }
0x485: {  	_ =	swait.ge [sflag:s5], $0x200  }
0x486: {  	[sflag:s5] =	ssyncset.done $0x0  }
0x487: {  	[sflag:s5] =	ssyncadd.s32 $0xFFFFFE00  }
0x488: {  	_ =	swait.ge [sflag:s5], $0x200  }
0x489: {  	[sflag:s5] =	ssyncset.done $0x0  }
0x48a: {  	[sflag:s5] =	ssyncadd.s32 $0xFFFFFE00  }
0x48b: {  	_ =	swait.ge [sflag:s5], $0x200  }
0x48c: {  	[sflag:s5] =	ssyncset.done $0x0  }
0x48d: {  	[sflag:s5] =	ssyncadd.s32 $0xFFFFFE00  }
0x48e: {  	_ =	swait.ge [sflag:s5], $0x200  }
0x48f: {  	[sflag:s5] =	ssyncset.done $0x0  }
0x490: {  	[sflag:s5] =	ssyncadd.s32 $0xFFFFFE00  }
0x491: {  	_ =	swait.ge [sflag:s5], $0x200  }
0x492: {  	[sflag:s5] =	ssyncset.done $0x0  }
0x493: {  	[sflag:s5] =	ssyncadd.s32 $0xFFFFFE00  }
0x494: {  	_ =	swait.ge [sflag:s5], $0x200  }
0x495: {  	[sflag:s5] =	ssyncset.done $0x0  }
0x496: {  	[sflag:s5] =	ssyncadd.s32 $0xFFFFFE00  }
0x497: {  	_ =	swait.ge [sflag:s5], $0x200  }
0x498: {  	[sflag:s5] =	ssyncset.done $0x0  }
0x499: {  	[sflag:s5] =	ssyncadd.s32 $0xFFFFFE00  }
0x49a: {  	_ =	swait.ge [sflag:s5], $0x200  }
0x49b: {  	[sflag:s5] =	ssyncset.done $0x0  }
0x49c: {  	[sflag:s5] =	ssyncadd.s32 $0xFFFFFE00  }
0x49d: {  	_ =	swait.ge [sflag:s5], $0x200  }
0x49e: {  	[sflag:s5] =	ssyncset.done $0x0  }
0x49f: {  	[sflag:s5] =	ssyncadd.s32 $0xFFFFFE00  }
0x4a0: {  	_ =	swait.ge [sflag:s5], $0x200  }
0x4a1: {  	[sflag:s5] =	ssyncset.done $0x0  }
0x4a2: {  	[sflag:s5] =	ssyncadd.s32 $0xFFFFFE00  }
0x4a3: {  	_ =	swait.ge [sflag:s5], $0x200  }
0x4a4: {  	[sflag:s5] =	ssyncset.done $0x0  }
0x4a5: {  	[sflag:s5] =	ssyncadd.s32 $0xFFFFFE00  }
0x4a6: {  	_ =	swait.ge [sflag:s5], $0x200  }
0x4a7: {  	[sflag:s5] =	ssyncset.done $0x0  }
0x4a8: {  	[sflag:s5] =	ssyncadd.s32 $0xFFFFFE00  }
0x4a9: {  	_ =	swait.ge [sflag:s5], $0x200  }
0x4aa: {  	[sflag:s5] =	ssyncset.done $0x0  }
0x4ab: {  	[sflag:s5] =	ssyncadd.s32 $0xFFFFFE00  }
0x4ac: {  	_ =	swait.ge [sflag:s5], $0x200  }
0x4ad: {  	[sflag:s5] =	ssyncset.done $0x0  }
0x4ae: {  	[sflag:s5] =	ssyncadd.s32 $0xFFFFFE00  }
0x4af: {  	_ =	swait.ge [sflag:s5], $0x200  }
0x4b0: {  	[sflag:s5] =	ssyncset.done $0x0  }
0x4b1: {  	[sflag:s5] =	ssyncadd.s32 $0xFFFFFE00  }
0x4b2: {  	_ =	swait.ge [sflag:s5], $0x200  }
0x4b3: {  	[sflag:s5] =	ssyncset.done $0x0  }
0x4b4: {  	[sflag:s5] =	ssyncadd.s32 $0xFFFFFE00  }
0x4b5: {  	_ =	swait.ge [sflag:s5], $0x200  }
0x4b6: {  	[sflag:s5] =	ssyncset.done $0x0  }
0x4b7: {  	[sflag:s5] =	ssyncadd.s32 $0xFFFFFE00  }
0x4b8: {  	_ =	swait.ge [sflag:s5], $0x200  }
0x4b9: {  	[sflag:s5] =	ssyncset.done $0x0  }
0x4ba: {  	[sflag:s5] =	ssyncadd.s32 $0xFFFFFE00  }
0x4bb: {  	_ =	swait.ge [sflag:s5], $0x200  }
0x4bc: {  	[sflag:s5] =	ssyncset.done $0x0  }
0x4bd: {  	[sflag:s5] =	ssyncadd.s32 $0xFFFFFE00  }
0x4be: {  	_ =	swait.ge [sflag:s5], $0x200  }
0x4bf: {  	[sflag:s5] =	ssyncset.done $0x0  }
0x4c0: {  	[sflag:s5] =	ssyncadd.s32 $0xFFFFFE00  }
0x4c1: {  	_ =	swait.ge [sflag:s5], $0x200  }
0x4c2: {  	[sflag:s5] =	ssyncset.done $0x0  }
0x4c3: {  	[sflag:s5] =	ssyncadd.s32 $0xFFFFFE00  }
0x4c4: {  	_ =	swait.ge [sflag:s5], $0x200  }
0x4c5: {  	[sflag:s5] =	ssyncset.done $0x0  }
0x4c6: {  	[sflag:s5] =	ssyncadd.s32 $0xFFFFFE00  }
0x4c7: {  	_ =	swait.ge [sflag:s5], $0x200  }
0x4c8: {  	[sflag:s5] =	ssyncset.done $0x0  }
0x4c9: {  	[sflag:s5] =	ssyncadd.s32 $0xFFFFFE00  }
0x4ca: {  	_ =	swait.ge [sflag:s5], $0x200  }
0x4cb: {  	[sflag:s5] =	ssyncset.done $0x0  }
0x4cc: {  	[sflag:s5] =	ssyncadd.s32 $0xFFFFFE00  }
0x4cd: {  	_ =	swait.ge [sflag:s5], $0x200  }
0x4ce: {  	[sflag:s5] =	ssyncset.done $0x0  }
0x4cf: {  	s13 =	simm.s32 $0x9A00;
	s11 =	rddreg [dreg:$0xd];
	[sflag:s5] =	ssyncadd.s32 $0xFFFFFE00  }
0x4d0: {  	[hbm4b:s11+s0] =	stream.strided.scatter [tilespmem:s13], [sflag:$0x2], $0x4000, s1, s0, $0x38;
	[tilespmem:$0x11A00] =	vst v63  }
0x4d1: {  	_ =	swait.ge [sflag:s7], $0x4000  }
0x4d2: {  	[sflag:s7] =	ssyncset.done $0x0  }
0x4d3: {  	[sflag:s7] =	ssyncadd.s32 $0xFFFFC000  }
0x4d4: {  	_ =	swait.ge [sflag:s5], $0x200  }
0x4d5: {  	[sflag:s5] =	ssyncset.done $0x0  }
0x4d6: {  	[sflag:s5] =	ssyncadd.s32 $0xFFFFFE00  }
0x4d7: {  	_ =	swait.ge [sflag:s5], $0x200  }
0x4d8: {  	[sflag:s5] =	ssyncset.done $0x0  }
0x4d9: {  	[sflag:s5] =	ssyncadd.s32 $0xFFFFFE00  }
0x4da: {  	_ =	swait.ge [sflag:s5], $0x200  }
0x4db: {  	[sflag:s5] =	ssyncset.done $0x0  }
0x4dc: {  	[sflag:s5] =	ssyncadd.s32 $0xFFFFFE00  }
0x4dd: {  	_ =	swait.ge [sflag:s5], $0x200  }
0x4de: {  	[sflag:s5] =	ssyncset.done $0x0  }
0x4df: {  	[sflag:s5] =	ssyncadd.s32 $0xFFFFFE00  }
0x4e0: {  	_ =	swait.ge [sflag:s5], $0x200  }
0x4e1: {  	[sflag:s5] =	ssyncset.done $0x0  }
0x4e2: {  	[sflag:s5] =	ssyncadd.s32 $0xFFFFFE00  }
0x4e3: {  	_ =	swait.ge [sflag:s5], $0x200  }
0x4e4: {  	[sflag:s5] =	ssyncset.done $0x0  }
0x4e5: {  	[sflag:s5] =	ssyncadd.s32 $0xFFFFFE00  }
0x4e6: {  	_ =	swait.ge [sflag:s5], $0x200  }
0x4e7: {  	[sflag:s5] =	ssyncset.done $0x0  }
0x4e8: {  	[sflag:s5] =	ssyncadd.s32 $0xFFFFFE00  }
0x4e9: {  	_ =	swait.ge [sflag:s5], $0x200  }
0x4ea: {  	[sflag:s5] =	ssyncset.done $0x0  }
0x4eb: {  	[sflag:s5] =	ssyncadd.s32 $0xFFFFFE00  }
0x4ec: {  	_ =	swait.ge [sflag:s5], $0x200  }
0x4ed: {  	[sflag:s5] =	ssyncset.done $0x0  }
0x4ee: {  	[sflag:s5] =	ssyncadd.s32 $0xFFFFFE00  }
0x4ef: {  	_ =	swait.ge [sflag:s5], $0x200  }
0x4f0: {  	[sflag:s5] =	ssyncset.done $0x0  }
0x4f1: {  	[sflag:s5] =	ssyncadd.s32 $0xFFFFFE00  }
0x4f2: {  	_ =	swait.ge [sflag:s5], $0x200  }
0x4f3: {  	[sflag:s5] =	ssyncset.done $0x0  }
0x4f4: {  	[sflag:s5] =	ssyncadd.s32 $0xFFFFFE00  }
0x4f5: {  	_ =	swait.ge [sflag:s5], $0x200  }
0x4f6: {  	[sflag:s5] =	ssyncset.done $0x0  }
0x4f7: {  	[sflag:s5] =	ssyncadd.s32 $0xFFFFFE00  }
0x4f8: {  	_ =	swait.ge [sflag:s5], $0x200  }
0x4f9: {  	[sflag:s5] =	ssyncset.done $0x0  }
0x4fa: {  	[sflag:s5] =	ssyncadd.s32 $0xFFFFFE00  }
0x4fb: {  	_ =	swait.ge [sflag:s5], $0x200  }
0x4fc: {  	[sflag:s5] =	ssyncset.done $0x0  }
0x4fd: {  	[sflag:s5] =	ssyncadd.s32 $0xFFFFFE00  }
0x4fe: {  	_ =	swait.ge [sflag:s5], $0x200  }
0x4ff: {  	[sflag:s5] =	ssyncset.done $0x0  }
0x500: {  	[sflag:s5] =	ssyncadd.s32 $0xFFFFFE00  }
0x501: {  	_ =	swait.ge [sflag:s5], $0x200  }
0x502: {  	[sflag:s5] =	ssyncset.done $0x0  }
0x503: {  	[sflag:s5] =	ssyncadd.s32 $0xFFFFFE00  }
0x504: {  	_ =	swait.ge [sflag:s5], $0x200  }
0x505: {  	[sflag:s5] =	ssyncset.done $0x0  }
0x506: {  	[sflag:s5] =	ssyncadd.s32 $0xFFFFFE00  }
0x507: {  	_ =	swait.ge [sflag:s5], $0x200  }
0x508: {  	[sflag:s5] =	ssyncset.done $0x0  }
0x509: {  	[sflag:s5] =	ssyncadd.s32 $0xFFFFFE00  }
0x50a: {  	_ =	swait.ge [sflag:s5], $0x200  }
0x50b: {  	[sflag:s5] =	ssyncset.done $0x0  }
0x50c: {  	[sflag:s5] =	ssyncadd.s32 $0xFFFFFE00  }
0x50d: {  	_ =	swait.ge [sflag:s5], $0x200  }
0x50e: {  	[sflag:s5] =	ssyncset.done $0x0  }
0x50f: {  	[sflag:s5] =	ssyncadd.s32 $0xFFFFFE00  }
0x510: {  	_ =	swait.ge [sflag:s5], $0x200  }
0x511: {  	[sflag:s5] =	ssyncset.done $0x0  }
0x512: {  	[sflag:s5] =	ssyncadd.s32 $0xFFFFFE00  }
0x513: {  	_ =	swait.ge [sflag:s5], $0x200  }
0x514: {  	[sflag:s5] =	ssyncset.done $0x0  }
0x515: {  	[sflag:s5] =	ssyncadd.s32 $0xFFFFFE00  }
0x516: {  	_ =	swait.ge [sflag:s5], $0x200  }
0x517: {  	[sflag:s5] =	ssyncset.done $0x0  }
0x518: {  	[sflag:s5] =	ssyncadd.s32 $0xFFFFFE00  }
0x519: {  	_ =	swait.ge [sflag:s5], $0x200  }
0x51a: {  	[sflag:s5] =	ssyncset.done $0x0  }
0x51b: {  	[sflag:s5] =	ssyncadd.s32 $0xFFFFFE00  }
0x51c: {  	_ =	swait.ge [sflag:s5], $0x200  }
0x51d: {  	[sflag:s5] =	ssyncset.done $0x0  }
0x51e: {  	[sflag:s5] =	ssyncadd.s32 $0xFFFFFE00  }
0x51f: {  	_ =	swait.ge [sflag:s5], $0x200  }
0x520: {  	[sflag:s5] =	ssyncset.done $0x0  }
0x521: {  	[sflag:s5] =	ssyncadd.s32 $0xFFFFFE00  }
0x522: {  	_ =	swait.ge [sflag:s5], $0x200  }
0x523: {  	[sflag:s5] =	ssyncset.done $0x0  }
0x524: {  	[sflag:s5] =	ssyncadd.s32 $0xFFFFFE00  }
0x525: {  	_ =	swait.ge [sflag:s5], $0x200  }
0x526: {  	[sflag:s5] =	ssyncset.done $0x0  }
0x527: {  	[sflag:s5] =	ssyncadd.s32 $0xFFFFFE00  }
0x528: {  	_ =	swait.ge [sflag:s5], $0x200  }
0x529: {  	[sflag:s5] =	ssyncset.done $0x0  }
0x52a: {  	[sflag:s5] =	ssyncadd.s32 $0xFFFFFE00  }
0x52b: {  	_ =	swait.ge [sflag:s5], $0x200  }
0x52c: {  	[sflag:s5] =	ssyncset.done $0x0  }
0x52d: {  	[sflag:s5] =	ssyncadd.s32 $0xFFFFFE00  }
0x52e: {  	_ =	swait.ge [sflag:s5], $0x200  }
0x52f: {  	[sflag:s5] =	ssyncset.done $0x0  }
0x530: {  	[sflag:s5] =	ssyncadd.s32 $0xFFFFFE00  }
0x531: {  	_ =	swait.ge [sflag:s5], $0x200  }
0x532: {  	[sflag:s5] =	ssyncset.done $0x0  }
0x533: {  	s13 =	simm.s32 $0xDA00;
	s11 =	rddreg [dreg:$0xe];
	[sflag:s5] =	ssyncadd.s32 $0xFFFFFE00  }
0x534: {  	[hbm4b:s11+s0] =	stream.strided.scatter [tilespmem:s13], [sflag:$0x2], $0x4000, s1, s0, $0x38;
	[tilespmem:$0x11A00] =	vst v63  }
0x535: {  	_ =	swait.ge [sflag:s7], $0x4000  }
0x536: {  	[sflag:s7] =	ssyncset.done $0x0  }
0x537: {  	[sflag:s7] =	ssyncadd.s32 $0xFFFFC000  }
0x538: {  	_ =	swait.ge [sflag:s5], $0x200  }
0x539: {  	[sflag:s5] =	ssyncset.done $0x0  }
0x53a: {  	[sflag:s5] =	ssyncadd.s32 $0xFFFFFE00  }
0x53b: {  	_ =	swait.ge [sflag:s5], $0x200  }
0x53c: {  	[sflag:s5] =	ssyncset.done $0x0  }
0x53d: {  	[sflag:s5] =	ssyncadd.s32 $0xFFFFFE00  }
0x53e: {  	_ =	swait.ge [sflag:s5], $0x200  }
0x53f: {  	[sflag:s5] =	ssyncset.done $0x0  }
0x540: {  	[sflag:s5] =	ssyncadd.s32 $0xFFFFFE00  }
0x541: {  	_ =	swait.ge [sflag:s5], $0x200  }
0x542: {  	[sflag:s5] =	ssyncset.done $0x0  }
0x543: {  	[sflag:s5] =	ssyncadd.s32 $0xFFFFFE00  }
0x544: {  	_ =	swait.ge [sflag:s5], $0x200  }
0x545: {  	[sflag:s5] =	ssyncset.done $0x0  }
0x546: {  	[sflag:s5] =	ssyncadd.s32 $0xFFFFFE00  }
0x547: {  	_ =	swait.ge [sflag:s5], $0x200  }
0x548: {  	[sflag:s5] =	ssyncset.done $0x0  }
0x549: {  	[sflag:s5] =	ssyncadd.s32 $0xFFFFFE00  }
0x54a: {  	_ =	swait.ge [sflag:s5], $0x200  }
0x54b: {  	[sflag:s5] =	ssyncset.done $0x0  }
0x54c: {  	[sflag:s5] =	ssyncadd.s32 $0xFFFFFE00  }
0x54d: {  	_ =	swait.ge [sflag:s5], $0x200  }
0x54e: {  	[sflag:s5] =	ssyncset.done $0x0  }
0x54f: {  	[sflag:s5] =	ssyncadd.s32 $0xFFFFFE00  }
0x550: {  	_ =	swait.ge [sflag:s5], $0x200  }
0x551: {  	[sflag:s5] =	ssyncset.done $0x0  }
0x552: {  	[sflag:s5] =	ssyncadd.s32 $0xFFFFFE00  }
0x553: {  	_ =	swait.ge [sflag:s5], $0x200  }
0x554: {  	[sflag:s5] =	ssyncset.done $0x0  }
0x555: {  	[sflag:s5] =	ssyncadd.s32 $0xFFFFFE00  }
0x556: {  	_ =	swait.ge [sflag:s5], $0x200  }
0x557: {  	[sflag:s5] =	ssyncset.done $0x0  }
0x558: {  	[sflag:s5] =	ssyncadd.s32 $0xFFFFFE00  }
0x559: {  	_ =	swait.ge [sflag:s5], $0x200  }
0x55a: {  	[sflag:s5] =	ssyncset.done $0x0  }
0x55b: {  	[sflag:s5] =	ssyncadd.s32 $0xFFFFFE00  }
0x55c: {  	_ =	swait.ge [sflag:s5], $0x200  }
0x55d: {  	[sflag:s5] =	ssyncset.done $0x0  }
0x55e: {  	[sflag:s5] =	ssyncadd.s32 $0xFFFFFE00  }
0x55f: {  	_ =	swait.ge [sflag:s5], $0x200  }
0x560: {  	[sflag:s5] =	ssyncset.done $0x0  }
0x561: {  	[sflag:s5] =	ssyncadd.s32 $0xFFFFFE00  }
0x562: {  	_ =	swait.ge [sflag:s5], $0x200  }
0x563: {  	[sflag:s5] =	ssyncset.done $0x0  }
0x564: {  	[sflag:s5] =	ssyncadd.s32 $0xFFFFFE00  }
0x565: {  	_ =	swait.ge [sflag:s5], $0x200  }
0x566: {  	[sflag:s5] =	ssyncset.done $0x0  }
0x567: {  	[sflag:s5] =	ssyncadd.s32 $0xFFFFFE00  }
0x568: {  	_ =	swait.ge [sflag:s5], $0x200  }
0x569: {  	[sflag:s5] =	ssyncset.done $0x0  }
0x56a: {  	[sflag:s5] =	ssyncadd.s32 $0xFFFFFE00  }
0x56b: {  	_ =	swait.ge [sflag:s5], $0x200  }
0x56c: {  	[sflag:s5] =	ssyncset.done $0x0  }
0x56d: {  	[sflag:s5] =	ssyncadd.s32 $0xFFFFFE00  }
0x56e: {  	_ =	swait.ge [sflag:s5], $0x200  }
0x56f: {  	[sflag:s5] =	ssyncset.done $0x0  }
0x570: {  	[sflag:s5] =	ssyncadd.s32 $0xFFFFFE00  }
0x571: {  	_ =	swait.ge [sflag:s5], $0x200  }
0x572: {  	[sflag:s5] =	ssyncset.done $0x0  }
0x573: {  	[sflag:s5] =	ssyncadd.s32 $0xFFFFFE00  }
0x574: {  	_ =	swait.ge [sflag:s5], $0x200  }
0x575: {  	[sflag:s5] =	ssyncset.done $0x0  }
0x576: {  	[sflag:s5] =	ssyncadd.s32 $0xFFFFFE00  }
0x577: {  	_ =	swait.ge [sflag:s5], $0x200  }
0x578: {  	[sflag:s5] =	ssyncset.done $0x0  }
0x579: {  	[sflag:s5] =	ssyncadd.s32 $0xFFFFFE00  }
0x57a: {  	_ =	swait.ge [sflag:s5], $0x200  }
0x57b: {  	[sflag:s5] =	ssyncset.done $0x0  }
0x57c: {  	[sflag:s5] =	ssyncadd.s32 $0xFFFFFE00  }
0x57d: {  	_ =	swait.ge [sflag:s5], $0x200  }
0x57e: {  	[sflag:s5] =	ssyncset.done $0x0  }
0x57f: {  	[sflag:s5] =	ssyncadd.s32 $0xFFFFFE00  }
0x580: {  	_ =	swait.ge [sflag:s5], $0x200  }
0x581: {  	[sflag:s5] =	ssyncset.done $0x0  }
0x582: {  	[sflag:s5] =	ssyncadd.s32 $0xFFFFFE00  }
0x583: {  	_ =	swait.ge [sflag:s5], $0x200  }
0x584: {  	[sflag:s5] =	ssyncset.done $0x0  }
0x585: {  	[sflag:s5] =	ssyncadd.s32 $0xFFFFFE00  }
0x586: {  	_ =	swait.ge [sflag:s5], $0x200  }
0x587: {  	[sflag:s5] =	ssyncset.done $0x0  }
0x588: {  	[sflag:s5] =	ssyncadd.s32 $0xFFFFFE00  }
0x589: {  	_ =	swait.ge [sflag:s5], $0x200  }
0x58a: {  	[sflag:s5] =	ssyncset.done $0x0  }
0x58b: {  	[sflag:s5] =	ssyncadd.s32 $0xFFFFFE00  }
0x58c: {  	_ =	swait.ge [sflag:s5], $0x200  }
0x58d: {  	[sflag:s5] =	ssyncset.done $0x0  }
0x58e: {  	[sflag:s5] =	ssyncadd.s32 $0xFFFFFE00  }
0x58f: {  	_ =	swait.ge [sflag:s5], $0x200  }
0x590: {  	[sflag:s5] =	ssyncset.done $0x0  }
0x591: {  	[sflag:s5] =	ssyncadd.s32 $0xFFFFFE00  }
0x592: {  	_ =	swait.ge [sflag:s5], $0x200  }
0x593: {  	[sflag:s5] =	ssyncset.done $0x0  }
0x594: {  	[sflag:s5] =	ssyncadd.s32 $0xFFFFFE00  }
0x595: {  	_ =	swait.ge [sflag:s5], $0x200  }
0x596: {  	[sflag:s5] =	ssyncset.done $0x0  }
0x597: {  	s13 =	rddreg [dreg:$0xf];
	[sflag:s5] =	ssyncadd.s32 $0xFFFFFE00  }
0x598: {  	[hbm4b:s13+s0] =	stream.strided.scatter [tilespmem:s17], [sflag:$0x2], $0x4000, s1, s0, $0x38;
	[tilespmem:$0x11A00] =	vst v63  }
0x599: {  	_ =	swait.ge [sflag:s7], $0x4000  }
0x59a: {  	s9 =	sadd.s32 $0x1, s9;
	s17 =	rddreg [dreg:$0x12]  }
0x59b: {  	p0 =	sne.s32 s9, s17  }
.Ltmp13:
0x59c: {  	_ = 	snop;
	(pc) =	sbr.rel @p0 .LBB2_1-.Ltmp13, $3  }
0x59d: {  	_ =	sdelay $0x1  }
0x59e: {  	[sflag:s7] =	ssyncset.done $0x0  }
0x59f: {  	[sflag:s7] =	ssyncadd.s32 $0xFFFFC000  }
0x5a0: {  	_ =	sfence.sel $0x180000  }
0x5a1: {  	[bflag:$0x0] =	sbarrier.arrive $0xFFFF  }
0x5a2: {  	_ =	strace $0x90000047  }
0x5a3: {  	s0 =	stileid.u32;
	[bflag:$0x2] =	sbarrier.arrive $0xFFFF  }
0x5a4: {  	p0 =	sne.s32 s0, $0x0;
	s0 =	rddreg [dreg:$0x1]  }
0x5a5: {  	s0 =	sadd.s32 @!p0 $0x100000, s0  }
0x5a6: {  	[sflag:s0] =	ssyncadd.tile.s32 @!p0 $0x1;
	_ =	shalt  }
.Lfunc_end2:
_tile_overlayer_lowered:
.L_overlay_start_2:
0x5a7: {  	(tag) =	ssettag $0x2  }
0x5a8: {  	s0 =	rddreg [dreg:$0x0];
	s2 =	stileid.u32  }
0x5a9: {  	s1 =	rddreg [dreg:$0x1];
	p0 =	sne.s32 s2, $0x0  }
0x5aa: {  	s3 =	rddreg [dreg:$0x2];
	[bflag:$0x3] =	sbarrier.arrive $0xFFFF;
	s2 =	simm.s32 @!p0 $0x1C03  }
0x5ab: {  	[timem:s3], [sflag:s2] =	dma.local @!p0 [hbm:s0], s1  }
0x5ac: {  	s0 =	simm.s32 @!p0 $0x3  }
0x5ad: {  	_ =	swait.ge @!p0 [sflag:s0], s1  }
0x5ae: {  	s1 =	ssub.s32 @!p0 $0x0, s1;
	[sflag:s0] =	ssyncset.done @!p0 $0x0  }
0x5af: {  	[sflag:s0] =	ssyncadd.s32 @!p0 s1  }
0x5b0: {  	[bflag:$0x3] =	sbarrier.arrive $0xFFFF  }
0x5b1: {  	_ =	shalt  }

</sc_bundles>
